<compile_context>
chip_gen: v7x
topology: tpu7x:2x2x1
jax: 0.10.2.dev20260603
libtpu: 0.0.44.dev20260713+nightly
codegen_flags: <defaults>
</compile_context>

<pallas_src>
import dataclasses
import functools

import jax
import jax.numpy as jnp
from jax import lax
from jax.experimental import pallas as pl
from jax.experimental.pallas import tpu as pltpu
from jax.experimental.pallas import tpu_sc as plsc

_NC, _NS = 2, 16
_NW = _NC * _NS
_CP = 128


def _sc_dots_kernel(B, D):
    BPW = B // _NW
    GRP = 16
    NGRP = BPW // GRP

    mesh = plsc.VectorSubcoreMesh(core_axis_name="c", subcore_axis_name="s")
    cp = pltpu.CompilerParams()
    for fld, val in (("needs_layout_passes", False),
                     ("use_tc_tiling_on_sc", False)):
        if fld in pltpu.CompilerParams.__dataclass_fields__:
            cp = dataclasses.replace(cp, **{fld: val})

    @functools.partial(
        pl.kernel,
        out_type=jax.ShapeDtypeStruct((B * _CP,), jnp.float32),
        mesh=mesh,
        compiler_params=cp,
        scratch_types=[
            pltpu.VMEM((BPW * 2, 64), jnp.int32),
            pltpu.VMEM((BPW // 128, 128), jnp.int32),
            pltpu.VMEM((BPW, D), jnp.bfloat16),
            pltpu.VMEM((8, _CP, D), jnp.bfloat16),
            pltpu.VMEM((2, GRP * _CP), jnp.float32),
        ] + [pltpu.SemaphoreType.DMA] * 10,
    )
    def sc_dots(ein_hbm, eout_hbm, inp_lab_hbm, ctx_lab_hbm, dots_hbm,
                idx_v, iidx_v, inp_v, rows_v, dots_v,
                s0, s1, s2, s3, s4, s5, s6, s7, f0, f1):
        wid = lax.axis_index("s") * _NC + lax.axis_index("c")
        b0 = wid * BPW
        lane = lax.iota(jnp.int32, 16)
        last_lane = lane == 15

        pltpu.sync_copy(ctx_lab_hbm.at[pl.ds(b0 * 2, BPW * 2), :], idx_v)
        pltpu.sync_copy(inp_lab_hbm.at[wid], iidx_v)
        for k in range(BPW // 128):
            pltpu.sync_copy(ein_hbm.at[iidx_v.at[k]],
                            inp_v.at[pl.ds(k * 128, 128), :])

        gsem = [s0, s1, s2, s3, s4, s5, s6, s7]
        fsem = [f0, f1]
        NBUF = 8

        def fire(j, slot):
            for h in range(2):
                pltpu.async_copy(eout_hbm.at[idx_v.at[2 * j + h]],
                                 rows_v.at[slot, pl.ds(h * 64, 64)],
                                 gsem[slot])

        def gwait(slot):
            for h in range(2):
                pltpu.make_async_copy(eout_hbm.at[idx_v.at[h]],
                                      rows_v.at[slot, pl.ds(h * 64, 64)],
                                      gsem[slot]).wait()

        def compute(j, slot, dbuf, tloc):
            rv = rows_v.at[slot]
            x0 = inp_v[j, pl.ds(0, 32)]
            x1 = inp_v[j, pl.ds(32, 32)]
            base = jnp.zeros((16,), jnp.int32) + (tloc * _CP)

            @plsc.parallel_loop(0, _CP, unroll=8)
            def _(r):
                m = rv[r, pl.ds(0, 32)] * x0 + rv[r, pl.ds(32, 32)] * x1
                u, v = plsc.unpack(m, format=plsc.PackFormat.INTERLEAVED)
                s = plsc.cumsum(u + v)
                plsc.store_scatter(dots_v.at[dbuf], [base + r], s,
                                   mask=last_lane)

        def flush_start(g, dbuf):
            pltpu.async_copy(dots_v.at[dbuf],
                             dots_hbm.at[pl.ds((b0 + g * GRP) * _CP,
                                               GRP * _CP)],
                             fsem[dbuf])

        def flush_wait(dbuf):
            pltpu.make_async_copy(dots_v.at[dbuf],
                                  dots_hbm.at[pl.ds(0, GRP * _CP)],
                                  fsem[dbuf]).wait()

        def do_group(g, dbuf):
            @pl.loop(0, GRP, step=NBUF)
            def _(t):
                j = g * GRP + t
                for i in range(NBUF):
                    gwait(i)
                    compute(j + i, i, dbuf, t + i)

                    @pl.when(j + i + NBUF < BPW)
                    def _():
                        fire(j + i + NBUF, i)

            flush_start(g, dbuf)

        for i in range(NBUF):
            fire(i, i)

        @pl.loop(0, NGRP, step=2)
        def _(g):
            @pl.when(g >= 2)
            def _():
                flush_wait(0)

            do_group(g, 0)

            @pl.when(g >= 2)
            def _():
                flush_wait(1)

            do_group(g + 1, 1)

        flush_wait(0)
        flush_wait(1)

    return sc_dots


def _tc_loss_kernel(B, C, C_POS):
    BB = 2048

    def body(dots_ref, out_ref):
        d = dots_ref[...]
        c_iota = lax.broadcasted_iota(jnp.int32, (BB, _CP), 1)
        x = jnp.where(c_iota < C_POS, d, -d)
        ls = jnp.minimum(x, 0.0) - jnp.log1p(jnp.exp(-jnp.abs(x)))
        ls = jnp.where(c_iota < C, ls, 0.0)
        out_ref[...] = -jnp.sum(ls, axis=1)

    return pl.pallas_call(
        body,
        out_shape=jax.ShapeDtypeStruct((B,), jnp.float32),
        grid=(B // BB,),
        in_specs=[pl.BlockSpec((BB, _CP), lambda i: (i, 0))],
        out_specs=pl.BlockSpec((BB,), lambda i: (i,)),
    )


def kernel(input_labels, pos_labels, neg_labels, embed_in, embed_out):
    B = input_labels.shape[0]
    C_POS = pos_labels.shape[1]
    C = C_POS + neg_labels.shape[1]
    D = embed_in.shape[1]

    npad = _CP - C
    pad = (jnp.arange(B, dtype=jnp.int32)[:, None] * npad
           + jnp.arange(npad, dtype=jnp.int32)[None, :]) % embed_in.shape[0]
    ctx_labels = jnp.concatenate(
        [pos_labels.astype(jnp.int32), neg_labels.astype(jnp.int32), pad],
        axis=1)
    inp_resh = input_labels.astype(jnp.int32).reshape(_NW, (B // _NW) // 128,
                                                     128)

    dots = _sc_dots_kernel(B, D)(embed_in.astype(jnp.bfloat16),
                                 embed_out.astype(jnp.bfloat16), inp_resh,
                                 ctx_labels.reshape(B * 2, 64))
    return _tc_loss_kernel(B, C, C_POS)(dots.reshape(B, _CP))

# --- scband reference (transcript-rebuilt; emitter-appended) ---
"""Pipeline reference for scband-embedding-model-80461917323948 (READ-ONLY COPY).

The authoritative reference and input builder live on the scoring server;
editing this copy changes nothing except your own understanding.
"""

import jax, jax.numpy as jnp
import numpy as np

VOCAB = 100000
EMBED = 64
B = 16384
C_POS = 20
C_NEG = 100

def setup_inputs(seed: int = 0) -> dict:
    key = jax.random.key(seed)
    k1, k2, k3, k4, k5 = jax.random.split(key, 5)
    input_labels = jax.random.randint(k1, (B,), 0, VOCAB, dtype=jnp.int64 if jax.config.jax_enable_x64 else jnp.int32)
    pos_labels = jax.random.randint(k2, (B, C_POS), 0, VOCAB, dtype=jnp.int64 if jax.config.jax_enable_x64 else jnp.int32)
    neg_labels = jax.random.randint(k3, (B, C_NEG), 0, VOCAB, dtype=jnp.int64 if jax.config.jax_enable_x64 else jnp.int32)
    embed_in = jax.random.normal(k4, (VOCAB, EMBED), dtype=jnp.float32)
    embed_out = jax.random.normal(k5, (VOCAB, EMBED), dtype=jnp.float32)
    return {
        "input_labels": input_labels,
        "pos_labels": pos_labels,
        "neg_labels": neg_labels,
        "embed_in": embed_in,
        "embed_out": embed_out,
    }

def reference(input_labels, pos_labels, neg_labels, embed_in, embed_out):
    # embedding lookups (gather)
    input_embeddings = jnp.take(embed_in, input_labels, axis=0)        # [B, D]
    pos_embeddings = jnp.take(embed_out, pos_labels, axis=0)           # [B, C_pos, D]
    neg_embeddings = jnp.take(embed_out, neg_labels, axis=0)           # [B, C_neg, D]
    # bmm(pos, input.unsqueeze(2)).squeeze(2)
    log_pos = jnp.einsum('bcd,bd->bc', pos_embeddings, input_embeddings)
    log_neg = jnp.einsum('bcd,bd->bc', neg_embeddings, -input_embeddings)
    log_pos = jax.nn.log_sigmoid(log_pos).sum(axis=1)
    log_neg = jax.nn.log_sigmoid(log_neg).sum(axis=1)
    loss = log_pos + log_neg
    return -loss

if __name__ == "__main__":
    import jax
    _d = setup_inputs()
    print(jax.jit(kernel)(*tuple(_d.values())))

</pallas_src>

<mosaic_0001>
#map = affine_map<(d0, d1) -> (0, 0)>
#map1 = affine_map<(d0, d1) -> (0, 0, 0)>
#map2 = affine_map<(d0, d1) -> (0)>
module attributes {stable_mosaic.version = 14 : i64} {
  func.func @sc_dots(%arg0: i32, %arg1: i32, %arg2: memref<100000x64xbf16, #tpu.memory_space<hbm>>, %arg3: memref<100000x64xbf16, #tpu.memory_space<hbm>>, %arg4: memref<32x4x128xi32, #tpu.memory_space<hbm>>, %arg5: memref<32768x64xi32, #tpu.memory_space<hbm>>, %arg6: memref<2097152xf32, #tpu.memory_space<hbm>>, %arg7: memref<1024x64xi32, #tpu.memory_space<vmem>>, %arg8: memref<4x128xi32, #tpu.memory_space<vmem>>, %arg9: memref<512x64xbf16, #tpu.memory_space<vmem>>, %arg10: memref<8x128x64xbf16, #tpu.memory_space<vmem>>, %arg11: memref<2x2048xf32, #tpu.memory_space<vmem>>, %arg12: memref<!tpu.dma_semaphore, #tpu.memory_space<semaphore_mem>>, %arg13: memref<!tpu.dma_semaphore, #tpu.memory_space<semaphore_mem>>, %arg14: memref<!tpu.dma_semaphore, #tpu.memory_space<semaphore_mem>>, %arg15: memref<!tpu.dma_semaphore, #tpu.memory_space<semaphore_mem>>, %arg16: memref<!tpu.dma_semaphore, #tpu.memory_space<semaphore_mem>>, %arg17: memref<!tpu.dma_semaphore, #tpu.memory_space<semaphore_mem>>, %arg18: memref<!tpu.dma_semaphore, #tpu.memory_space<semaphore_mem>>, %arg19: memref<!tpu.dma_semaphore, #tpu.memory_space<semaphore_mem>>, %arg20: memref<!tpu.dma_semaphore, #tpu.memory_space<semaphore_mem>>, %arg21: memref<!tpu.dma_semaphore, #tpu.memory_space<semaphore_mem>>) attributes {dimension_semantics = [#tpu.dimension_semantics<core_parallel>, #tpu.dimension_semantics<subcore_parallel>], iteration_bounds = array<i64: 2, 16>, scalar_prefetch = 0 : i64, scratch_operands = 15 : i64, tpu.core_type = #tpu.core_type<sc_vector_subcore>, window_params = [{transform_indices = #map}, {transform_indices = #map}, {transform_indices = #map1}, {transform_indices = #map}, {transform_indices = #map2}]} {
    %mul3A = arith.constant 2 : i32
    %mul3A_0 = arith.muli %arg1, %mul3A : i32
    %add3A = arith.addi %mul3A_0, %arg0 : i32
    %mul3A_1 = arith.constant 512 : i32
    %mul3A_2 = arith.muli %add3A, %mul3A_1 : i32
    %iota3A = tpu.iota {dimensions = array<i32: 0>} : vector<16xi32>
    %eq3A = arith.constant 15 : i32
    %eq3A_3 = vector.broadcast %eq3A : i32 to vector<16xi32>
    %eq3A_4 = arith.cmpi eq, %iota3A, %eq3A_3 : vector<16xi32>
    %mul3A_5 = arith.constant 2 : i32
    %mul3A_6 = arith.muli %mul3A_2, %mul3A_5 : i32
    "tpu.region"() ({
      %run_scoped3A_226 = tpu.sem_alloc : memref<!tpu.dma_semaphore, #tpu.memory_space<semaphore_mem>>
      %dma_start3A_227 = arith.constant 0 : i32
      %dma_start3A_228 = tpu.memref_slice %arg5[%mul3A_6, %dma_start3A_227] : memref<32768x64xi32, #tpu.memory_space<hbm>> -> memref<1024x64xi32, #tpu.memory_space<hbm>>
      %dma_start3A_229 = arith.constant 0 : i32
      %dma_start3A_230 = tpu.memref_slice %arg5[%mul3A_6, %dma_start3A_229] : memref<32768x64xi32, #tpu.memory_space<hbm>> -> memref<1024x64xi32, #tpu.memory_space<hbm>>
      tpu.enqueue_dma source(%dma_start3A_230 : memref<1024x64xi32, #tpu.memory_space<hbm>>) target(%arg7 : memref<1024x64xi32, #tpu.memory_space<vmem>>) target_semaphore(%run_scoped3A_226 : memref<!tpu.dma_semaphore, #tpu.memory_space<semaphore_mem>>)
      %dma_wait3A_231 = arith.constant 0 : i32
      %dma_wait3A_232 = tpu.memref_slice %arg5[%mul3A_6, %dma_wait3A_231] : memref<32768x64xi32, #tpu.memory_space<hbm>> -> memref<1024x64xi32, #tpu.memory_space<hbm>>
      %dma_wait3A_233 = arith.constant 0 : i32
      %dma_wait3A_234 = tpu.memref_slice %arg5[%mul3A_6, %dma_wait3A_233] : memref<32768x64xi32, #tpu.memory_space<hbm>> -> memref<1024x64xi32, #tpu.memory_space<hbm>>
      tpu.wait_dma2 semaphore(%run_scoped3A_226 : memref<!tpu.dma_semaphore, #tpu.memory_space<semaphore_mem>>) src(%dma_wait3A_234 : memref<1024x64xi32, #tpu.memory_space<hbm>>) dst(%arg7 : memref<1024x64xi32, #tpu.memory_space<vmem>>)
      tpu.yield
    }) : () -> ()
    "tpu.region"() ({
      %run_scoped3A_226 = tpu.sem_alloc : memref<!tpu.dma_semaphore, #tpu.memory_space<semaphore_mem>>
      %dma_start3A_227 = arith.constant 0 : i32
      %dma_start3A_228 = arith.constant 0 : i32
      %dma_start3A_229 = tpu.memref_slice %arg4[%add3A, %dma_start3A_227, %dma_start3A_228] : memref<32x4x128xi32, #tpu.memory_space<hbm>> -> memref<1x4x128xi32, #tpu.memory_space<hbm>>
      %dma_start3A_230 = tpu.memref_squeeze %dma_start3A_229 : memref<1x4x128xi32, #tpu.memory_space<hbm>> -> memref<4x128xi32, #tpu.memory_space<hbm>>
      %dma_start3A_231 = arith.constant 0 : i32
      %dma_start3A_232 = arith.constant 0 : i32
      %dma_start3A_233 = tpu.memref_slice %arg4[%add3A, %dma_start3A_231, %dma_start3A_232] : memref<32x4x128xi32, #tpu.memory_space<hbm>> -> memref<1x4x128xi32, #tpu.memory_space<hbm>>
      %dma_start3A_234 = tpu.memref_squeeze %dma_start3A_233 : memref<1x4x128xi32, #tpu.memory_space<hbm>> -> memref<4x128xi32, #tpu.memory_space<hbm>>
      tpu.enqueue_dma source(%dma_start3A_234 : memref<4x128xi32, #tpu.memory_space<hbm>>) target(%arg8 : memref<4x128xi32, #tpu.memory_space<vmem>>) target_semaphore(%run_scoped3A_226 : memref<!tpu.dma_semaphore, #tpu.memory_space<semaphore_mem>>)
      %dma_wait3A_235 = arith.constant 0 : i32
      %dma_wait3A_236 = arith.constant 0 : i32
      %dma_wait3A_237 = tpu.memref_slice %arg4[%add3A, %dma_wait3A_235, %dma_wait3A_236] : memref<32x4x128xi32, #tpu.memory_space<hbm>> -> memref<1x4x128xi32, #tpu.memory_space<hbm>>
      %dma_wait3A_238 = tpu.memref_squeeze %dma_wait3A_237 : memref<1x4x128xi32, #tpu.memory_space<hbm>> -> memref<4x128xi32, #tpu.memory_space<hbm>>
      %dma_wait3A_239 = arith.constant 0 : i32
      %dma_wait3A_240 = arith.constant 0 : i32
      %dma_wait3A_241 = tpu.memref_slice %arg4[%add3A, %dma_wait3A_239, %dma_wait3A_240] : memref<32x4x128xi32, #tpu.memory_space<hbm>> -> memref<1x4x128xi32, #tpu.memory_space<hbm>>
      %dma_wait3A_242 = tpu.memref_squeeze %dma_wait3A_241 : memref<1x4x128xi32, #tpu.memory_space<hbm>> -> memref<4x128xi32, #tpu.memory_space<hbm>>
      tpu.wait_dma2 semaphore(%run_scoped3A_226 : memref<!tpu.dma_semaphore, #tpu.memory_space<semaphore_mem>>) src(%dma_wait3A_242 : memref<4x128xi32, #tpu.memory_space<hbm>>) dst(%arg8 : memref<4x128xi32, #tpu.memory_space<vmem>>)
      tpu.yield
    }) : () -> ()
    %run_scoped3A = arith.constant 0 : i32
    "tpu.region"() ({
      %run_scoped3A_226 = tpu.sem_alloc : memref<!tpu.dma_semaphore, #tpu.memory_space<semaphore_mem>>
      %dma_start3A_227 = arith.constant 0 : i32
      %dma_start3A_228 = arith.constant 0 : i32
      %dma_start3A_229 = tpu.memref_slice %arg9[%dma_start3A_227, %dma_start3A_228] : memref<512x64xbf16, #tpu.memory_space<vmem>> -> memref<128x64xbf16, #tpu.memory_space<vmem>>
      %dma_start3A_230 = arith.constant 0 : i32
      %dma_start3A_231 = tpu.memref_slice %arg8[%run_scoped3A, %dma_start3A_230] : memref<4x128xi32, #tpu.memory_space<vmem>> -> memref<1x128xi32, #tpu.memory_space<vmem>>
      %dma_start3A_232 = tpu.memref_squeeze %dma_start3A_231 : memref<1x128xi32, #tpu.memory_space<vmem>> -> memref<128xi32, #tpu.memory_space<vmem>>
      %dma_start3A_233 = arith.constant 0 : i32
      %dma_start3A_234 = arith.constant 0 : i32
      %dma_start3A_235 = tpu.memref_slice %arg2[%dma_start3A_233, %dma_start3A_234] : memref<100000x64xbf16, #tpu.memory_space<hbm>> -> memref<100000x64xbf16, #tpu.memory_space<hbm>>
      tpu.enqueue_indirect_dma source(%dma_start3A_235 : memref<100000x64xbf16, #tpu.memory_space<hbm>>) target(%dma_start3A_229 : memref<128x64xbf16, #tpu.memory_space<vmem>>) offsets(%dma_start3A_232 : memref<128xi32, #tpu.memory_space<vmem>>) semaphore(%run_scoped3A_226 : memref<!tpu.dma_semaphore, #tpu.memory_space<semaphore_mem>>)
      %dma_wait3A_236 = arith.constant 0 : i32
      %dma_wait3A_237 = arith.constant 0 : i32
      %dma_wait3A_238 = tpu.memref_slice %arg9[%dma_wait3A_236, %dma_wait3A_237] : memref<512x64xbf16, #tpu.memory_space<vmem>> -> memref<128x64xbf16, #tpu.memory_space<vmem>>
      %dma_wait3A_239 = arith.constant 0 : i32
      %dma_wait3A_240 = tpu.memref_slice %arg8[%run_scoped3A, %dma_wait3A_239] : memref<4x128xi32, #tpu.memory_space<vmem>> -> memref<1x128xi32, #tpu.memory_space<vmem>>
      %dma_wait3A_241 = tpu.memref_squeeze %dma_wait3A_240 : memref<1x128xi32, #tpu.memory_space<vmem>> -> memref<128xi32, #tpu.memory_space<vmem>>
      %dma_wait3A_242 = arith.constant 0 : i32
      %dma_wait3A_243 = arith.constant 0 : i32
      %dma_wait3A_244 = tpu.memref_slice %arg2[%dma_wait3A_242, %dma_wait3A_243] : memref<100000x64xbf16, #tpu.memory_space<hbm>> -> memref<100000x64xbf16, #tpu.memory_space<hbm>>
      tpu.wait_indirect_dma semaphore(%run_scoped3A_226 : memref<!tpu.dma_semaphore, #tpu.memory_space<semaphore_mem>>) src(%dma_wait3A_244 : memref<100000x64xbf16, #tpu.memory_space<hbm>>) dst(%dma_wait3A_238 : memref<128x64xbf16, #tpu.memory_space<vmem>>)
      tpu.yield
    }) : () -> ()
    %run_scoped3A_7 = arith.constant 1 : i32
    "tpu.region"() ({
      %run_scoped3A_226 = tpu.sem_alloc : memref<!tpu.dma_semaphore, #tpu.memory_space<semaphore_mem>>
      %dma_start3A_227 = arith.constant 128 : i32
      %dma_start3A_228 = arith.constant 0 : i32
      %dma_start3A_229 = tpu.memref_slice %arg9[%dma_start3A_227, %dma_start3A_228] : memref<512x64xbf16, #tpu.memory_space<vmem>> -> memref<128x64xbf16, #tpu.memory_space<vmem>>
      %dma_start3A_230 = arith.constant 0 : i32
      %dma_start3A_231 = tpu.memref_slice %arg8[%run_scoped3A_7, %dma_start3A_230] : memref<4x128xi32, #tpu.memory_space<vmem>> -> memref<1x128xi32, #tpu.memory_space<vmem>>
      %dma_start3A_232 = tpu.memref_squeeze %dma_start3A_231 : memref<1x128xi32, #tpu.memory_space<vmem>> -> memref<128xi32, #tpu.memory_space<vmem>>
      %dma_start3A_233 = arith.constant 0 : i32
      %dma_start3A_234 = arith.constant 0 : i32
      %dma_start3A_235 = tpu.memref_slice %arg2[%dma_start3A_233, %dma_start3A_234] : memref<100000x64xbf16, #tpu.memory_space<hbm>> -> memref<100000x64xbf16, #tpu.memory_space<hbm>>
      tpu.enqueue_indirect_dma source(%dma_start3A_235 : memref<100000x64xbf16, #tpu.memory_space<hbm>>) target(%dma_start3A_229 : memref<128x64xbf16, #tpu.memory_space<vmem>>) offsets(%dma_start3A_232 : memref<128xi32, #tpu.memory_space<vmem>>) semaphore(%run_scoped3A_226 : memref<!tpu.dma_semaphore, #tpu.memory_space<semaphore_mem>>)
      %dma_wait3A_236 = arith.constant 128 : i32
      %dma_wait3A_237 = arith.constant 0 : i32
      %dma_wait3A_238 = tpu.memref_slice %arg9[%dma_wait3A_236, %dma_wait3A_237] : memref<512x64xbf16, #tpu.memory_space<vmem>> -> memref<128x64xbf16, #tpu.memory_space<vmem>>
      %dma_wait3A_239 = arith.constant 0 : i32
      %dma_wait3A_240 = tpu.memref_slice %arg8[%run_scoped3A_7, %dma_wait3A_239] : memref<4x128xi32, #tpu.memory_space<vmem>> -> memref<1x128xi32, #tpu.memory_space<vmem>>
      %dma_wait3A_241 = tpu.memref_squeeze %dma_wait3A_240 : memref<1x128xi32, #tpu.memory_space<vmem>> -> memref<128xi32, #tpu.memory_space<vmem>>
      %dma_wait3A_242 = arith.constant 0 : i32
      %dma_wait3A_243 = arith.constant 0 : i32
      %dma_wait3A_244 = tpu.memref_slice %arg2[%dma_wait3A_242, %dma_wait3A_243] : memref<100000x64xbf16, #tpu.memory_space<hbm>> -> memref<100000x64xbf16, #tpu.memory_space<hbm>>
      tpu.wait_indirect_dma semaphore(%run_scoped3A_226 : memref<!tpu.dma_semaphore, #tpu.memory_space<semaphore_mem>>) src(%dma_wait3A_244 : memref<100000x64xbf16, #tpu.memory_space<hbm>>) dst(%dma_wait3A_238 : memref<128x64xbf16, #tpu.memory_space<vmem>>)
      tpu.yield
    }) : () -> ()
    %run_scoped3A_8 = arith.constant 2 : i32
    "tpu.region"() ({
      %run_scoped3A_226 = tpu.sem_alloc : memref<!tpu.dma_semaphore, #tpu.memory_space<semaphore_mem>>
      %dma_start3A_227 = arith.constant 256 : i32
      %dma_start3A_228 = arith.constant 0 : i32
      %dma_start3A_229 = tpu.memref_slice %arg9[%dma_start3A_227, %dma_start3A_228] : memref<512x64xbf16, #tpu.memory_space<vmem>> -> memref<128x64xbf16, #tpu.memory_space<vmem>>
      %dma_start3A_230 = arith.constant 0 : i32
      %dma_start3A_231 = tpu.memref_slice %arg8[%run_scoped3A_8, %dma_start3A_230] : memref<4x128xi32, #tpu.memory_space<vmem>> -> memref<1x128xi32, #tpu.memory_space<vmem>>
      %dma_start3A_232 = tpu.memref_squeeze %dma_start3A_231 : memref<1x128xi32, #tpu.memory_space<vmem>> -> memref<128xi32, #tpu.memory_space<vmem>>
      %dma_start3A_233 = arith.constant 0 : i32
      %dma_start3A_234 = arith.constant 0 : i32
      %dma_start3A_235 = tpu.memref_slice %arg2[%dma_start3A_233, %dma_start3A_234] : memref<100000x64xbf16, #tpu.memory_space<hbm>> -> memref<100000x64xbf16, #tpu.memory_space<hbm>>
      tpu.enqueue_indirect_dma source(%dma_start3A_235 : memref<100000x64xbf16, #tpu.memory_space<hbm>>) target(%dma_start3A_229 : memref<128x64xbf16, #tpu.memory_space<vmem>>) offsets(%dma_start3A_232 : memref<128xi32, #tpu.memory_space<vmem>>) semaphore(%run_scoped3A_226 : memref<!tpu.dma_semaphore, #tpu.memory_space<semaphore_mem>>)
      %dma_wait3A_236 = arith.constant 256 : i32
      %dma_wait3A_237 = arith.constant 0 : i32
      %dma_wait3A_238 = tpu.memref_slice %arg9[%dma_wait3A_236, %dma_wait3A_237] : memref<512x64xbf16, #tpu.memory_space<vmem>> -> memref<128x64xbf16, #tpu.memory_space<vmem>>
      %dma_wait3A_239 = arith.constant 0 : i32
      %dma_wait3A_240 = tpu.memref_slice %arg8[%run_scoped3A_8, %dma_wait3A_239] : memref<4x128xi32, #tpu.memory_space<vmem>> -> memref<1x128xi32, #tpu.memory_space<vmem>>
      %dma_wait3A_241 = tpu.memref_squeeze %dma_wait3A_240 : memref<1x128xi32, #tpu.memory_space<vmem>> -> memref<128xi32, #tpu.memory_space<vmem>>
      %dma_wait3A_242 = arith.constant 0 : i32
      %dma_wait3A_243 = arith.constant 0 : i32
      %dma_wait3A_244 = tpu.memref_slice %arg2[%dma_wait3A_242, %dma_wait3A_243] : memref<100000x64xbf16, #tpu.memory_space<hbm>> -> memref<100000x64xbf16, #tpu.memory_space<hbm>>
      tpu.wait_indirect_dma semaphore(%run_scoped3A_226 : memref<!tpu.dma_semaphore, #tpu.memory_space<semaphore_mem>>) src(%dma_wait3A_244 : memref<100000x64xbf16, #tpu.memory_space<hbm>>) dst(%dma_wait3A_238 : memref<128x64xbf16, #tpu.memory_space<vmem>>)
      tpu.yield
    }) : () -> ()
    %run_scoped3A_9 = arith.constant 3 : i32
    "tpu.region"() ({
      %run_scoped3A_226 = tpu.sem_alloc : memref<!tpu.dma_semaphore, #tpu.memory_space<semaphore_mem>>
      %dma_start3A_227 = arith.constant 384 : i32
      %dma_start3A_228 = arith.constant 0 : i32
      %dma_start3A_229 = tpu.memref_slice %arg9[%dma_start3A_227, %dma_start3A_228] : memref<512x64xbf16, #tpu.memory_space<vmem>> -> memref<128x64xbf16, #tpu.memory_space<vmem>>
      %dma_start3A_230 = arith.constant 0 : i32
      %dma_start3A_231 = tpu.memref_slice %arg8[%run_scoped3A_9, %dma_start3A_230] : memref<4x128xi32, #tpu.memory_space<vmem>> -> memref<1x128xi32, #tpu.memory_space<vmem>>
      %dma_start3A_232 = tpu.memref_squeeze %dma_start3A_231 : memref<1x128xi32, #tpu.memory_space<vmem>> -> memref<128xi32, #tpu.memory_space<vmem>>
      %dma_start3A_233 = arith.constant 0 : i32
      %dma_start3A_234 = arith.constant 0 : i32
      %dma_start3A_235 = tpu.memref_slice %arg2[%dma_start3A_233, %dma_start3A_234] : memref<100000x64xbf16, #tpu.memory_space<hbm>> -> memref<100000x64xbf16, #tpu.memory_space<hbm>>
      tpu.enqueue_indirect_dma source(%dma_start3A_235 : memref<100000x64xbf16, #tpu.memory_space<hbm>>) target(%dma_start3A_229 : memref<128x64xbf16, #tpu.memory_space<vmem>>) offsets(%dma_start3A_232 : memref<128xi32, #tpu.memory_space<vmem>>) semaphore(%run_scoped3A_226 : memref<!tpu.dma_semaphore, #tpu.memory_space<semaphore_mem>>)
      %dma_wait3A_236 = arith.constant 384 : i32
      %dma_wait3A_237 = arith.constant 0 : i32
      %dma_wait3A_238 = tpu.memref_slice %arg9[%dma_wait3A_236, %dma_wait3A_237] : memref<512x64xbf16, #tpu.memory_space<vmem>> -> memref<128x64xbf16, #tpu.memory_space<vmem>>
      %dma_wait3A_239 = arith.constant 0 : i32
      %dma_wait3A_240 = tpu.memref_slice %arg8[%run_scoped3A_9, %dma_wait3A_239] : memref<4x128xi32, #tpu.memory_space<vmem>> -> memref<1x128xi32, #tpu.memory_space<vmem>>
      %dma_wait3A_241 = tpu.memref_squeeze %dma_wait3A_240 : memref<1x128xi32, #tpu.memory_space<vmem>> -> memref<128xi32, #tpu.memory_space<vmem>>
      %dma_wait3A_242 = arith.constant 0 : i32
      %dma_wait3A_243 = arith.constant 0 : i32
      %dma_wait3A_244 = tpu.memref_slice %arg2[%dma_wait3A_242, %dma_wait3A_243] : memref<100000x64xbf16, #tpu.memory_space<hbm>> -> memref<100000x64xbf16, #tpu.memory_space<hbm>>
      tpu.wait_indirect_dma semaphore(%run_scoped3A_226 : memref<!tpu.dma_semaphore, #tpu.memory_space<semaphore_mem>>) src(%dma_wait3A_244 : memref<100000x64xbf16, #tpu.memory_space<hbm>>) dst(%dma_wait3A_238 : memref<128x64xbf16, #tpu.memory_space<vmem>>)
      tpu.yield
    }) : () -> ()
    %dma_start3A = arith.constant 0 : i32
    %dma_start3A_10 = arith.constant 0 : i32
    %dma_start3A_11 = arith.constant 0 : i32
    %dma_start3A_12 = arith.constant 0 : i32
    %dma_start3A_13 = tpu.memref_slice %arg10[%dma_start3A_10, %dma_start3A_11, %dma_start3A_12] : memref<8x128x64xbf16, #tpu.memory_space<vmem>> -> memref<1x64x64xbf16, #tpu.memory_space<vmem>>
    %dma_start3A_14 = tpu.memref_squeeze %dma_start3A_13 : memref<1x64x64xbf16, #tpu.memory_space<vmem>> -> memref<64x64xbf16, #tpu.memory_space<vmem>>
    %dma_start3A_15 = arith.constant 0 : i32
    %dma_start3A_16 = tpu.memref_slice %arg7[%dma_start3A, %dma_start3A_15] : memref<1024x64xi32, #tpu.memory_space<vmem>> -> memref<1x64xi32, #tpu.memory_space<vmem>>
    %dma_start3A_17 = tpu.memref_squeeze %dma_start3A_16 : memref<1x64xi32, #tpu.memory_space<vmem>> -> memref<64xi32, #tpu.memory_space<vmem>>
    %dma_start3A_18 = arith.constant 0 : i32
    %dma_start3A_19 = arith.constant 0 : i32
    %dma_start3A_20 = tpu.memref_slice %arg3[%dma_start3A_18, %dma_start3A_19] : memref<100000x64xbf16, #tpu.memory_space<hbm>> -> memref<100000x64xbf16, #tpu.memory_space<hbm>>
    tpu.enqueue_indirect_dma source(%dma_start3A_20 : memref<100000x64xbf16, #tpu.memory_space<hbm>>) target(%dma_start3A_14 : memref<64x64xbf16, #tpu.memory_space<vmem>>) offsets(%dma_start3A_17 : memref<64xi32, #tpu.memory_space<vmem>>) semaphore(%arg12 : memref<!tpu.dma_semaphore, #tpu.memory_space<semaphore_mem>>)
    %dma_start3A_21 = arith.constant 1 : i32
    %dma_start3A_22 = arith.constant 0 : i32
    %dma_start3A_23 = arith.constant 64 : i32
    %dma_start3A_24 = arith.constant 0 : i32
    %dma_start3A_25 = tpu.memref_slice %arg10[%dma_start3A_22, %dma_start3A_23, %dma_start3A_24] : memref<8x128x64xbf16, #tpu.memory_space<vmem>> -> memref<1x64x64xbf16, #tpu.memory_space<vmem>>
    %dma_start3A_26 = tpu.memref_squeeze %dma_start3A_25 : memref<1x64x64xbf16, #tpu.memory_space<vmem>> -> memref<64x64xbf16, #tpu.memory_space<vmem>>
    %dma_start3A_27 = arith.constant 0 : i32
    %dma_start3A_28 = tpu.memref_slice %arg7[%dma_start3A_21, %dma_start3A_27] : memref<1024x64xi32, #tpu.memory_space<vmem>> -> memref<1x64xi32, #tpu.memory_space<vmem>>
    %dma_start3A_29 = tpu.memref_squeeze %dma_start3A_28 : memref<1x64xi32, #tpu.memory_space<vmem>> -> memref<64xi32, #tpu.memory_space<vmem>>
    %dma_start3A_30 = arith.constant 0 : i32
    %dma_start3A_31 = arith.constant 0 : i32
    %dma_start3A_32 = tpu.memref_slice %arg3[%dma_start3A_30, %dma_start3A_31] : memref<100000x64xbf16, #tpu.memory_space<hbm>> -> memref<100000x64xbf16, #tpu.memory_space<hbm>>
    tpu.enqueue_indirect_dma source(%dma_start3A_32 : memref<100000x64xbf16, #tpu.memory_space<hbm>>) target(%dma_start3A_26 : memref<64x64xbf16, #tpu.memory_space<vmem>>) offsets(%dma_start3A_29 : memref<64xi32, #tpu.memory_space<vmem>>) semaphore(%arg12 : memref<!tpu.dma_semaphore, #tpu.memory_space<semaphore_mem>>)
    %dma_start3A_33 = arith.constant 2 : i32
    %dma_start3A_34 = arith.constant 1 : i32
    %dma_start3A_35 = arith.constant 0 : i32
    %dma_start3A_36 = arith.constant 0 : i32
    %dma_start3A_37 = tpu.memref_slice %arg10[%dma_start3A_34, %dma_start3A_35, %dma_start3A_36] : memref<8x128x64xbf16, #tpu.memory_space<vmem>> -> memref<1x64x64xbf16, #tpu.memory_space<vmem>>
    %dma_start3A_38 = tpu.memref_squeeze %dma_start3A_37 : memref<1x64x64xbf16, #tpu.memory_space<vmem>> -> memref<64x64xbf16, #tpu.memory_space<vmem>>
    %dma_start3A_39 = arith.constant 0 : i32
    %dma_start3A_40 = tpu.memref_slice %arg7[%dma_start3A_33, %dma_start3A_39] : memref<1024x64xi32, #tpu.memory_space<vmem>> -> memref<1x64xi32, #tpu.memory_space<vmem>>
    %dma_start3A_41 = tpu.memref_squeeze %dma_start3A_40 : memref<1x64xi32, #tpu.memory_space<vmem>> -> memref<64xi32, #tpu.memory_space<vmem>>
    %dma_start3A_42 = arith.constant 0 : i32
    %dma_start3A_43 = arith.constant 0 : i32
    %dma_start3A_44 = tpu.memref_slice %arg3[%dma_start3A_42, %dma_start3A_43] : memref<100000x64xbf16, #tpu.memory_space<hbm>> -> memref<100000x64xbf16, #tpu.memory_space<hbm>>
    tpu.enqueue_indirect_dma source(%dma_start3A_44 : memref<100000x64xbf16, #tpu.memory_space<hbm>>) target(%dma_start3A_38 : memref<64x64xbf16, #tpu.memory_space<vmem>>) offsets(%dma_start3A_41 : memref<64xi32, #tpu.memory_space<vmem>>) semaphore(%arg13 : memref<!tpu.dma_semaphore, #tpu.memory_space<semaphore_mem>>)
    %dma_start3A_45 = arith.constant 3 : i32
    %dma_start3A_46 = arith.constant 1 : i32
    %dma_start3A_47 = arith.constant 64 : i32
    %dma_start3A_48 = arith.constant 0 : i32
    %dma_start3A_49 = tpu.memref_slice %arg10[%dma_start3A_46, %dma_start3A_47, %dma_start3A_48] : memref<8x128x64xbf16, #tpu.memory_space<vmem>> -> memref<1x64x64xbf16, #tpu.memory_space<vmem>>
    %dma_start3A_50 = tpu.memref_squeeze %dma_start3A_49 : memref<1x64x64xbf16, #tpu.memory_space<vmem>> -> memref<64x64xbf16, #tpu.memory_space<vmem>>
    %dma_start3A_51 = arith.constant 0 : i32
    %dma_start3A_52 = tpu.memref_slice %arg7[%dma_start3A_45, %dma_start3A_51] : memref<1024x64xi32, #tpu.memory_space<vmem>> -> memref<1x64xi32, #tpu.memory_space<vmem>>
    %dma_start3A_53 = tpu.memref_squeeze %dma_start3A_52 : memref<1x64xi32, #tpu.memory_space<vmem>> -> memref<64xi32, #tpu.memory_space<vmem>>
    %dma_start3A_54 = arith.constant 0 : i32
    %dma_start3A_55 = arith.constant 0 : i32
    %dma_start3A_56 = tpu.memref_slice %arg3[%dma_start3A_54, %dma_start3A_55] : memref<100000x64xbf16, #tpu.memory_space<hbm>> -> memref<100000x64xbf16, #tpu.memory_space<hbm>>
    tpu.enqueue_indirect_dma source(%dma_start3A_56 : memref<100000x64xbf16, #tpu.memory_space<hbm>>) target(%dma_start3A_50 : memref<64x64xbf16, #tpu.memory_space<vmem>>) offsets(%dma_start3A_53 : memref<64xi32, #tpu.memory_space<vmem>>) semaphore(%arg13 : memref<!tpu.dma_semaphore, #tpu.memory_space<semaphore_mem>>)
    %dma_start3A_57 = arith.constant 4 : i32
    %dma_start3A_58 = arith.constant 2 : i32
    %dma_start3A_59 = arith.constant 0 : i32
    %dma_start3A_60 = arith.constant 0 : i32
    %dma_start3A_61 = tpu.memref_slice %arg10[%dma_start3A_58, %dma_start3A_59, %dma_start3A_60] : memref<8x128x64xbf16, #tpu.memory_space<vmem>> -> memref<1x64x64xbf16, #tpu.memory_space<vmem>>
    %dma_start3A_62 = tpu.memref_squeeze %dma_start3A_61 : memref<1x64x64xbf16, #tpu.memory_space<vmem>> -> memref<64x64xbf16, #tpu.memory_space<vmem>>
    %dma_start3A_63 = arith.constant 0 : i32
    %dma_start3A_64 = tpu.memref_slice %arg7[%dma_start3A_57, %dma_start3A_63] : memref<1024x64xi32, #tpu.memory_space<vmem>> -> memref<1x64xi32, #tpu.memory_space<vmem>>
    %dma_start3A_65 = tpu.memref_squeeze %dma_start3A_64 : memref<1x64xi32, #tpu.memory_space<vmem>> -> memref<64xi32, #tpu.memory_space<vmem>>
    %dma_start3A_66 = arith.constant 0 : i32
    %dma_start3A_67 = arith.constant 0 : i32
    %dma_start3A_68 = tpu.memref_slice %arg3[%dma_start3A_66, %dma_start3A_67] : memref<100000x64xbf16, #tpu.memory_space<hbm>> -> memref<100000x64xbf16, #tpu.memory_space<hbm>>
    tpu.enqueue_indirect_dma source(%dma_start3A_68 : memref<100000x64xbf16, #tpu.memory_space<hbm>>) target(%dma_start3A_62 : memref<64x64xbf16, #tpu.memory_space<vmem>>) offsets(%dma_start3A_65 : memref<64xi32, #tpu.memory_space<vmem>>) semaphore(%arg14 : memref<!tpu.dma_semaphore, #tpu.memory_space<semaphore_mem>>)
    %dma_start3A_69 = arith.constant 5 : i32
    %dma_start3A_70 = arith.constant 2 : i32
    %dma_start3A_71 = arith.constant 64 : i32
    %dma_start3A_72 = arith.constant 0 : i32
    %dma_start3A_73 = tpu.memref_slice %arg10[%dma_start3A_70, %dma_start3A_71, %dma_start3A_72] : memref<8x128x64xbf16, #tpu.memory_space<vmem>> -> memref<1x64x64xbf16, #tpu.memory_space<vmem>>
    %dma_start3A_74 = tpu.memref_squeeze %dma_start3A_73 : memref<1x64x64xbf16, #tpu.memory_space<vmem>> -> memref<64x64xbf16, #tpu.memory_space<vmem>>
    %dma_start3A_75 = arith.constant 0 : i32
    %dma_start3A_76 = tpu.memref_slice %arg7[%dma_start3A_69, %dma_start3A_75] : memref<1024x64xi32, #tpu.memory_space<vmem>> -> memref<1x64xi32, #tpu.memory_space<vmem>>
    %dma_start3A_77 = tpu.memref_squeeze %dma_start3A_76 : memref<1x64xi32, #tpu.memory_space<vmem>> -> memref<64xi32, #tpu.memory_space<vmem>>
    %dma_start3A_78 = arith.constant 0 : i32
    %dma_start3A_79 = arith.constant 0 : i32
    %dma_start3A_80 = tpu.memref_slice %arg3[%dma_start3A_78, %dma_start3A_79] : memref<100000x64xbf16, #tpu.memory_space<hbm>> -> memref<100000x64xbf16, #tpu.memory_space<hbm>>
    tpu.enqueue_indirect_dma source(%dma_start3A_80 : memref<100000x64xbf16, #tpu.memory_space<hbm>>) target(%dma_start3A_74 : memref<64x64xbf16, #tpu.memory_space<vmem>>) offsets(%dma_start3A_77 : memref<64xi32, #tpu.memory_space<vmem>>) semaphore(%arg14 : memref<!tpu.dma_semaphore, #tpu.memory_space<semaphore_mem>>)
    %dma_start3A_81 = arith.constant 6 : i32
    %dma_start3A_82 = arith.constant 3 : i32
    %dma_start3A_83 = arith.constant 0 : i32
    %dma_start3A_84 = arith.constant 0 : i32
    %dma_start3A_85 = tpu.memref_slice %arg10[%dma_start3A_82, %dma_start3A_83, %dma_start3A_84] : memref<8x128x64xbf16, #tpu.memory_space<vmem>> -> memref<1x64x64xbf16, #tpu.memory_space<vmem>>
    %dma_start3A_86 = tpu.memref_squeeze %dma_start3A_85 : memref<1x64x64xbf16, #tpu.memory_space<vmem>> -> memref<64x64xbf16, #tpu.memory_space<vmem>>
    %dma_start3A_87 = arith.constant 0 : i32
    %dma_start3A_88 = tpu.memref_slice %arg7[%dma_start3A_81, %dma_start3A_87] : memref<1024x64xi32, #tpu.memory_space<vmem>> -> memref<1x64xi32, #tpu.memory_space<vmem>>
    %dma_start3A_89 = tpu.memref_squeeze %dma_start3A_88 : memref<1x64xi32, #tpu.memory_space<vmem>> -> memref<64xi32, #tpu.memory_space<vmem>>
    %dma_start3A_90 = arith.constant 0 : i32
    %dma_start3A_91 = arith.constant 0 : i32
    %dma_start3A_92 = tpu.memref_slice %arg3[%dma_start3A_90, %dma_start3A_91] : memref<100000x64xbf16, #tpu.memory_space<hbm>> -> memref<100000x64xbf16, #tpu.memory_space<hbm>>
    tpu.enqueue_indirect_dma source(%dma_start3A_92 : memref<100000x64xbf16, #tpu.memory_space<hbm>>) target(%dma_start3A_86 : memref<64x64xbf16, #tpu.memory_space<vmem>>) offsets(%dma_start3A_89 : memref<64xi32, #tpu.memory_space<vmem>>) semaphore(%arg15 : memref<!tpu.dma_semaphore, #tpu.memory_space<semaphore_mem>>)
    %dma_start3A_93 = arith.constant 7 : i32
    %dma_start3A_94 = arith.constant 3 : i32
    %dma_start3A_95 = arith.constant 64 : i32
    %dma_start3A_96 = arith.constant 0 : i32
    %dma_start3A_97 = tpu.memref_slice %arg10[%dma_start3A_94, %dma_start3A_95, %dma_start3A_96] : memref<8x128x64xbf16, #tpu.memory_space<vmem>> -> memref<1x64x64xbf16, #tpu.memory_space<vmem>>
    %dma_start3A_98 = tpu.memref_squeeze %dma_start3A_97 : memref<1x64x64xbf16, #tpu.memory_space<vmem>> -> memref<64x64xbf16, #tpu.memory_space<vmem>>
    %dma_start3A_99 = arith.constant 0 : i32
    %dma_start3A_100 = tpu.memref_slice %arg7[%dma_start3A_93, %dma_start3A_99] : memref<1024x64xi32, #tpu.memory_space<vmem>> -> memref<1x64xi32, #tpu.memory_space<vmem>>
    %dma_start3A_101 = tpu.memref_squeeze %dma_start3A_100 : memref<1x64xi32, #tpu.memory_space<vmem>> -> memref<64xi32, #tpu.memory_space<vmem>>
    %dma_start3A_102 = arith.constant 0 : i32
    %dma_start3A_103 = arith.constant 0 : i32
    %dma_start3A_104 = tpu.memref_slice %arg3[%dma_start3A_102, %dma_start3A_103] : memref<100000x64xbf16, #tpu.memory_space<hbm>> -> memref<100000x64xbf16, #tpu.memory_space<hbm>>
    tpu.enqueue_indirect_dma source(%dma_start3A_104 : memref<100000x64xbf16, #tpu.memory_space<hbm>>) target(%dma_start3A_98 : memref<64x64xbf16, #tpu.memory_space<vmem>>) offsets(%dma_start3A_101 : memref<64xi32, #tpu.memory_space<vmem>>) semaphore(%arg15 : memref<!tpu.dma_semaphore, #tpu.memory_space<semaphore_mem>>)
    %dma_start3A_105 = arith.constant 8 : i32
    %dma_start3A_106 = arith.constant 4 : i32
    %dma_start3A_107 = arith.constant 0 : i32
    %dma_start3A_108 = arith.constant 0 : i32
    %dma_start3A_109 = tpu.memref_slice %arg10[%dma_start3A_106, %dma_start3A_107, %dma_start3A_108] : memref<8x128x64xbf16, #tpu.memory_space<vmem>> -> memref<1x64x64xbf16, #tpu.memory_space<vmem>>
    %dma_start3A_110 = tpu.memref_squeeze %dma_start3A_109 : memref<1x64x64xbf16, #tpu.memory_space<vmem>> -> memref<64x64xbf16, #tpu.memory_space<vmem>>
    %dma_start3A_111 = arith.constant 0 : i32
    %dma_start3A_112 = tpu.memref_slice %arg7[%dma_start3A_105, %dma_start3A_111] : memref<1024x64xi32, #tpu.memory_space<vmem>> -> memref<1x64xi32, #tpu.memory_space<vmem>>
    %dma_start3A_113 = tpu.memref_squeeze %dma_start3A_112 : memref<1x64xi32, #tpu.memory_space<vmem>> -> memref<64xi32, #tpu.memory_space<vmem>>
    %dma_start3A_114 = arith.constant 0 : i32
    %dma_start3A_115 = arith.constant 0 : i32
    %dma_start3A_116 = tpu.memref_slice %arg3[%dma_start3A_114, %dma_start3A_115] : memref<100000x64xbf16, #tpu.memory_space<hbm>> -> memref<100000x64xbf16, #tpu.memory_space<hbm>>
    tpu.enqueue_indirect_dma source(%dma_start3A_116 : memref<100000x64xbf16, #tpu.memory_space<hbm>>) target(%dma_start3A_110 : memref<64x64xbf16, #tpu.memory_space<vmem>>) offsets(%dma_start3A_113 : memref<64xi32, #tpu.memory_space<vmem>>) semaphore(%arg16 : memref<!tpu.dma_semaphore, #tpu.memory_space<semaphore_mem>>)
    %dma_start3A_117 = arith.constant 9 : i32
    %dma_start3A_118 = arith.constant 4 : i32
    %dma_start3A_119 = arith.constant 64 : i32
    %dma_start3A_120 = arith.constant 0 : i32
    %dma_start3A_121 = tpu.memref_slice %arg10[%dma_start3A_118, %dma_start3A_119, %dma_start3A_120] : memref<8x128x64xbf16, #tpu.memory_space<vmem>> -> memref<1x64x64xbf16, #tpu.memory_space<vmem>>
    %dma_start3A_122 = tpu.memref_squeeze %dma_start3A_121 : memref<1x64x64xbf16, #tpu.memory_space<vmem>> -> memref<64x64xbf16, #tpu.memory_space<vmem>>
    %dma_start3A_123 = arith.constant 0 : i32
    %dma_start3A_124 = tpu.memref_slice %arg7[%dma_start3A_117, %dma_start3A_123] : memref<1024x64xi32, #tpu.memory_space<vmem>> -> memref<1x64xi32, #tpu.memory_space<vmem>>
    %dma_start3A_125 = tpu.memref_squeeze %dma_start3A_124 : memref<1x64xi32, #tpu.memory_space<vmem>> -> memref<64xi32, #tpu.memory_space<vmem>>
    %dma_start3A_126 = arith.constant 0 : i32
    %dma_start3A_127 = arith.constant 0 : i32
    %dma_start3A_128 = tpu.memref_slice %arg3[%dma_start3A_126, %dma_start3A_127] : memref<100000x64xbf16, #tpu.memory_space<hbm>> -> memref<100000x64xbf16, #tpu.memory_space<hbm>>
    tpu.enqueue_indirect_dma source(%dma_start3A_128 : memref<100000x64xbf16, #tpu.memory_space<hbm>>) target(%dma_start3A_122 : memref<64x64xbf16, #tpu.memory_space<vmem>>) offsets(%dma_start3A_125 : memref<64xi32, #tpu.memory_space<vmem>>) semaphore(%arg16 : memref<!tpu.dma_semaphore, #tpu.memory_space<semaphore_mem>>)
    %dma_start3A_129 = arith.constant 10 : i32
    %dma_start3A_130 = arith.constant 5 : i32
    %dma_start3A_131 = arith.constant 0 : i32
    %dma_start3A_132 = arith.constant 0 : i32
    %dma_start3A_133 = tpu.memref_slice %arg10[%dma_start3A_130, %dma_start3A_131, %dma_start3A_132] : memref<8x128x64xbf16, #tpu.memory_space<vmem>> -> memref<1x64x64xbf16, #tpu.memory_space<vmem>>
    %dma_start3A_134 = tpu.memref_squeeze %dma_start3A_133 : memref<1x64x64xbf16, #tpu.memory_space<vmem>> -> memref<64x64xbf16, #tpu.memory_space<vmem>>
    %dma_start3A_135 = arith.constant 0 : i32
    %dma_start3A_136 = tpu.memref_slice %arg7[%dma_start3A_129, %dma_start3A_135] : memref<1024x64xi32, #tpu.memory_space<vmem>> -> memref<1x64xi32, #tpu.memory_space<vmem>>
    %dma_start3A_137 = tpu.memref_squeeze %dma_start3A_136 : memref<1x64xi32, #tpu.memory_space<vmem>> -> memref<64xi32, #tpu.memory_space<vmem>>
    %dma_start3A_138 = arith.constant 0 : i32
    %dma_start3A_139 = arith.constant 0 : i32
    %dma_start3A_140 = tpu.memref_slice %arg3[%dma_start3A_138, %dma_start3A_139] : memref<100000x64xbf16, #tpu.memory_space<hbm>> -> memref<100000x64xbf16, #tpu.memory_space<hbm>>
    tpu.enqueue_indirect_dma source(%dma_start3A_140 : memref<100000x64xbf16, #tpu.memory_space<hbm>>) target(%dma_start3A_134 : memref<64x64xbf16, #tpu.memory_space<vmem>>) offsets(%dma_start3A_137 : memref<64xi32, #tpu.memory_space<vmem>>) semaphore(%arg17 : memref<!tpu.dma_semaphore, #tpu.memory_space<semaphore_mem>>)
    %dma_start3A_141 = arith.constant 11 : i32
    %dma_start3A_142 = arith.constant 5 : i32
    %dma_start3A_143 = arith.constant 64 : i32
    %dma_start3A_144 = arith.constant 0 : i32
    %dma_start3A_145 = tpu.memref_slice %arg10[%dma_start3A_142, %dma_start3A_143, %dma_start3A_144] : memref<8x128x64xbf16, #tpu.memory_space<vmem>> -> memref<1x64x64xbf16, #tpu.memory_space<vmem>>
    %dma_start3A_146 = tpu.memref_squeeze %dma_start3A_145 : memref<1x64x64xbf16, #tpu.memory_space<vmem>> -> memref<64x64xbf16, #tpu.memory_space<vmem>>
    %dma_start3A_147 = arith.constant 0 : i32
    %dma_start3A_148 = tpu.memref_slice %arg7[%dma_start3A_141, %dma_start3A_147] : memref<1024x64xi32, #tpu.memory_space<vmem>> -> memref<1x64xi32, #tpu.memory_space<vmem>>
    %dma_start3A_149 = tpu.memref_squeeze %dma_start3A_148 : memref<1x64xi32, #tpu.memory_space<vmem>> -> memref<64xi32, #tpu.memory_space<vmem>>
    %dma_start3A_150 = arith.constant 0 : i32
    %dma_start3A_151 = arith.constant 0 : i32
    %dma_start3A_152 = tpu.memref_slice %arg3[%dma_start3A_150, %dma_start3A_151] : memref<100000x64xbf16, #tpu.memory_space<hbm>> -> memref<100000x64xbf16, #tpu.memory_space<hbm>>
    tpu.enqueue_indirect_dma source(%dma_start3A_152 : memref<100000x64xbf16, #tpu.memory_space<hbm>>) target(%dma_start3A_146 : memref<64x64xbf16, #tpu.memory_space<vmem>>) offsets(%dma_start3A_149 : memref<64xi32, #tpu.memory_space<vmem>>) semaphore(%arg17 : memref<!tpu.dma_semaphore, #tpu.memory_space<semaphore_mem>>)
    %dma_start3A_153 = arith.constant 12 : i32
    %dma_start3A_154 = arith.constant 6 : i32
    %dma_start3A_155 = arith.constant 0 : i32
    %dma_start3A_156 = arith.constant 0 : i32
    %dma_start3A_157 = tpu.memref_slice %arg10[%dma_start3A_154, %dma_start3A_155, %dma_start3A_156] : memref<8x128x64xbf16, #tpu.memory_space<vmem>> -> memref<1x64x64xbf16, #tpu.memory_space<vmem>>
    %dma_start3A_158 = tpu.memref_squeeze %dma_start3A_157 : memref<1x64x64xbf16, #tpu.memory_space<vmem>> -> memref<64x64xbf16, #tpu.memory_space<vmem>>
    %dma_start3A_159 = arith.constant 0 : i32
    %dma_start3A_160 = tpu.memref_slice %arg7[%dma_start3A_153, %dma_start3A_159] : memref<1024x64xi32, #tpu.memory_space<vmem>> -> memref<1x64xi32, #tpu.memory_space<vmem>>
    %dma_start3A_161 = tpu.memref_squeeze %dma_start3A_160 : memref<1x64xi32, #tpu.memory_space<vmem>> -> memref<64xi32, #tpu.memory_space<vmem>>
    %dma_start3A_162 = arith.constant 0 : i32
    %dma_start3A_163 = arith.constant 0 : i32
    %dma_start3A_164 = tpu.memref_slice %arg3[%dma_start3A_162, %dma_start3A_163] : memref<100000x64xbf16, #tpu.memory_space<hbm>> -> memref<100000x64xbf16, #tpu.memory_space<hbm>>
    tpu.enqueue_indirect_dma source(%dma_start3A_164 : memref<100000x64xbf16, #tpu.memory_space<hbm>>) target(%dma_start3A_158 : memref<64x64xbf16, #tpu.memory_space<vmem>>) offsets(%dma_start3A_161 : memref<64xi32, #tpu.memory_space<vmem>>) semaphore(%arg18 : memref<!tpu.dma_semaphore, #tpu.memory_space<semaphore_mem>>)
    %dma_start3A_165 = arith.constant 13 : i32
    %dma_start3A_166 = arith.constant 6 : i32
    %dma_start3A_167 = arith.constant 64 : i32
    %dma_start3A_168 = arith.constant 0 : i32
    %dma_start3A_169 = tpu.memref_slice %arg10[%dma_start3A_166, %dma_start3A_167, %dma_start3A_168] : memref<8x128x64xbf16, #tpu.memory_space<vmem>> -> memref<1x64x64xbf16, #tpu.memory_space<vmem>>
    %dma_start3A_170 = tpu.memref_squeeze %dma_start3A_169 : memref<1x64x64xbf16, #tpu.memory_space<vmem>> -> memref<64x64xbf16, #tpu.memory_space<vmem>>
    %dma_start3A_171 = arith.constant 0 : i32
    %dma_start3A_172 = tpu.memref_slice %arg7[%dma_start3A_165, %dma_start3A_171] : memref<1024x64xi32, #tpu.memory_space<vmem>> -> memref<1x64xi32, #tpu.memory_space<vmem>>
    %dma_start3A_173 = tpu.memref_squeeze %dma_start3A_172 : memref<1x64xi32, #tpu.memory_space<vmem>> -> memref<64xi32, #tpu.memory_space<vmem>>
    %dma_start3A_174 = arith.constant 0 : i32
    %dma_start3A_175 = arith.constant 0 : i32
    %dma_start3A_176 = tpu.memref_slice %arg3[%dma_start3A_174, %dma_start3A_175] : memref<100000x64xbf16, #tpu.memory_space<hbm>> -> memref<100000x64xbf16, #tpu.memory_space<hbm>>
    tpu.enqueue_indirect_dma source(%dma_start3A_176 : memref<100000x64xbf16, #tpu.memory_space<hbm>>) target(%dma_start3A_170 : memref<64x64xbf16, #tpu.memory_space<vmem>>) offsets(%dma_start3A_173 : memref<64xi32, #tpu.memory_space<vmem>>) semaphore(%arg18 : memref<!tpu.dma_semaphore, #tpu.memory_space<semaphore_mem>>)
    %dma_start3A_177 = arith.constant 14 : i32
    %dma_start3A_178 = arith.constant 7 : i32
    %dma_start3A_179 = arith.constant 0 : i32
    %dma_start3A_180 = arith.constant 0 : i32
    %dma_start3A_181 = tpu.memref_slice %arg10[%dma_start3A_178, %dma_start3A_179, %dma_start3A_180] : memref<8x128x64xbf16, #tpu.memory_space<vmem>> -> memref<1x64x64xbf16, #tpu.memory_space<vmem>>
    %dma_start3A_182 = tpu.memref_squeeze %dma_start3A_181 : memref<1x64x64xbf16, #tpu.memory_space<vmem>> -> memref<64x64xbf16, #tpu.memory_space<vmem>>
    %dma_start3A_183 = arith.constant 0 : i32
    %dma_start3A_184 = tpu.memref_slice %arg7[%dma_start3A_177, %dma_start3A_183] : memref<1024x64xi32, #tpu.memory_space<vmem>> -> memref<1x64xi32, #tpu.memory_space<vmem>>
    %dma_start3A_185 = tpu.memref_squeeze %dma_start3A_184 : memref<1x64xi32, #tpu.memory_space<vmem>> -> memref<64xi32, #tpu.memory_space<vmem>>
    %dma_start3A_186 = arith.constant 0 : i32
    %dma_start3A_187 = arith.constant 0 : i32
    %dma_start3A_188 = tpu.memref_slice %arg3[%dma_start3A_186, %dma_start3A_187] : memref<100000x64xbf16, #tpu.memory_space<hbm>> -> memref<100000x64xbf16, #tpu.memory_space<hbm>>
    tpu.enqueue_indirect_dma source(%dma_start3A_188 : memref<100000x64xbf16, #tpu.memory_space<hbm>>) target(%dma_start3A_182 : memref<64x64xbf16, #tpu.memory_space<vmem>>) offsets(%dma_start3A_185 : memref<64xi32, #tpu.memory_space<vmem>>) semaphore(%arg19 : memref<!tpu.dma_semaphore, #tpu.memory_space<semaphore_mem>>)
    %dma_start3A_189 = arith.constant 15 : i32
    %dma_start3A_190 = arith.constant 7 : i32
    %dma_start3A_191 = arith.constant 64 : i32
    %dma_start3A_192 = arith.constant 0 : i32
    %dma_start3A_193 = tpu.memref_slice %arg10[%dma_start3A_190, %dma_start3A_191, %dma_start3A_192] : memref<8x128x64xbf16, #tpu.memory_space<vmem>> -> memref<1x64x64xbf16, #tpu.memory_space<vmem>>
    %dma_start3A_194 = tpu.memref_squeeze %dma_start3A_193 : memref<1x64x64xbf16, #tpu.memory_space<vmem>> -> memref<64x64xbf16, #tpu.memory_space<vmem>>
    %dma_start3A_195 = arith.constant 0 : i32
    %dma_start3A_196 = tpu.memref_slice %arg7[%dma_start3A_189, %dma_start3A_195] : memref<1024x64xi32, #tpu.memory_space<vmem>> -> memref<1x64xi32, #tpu.memory_space<vmem>>
    %dma_start3A_197 = tpu.memref_squeeze %dma_start3A_196 : memref<1x64xi32, #tpu.memory_space<vmem>> -> memref<64xi32, #tpu.memory_space<vmem>>
    %dma_start3A_198 = arith.constant 0 : i32
    %dma_start3A_199 = arith.constant 0 : i32
    %dma_start3A_200 = tpu.memref_slice %arg3[%dma_start3A_198, %dma_start3A_199] : memref<100000x64xbf16, #tpu.memory_space<hbm>> -> memref<100000x64xbf16, #tpu.memory_space<hbm>>
    tpu.enqueue_indirect_dma source(%dma_start3A_200 : memref<100000x64xbf16, #tpu.memory_space<hbm>>) target(%dma_start3A_194 : memref<64x64xbf16, #tpu.memory_space<vmem>>) offsets(%dma_start3A_197 : memref<64xi32, #tpu.memory_space<vmem>>) semaphore(%arg19 : memref<!tpu.dma_semaphore, #tpu.memory_space<semaphore_mem>>)
    %scan3A = arith.constant 0 : i32
    %scan3A_201 = arith.constant 16 : i32
    %scan3A_202 = arith.addi %scan3A, %scan3A_201 : i32
    %scan3A_203 = arith.constant 1 : i32
    scf.for %scan3A_226 = %scan3A to %scan3A_202 step %scan3A_203  : i32 {
      %mul3A_227 = arith.constant 2 : i32
      %mul3A_228 = arith.muli %scan3A_226, %mul3A_227 : i32
      %add3A_229 = arith.constant 0 : i32
      %add3A_230 = arith.addi %add3A_229, %mul3A_228 : i32
      %ge3A = arith.constant 2 : i32
      %ge3A_231 = arith.cmpi sge, %add3A_230, %ge3A : i32
      %convert_element_type3A = arith.extui %ge3A_231 : i1 to i32
      %cond3A = arith.constant 0 : i32
      %cond3A_232 = arith.cmpi ne, %convert_element_type3A, %cond3A : i32
      scf.if %cond3A_232 {
        %dma_wait3A_278 = arith.constant 0 : i32
        %dma_wait3A_279 = arith.constant 0 : i32
        %dma_wait3A_280 = tpu.memref_slice %arg11[%dma_wait3A_278, %dma_wait3A_279] : memref<2x2048xf32, #tpu.memory_space<vmem>> -> memref<1x2048xf32, #tpu.memory_space<vmem>>
        %dma_wait3A_281 = tpu.memref_squeeze %dma_wait3A_280 : memref<1x2048xf32, #tpu.memory_space<vmem>> -> memref<2048xf32, #tpu.memory_space<vmem>>
        %dma_wait3A_282 = arith.constant 0 : i32
        %dma_wait3A_283 = tpu.memref_slice %arg6[%dma_wait3A_282] : memref<2097152xf32, #tpu.memory_space<hbm>> -> memref<2048xf32, #tpu.memory_space<hbm>>
        %dma_wait3A_284 = arith.constant 0 : i32
        %dma_wait3A_285 = tpu.memref_slice %arg6[%dma_wait3A_284] : memref<2097152xf32, #tpu.memory_space<hbm>> -> memref<2048xf32, #tpu.memory_space<hbm>>
        %dma_wait3A_286 = arith.constant 0 : i32
        %dma_wait3A_287 = tpu.memref_slice %arg11[%dma_wait3A_278, %dma_wait3A_286] : memref<2x2048xf32, #tpu.memory_space<vmem>> -> memref<1x2048xf32, #tpu.memory_space<vmem>>
        %dma_wait3A_288 = tpu.memref_squeeze %dma_wait3A_287 : memref<1x2048xf32, #tpu.memory_space<vmem>> -> memref<2048xf32, #tpu.memory_space<vmem>>
        tpu.wait_dma2 semaphore(%arg20 : memref<!tpu.dma_semaphore, #tpu.memory_space<semaphore_mem>>) src(%dma_wait3A_288 : memref<2048xf32, #tpu.memory_space<vmem>>) dst(%dma_wait3A_285 : memref<2048xf32, #tpu.memory_space<hbm>>)
      } else {
      }
      %scan3A_233 = arith.constant 0 : i32
      %scan3A_234 = arith.constant 2 : i32
      %scan3A_235 = arith.addi %scan3A_233, %scan3A_234 : i32
      %scan3A_236 = arith.constant 1 : i32
      scf.for %scan3A_278 = %scan3A_233 to %scan3A_235 step %scan3A_236  : i32 {
        %mul3A_279 = arith.constant 8 : i32
        %mul3A_280 = arith.muli %scan3A_278, %mul3A_279 : i32
        %add3A_281 = arith.constant 0 : i32
        %add3A_282 = arith.addi %add3A_281, %mul3A_280 : i32
        %mul3A_283 = arith.constant 16 : i32
        %mul3A_284 = arith.muli %add3A_230, %mul3A_283 : i32
        %add3A_285 = arith.addi %mul3A_284, %add3A_282 : i32
        %dma_wait3A_286 = arith.constant 0 : i32
        %dma_wait3A_287 = arith.constant 0 : i32
        %dma_wait3A_288 = arith.constant 0 : i32
        %dma_wait3A_289 = arith.constant 0 : i32
        %dma_wait3A_290 = tpu.memref_slice %arg10[%dma_wait3A_287, %dma_wait3A_288, %dma_wait3A_289] : memref<8x128x64xbf16, #tpu.memory_space<vmem>> -> memref<1x64x64xbf16, #tpu.memory_space<vmem>>
        %dma_wait3A_291 = tpu.memref_squeeze %dma_wait3A_290 : memref<1x64x64xbf16, #tpu.memory_space<vmem>> -> memref<64x64xbf16, #tpu.memory_space<vmem>>
        %dma_wait3A_292 = arith.constant 0 : i32
        %dma_wait3A_293 = tpu.memref_slice %arg7[%dma_wait3A_286, %dma_wait3A_292] : memref<1024x64xi32, #tpu.memory_space<vmem>> -> memref<1x64xi32, #tpu.memory_space<vmem>>
        %dma_wait3A_294 = tpu.memref_squeeze %dma_wait3A_293 : memref<1x64xi32, #tpu.memory_space<vmem>> -> memref<64xi32, #tpu.memory_space<vmem>>
        %dma_wait3A_295 = arith.constant 0 : i32
        %dma_wait3A_296 = arith.constant 0 : i32
        %dma_wait3A_297 = tpu.memref_slice %arg3[%dma_wait3A_295, %dma_wait3A_296] : memref<100000x64xbf16, #tpu.memory_space<hbm>> -> memref<100000x64xbf16, #tpu.memory_space<hbm>>
        tpu.wait_indirect_dma semaphore(%arg12 : memref<!tpu.dma_semaphore, #tpu.memory_space<semaphore_mem>>) src(%dma_wait3A_297 : memref<100000x64xbf16, #tpu.memory_space<hbm>>) dst(%dma_wait3A_291 : memref<64x64xbf16, #tpu.memory_space<vmem>>)
        %dma_wait3A_298 = arith.constant 1 : i32
        %dma_wait3A_299 = arith.constant 0 : i32
        %dma_wait3A_300 = arith.constant 64 : i32
        %dma_wait3A_301 = arith.constant 0 : i32
        %dma_wait3A_302 = tpu.memref_slice %arg10[%dma_wait3A_299, %dma_wait3A_300, %dma_wait3A_301] : memref<8x128x64xbf16, #tpu.memory_space<vmem>> -> memref<1x64x64xbf16, #tpu.memory_space<vmem>>
        %dma_wait3A_303 = tpu.memref_squeeze %dma_wait3A_302 : memref<1x64x64xbf16, #tpu.memory_space<vmem>> -> memref<64x64xbf16, #tpu.memory_space<vmem>>
        %dma_wait3A_304 = arith.constant 0 : i32
        %dma_wait3A_305 = tpu.memref_slice %arg7[%dma_wait3A_298, %dma_wait3A_304] : memref<1024x64xi32, #tpu.memory_space<vmem>> -> memref<1x64xi32, #tpu.memory_space<vmem>>
        %dma_wait3A_306 = tpu.memref_squeeze %dma_wait3A_305 : memref<1x64xi32, #tpu.memory_space<vmem>> -> memref<64xi32, #tpu.memory_space<vmem>>
        %dma_wait3A_307 = arith.constant 0 : i32
        %dma_wait3A_308 = arith.constant 0 : i32
        %dma_wait3A_309 = tpu.memref_slice %arg3[%dma_wait3A_307, %dma_wait3A_308] : memref<100000x64xbf16, #tpu.memory_space<hbm>> -> memref<100000x64xbf16, #tpu.memory_space<hbm>>
        tpu.wait_indirect_dma semaphore(%arg12 : memref<!tpu.dma_semaphore, #tpu.memory_space<semaphore_mem>>) src(%dma_wait3A_309 : memref<100000x64xbf16, #tpu.memory_space<hbm>>) dst(%dma_wait3A_303 : memref<64x64xbf16, #tpu.memory_space<vmem>>)
        %add3A_310 = arith.constant 0 : i32
        %add3A_311 = arith.addi %add3A_285, %add3A_310 : i32
        %add3A_312 = arith.constant 0 : i32
        %add3A_313 = arith.addi %add3A_282, %add3A_312 : i32
        %get3A = arith.index_cast %add3A_311 : i32 to index
        %get3A_314 = arith.constant 0 : index
        %get3A_315 = tpu.vector_load %arg9[%get3A, %get3A_314] {strides = array<i32>} : memref<512x64xbf16, #tpu.memory_space<vmem>>, vector<32xbf16>,
        %get3A_316 = arith.index_cast %add3A_311 : i32 to index
        %get3A_317 = arith.constant 32 : index
        %get3A_318 = tpu.vector_load %arg9[%get3A_316, %get3A_317] {strides = array<i32>} : memref<512x64xbf16, #tpu.memory_space<vmem>>, vector<32xbf16>,
        %broadcast_in_dim3A = arith.constant 0 : i32
        %broadcast_in_dim3A_319 = vector.broadcast %broadcast_in_dim3A : i32 to vector<16xi32>
        %mul3A_320 = arith.constant 128 : i32
        %mul3A_321 = arith.muli %add3A_313, %mul3A_320 : i32
        %add3A_322 = vector.broadcast %mul3A_321 : i32 to vector<16xi32>
        %add3A_323 = arith.addi %broadcast_in_dim3A_319, %add3A_322 : vector<16xi32>
        %parallel_loop3A = arith.constant 0 : i32
        %parallel_loop3A_324 = arith.constant 128 : i32
        %parallel_loop3A_325 = arith.constant 1 : i32
        %parallel_loop3A_326 = arith.constant 0 : i32
        scf.for %parallel_loop3A_706 = %parallel_loop3A to %parallel_loop3A_324 step %parallel_loop3A_325  : i32 {
          %parallel_loop3A_707 = arith.constant 0 : i32
          %parallel_loop3A_708 = arith.constant 0 : i32
          %parallel_loop3A_709 = tpu.memref_slice %arg10[%parallel_loop3A_326, %parallel_loop3A_707, %parallel_loop3A_708] : memref<8x128x64xbf16, #tpu.memory_space<vmem>> -> memref<1x128x64xbf16, #tpu.memory_space<vmem>>
          %parallel_loop3A_710 = tpu.memref_squeeze %parallel_loop3A_709 : memref<1x128x64xbf16, #tpu.memory_space<vmem>> -> memref<128x64xbf16, #tpu.memory_space<vmem>>
          %parallel_loop3A_711 = arith.index_cast %parallel_loop3A_706 : i32 to index
          %parallel_loop3A_712 = arith.constant 0 : index
          %parallel_loop3A_713 = tpu.vector_load %parallel_loop3A_710[%parallel_loop3A_711, %parallel_loop3A_712] {strides = array<i32>} : memref<128x64xbf16, #tpu.memory_space<vmem>>, vector<32xbf16>,
          %parallel_loop3A_714 = arith.mulf %parallel_loop3A_713, %get3A_315 : vector<32xbf16>
          %parallel_loop3A_715 = arith.constant 0 : i32
          %parallel_loop3A_716 = arith.constant 0 : i32
          %parallel_loop3A_717 = tpu.memref_slice %arg10[%parallel_loop3A_326, %parallel_loop3A_715, %parallel_loop3A_716] : memref<8x128x64xbf16, #tpu.memory_space<vmem>> -> memref<1x128x64xbf16, #tpu.memory_space<vmem>>
          %parallel_loop3A_718 = tpu.memref_squeeze %parallel_loop3A_717 : memref<1x128x64xbf16, #tpu.memory_space<vmem>> -> memref<128x64xbf16, #tpu.memory_space<vmem>>
          %parallel_loop3A_719 = arith.index_cast %parallel_loop3A_706 : i32 to index
          %parallel_loop3A_720 = arith.constant 32 : index
          %parallel_loop3A_721 = tpu.vector_load %parallel_loop3A_718[%parallel_loop3A_719, %parallel_loop3A_720] {strides = array<i32>} : memref<128x64xbf16, #tpu.memory_space<vmem>>, vector<32xbf16>,
          %parallel_loop3A_722 = arith.mulf %parallel_loop3A_721, %get3A_318 : vector<32xbf16>
          %parallel_loop3A_723 = arith.addf %parallel_loop3A_714, %parallel_loop3A_722 : vector<32xbf16>
          %parallel_loop3A_724 = tpu.unpack_subelements %parallel_loop3A_723, 0 {pack_format = #tpu.pack_format<interleaved>} : vector<32xbf16> -> vector<16xf32>
          %parallel_loop3A_725 = tpu.unpack_subelements %parallel_loop3A_723, 1 {pack_format = #tpu.pack_format<interleaved>} : vector<32xbf16> -> vector<16xf32>
          %parallel_loop3A_726 = arith.addf %parallel_loop3A_724, %parallel_loop3A_725 : vector<16xf32>
          %parallel_loop3A_727 = arith.constant true
          %parallel_loop3A_728 = vector.broadcast %parallel_loop3A_727 : i1 to vector<16xi1>
          %parallel_loop3A_729 = tpu.scan <sum>, %parallel_loop3A_726 masked %parallel_loop3A_728 : vector<16xf32>, vector<16xi1> -> vector<16xf32>
          %parallel_loop3A_730 = vector.broadcast %parallel_loop3A_706 : i32 to vector<16xi32>
          %parallel_loop3A_731 = arith.addi %add3A_323, %parallel_loop3A_730 : vector<16xi32>
          %parallel_loop3A_732 = arith.constant 0 : i32
          %parallel_loop3A_733 = arith.constant 0 : i32
          %parallel_loop3A_734 = tpu.memref_slice %arg11[%parallel_loop3A_732, %parallel_loop3A_733] : memref<2x2048xf32, #tpu.memory_space<vmem>> -> memref<1x2048xf32, #tpu.memory_space<vmem>>
          %parallel_loop3A_735 = tpu.memref_squeeze %parallel_loop3A_734 : memref<1x2048xf32, #tpu.memory_space<vmem>> -> memref<2048xf32, #tpu.memory_space<vmem>>
          tpu.vector_store_idx %parallel_loop3A_735[%parallel_loop3A_731], %parallel_loop3A_729 masked %eq3A_4 : memref<2048xf32, #tpu.memory_space<vmem>>[vector<16xi32>], vector<16xf32>, vector<16xi1>
        } {sc.loop_unroll_factor = 8 : i64, sc.parallel_access}
        %add3A_327 = arith.constant 0 : i32
        %add3A_328 = arith.addi %add3A_285, %add3A_327 : i32
        %add3A_329 = arith.constant 8 : i32
        %add3A_330 = arith.addi %add3A_328, %add3A_329 : i32
        %lt3A = arith.constant 512 : i32
        %lt3A_331 = arith.cmpi slt, %add3A_330, %lt3A : i32
        %convert_element_type3A_332 = arith.extui %lt3A_331 : i1 to i32
        %cond3A_333 = arith.constant 0 : i32
        %cond3A_334 = arith.cmpi ne, %convert_element_type3A_332, %cond3A_333 : i32
        scf.if %cond3A_334 {
          %add3A_706 = arith.constant 0 : i32
          %add3A_707 = arith.addi %add3A_285, %add3A_706 : i32
          %add3A_708 = arith.constant 8 : i32
          %add3A_709 = arith.addi %add3A_707, %add3A_708 : i32
          %mul3A_710 = arith.constant 2 : i32
          %mul3A_711 = arith.muli %mul3A_710, %add3A_709 : i32
          %add3A_712 = arith.constant 0 : i32
          %add3A_713 = arith.addi %mul3A_711, %add3A_712 : i32
          %dma_start3A_714 = arith.constant 0 : i32
          %dma_start3A_715 = arith.constant 0 : i32
          %dma_start3A_716 = arith.constant 0 : i32
          %dma_start3A_717 = tpu.memref_slice %arg10[%dma_start3A_714, %dma_start3A_715, %dma_start3A_716] : memref<8x128x64xbf16, #tpu.memory_space<vmem>> -> memref<1x64x64xbf16, #tpu.memory_space<vmem>>
          %dma_start3A_718 = tpu.memref_squeeze %dma_start3A_717 : memref<1x64x64xbf16, #tpu.memory_space<vmem>> -> memref<64x64xbf16, #tpu.memory_space<vmem>>
          %dma_start3A_719 = arith.constant 0 : i32
          %dma_start3A_720 = tpu.memref_slice %arg7[%add3A_713, %dma_start3A_719] : memref<1024x64xi32, #tpu.memory_space<vmem>> -> memref<1x64xi32, #tpu.memory_space<vmem>>
          %dma_start3A_721 = tpu.memref_squeeze %dma_start3A_720 : memref<1x64xi32, #tpu.memory_space<vmem>> -> memref<64xi32, #tpu.memory_space<vmem>>
          %dma_start3A_722 = arith.constant 0 : i32
          %dma_start3A_723 = arith.constant 0 : i32
          %dma_start3A_724 = tpu.memref_slice %arg3[%dma_start3A_722, %dma_start3A_723] : memref<100000x64xbf16, #tpu.memory_space<hbm>> -> memref<100000x64xbf16, #tpu.memory_space<hbm>>
          tpu.enqueue_indirect_dma source(%dma_start3A_724 : memref<100000x64xbf16, #tpu.memory_space<hbm>>) target(%dma_start3A_718 : memref<64x64xbf16, #tpu.memory_space<vmem>>) offsets(%dma_start3A_721 : memref<64xi32, #tpu.memory_space<vmem>>) semaphore(%arg12 : memref<!tpu.dma_semaphore, #tpu.memory_space<semaphore_mem>>)
          %mul3A_725 = arith.constant 2 : i32
          %mul3A_726 = arith.muli %mul3A_725, %add3A_709 : i32
          %add3A_727 = arith.constant 1 : i32
          %add3A_728 = arith.addi %mul3A_726, %add3A_727 : i32
          %dma_start3A_729 = arith.constant 0 : i32
          %dma_start3A_730 = arith.constant 64 : i32
          %dma_start3A_731 = arith.constant 0 : i32
          %dma_start3A_732 = tpu.memref_slice %arg10[%dma_start3A_729, %dma_start3A_730, %dma_start3A_731] : memref<8x128x64xbf16, #tpu.memory_space<vmem>> -> memref<1x64x64xbf16, #tpu.memory_space<vmem>>
          %dma_start3A_733 = tpu.memref_squeeze %dma_start3A_732 : memref<1x64x64xbf16, #tpu.memory_space<vmem>> -> memref<64x64xbf16, #tpu.memory_space<vmem>>
          %dma_start3A_734 = arith.constant 0 : i32
          %dma_start3A_735 = tpu.memref_slice %arg7[%add3A_728, %dma_start3A_734] : memref<1024x64xi32, #tpu.memory_space<vmem>> -> memref<1x64xi32, #tpu.memory_space<vmem>>
          %dma_start3A_736 = tpu.memref_squeeze %dma_start3A_735 : memref<1x64xi32, #tpu.memory_space<vmem>> -> memref<64xi32, #tpu.memory_space<vmem>>
          %dma_start3A_737 = arith.constant 0 : i32
          %dma_start3A_738 = arith.constant 0 : i32
          %dma_start3A_739 = tpu.memref_slice %arg3[%dma_start3A_737, %dma_start3A_738] : memref<100000x64xbf16, #tpu.memory_space<hbm>> -> memref<100000x64xbf16, #tpu.memory_space<hbm>>
          tpu.enqueue_indirect_dma source(%dma_start3A_739 : memref<100000x64xbf16, #tpu.memory_space<hbm>>) target(%dma_start3A_733 : memref<64x64xbf16, #tpu.memory_space<vmem>>) offsets(%dma_start3A_736 : memref<64xi32, #tpu.memory_space<vmem>>) semaphore(%arg12 : memref<!tpu.dma_semaphore, #tpu.memory_space<semaphore_mem>>)
        } else {
        }
        %dma_wait3A_335 = arith.constant 0 : i32
        %dma_wait3A_336 = arith.constant 1 : i32
        %dma_wait3A_337 = arith.constant 0 : i32
        %dma_wait3A_338 = arith.constant 0 : i32
        %dma_wait3A_339 = tpu.memref_slice %arg10[%dma_wait3A_336, %dma_wait3A_337, %dma_wait3A_338] : memref<8x128x64xbf16, #tpu.memory_space<vmem>> -> memref<1x64x64xbf16, #tpu.memory_space<vmem>>
        %dma_wait3A_340 = tpu.memref_squeeze %dma_wait3A_339 : memref<1x64x64xbf16, #tpu.memory_space<vmem>> -> memref<64x64xbf16, #tpu.memory_space<vmem>>
        %dma_wait3A_341 = arith.constant 0 : i32
        %dma_wait3A_342 = tpu.memref_slice %arg7[%dma_wait3A_335, %dma_wait3A_341] : memref<1024x64xi32, #tpu.memory_space<vmem>> -> memref<1x64xi32, #tpu.memory_space<vmem>>
        %dma_wait3A_343 = tpu.memref_squeeze %dma_wait3A_342 : memref<1x64xi32, #tpu.memory_space<vmem>> -> memref<64xi32, #tpu.memory_space<vmem>>
        %dma_wait3A_344 = arith.constant 0 : i32
        %dma_wait3A_345 = arith.constant 0 : i32
        %dma_wait3A_346 = tpu.memref_slice %arg3[%dma_wait3A_344, %dma_wait3A_345] : memref<100000x64xbf16, #tpu.memory_space<hbm>> -> memref<100000x64xbf16, #tpu.memory_space<hbm>>
        tpu.wait_indirect_dma semaphore(%arg13 : memref<!tpu.dma_semaphore, #tpu.memory_space<semaphore_mem>>) src(%dma_wait3A_346 : memref<100000x64xbf16, #tpu.memory_space<hbm>>) dst(%dma_wait3A_340 : memref<64x64xbf16, #tpu.memory_space<vmem>>)
        %dma_wait3A_347 = arith.constant 1 : i32
        %dma_wait3A_348 = arith.constant 1 : i32
        %dma_wait3A_349 = arith.constant 64 : i32
        %dma_wait3A_350 = arith.constant 0 : i32
        %dma_wait3A_351 = tpu.memref_slice %arg10[%dma_wait3A_348, %dma_wait3A_349, %dma_wait3A_350] : memref<8x128x64xbf16, #tpu.memory_space<vmem>> -> memref<1x64x64xbf16, #tpu.memory_space<vmem>>
        %dma_wait3A_352 = tpu.memref_squeeze %dma_wait3A_351 : memref<1x64x64xbf16, #tpu.memory_space<vmem>> -> memref<64x64xbf16, #tpu.memory_space<vmem>>
        %dma_wait3A_353 = arith.constant 0 : i32
        %dma_wait3A_354 = tpu.memref_slice %arg7[%dma_wait3A_347, %dma_wait3A_353] : memref<1024x64xi32, #tpu.memory_space<vmem>> -> memref<1x64xi32, #tpu.memory_space<vmem>>
        %dma_wait3A_355 = tpu.memref_squeeze %dma_wait3A_354 : memref<1x64xi32, #tpu.memory_space<vmem>> -> memref<64xi32, #tpu.memory_space<vmem>>
        %dma_wait3A_356 = arith.constant 0 : i32
        %dma_wait3A_357 = arith.constant 0 : i32
        %dma_wait3A_358 = tpu.memref_slice %arg3[%dma_wait3A_356, %dma_wait3A_357] : memref<100000x64xbf16, #tpu.memory_space<hbm>> -> memref<100000x64xbf16, #tpu.memory_space<hbm>>
        tpu.wait_indirect_dma semaphore(%arg13 : memref<!tpu.dma_semaphore, #tpu.memory_space<semaphore_mem>>) src(%dma_wait3A_358 : memref<100000x64xbf16, #tpu.memory_space<hbm>>) dst(%dma_wait3A_352 : memref<64x64xbf16, #tpu.memory_space<vmem>>)
        %add3A_359 = arith.constant 1 : i32
        %add3A_360 = arith.addi %add3A_285, %add3A_359 : i32
        %add3A_361 = arith.constant 1 : i32
        %add3A_362 = arith.addi %add3A_282, %add3A_361 : i32
        %get3A_363 = arith.index_cast %add3A_360 : i32 to index
        %get3A_364 = arith.constant 0 : index
        %get3A_365 = tpu.vector_load %arg9[%get3A_363, %get3A_364] {strides = array<i32>} : memref<512x64xbf16, #tpu.memory_space<vmem>>, vector<32xbf16>,
        %get3A_366 = arith.index_cast %add3A_360 : i32 to index
        %get3A_367 = arith.constant 32 : index
        %get3A_368 = tpu.vector_load %arg9[%get3A_366, %get3A_367] {strides = array<i32>} : memref<512x64xbf16, #tpu.memory_space<vmem>>, vector<32xbf16>,
        %broadcast_in_dim3A_369 = arith.constant 0 : i32
        %broadcast_in_dim3A_370 = vector.broadcast %broadcast_in_dim3A_369 : i32 to vector<16xi32>
        %mul3A_371 = arith.constant 128 : i32
        %mul3A_372 = arith.muli %add3A_362, %mul3A_371 : i32
        %add3A_373 = vector.broadcast %mul3A_372 : i32 to vector<16xi32>
        %add3A_374 = arith.addi %broadcast_in_dim3A_370, %add3A_373 : vector<16xi32>
        %parallel_loop3A_375 = arith.constant 0 : i32
        %parallel_loop3A_376 = arith.constant 128 : i32
        %parallel_loop3A_377 = arith.constant 1 : i32
        %parallel_loop3A_378 = arith.constant 1 : i32
        scf.for %parallel_loop3A_706 = %parallel_loop3A_375 to %parallel_loop3A_376 step %parallel_loop3A_377  : i32 {
          %parallel_loop3A_707 = arith.constant 0 : i32
          %parallel_loop3A_708 = arith.constant 0 : i32
          %parallel_loop3A_709 = tpu.memref_slice %arg10[%parallel_loop3A_378, %parallel_loop3A_707, %parallel_loop3A_708] : memref<8x128x64xbf16, #tpu.memory_space<vmem>> -> memref<1x128x64xbf16, #tpu.memory_space<vmem>>
          %parallel_loop3A_710 = tpu.memref_squeeze %parallel_loop3A_709 : memref<1x128x64xbf16, #tpu.memory_space<vmem>> -> memref<128x64xbf16, #tpu.memory_space<vmem>>
          %parallel_loop3A_711 = arith.index_cast %parallel_loop3A_706 : i32 to index
          %parallel_loop3A_712 = arith.constant 0 : index
          %parallel_loop3A_713 = tpu.vector_load %parallel_loop3A_710[%parallel_loop3A_711, %parallel_loop3A_712] {strides = array<i32>} : memref<128x64xbf16, #tpu.memory_space<vmem>>, vector<32xbf16>,
          %parallel_loop3A_714 = arith.mulf %parallel_loop3A_713, %get3A_365 : vector<32xbf16>
          %parallel_loop3A_715 = arith.constant 0 : i32
          %parallel_loop3A_716 = arith.constant 0 : i32
          %parallel_loop3A_717 = tpu.memref_slice %arg10[%parallel_loop3A_378, %parallel_loop3A_715, %parallel_loop3A_716] : memref<8x128x64xbf16, #tpu.memory_space<vmem>> -> memref<1x128x64xbf16, #tpu.memory_space<vmem>>
          %parallel_loop3A_718 = tpu.memref_squeeze %parallel_loop3A_717 : memref<1x128x64xbf16, #tpu.memory_space<vmem>> -> memref<128x64xbf16, #tpu.memory_space<vmem>>
          %parallel_loop3A_719 = arith.index_cast %parallel_loop3A_706 : i32 to index
          %parallel_loop3A_720 = arith.constant 32 : index
          %parallel_loop3A_721 = tpu.vector_load %parallel_loop3A_718[%parallel_loop3A_719, %parallel_loop3A_720] {strides = array<i32>} : memref<128x64xbf16, #tpu.memory_space<vmem>>, vector<32xbf16>,
          %parallel_loop3A_722 = arith.mulf %parallel_loop3A_721, %get3A_368 : vector<32xbf16>
          %parallel_loop3A_723 = arith.addf %parallel_loop3A_714, %parallel_loop3A_722 : vector<32xbf16>
          %parallel_loop3A_724 = tpu.unpack_subelements %parallel_loop3A_723, 0 {pack_format = #tpu.pack_format<interleaved>} : vector<32xbf16> -> vector<16xf32>
          %parallel_loop3A_725 = tpu.unpack_subelements %parallel_loop3A_723, 1 {pack_format = #tpu.pack_format<interleaved>} : vector<32xbf16> -> vector<16xf32>
          %parallel_loop3A_726 = arith.addf %parallel_loop3A_724, %parallel_loop3A_725 : vector<16xf32>
          %parallel_loop3A_727 = arith.constant true
          %parallel_loop3A_728 = vector.broadcast %parallel_loop3A_727 : i1 to vector<16xi1>
          %parallel_loop3A_729 = tpu.scan <sum>, %parallel_loop3A_726 masked %parallel_loop3A_728 : vector<16xf32>, vector<16xi1> -> vector<16xf32>
          %parallel_loop3A_730 = vector.broadcast %parallel_loop3A_706 : i32 to vector<16xi32>
          %parallel_loop3A_731 = arith.addi %add3A_374, %parallel_loop3A_730 : vector<16xi32>
          %parallel_loop3A_732 = arith.constant 0 : i32
          %parallel_loop3A_733 = arith.constant 0 : i32
          %parallel_loop3A_734 = tpu.memref_slice %arg11[%parallel_loop3A_732, %parallel_loop3A_733] : memref<2x2048xf32, #tpu.memory_space<vmem>> -> memref<1x2048xf32, #tpu.memory_space<vmem>>
          %parallel_loop3A_735 = tpu.memref_squeeze %parallel_loop3A_734 : memref<1x2048xf32, #tpu.memory_space<vmem>> -> memref<2048xf32, #tpu.memory_space<vmem>>
          tpu.vector_store_idx %parallel_loop3A_735[%parallel_loop3A_731], %parallel_loop3A_729 masked %eq3A_4 : memref<2048xf32, #tpu.memory_space<vmem>>[vector<16xi32>], vector<16xf32>, vector<16xi1>
        } {sc.loop_unroll_factor = 8 : i64, sc.parallel_access}
        %add3A_379 = arith.constant 1 : i32
        %add3A_380 = arith.addi %add3A_285, %add3A_379 : i32
        %add3A_381 = arith.constant 8 : i32
        %add3A_382 = arith.addi %add3A_380, %add3A_381 : i32
        %lt3A_383 = arith.constant 512 : i32
        %lt3A_384 = arith.cmpi slt, %add3A_382, %lt3A_383 : i32
        %convert_element_type3A_385 = arith.extui %lt3A_384 : i1 to i32
        %cond3A_386 = arith.constant 0 : i32
        %cond3A_387 = arith.cmpi ne, %convert_element_type3A_385, %cond3A_386 : i32
        scf.if %cond3A_387 {
          %add3A_706 = arith.constant 1 : i32
          %add3A_707 = arith.addi %add3A_285, %add3A_706 : i32
          %add3A_708 = arith.constant 8 : i32
          %add3A_709 = arith.addi %add3A_707, %add3A_708 : i32
          %mul3A_710 = arith.constant 2 : i32
          %mul3A_711 = arith.muli %mul3A_710, %add3A_709 : i32
          %add3A_712 = arith.constant 0 : i32
          %add3A_713 = arith.addi %mul3A_711, %add3A_712 : i32
          %dma_start3A_714 = arith.constant 1 : i32
          %dma_start3A_715 = arith.constant 0 : i32
          %dma_start3A_716 = arith.constant 0 : i32
          %dma_start3A_717 = tpu.memref_slice %arg10[%dma_start3A_714, %dma_start3A_715, %dma_start3A_716] : memref<8x128x64xbf16, #tpu.memory_space<vmem>> -> memref<1x64x64xbf16, #tpu.memory_space<vmem>>
          %dma_start3A_718 = tpu.memref_squeeze %dma_start3A_717 : memref<1x64x64xbf16, #tpu.memory_space<vmem>> -> memref<64x64xbf16, #tpu.memory_space<vmem>>
          %dma_start3A_719 = arith.constant 0 : i32
          %dma_start3A_720 = tpu.memref_slice %arg7[%add3A_713, %dma_start3A_719] : memref<1024x64xi32, #tpu.memory_space<vmem>> -> memref<1x64xi32, #tpu.memory_space<vmem>>
          %dma_start3A_721 = tpu.memref_squeeze %dma_start3A_720 : memref<1x64xi32, #tpu.memory_space<vmem>> -> memref<64xi32, #tpu.memory_space<vmem>>
          %dma_start3A_722 = arith.constant 0 : i32
          %dma_start3A_723 = arith.constant 0 : i32
          %dma_start3A_724 = tpu.memref_slice %arg3[%dma_start3A_722, %dma_start3A_723] : memref<100000x64xbf16, #tpu.memory_space<hbm>> -> memref<100000x64xbf16, #tpu.memory_space<hbm>>
          tpu.enqueue_indirect_dma source(%dma_start3A_724 : memref<100000x64xbf16, #tpu.memory_space<hbm>>) target(%dma_start3A_718 : memref<64x64xbf16, #tpu.memory_space<vmem>>) offsets(%dma_start3A_721 : memref<64xi32, #tpu.memory_space<vmem>>) semaphore(%arg13 : memref<!tpu.dma_semaphore, #tpu.memory_space<semaphore_mem>>)
          %mul3A_725 = arith.constant 2 : i32
          %mul3A_726 = arith.muli %mul3A_725, %add3A_709 : i32
          %add3A_727 = arith.constant 1 : i32
          %add3A_728 = arith.addi %mul3A_726, %add3A_727 : i32
          %dma_start3A_729 = arith.constant 1 : i32
          %dma_start3A_730 = arith.constant 64 : i32
          %dma_start3A_731 = arith.constant 0 : i32
          %dma_start3A_732 = tpu.memref_slice %arg10[%dma_start3A_729, %dma_start3A_730, %dma_start3A_731] : memref<8x128x64xbf16, #tpu.memory_space<vmem>> -> memref<1x64x64xbf16, #tpu.memory_space<vmem>>
          %dma_start3A_733 = tpu.memref_squeeze %dma_start3A_732 : memref<1x64x64xbf16, #tpu.memory_space<vmem>> -> memref<64x64xbf16, #tpu.memory_space<vmem>>
          %dma_start3A_734 = arith.constant 0 : i32
          %dma_start3A_735 = tpu.memref_slice %arg7[%add3A_728, %dma_start3A_734] : memref<1024x64xi32, #tpu.memory_space<vmem>> -> memref<1x64xi32, #tpu.memory_space<vmem>>
          %dma_start3A_736 = tpu.memref_squeeze %dma_start3A_735 : memref<1x64xi32, #tpu.memory_space<vmem>> -> memref<64xi32, #tpu.memory_space<vmem>>
          %dma_start3A_737 = arith.constant 0 : i32
          %dma_start3A_738 = arith.constant 0 : i32
          %dma_start3A_739 = tpu.memref_slice %arg3[%dma_start3A_737, %dma_start3A_738] : memref<100000x64xbf16, #tpu.memory_space<hbm>> -> memref<100000x64xbf16, #tpu.memory_space<hbm>>
          tpu.enqueue_indirect_dma source(%dma_start3A_739 : memref<100000x64xbf16, #tpu.memory_space<hbm>>) target(%dma_start3A_733 : memref<64x64xbf16, #tpu.memory_space<vmem>>) offsets(%dma_start3A_736 : memref<64xi32, #tpu.memory_space<vmem>>) semaphore(%arg13 : memref<!tpu.dma_semaphore, #tpu.memory_space<semaphore_mem>>)
        } else {
        }
        %dma_wait3A_388 = arith.constant 0 : i32
        %dma_wait3A_389 = arith.constant 2 : i32
        %dma_wait3A_390 = arith.constant 0 : i32
        %dma_wait3A_391 = arith.constant 0 : i32
        %dma_wait3A_392 = tpu.memref_slice %arg10[%dma_wait3A_389, %dma_wait3A_390, %dma_wait3A_391] : memref<8x128x64xbf16, #tpu.memory_space<vmem>> -> memref<1x64x64xbf16, #tpu.memory_space<vmem>>
        %dma_wait3A_393 = tpu.memref_squeeze %dma_wait3A_392 : memref<1x64x64xbf16, #tpu.memory_space<vmem>> -> memref<64x64xbf16, #tpu.memory_space<vmem>>
        %dma_wait3A_394 = arith.constant 0 : i32
        %dma_wait3A_395 = tpu.memref_slice %arg7[%dma_wait3A_388, %dma_wait3A_394] : memref<1024x64xi32, #tpu.memory_space<vmem>> -> memref<1x64xi32, #tpu.memory_space<vmem>>
        %dma_wait3A_396 = tpu.memref_squeeze %dma_wait3A_395 : memref<1x64xi32, #tpu.memory_space<vmem>> -> memref<64xi32, #tpu.memory_space<vmem>>
        %dma_wait3A_397 = arith.constant 0 : i32
        %dma_wait3A_398 = arith.constant 0 : i32
        %dma_wait3A_399 = tpu.memref_slice %arg3[%dma_wait3A_397, %dma_wait3A_398] : memref<100000x64xbf16, #tpu.memory_space<hbm>> -> memref<100000x64xbf16, #tpu.memory_space<hbm>>
        tpu.wait_indirect_dma semaphore(%arg14 : memref<!tpu.dma_semaphore, #tpu.memory_space<semaphore_mem>>) src(%dma_wait3A_399 : memref<100000x64xbf16, #tpu.memory_space<hbm>>) dst(%dma_wait3A_393 : memref<64x64xbf16, #tpu.memory_space<vmem>>)
        %dma_wait3A_400 = arith.constant 1 : i32
        %dma_wait3A_401 = arith.constant 2 : i32
        %dma_wait3A_402 = arith.constant 64 : i32
        %dma_wait3A_403 = arith.constant 0 : i32
        %dma_wait3A_404 = tpu.memref_slice %arg10[%dma_wait3A_401, %dma_wait3A_402, %dma_wait3A_403] : memref<8x128x64xbf16, #tpu.memory_space<vmem>> -> memref<1x64x64xbf16, #tpu.memory_space<vmem>>
        %dma_wait3A_405 = tpu.memref_squeeze %dma_wait3A_404 : memref<1x64x64xbf16, #tpu.memory_space<vmem>> -> memref<64x64xbf16, #tpu.memory_space<vmem>>
        %dma_wait3A_406 = arith.constant 0 : i32
        %dma_wait3A_407 = tpu.memref_slice %arg7[%dma_wait3A_400, %dma_wait3A_406] : memref<1024x64xi32, #tpu.memory_space<vmem>> -> memref<1x64xi32, #tpu.memory_space<vmem>>
        %dma_wait3A_408 = tpu.memref_squeeze %dma_wait3A_407 : memref<1x64xi32, #tpu.memory_space<vmem>> -> memref<64xi32, #tpu.memory_space<vmem>>
        %dma_wait3A_409 = arith.constant 0 : i32
        %dma_wait3A_410 = arith.constant 0 : i32
        %dma_wait3A_411 = tpu.memref_slice %arg3[%dma_wait3A_409, %dma_wait3A_410] : memref<100000x64xbf16, #tpu.memory_space<hbm>> -> memref<100000x64xbf16, #tpu.memory_space<hbm>>
        tpu.wait_indirect_dma semaphore(%arg14 : memref<!tpu.dma_semaphore, #tpu.memory_space<semaphore_mem>>) src(%dma_wait3A_411 : memref<100000x64xbf16, #tpu.memory_space<hbm>>) dst(%dma_wait3A_405 : memref<64x64xbf16, #tpu.memory_space<vmem>>)
        %add3A_412 = arith.constant 2 : i32
        %add3A_413 = arith.addi %add3A_285, %add3A_412 : i32
        %add3A_414 = arith.constant 2 : i32
        %add3A_415 = arith.addi %add3A_282, %add3A_414 : i32
        %get3A_416 = arith.index_cast %add3A_413 : i32 to index
        %get3A_417 = arith.constant 0 : index
        %get3A_418 = tpu.vector_load %arg9[%get3A_416, %get3A_417] {strides = array<i32>} : memref<512x64xbf16, #tpu.memory_space<vmem>>, vector<32xbf16>,
        %get3A_419 = arith.index_cast %add3A_413 : i32 to index
        %get3A_420 = arith.constant 32 : index
        %get3A_421 = tpu.vector_load %arg9[%get3A_419, %get3A_420] {strides = array<i32>} : memref<512x64xbf16, #tpu.memory_space<vmem>>, vector<32xbf16>,
        %broadcast_in_dim3A_422 = arith.constant 0 : i32
        %broadcast_in_dim3A_423 = vector.broadcast %broadcast_in_dim3A_422 : i32 to vector<16xi32>
        %mul3A_424 = arith.constant 128 : i32
        %mul3A_425 = arith.muli %add3A_415, %mul3A_424 : i32
        %add3A_426 = vector.broadcast %mul3A_425 : i32 to vector<16xi32>
        %add3A_427 = arith.addi %broadcast_in_dim3A_423, %add3A_426 : vector<16xi32>
        %parallel_loop3A_428 = arith.constant 0 : i32
        %parallel_loop3A_429 = arith.constant 128 : i32
        %parallel_loop3A_430 = arith.constant 1 : i32
        %parallel_loop3A_431 = arith.constant 2 : i32
        scf.for %parallel_loop3A_706 = %parallel_loop3A_428 to %parallel_loop3A_429 step %parallel_loop3A_430  : i32 {
          %parallel_loop3A_707 = arith.constant 0 : i32
          %parallel_loop3A_708 = arith.constant 0 : i32
          %parallel_loop3A_709 = tpu.memref_slice %arg10[%parallel_loop3A_431, %parallel_loop3A_707, %parallel_loop3A_708] : memref<8x128x64xbf16, #tpu.memory_space<vmem>> -> memref<1x128x64xbf16, #tpu.memory_space<vmem>>
          %parallel_loop3A_710 = tpu.memref_squeeze %parallel_loop3A_709 : memref<1x128x64xbf16, #tpu.memory_space<vmem>> -> memref<128x64xbf16, #tpu.memory_space<vmem>>
          %parallel_loop3A_711 = arith.index_cast %parallel_loop3A_706 : i32 to index
          %parallel_loop3A_712 = arith.constant 0 : index
          %parallel_loop3A_713 = tpu.vector_load %parallel_loop3A_710[%parallel_loop3A_711, %parallel_loop3A_712] {strides = array<i32>} : memref<128x64xbf16, #tpu.memory_space<vmem>>, vector<32xbf16>,
          %parallel_loop3A_714 = arith.mulf %parallel_loop3A_713, %get3A_418 : vector<32xbf16>
          %parallel_loop3A_715 = arith.constant 0 : i32
          %parallel_loop3A_716 = arith.constant 0 : i32
          %parallel_loop3A_717 = tpu.memref_slice %arg10[%parallel_loop3A_431, %parallel_loop3A_715, %parallel_loop3A_716] : memref<8x128x64xbf16, #tpu.memory_space<vmem>> -> memref<1x128x64xbf16, #tpu.memory_space<vmem>>
          %parallel_loop3A_718 = tpu.memref_squeeze %parallel_loop3A_717 : memref<1x128x64xbf16, #tpu.memory_space<vmem>> -> memref<128x64xbf16, #tpu.memory_space<vmem>>
          %parallel_loop3A_719 = arith.index_cast %parallel_loop3A_706 : i32 to index
          %parallel_loop3A_720 = arith.constant 32 : index
          %parallel_loop3A_721 = tpu.vector_load %parallel_loop3A_718[%parallel_loop3A_719, %parallel_loop3A_720] {strides = array<i32>} : memref<128x64xbf16, #tpu.memory_space<vmem>>, vector<32xbf16>,
          %parallel_loop3A_722 = arith.mulf %parallel_loop3A_721, %get3A_421 : vector<32xbf16>
          %parallel_loop3A_723 = arith.addf %parallel_loop3A_714, %parallel_loop3A_722 : vector<32xbf16>
          %parallel_loop3A_724 = tpu.unpack_subelements %parallel_loop3A_723, 0 {pack_format = #tpu.pack_format<interleaved>} : vector<32xbf16> -> vector<16xf32>
          %parallel_loop3A_725 = tpu.unpack_subelements %parallel_loop3A_723, 1 {pack_format = #tpu.pack_format<interleaved>} : vector<32xbf16> -> vector<16xf32>
          %parallel_loop3A_726 = arith.addf %parallel_loop3A_724, %parallel_loop3A_725 : vector<16xf32>
          %parallel_loop3A_727 = arith.constant true
          %parallel_loop3A_728 = vector.broadcast %parallel_loop3A_727 : i1 to vector<16xi1>
          %parallel_loop3A_729 = tpu.scan <sum>, %parallel_loop3A_726 masked %parallel_loop3A_728 : vector<16xf32>, vector<16xi1> -> vector<16xf32>
          %parallel_loop3A_730 = vector.broadcast %parallel_loop3A_706 : i32 to vector<16xi32>
          %parallel_loop3A_731 = arith.addi %add3A_427, %parallel_loop3A_730 : vector<16xi32>
          %parallel_loop3A_732 = arith.constant 0 : i32
          %parallel_loop3A_733 = arith.constant 0 : i32
          %parallel_loop3A_734 = tpu.memref_slice %arg11[%parallel_loop3A_732, %parallel_loop3A_733] : memref<2x2048xf32, #tpu.memory_space<vmem>> -> memref<1x2048xf32, #tpu.memory_space<vmem>>
          %parallel_loop3A_735 = tpu.memref_squeeze %parallel_loop3A_734 : memref<1x2048xf32, #tpu.memory_space<vmem>> -> memref<2048xf32, #tpu.memory_space<vmem>>
          tpu.vector_store_idx %parallel_loop3A_735[%parallel_loop3A_731], %parallel_loop3A_729 masked %eq3A_4 : memref<2048xf32, #tpu.memory_space<vmem>>[vector<16xi32>], vector<16xf32>, vector<16xi1>
        } {sc.loop_unroll_factor = 8 : i64, sc.parallel_access}
        %add3A_432 = arith.constant 2 : i32
        %add3A_433 = arith.addi %add3A_285, %add3A_432 : i32
        %add3A_434 = arith.constant 8 : i32
        %add3A_435 = arith.addi %add3A_433, %add3A_434 : i32
        %lt3A_436 = arith.constant 512 : i32
        %lt3A_437 = arith.cmpi slt, %add3A_435, %lt3A_436 : i32
        %convert_element_type3A_438 = arith.extui %lt3A_437 : i1 to i32
        %cond3A_439 = arith.constant 0 : i32
        %cond3A_440 = arith.cmpi ne, %convert_element_type3A_438, %cond3A_439 : i32
        scf.if %cond3A_440 {
          %add3A_706 = arith.constant 2 : i32
          %add3A_707 = arith.addi %add3A_285, %add3A_706 : i32
          %add3A_708 = arith.constant 8 : i32
          %add3A_709 = arith.addi %add3A_707, %add3A_708 : i32
          %mul3A_710 = arith.constant 2 : i32
          %mul3A_711 = arith.muli %mul3A_710, %add3A_709 : i32
          %add3A_712 = arith.constant 0 : i32
          %add3A_713 = arith.addi %mul3A_711, %add3A_712 : i32
          %dma_start3A_714 = arith.constant 2 : i32
          %dma_start3A_715 = arith.constant 0 : i32
          %dma_start3A_716 = arith.constant 0 : i32
          %dma_start3A_717 = tpu.memref_slice %arg10[%dma_start3A_714, %dma_start3A_715, %dma_start3A_716] : memref<8x128x64xbf16, #tpu.memory_space<vmem>> -> memref<1x64x64xbf16, #tpu.memory_space<vmem>>
          %dma_start3A_718 = tpu.memref_squeeze %dma_start3A_717 : memref<1x64x64xbf16, #tpu.memory_space<vmem>> -> memref<64x64xbf16, #tpu.memory_space<vmem>>
          %dma_start3A_719 = arith.constant 0 : i32
          %dma_start3A_720 = tpu.memref_slice %arg7[%add3A_713, %dma_start3A_719] : memref<1024x64xi32, #tpu.memory_space<vmem>> -> memref<1x64xi32, #tpu.memory_space<vmem>>
          %dma_start3A_721 = tpu.memref_squeeze %dma_start3A_720 : memref<1x64xi32, #tpu.memory_space<vmem>> -> memref<64xi32, #tpu.memory_space<vmem>>
          %dma_start3A_722 = arith.constant 0 : i32
          %dma_start3A_723 = arith.constant 0 : i32
          %dma_start3A_724 = tpu.memref_slice %arg3[%dma_start3A_722, %dma_start3A_723] : memref<100000x64xbf16, #tpu.memory_space<hbm>> -> memref<100000x64xbf16, #tpu.memory_space<hbm>>
          tpu.enqueue_indirect_dma source(%dma_start3A_724 : memref<100000x64xbf16, #tpu.memory_space<hbm>>) target(%dma_start3A_718 : memref<64x64xbf16, #tpu.memory_space<vmem>>) offsets(%dma_start3A_721 : memref<64xi32, #tpu.memory_space<vmem>>) semaphore(%arg14 : memref<!tpu.dma_semaphore, #tpu.memory_space<semaphore_mem>>)
          %mul3A_725 = arith.constant 2 : i32
          %mul3A_726 = arith.muli %mul3A_725, %add3A_709 : i32
          %add3A_727 = arith.constant 1 : i32
          %add3A_728 = arith.addi %mul3A_726, %add3A_727 : i32
          %dma_start3A_729 = arith.constant 2 : i32
          %dma_start3A_730 = arith.constant 64 : i32
          %dma_start3A_731 = arith.constant 0 : i32
          %dma_start3A_732 = tpu.memref_slice %arg10[%dma_start3A_729, %dma_start3A_730, %dma_start3A_731] : memref<8x128x64xbf16, #tpu.memory_space<vmem>> -> memref<1x64x64xbf16, #tpu.memory_space<vmem>>
          %dma_start3A_733 = tpu.memref_squeeze %dma_start3A_732 : memref<1x64x64xbf16, #tpu.memory_space<vmem>> -> memref<64x64xbf16, #tpu.memory_space<vmem>>
          %dma_start3A_734 = arith.constant 0 : i32
          %dma_start3A_735 = tpu.memref_slice %arg7[%add3A_728, %dma_start3A_734] : memref<1024x64xi32, #tpu.memory_space<vmem>> -> memref<1x64xi32, #tpu.memory_space<vmem>>
          %dma_start3A_736 = tpu.memref_squeeze %dma_start3A_735 : memref<1x64xi32, #tpu.memory_space<vmem>> -> memref<64xi32, #tpu.memory_space<vmem>>
          %dma_start3A_737 = arith.constant 0 : i32
          %dma_start3A_738 = arith.constant 0 : i32
          %dma_start3A_739 = tpu.memref_slice %arg3[%dma_start3A_737, %dma_start3A_738] : memref<100000x64xbf16, #tpu.memory_space<hbm>> -> memref<100000x64xbf16, #tpu.memory_space<hbm>>
          tpu.enqueue_indirect_dma source(%dma_start3A_739 : memref<100000x64xbf16, #tpu.memory_space<hbm>>) target(%dma_start3A_733 : memref<64x64xbf16, #tpu.memory_space<vmem>>) offsets(%dma_start3A_736 : memref<64xi32, #tpu.memory_space<vmem>>) semaphore(%arg14 : memref<!tpu.dma_semaphore, #tpu.memory_space<semaphore_mem>>)
        } else {
        }
        %dma_wait3A_441 = arith.constant 0 : i32
        %dma_wait3A_442 = arith.constant 3 : i32
        %dma_wait3A_443 = arith.constant 0 : i32
        %dma_wait3A_444 = arith.constant 0 : i32
        %dma_wait3A_445 = tpu.memref_slice %arg10[%dma_wait3A_442, %dma_wait3A_443, %dma_wait3A_444] : memref<8x128x64xbf16, #tpu.memory_space<vmem>> -> memref<1x64x64xbf16, #tpu.memory_space<vmem>>
        %dma_wait3A_446 = tpu.memref_squeeze %dma_wait3A_445 : memref<1x64x64xbf16, #tpu.memory_space<vmem>> -> memref<64x64xbf16, #tpu.memory_space<vmem>>
        %dma_wait3A_447 = arith.constant 0 : i32
        %dma_wait3A_448 = tpu.memref_slice %arg7[%dma_wait3A_441, %dma_wait3A_447] : memref<1024x64xi32, #tpu.memory_space<vmem>> -> memref<1x64xi32, #tpu.memory_space<vmem>>
        %dma_wait3A_449 = tpu.memref_squeeze %dma_wait3A_448 : memref<1x64xi32, #tpu.memory_space<vmem>> -> memref<64xi32, #tpu.memory_space<vmem>>
        %dma_wait3A_450 = arith.constant 0 : i32
        %dma_wait3A_451 = arith.constant 0 : i32
        %dma_wait3A_452 = tpu.memref_slice %arg3[%dma_wait3A_450, %dma_wait3A_451] : memref<100000x64xbf16, #tpu.memory_space<hbm>> -> memref<100000x64xbf16, #tpu.memory_space<hbm>>
        tpu.wait_indirect_dma semaphore(%arg15 : memref<!tpu.dma_semaphore, #tpu.memory_space<semaphore_mem>>) src(%dma_wait3A_452 : memref<100000x64xbf16, #tpu.memory_space<hbm>>) dst(%dma_wait3A_446 : memref<64x64xbf16, #tpu.memory_space<vmem>>)
        %dma_wait3A_453 = arith.constant 1 : i32
        %dma_wait3A_454 = arith.constant 3 : i32
        %dma_wait3A_455 = arith.constant 64 : i32
        %dma_wait3A_456 = arith.constant 0 : i32
        %dma_wait3A_457 = tpu.memref_slice %arg10[%dma_wait3A_454, %dma_wait3A_455, %dma_wait3A_456] : memref<8x128x64xbf16, #tpu.memory_space<vmem>> -> memref<1x64x64xbf16, #tpu.memory_space<vmem>>
        %dma_wait3A_458 = tpu.memref_squeeze %dma_wait3A_457 : memref<1x64x64xbf16, #tpu.memory_space<vmem>> -> memref<64x64xbf16, #tpu.memory_space<vmem>>
        %dma_wait3A_459 = arith.constant 0 : i32
        %dma_wait3A_460 = tpu.memref_slice %arg7[%dma_wait3A_453, %dma_wait3A_459] : memref<1024x64xi32, #tpu.memory_space<vmem>> -> memref<1x64xi32, #tpu.memory_space<vmem>>
        %dma_wait3A_461 = tpu.memref_squeeze %dma_wait3A_460 : memref<1x64xi32, #tpu.memory_space<vmem>> -> memref<64xi32, #tpu.memory_space<vmem>>
        %dma_wait3A_462 = arith.constant 0 : i32
        %dma_wait3A_463 = arith.constant 0 : i32
        %dma_wait3A_464 = tpu.memref_slice %arg3[%dma_wait3A_462, %dma_wait3A_463] : memref<100000x64xbf16, #tpu.memory_space<hbm>> -> memref<100000x64xbf16, #tpu.memory_space<hbm>>
        tpu.wait_indirect_dma semaphore(%arg15 : memref<!tpu.dma_semaphore, #tpu.memory_space<semaphore_mem>>) src(%dma_wait3A_464 : memref<100000x64xbf16, #tpu.memory_space<hbm>>) dst(%dma_wait3A_458 : memref<64x64xbf16, #tpu.memory_space<vmem>>)
        %add3A_465 = arith.constant 3 : i32
        %add3A_466 = arith.addi %add3A_285, %add3A_465 : i32
        %add3A_467 = arith.constant 3 : i32
        %add3A_468 = arith.addi %add3A_282, %add3A_467 : i32
        %get3A_469 = arith.index_cast %add3A_466 : i32 to index
        %get3A_470 = arith.constant 0 : index
        %get3A_471 = tpu.vector_load %arg9[%get3A_469, %get3A_470] {strides = array<i32>} : memref<512x64xbf16, #tpu.memory_space<vmem>>, vector<32xbf16>,
        %get3A_472 = arith.index_cast %add3A_466 : i32 to index
        %get3A_473 = arith.constant 32 : index
        %get3A_474 = tpu.vector_load %arg9[%get3A_472, %get3A_473] {strides = array<i32>} : memref<512x64xbf16, #tpu.memory_space<vmem>>, vector<32xbf16>,
        %broadcast_in_dim3A_475 = arith.constant 0 : i32
        %broadcast_in_dim3A_476 = vector.broadcast %broadcast_in_dim3A_475 : i32 to vector<16xi32>
        %mul3A_477 = arith.constant 128 : i32
        %mul3A_478 = arith.muli %add3A_468, %mul3A_477 : i32
        %add3A_479 = vector.broadcast %mul3A_478 : i32 to vector<16xi32>
        %add3A_480 = arith.addi %broadcast_in_dim3A_476, %add3A_479 : vector<16xi32>
        %parallel_loop3A_481 = arith.constant 0 : i32
        %parallel_loop3A_482 = arith.constant 128 : i32
        %parallel_loop3A_483 = arith.constant 1 : i32
        %parallel_loop3A_484 = arith.constant 3 : i32
        scf.for %parallel_loop3A_706 = %parallel_loop3A_481 to %parallel_loop3A_482 step %parallel_loop3A_483  : i32 {
          %parallel_loop3A_707 = arith.constant 0 : i32
          %parallel_loop3A_708 = arith.constant 0 : i32
          %parallel_loop3A_709 = tpu.memref_slice %arg10[%parallel_loop3A_484, %parallel_loop3A_707, %parallel_loop3A_708] : memref<8x128x64xbf16, #tpu.memory_space<vmem>> -> memref<1x128x64xbf16, #tpu.memory_space<vmem>>
          %parallel_loop3A_710 = tpu.memref_squeeze %parallel_loop3A_709 : memref<1x128x64xbf16, #tpu.memory_space<vmem>> -> memref<128x64xbf16, #tpu.memory_space<vmem>>
          %parallel_loop3A_711 = arith.index_cast %parallel_loop3A_706 : i32 to index
          %parallel_loop3A_712 = arith.constant 0 : index
          %parallel_loop3A_713 = tpu.vector_load %parallel_loop3A_710[%parallel_loop3A_711, %parallel_loop3A_712] {strides = array<i32>} : memref<128x64xbf16, #tpu.memory_space<vmem>>, vector<32xbf16>,
          %parallel_loop3A_714 = arith.mulf %parallel_loop3A_713, %get3A_471 : vector<32xbf16>
          %parallel_loop3A_715 = arith.constant 0 : i32
          %parallel_loop3A_716 = arith.constant 0 : i32
          %parallel_loop3A_717 = tpu.memref_slice %arg10[%parallel_loop3A_484, %parallel_loop3A_715, %parallel_loop3A_716] : memref<8x128x64xbf16, #tpu.memory_space<vmem>> -> memref<1x128x64xbf16, #tpu.memory_space<vmem>>
          %parallel_loop3A_718 = tpu.memref_squeeze %parallel_loop3A_717 : memref<1x128x64xbf16, #tpu.memory_space<vmem>> -> memref<128x64xbf16, #tpu.memory_space<vmem>>
          %parallel_loop3A_719 = arith.index_cast %parallel_loop3A_706 : i32 to index
          %parallel_loop3A_720 = arith.constant 32 : index
          %parallel_loop3A_721 = tpu.vector_load %parallel_loop3A_718[%parallel_loop3A_719, %parallel_loop3A_720] {strides = array<i32>} : memref<128x64xbf16, #tpu.memory_space<vmem>>, vector<32xbf16>,
          %parallel_loop3A_722 = arith.mulf %parallel_loop3A_721, %get3A_474 : vector<32xbf16>
          %parallel_loop3A_723 = arith.addf %parallel_loop3A_714, %parallel_loop3A_722 : vector<32xbf16>
          %parallel_loop3A_724 = tpu.unpack_subelements %parallel_loop3A_723, 0 {pack_format = #tpu.pack_format<interleaved>} : vector<32xbf16> -> vector<16xf32>
          %parallel_loop3A_725 = tpu.unpack_subelements %parallel_loop3A_723, 1 {pack_format = #tpu.pack_format<interleaved>} : vector<32xbf16> -> vector<16xf32>
          %parallel_loop3A_726 = arith.addf %parallel_loop3A_724, %parallel_loop3A_725 : vector<16xf32>
          %parallel_loop3A_727 = arith.constant true
          %parallel_loop3A_728 = vector.broadcast %parallel_loop3A_727 : i1 to vector<16xi1>
          %parallel_loop3A_729 = tpu.scan <sum>, %parallel_loop3A_726 masked %parallel_loop3A_728 : vector<16xf32>, vector<16xi1> -> vector<16xf32>
          %parallel_loop3A_730 = vector.broadcast %parallel_loop3A_706 : i32 to vector<16xi32>
          %parallel_loop3A_731 = arith.addi %add3A_480, %parallel_loop3A_730 : vector<16xi32>
          %parallel_loop3A_732 = arith.constant 0 : i32
          %parallel_loop3A_733 = arith.constant 0 : i32
          %parallel_loop3A_734 = tpu.memref_slice %arg11[%parallel_loop3A_732, %parallel_loop3A_733] : memref<2x2048xf32, #tpu.memory_space<vmem>> -> memref<1x2048xf32, #tpu.memory_space<vmem>>
          %parallel_loop3A_735 = tpu.memref_squeeze %parallel_loop3A_734 : memref<1x2048xf32, #tpu.memory_space<vmem>> -> memref<2048xf32, #tpu.memory_space<vmem>>
          tpu.vector_store_idx %parallel_loop3A_735[%parallel_loop3A_731], %parallel_loop3A_729 masked %eq3A_4 : memref<2048xf32, #tpu.memory_space<vmem>>[vector<16xi32>], vector<16xf32>, vector<16xi1>
        } {sc.loop_unroll_factor = 8 : i64, sc.parallel_access}
        %add3A_485 = arith.constant 3 : i32
        %add3A_486 = arith.addi %add3A_285, %add3A_485 : i32
        %add3A_487 = arith.constant 8 : i32
        %add3A_488 = arith.addi %add3A_486, %add3A_487 : i32
        %lt3A_489 = arith.constant 512 : i32
        %lt3A_490 = arith.cmpi slt, %add3A_488, %lt3A_489 : i32
        %convert_element_type3A_491 = arith.extui %lt3A_490 : i1 to i32
        %cond3A_492 = arith.constant 0 : i32
        %cond3A_493 = arith.cmpi ne, %convert_element_type3A_491, %cond3A_492 : i32
        scf.if %cond3A_493 {
          %add3A_706 = arith.constant 3 : i32
          %add3A_707 = arith.addi %add3A_285, %add3A_706 : i32
          %add3A_708 = arith.constant 8 : i32
          %add3A_709 = arith.addi %add3A_707, %add3A_708 : i32
          %mul3A_710 = arith.constant 2 : i32
          %mul3A_711 = arith.muli %mul3A_710, %add3A_709 : i32
          %add3A_712 = arith.constant 0 : i32
          %add3A_713 = arith.addi %mul3A_711, %add3A_712 : i32
          %dma_start3A_714 = arith.constant 3 : i32
          %dma_start3A_715 = arith.constant 0 : i32
          %dma_start3A_716 = arith.constant 0 : i32
          %dma_start3A_717 = tpu.memref_slice %arg10[%dma_start3A_714, %dma_start3A_715, %dma_start3A_716] : memref<8x128x64xbf16, #tpu.memory_space<vmem>> -> memref<1x64x64xbf16, #tpu.memory_space<vmem>>
          %dma_start3A_718 = tpu.memref_squeeze %dma_start3A_717 : memref<1x64x64xbf16, #tpu.memory_space<vmem>> -> memref<64x64xbf16, #tpu.memory_space<vmem>>
          %dma_start3A_719 = arith.constant 0 : i32
          %dma_start3A_720 = tpu.memref_slice %arg7[%add3A_713, %dma_start3A_719] : memref<1024x64xi32, #tpu.memory_space<vmem>> -> memref<1x64xi32, #tpu.memory_space<vmem>>
          %dma_start3A_721 = tpu.memref_squeeze %dma_start3A_720 : memref<1x64xi32, #tpu.memory_space<vmem>> -> memref<64xi32, #tpu.memory_space<vmem>>
          %dma_start3A_722 = arith.constant 0 : i32
          %dma_start3A_723 = arith.constant 0 : i32
          %dma_start3A_724 = tpu.memref_slice %arg3[%dma_start3A_722, %dma_start3A_723] : memref<100000x64xbf16, #tpu.memory_space<hbm>> -> memref<100000x64xbf16, #tpu.memory_space<hbm>>
          tpu.enqueue_indirect_dma source(%dma_start3A_724 : memref<100000x64xbf16, #tpu.memory_space<hbm>>) target(%dma_start3A_718 : memref<64x64xbf16, #tpu.memory_space<vmem>>) offsets(%dma_start3A_721 : memref<64xi32, #tpu.memory_space<vmem>>) semaphore(%arg15 : memref<!tpu.dma_semaphore, #tpu.memory_space<semaphore_mem>>)
          %mul3A_725 = arith.constant 2 : i32
          %mul3A_726 = arith.muli %mul3A_725, %add3A_709 : i32
          %add3A_727 = arith.constant 1 : i32
          %add3A_728 = arith.addi %mul3A_726, %add3A_727 : i32
          %dma_start3A_729 = arith.constant 3 : i32
          %dma_start3A_730 = arith.constant 64 : i32
          %dma_start3A_731 = arith.constant 0 : i32
          %dma_start3A_732 = tpu.memref_slice %arg10[%dma_start3A_729, %dma_start3A_730, %dma_start3A_731] : memref<8x128x64xbf16, #tpu.memory_space<vmem>> -> memref<1x64x64xbf16, #tpu.memory_space<vmem>>
          %dma_start3A_733 = tpu.memref_squeeze %dma_start3A_732 : memref<1x64x64xbf16, #tpu.memory_space<vmem>> -> memref<64x64xbf16, #tpu.memory_space<vmem>>
          %dma_start3A_734 = arith.constant 0 : i32
          %dma_start3A_735 = tpu.memref_slice %arg7[%add3A_728, %dma_start3A_734] : memref<1024x64xi32, #tpu.memory_space<vmem>> -> memref<1x64xi32, #tpu.memory_space<vmem>>
          %dma_start3A_736 = tpu.memref_squeeze %dma_start3A_735 : memref<1x64xi32, #tpu.memory_space<vmem>> -> memref<64xi32, #tpu.memory_space<vmem>>
          %dma_start3A_737 = arith.constant 0 : i32
          %dma_start3A_738 = arith.constant 0 : i32
          %dma_start3A_739 = tpu.memref_slice %arg3[%dma_start3A_737, %dma_start3A_738] : memref<100000x64xbf16, #tpu.memory_space<hbm>> -> memref<100000x64xbf16, #tpu.memory_space<hbm>>
          tpu.enqueue_indirect_dma source(%dma_start3A_739 : memref<100000x64xbf16, #tpu.memory_space<hbm>>) target(%dma_start3A_733 : memref<64x64xbf16, #tpu.memory_space<vmem>>) offsets(%dma_start3A_736 : memref<64xi32, #tpu.memory_space<vmem>>) semaphore(%arg15 : memref<!tpu.dma_semaphore, #tpu.memory_space<semaphore_mem>>)
        } else {
        }
        %dma_wait3A_494 = arith.constant 0 : i32
        %dma_wait3A_495 = arith.constant 4 : i32
        %dma_wait3A_496 = arith.constant 0 : i32
        %dma_wait3A_497 = arith.constant 0 : i32
        %dma_wait3A_498 = tpu.memref_slice %arg10[%dma_wait3A_495, %dma_wait3A_496, %dma_wait3A_497] : memref<8x128x64xbf16, #tpu.memory_space<vmem>> -> memref<1x64x64xbf16, #tpu.memory_space<vmem>>
        %dma_wait3A_499 = tpu.memref_squeeze %dma_wait3A_498 : memref<1x64x64xbf16, #tpu.memory_space<vmem>> -> memref<64x64xbf16, #tpu.memory_space<vmem>>
        %dma_wait3A_500 = arith.constant 0 : i32
        %dma_wait3A_501 = tpu.memref_slice %arg7[%dma_wait3A_494, %dma_wait3A_500] : memref<1024x64xi32, #tpu.memory_space<vmem>> -> memref<1x64xi32, #tpu.memory_space<vmem>>
        %dma_wait3A_502 = tpu.memref_squeeze %dma_wait3A_501 : memref<1x64xi32, #tpu.memory_space<vmem>> -> memref<64xi32, #tpu.memory_space<vmem>>
        %dma_wait3A_503 = arith.constant 0 : i32
        %dma_wait3A_504 = arith.constant 0 : i32
        %dma_wait3A_505 = tpu.memref_slice %arg3[%dma_wait3A_503, %dma_wait3A_504] : memref<100000x64xbf16, #tpu.memory_space<hbm>> -> memref<100000x64xbf16, #tpu.memory_space<hbm>>
        tpu.wait_indirect_dma semaphore(%arg16 : memref<!tpu.dma_semaphore, #tpu.memory_space<semaphore_mem>>) src(%dma_wait3A_505 : memref<100000x64xbf16, #tpu.memory_space<hbm>>) dst(%dma_wait3A_499 : memref<64x64xbf16, #tpu.memory_space<vmem>>)
        %dma_wait3A_506 = arith.constant 1 : i32
        %dma_wait3A_507 = arith.constant 4 : i32
        %dma_wait3A_508 = arith.constant 64 : i32
        %dma_wait3A_509 = arith.constant 0 : i32
        %dma_wait3A_510 = tpu.memref_slice %arg10[%dma_wait3A_507, %dma_wait3A_508, %dma_wait3A_509] : memref<8x128x64xbf16, #tpu.memory_space<vmem>> -> memref<1x64x64xbf16, #tpu.memory_space<vmem>>
        %dma_wait3A_511 = tpu.memref_squeeze %dma_wait3A_510 : memref<1x64x64xbf16, #tpu.memory_space<vmem>> -> memref<64x64xbf16, #tpu.memory_space<vmem>>
        %dma_wait3A_512 = arith.constant 0 : i32
        %dma_wait3A_513 = tpu.memref_slice %arg7[%dma_wait3A_506, %dma_wait3A_512] : memref<1024x64xi32, #tpu.memory_space<vmem>> -> memref<1x64xi32, #tpu.memory_space<vmem>>
        %dma_wait3A_514 = tpu.memref_squeeze %dma_wait3A_513 : memref<1x64xi32, #tpu.memory_space<vmem>> -> memref<64xi32, #tpu.memory_space<vmem>>
        %dma_wait3A_515 = arith.constant 0 : i32
        %dma_wait3A_516 = arith.constant 0 : i32
        %dma_wait3A_517 = tpu.memref_slice %arg3[%dma_wait3A_515, %dma_wait3A_516] : memref<100000x64xbf16, #tpu.memory_space<hbm>> -> memref<100000x64xbf16, #tpu.memory_space<hbm>>
        tpu.wait_indirect_dma semaphore(%arg16 : memref<!tpu.dma_semaphore, #tpu.memory_space<semaphore_mem>>) src(%dma_wait3A_517 : memref<100000x64xbf16, #tpu.memory_space<hbm>>) dst(%dma_wait3A_511 : memref<64x64xbf16, #tpu.memory_space<vmem>>)
        %add3A_518 = arith.constant 4 : i32
        %add3A_519 = arith.addi %add3A_285, %add3A_518 : i32
        %add3A_520 = arith.constant 4 : i32
        %add3A_521 = arith.addi %add3A_282, %add3A_520 : i32
        %get3A_522 = arith.index_cast %add3A_519 : i32 to index
        %get3A_523 = arith.constant 0 : index
        %get3A_524 = tpu.vector_load %arg9[%get3A_522, %get3A_523] {strides = array<i32>} : memref<512x64xbf16, #tpu.memory_space<vmem>>, vector<32xbf16>,
        %get3A_525 = arith.index_cast %add3A_519 : i32 to index
        %get3A_526 = arith.constant 32 : index
        %get3A_527 = tpu.vector_load %arg9[%get3A_525, %get3A_526] {strides = array<i32>} : memref<512x64xbf16, #tpu.memory_space<vmem>>, vector<32xbf16>,
        %broadcast_in_dim3A_528 = arith.constant 0 : i32
        %broadcast_in_dim3A_529 = vector.broadcast %broadcast_in_dim3A_528 : i32 to vector<16xi32>
        %mul3A_530 = arith.constant 128 : i32
        %mul3A_531 = arith.muli %add3A_521, %mul3A_530 : i32
        %add3A_532 = vector.broadcast %mul3A_531 : i32 to vector<16xi32>
        %add3A_533 = arith.addi %broadcast_in_dim3A_529, %add3A_532 : vector<16xi32>
        %parallel_loop3A_534 = arith.constant 0 : i32
        %parallel_loop3A_535 = arith.constant 128 : i32
        %parallel_loop3A_536 = arith.constant 1 : i32
        %parallel_loop3A_537 = arith.constant 4 : i32
        scf.for %parallel_loop3A_706 = %parallel_loop3A_534 to %parallel_loop3A_535 step %parallel_loop3A_536  : i32 {
          %parallel_loop3A_707 = arith.constant 0 : i32
          %parallel_loop3A_708 = arith.constant 0 : i32
          %parallel_loop3A_709 = tpu.memref_slice %arg10[%parallel_loop3A_537, %parallel_loop3A_707, %parallel_loop3A_708] : memref<8x128x64xbf16, #tpu.memory_space<vmem>> -> memref<1x128x64xbf16, #tpu.memory_space<vmem>>
          %parallel_loop3A_710 = tpu.memref_squeeze %parallel_loop3A_709 : memref<1x128x64xbf16, #tpu.memory_space<vmem>> -> memref<128x64xbf16, #tpu.memory_space<vmem>>
          %parallel_loop3A_711 = arith.index_cast %parallel_loop3A_706 : i32 to index
          %parallel_loop3A_712 = arith.constant 0 : index
          %parallel_loop3A_713 = tpu.vector_load %parallel_loop3A_710[%parallel_loop3A_711, %parallel_loop3A_712] {strides = array<i32>} : memref<128x64xbf16, #tpu.memory_space<vmem>>, vector<32xbf16>,
          %parallel_loop3A_714 = arith.mulf %parallel_loop3A_713, %get3A_524 : vector<32xbf16>
          %parallel_loop3A_715 = arith.constant 0 : i32
          %parallel_loop3A_716 = arith.constant 0 : i32
          %parallel_loop3A_717 = tpu.memref_slice %arg10[%parallel_loop3A_537, %parallel_loop3A_715, %parallel_loop3A_716] : memref<8x128x64xbf16, #tpu.memory_space<vmem>> -> memref<1x128x64xbf16, #tpu.memory_space<vmem>>
          %parallel_loop3A_718 = tpu.memref_squeeze %parallel_loop3A_717 : memref<1x128x64xbf16, #tpu.memory_space<vmem>> -> memref<128x64xbf16, #tpu.memory_space<vmem>>
          %parallel_loop3A_719 = arith.index_cast %parallel_loop3A_706 : i32 to index
          %parallel_loop3A_720 = arith.constant 32 : index
          %parallel_loop3A_721 = tpu.vector_load %parallel_loop3A_718[%parallel_loop3A_719, %parallel_loop3A_720] {strides = array<i32>} : memref<128x64xbf16, #tpu.memory_space<vmem>>, vector<32xbf16>,
          %parallel_loop3A_722 = arith.mulf %parallel_loop3A_721, %get3A_527 : vector<32xbf16>
          %parallel_loop3A_723 = arith.addf %parallel_loop3A_714, %parallel_loop3A_722 : vector<32xbf16>
          %parallel_loop3A_724 = tpu.unpack_subelements %parallel_loop3A_723, 0 {pack_format = #tpu.pack_format<interleaved>} : vector<32xbf16> -> vector<16xf32>
          %parallel_loop3A_725 = tpu.unpack_subelements %parallel_loop3A_723, 1 {pack_format = #tpu.pack_format<interleaved>} : vector<32xbf16> -> vector<16xf32>
          %parallel_loop3A_726 = arith.addf %parallel_loop3A_724, %parallel_loop3A_725 : vector<16xf32>
          %parallel_loop3A_727 = arith.constant true
          %parallel_loop3A_728 = vector.broadcast %parallel_loop3A_727 : i1 to vector<16xi1>
          %parallel_loop3A_729 = tpu.scan <sum>, %parallel_loop3A_726 masked %parallel_loop3A_728 : vector<16xf32>, vector<16xi1> -> vector<16xf32>
          %parallel_loop3A_730 = vector.broadcast %parallel_loop3A_706 : i32 to vector<16xi32>
          %parallel_loop3A_731 = arith.addi %add3A_533, %parallel_loop3A_730 : vector<16xi32>
          %parallel_loop3A_732 = arith.constant 0 : i32
          %parallel_loop3A_733 = arith.constant 0 : i32
          %parallel_loop3A_734 = tpu.memref_slice %arg11[%parallel_loop3A_732, %parallel_loop3A_733] : memref<2x2048xf32, #tpu.memory_space<vmem>> -> memref<1x2048xf32, #tpu.memory_space<vmem>>
          %parallel_loop3A_735 = tpu.memref_squeeze %parallel_loop3A_734 : memref<1x2048xf32, #tpu.memory_space<vmem>> -> memref<2048xf32, #tpu.memory_space<vmem>>
          tpu.vector_store_idx %parallel_loop3A_735[%parallel_loop3A_731], %parallel_loop3A_729 masked %eq3A_4 : memref<2048xf32, #tpu.memory_space<vmem>>[vector<16xi32>], vector<16xf32>, vector<16xi1>
        } {sc.loop_unroll_factor = 8 : i64, sc.parallel_access}
        %add3A_538 = arith.constant 4 : i32
        %add3A_539 = arith.addi %add3A_285, %add3A_538 : i32
        %add3A_540 = arith.constant 8 : i32
        %add3A_541 = arith.addi %add3A_539, %add3A_540 : i32
        %lt3A_542 = arith.constant 512 : i32
        %lt3A_543 = arith.cmpi slt, %add3A_541, %lt3A_542 : i32
        %convert_element_type3A_544 = arith.extui %lt3A_543 : i1 to i32
        %cond3A_545 = arith.constant 0 : i32
        %cond3A_546 = arith.cmpi ne, %convert_element_type3A_544, %cond3A_545 : i32
        scf.if %cond3A_546 {
          %add3A_706 = arith.constant 4 : i32
          %add3A_707 = arith.addi %add3A_285, %add3A_706 : i32
          %add3A_708 = arith.constant 8 : i32
          %add3A_709 = arith.addi %add3A_707, %add3A_708 : i32
          %mul3A_710 = arith.constant 2 : i32
          %mul3A_711 = arith.muli %mul3A_710, %add3A_709 : i32
          %add3A_712 = arith.constant 0 : i32
          %add3A_713 = arith.addi %mul3A_711, %add3A_712 : i32
          %dma_start3A_714 = arith.constant 4 : i32
          %dma_start3A_715 = arith.constant 0 : i32
          %dma_start3A_716 = arith.constant 0 : i32
          %dma_start3A_717 = tpu.memref_slice %arg10[%dma_start3A_714, %dma_start3A_715, %dma_start3A_716] : memref<8x128x64xbf16, #tpu.memory_space<vmem>> -> memref<1x64x64xbf16, #tpu.memory_space<vmem>>
          %dma_start3A_718 = tpu.memref_squeeze %dma_start3A_717 : memref<1x64x64xbf16, #tpu.memory_space<vmem>> -> memref<64x64xbf16, #tpu.memory_space<vmem>>
          %dma_start3A_719 = arith.constant 0 : i32
          %dma_start3A_720 = tpu.memref_slice %arg7[%add3A_713, %dma_start3A_719] : memref<1024x64xi32, #tpu.memory_space<vmem>> -> memref<1x64xi32, #tpu.memory_space<vmem>>
          %dma_start3A_721 = tpu.memref_squeeze %dma_start3A_720 : memref<1x64xi32, #tpu.memory_space<vmem>> -> memref<64xi32, #tpu.memory_space<vmem>>
          %dma_start3A_722 = arith.constant 0 : i32
          %dma_start3A_723 = arith.constant 0 : i32
          %dma_start3A_724 = tpu.memref_slice %arg3[%dma_start3A_722, %dma_start3A_723] : memref<100000x64xbf16, #tpu.memory_space<hbm>> -> memref<100000x64xbf16, #tpu.memory_space<hbm>>
          tpu.enqueue_indirect_dma source(%dma_start3A_724 : memref<100000x64xbf16, #tpu.memory_space<hbm>>) target(%dma_start3A_718 : memref<64x64xbf16, #tpu.memory_space<vmem>>) offsets(%dma_start3A_721 : memref<64xi32, #tpu.memory_space<vmem>>) semaphore(%arg16 : memref<!tpu.dma_semaphore, #tpu.memory_space<semaphore_mem>>)
          %mul3A_725 = arith.constant 2 : i32
          %mul3A_726 = arith.muli %mul3A_725, %add3A_709 : i32
          %add3A_727 = arith.constant 1 : i32
          %add3A_728 = arith.addi %mul3A_726, %add3A_727 : i32
          %dma_start3A_729 = arith.constant 4 : i32
          %dma_start3A_730 = arith.constant 64 : i32
          %dma_start3A_731 = arith.constant 0 : i32
          %dma_start3A_732 = tpu.memref_slice %arg10[%dma_start3A_729, %dma_start3A_730, %dma_start3A_731] : memref<8x128x64xbf16, #tpu.memory_space<vmem>> -> memref<1x64x64xbf16, #tpu.memory_space<vmem>>
          %dma_start3A_733 = tpu.memref_squeeze %dma_start3A_732 : memref<1x64x64xbf16, #tpu.memory_space<vmem>> -> memref<64x64xbf16, #tpu.memory_space<vmem>>
          %dma_start3A_734 = arith.constant 0 : i32
          %dma_start3A_735 = tpu.memref_slice %arg7[%add3A_728, %dma_start3A_734] : memref<1024x64xi32, #tpu.memory_space<vmem>> -> memref<1x64xi32, #tpu.memory_space<vmem>>
          %dma_start3A_736 = tpu.memref_squeeze %dma_start3A_735 : memref<1x64xi32, #tpu.memory_space<vmem>> -> memref<64xi32, #tpu.memory_space<vmem>>
          %dma_start3A_737 = arith.constant 0 : i32
          %dma_start3A_738 = arith.constant 0 : i32
          %dma_start3A_739 = tpu.memref_slice %arg3[%dma_start3A_737, %dma_start3A_738] : memref<100000x64xbf16, #tpu.memory_space<hbm>> -> memref<100000x64xbf16, #tpu.memory_space<hbm>>
          tpu.enqueue_indirect_dma source(%dma_start3A_739 : memref<100000x64xbf16, #tpu.memory_space<hbm>>) target(%dma_start3A_733 : memref<64x64xbf16, #tpu.memory_space<vmem>>) offsets(%dma_start3A_736 : memref<64xi32, #tpu.memory_space<vmem>>) semaphore(%arg16 : memref<!tpu.dma_semaphore, #tpu.memory_space<semaphore_mem>>)
        } else {
        }
        %dma_wait3A_547 = arith.constant 0 : i32
        %dma_wait3A_548 = arith.constant 5 : i32
        %dma_wait3A_549 = arith.constant 0 : i32
        %dma_wait3A_550 = arith.constant 0 : i32
        %dma_wait3A_551 = tpu.memref_slice %arg10[%dma_wait3A_548, %dma_wait3A_549, %dma_wait3A_550] : memref<8x128x64xbf16, #tpu.memory_space<vmem>> -> memref<1x64x64xbf16, #tpu.memory_space<vmem>>
        %dma_wait3A_552 = tpu.memref_squeeze %dma_wait3A_551 : memref<1x64x64xbf16, #tpu.memory_space<vmem>> -> memref<64x64xbf16, #tpu.memory_space<vmem>>
        %dma_wait3A_553 = arith.constant 0 : i32
        %dma_wait3A_554 = tpu.memref_slice %arg7[%dma_wait3A_547, %dma_wait3A_553] : memref<1024x64xi32, #tpu.memory_space<vmem>> -> memref<1x64xi32, #tpu.memory_space<vmem>>
        %dma_wait3A_555 = tpu.memref_squeeze %dma_wait3A_554 : memref<1x64xi32, #tpu.memory_space<vmem>> -> memref<64xi32, #tpu.memory_space<vmem>>
        %dma_wait3A_556 = arith.constant 0 : i32
        %dma_wait3A_557 = arith.constant 0 : i32
        %dma_wait3A_558 = tpu.memref_slice %arg3[%dma_wait3A_556, %dma_wait3A_557] : memref<100000x64xbf16, #tpu.memory_space<hbm>> -> memref<100000x64xbf16, #tpu.memory_space<hbm>>
        tpu.wait_indirect_dma semaphore(%arg17 : memref<!tpu.dma_semaphore, #tpu.memory_space<semaphore_mem>>) src(%dma_wait3A_558 : memref<100000x64xbf16, #tpu.memory_space<hbm>>) dst(%dma_wait3A_552 : memref<64x64xbf16, #tpu.memory_space<vmem>>)
        %dma_wait3A_559 = arith.constant 1 : i32
        %dma_wait3A_560 = arith.constant 5 : i32
        %dma_wait3A_561 = arith.constant 64 : i32
        %dma_wait3A_562 = arith.constant 0 : i32
        %dma_wait3A_563 = tpu.memref_slice %arg10[%dma_wait3A_560, %dma_wait3A_561, %dma_wait3A_562] : memref<8x128x64xbf16, #tpu.memory_space<vmem>> -> memref<1x64x64xbf16, #tpu.memory_space<vmem>>
        %dma_wait3A_564 = tpu.memref_squeeze %dma_wait3A_563 : memref<1x64x64xbf16, #tpu.memory_space<vmem>> -> memref<64x64xbf16, #tpu.memory_space<vmem>>
        %dma_wait3A_565 = arith.constant 0 : i32
        %dma_wait3A_566 = tpu.memref_slice %arg7[%dma_wait3A_559, %dma_wait3A_565] : memref<1024x64xi32, #tpu.memory_space<vmem>> -> memref<1x64xi32, #tpu.memory_space<vmem>>
        %dma_wait3A_567 = tpu.memref_squeeze %dma_wait3A_566 : memref<1x64xi32, #tpu.memory_space<vmem>> -> memref<64xi32, #tpu.memory_space<vmem>>
        %dma_wait3A_568 = arith.constant 0 : i32
        %dma_wait3A_569 = arith.constant 0 : i32
        %dma_wait3A_570 = tpu.memref_slice %arg3[%dma_wait3A_568, %dma_wait3A_569] : memref<100000x64xbf16, #tpu.memory_space<hbm>> -> memref<100000x64xbf16, #tpu.memory_space<hbm>>
        tpu.wait_indirect_dma semaphore(%arg17 : memref<!tpu.dma_semaphore, #tpu.memory_space<semaphore_mem>>) src(%dma_wait3A_570 : memref<100000x64xbf16, #tpu.memory_space<hbm>>) dst(%dma_wait3A_564 : memref<64x64xbf16, #tpu.memory_space<vmem>>)
        %add3A_571 = arith.constant 5 : i32
        %add3A_572 = arith.addi %add3A_285, %add3A_571 : i32
        %add3A_573 = arith.constant 5 : i32
        %add3A_574 = arith.addi %add3A_282, %add3A_573 : i32
        %get3A_575 = arith.index_cast %add3A_572 : i32 to index
        %get3A_576 = arith.constant 0 : index
        %get3A_577 = tpu.vector_load %arg9[%get3A_575, %get3A_576] {strides = array<i32>} : memref<512x64xbf16, #tpu.memory_space<vmem>>, vector<32xbf16>,
        %get3A_578 = arith.index_cast %add3A_572 : i32 to index
        %get3A_579 = arith.constant 32 : index
        %get3A_580 = tpu.vector_load %arg9[%get3A_578, %get3A_579] {strides = array<i32>} : memref<512x64xbf16, #tpu.memory_space<vmem>>, vector<32xbf16>,
        %broadcast_in_dim3A_581 = arith.constant 0 : i32
        %broadcast_in_dim3A_582 = vector.broadcast %broadcast_in_dim3A_581 : i32 to vector<16xi32>
        %mul3A_583 = arith.constant 128 : i32
        %mul3A_584 = arith.muli %add3A_574, %mul3A_583 : i32
        %add3A_585 = vector.broadcast %mul3A_584 : i32 to vector<16xi32>
        %add3A_586 = arith.addi %broadcast_in_dim3A_582, %add3A_585 : vector<16xi32>
        %parallel_loop3A_587 = arith.constant 0 : i32
        %parallel_loop3A_588 = arith.constant 128 : i32
        %parallel_loop3A_589 = arith.constant 1 : i32
        %parallel_loop3A_590 = arith.constant 5 : i32
        scf.for %parallel_loop3A_706 = %parallel_loop3A_587 to %parallel_loop3A_588 step %parallel_loop3A_589  : i32 {
          %parallel_loop3A_707 = arith.constant 0 : i32
          %parallel_loop3A_708 = arith.constant 0 : i32
          %parallel_loop3A_709 = tpu.memref_slice %arg10[%parallel_loop3A_590, %parallel_loop3A_707, %parallel_loop3A_708] : memref<8x128x64xbf16, #tpu.memory_space<vmem>> -> memref<1x128x64xbf16, #tpu.memory_space<vmem>>
          %parallel_loop3A_710 = tpu.memref_squeeze %parallel_loop3A_709 : memref<1x128x64xbf16, #tpu.memory_space<vmem>> -> memref<128x64xbf16, #tpu.memory_space<vmem>>
          %parallel_loop3A_711 = arith.index_cast %parallel_loop3A_706 : i32 to index
          %parallel_loop3A_712 = arith.constant 0 : index
          %parallel_loop3A_713 = tpu.vector_load %parallel_loop3A_710[%parallel_loop3A_711, %parallel_loop3A_712] {strides = array<i32>} : memref<128x64xbf16, #tpu.memory_space<vmem>>, vector<32xbf16>,
          %parallel_loop3A_714 = arith.mulf %parallel_loop3A_713, %get3A_577 : vector<32xbf16>
          %parallel_loop3A_715 = arith.constant 0 : i32
          %parallel_loop3A_716 = arith.constant 0 : i32
          %parallel_loop3A_717 = tpu.memref_slice %arg10[%parallel_loop3A_590, %parallel_loop3A_715, %parallel_loop3A_716] : memref<8x128x64xbf16, #tpu.memory_space<vmem>> -> memref<1x128x64xbf16, #tpu.memory_space<vmem>>
          %parallel_loop3A_718 = tpu.memref_squeeze %parallel_loop3A_717 : memref<1x128x64xbf16, #tpu.memory_space<vmem>> -> memref<128x64xbf16, #tpu.memory_space<vmem>>
          %parallel_loop3A_719 = arith.index_cast %parallel_loop3A_706 : i32 to index
          %parallel_loop3A_720 = arith.constant 32 : index
          %parallel_loop3A_721 = tpu.vector_load %parallel_loop3A_718[%parallel_loop3A_719, %parallel_loop3A_720] {strides = array<i32>} : memref<128x64xbf16, #tpu.memory_space<vmem>>, vector<32xbf16>,
          %parallel_loop3A_722 = arith.mulf %parallel_loop3A_721, %get3A_580 : vector<32xbf16>
          %parallel_loop3A_723 = arith.addf %parallel_loop3A_714, %parallel_loop3A_722 : vector<32xbf16>
          %parallel_loop3A_724 = tpu.unpack_subelements %parallel_loop3A_723, 0 {pack_format = #tpu.pack_format<interleaved>} : vector<32xbf16> -> vector<16xf32>
          %parallel_loop3A_725 = tpu.unpack_subelements %parallel_loop3A_723, 1 {pack_format = #tpu.pack_format<interleaved>} : vector<32xbf16> -> vector<16xf32>
          %parallel_loop3A_726 = arith.addf %parallel_loop3A_724, %parallel_loop3A_725 : vector<16xf32>
          %parallel_loop3A_727 = arith.constant true
          %parallel_loop3A_728 = vector.broadcast %parallel_loop3A_727 : i1 to vector<16xi1>
          %parallel_loop3A_729 = tpu.scan <sum>, %parallel_loop3A_726 masked %parallel_loop3A_728 : vector<16xf32>, vector<16xi1> -> vector<16xf32>
          %parallel_loop3A_730 = vector.broadcast %parallel_loop3A_706 : i32 to vector<16xi32>
          %parallel_loop3A_731 = arith.addi %add3A_586, %parallel_loop3A_730 : vector<16xi32>
          %parallel_loop3A_732 = arith.constant 0 : i32
          %parallel_loop3A_733 = arith.constant 0 : i32
          %parallel_loop3A_734 = tpu.memref_slice %arg11[%parallel_loop3A_732, %parallel_loop3A_733] : memref<2x2048xf32, #tpu.memory_space<vmem>> -> memref<1x2048xf32, #tpu.memory_space<vmem>>
          %parallel_loop3A_735 = tpu.memref_squeeze %parallel_loop3A_734 : memref<1x2048xf32, #tpu.memory_space<vmem>> -> memref<2048xf32, #tpu.memory_space<vmem>>
          tpu.vector_store_idx %parallel_loop3A_735[%parallel_loop3A_731], %parallel_loop3A_729 masked %eq3A_4 : memref<2048xf32, #tpu.memory_space<vmem>>[vector<16xi32>], vector<16xf32>, vector<16xi1>
        } {sc.loop_unroll_factor = 8 : i64, sc.parallel_access}
        %add3A_591 = arith.constant 5 : i32
        %add3A_592 = arith.addi %add3A_285, %add3A_591 : i32
        %add3A_593 = arith.constant 8 : i32
        %add3A_594 = arith.addi %add3A_592, %add3A_593 : i32
        %lt3A_595 = arith.constant 512 : i32
        %lt3A_596 = arith.cmpi slt, %add3A_594, %lt3A_595 : i32
        %convert_element_type3A_597 = arith.extui %lt3A_596 : i1 to i32
        %cond3A_598 = arith.constant 0 : i32
        %cond3A_599 = arith.cmpi ne, %convert_element_type3A_597, %cond3A_598 : i32
        scf.if %cond3A_599 {
          %add3A_706 = arith.constant 5 : i32
          %add3A_707 = arith.addi %add3A_285, %add3A_706 : i32
          %add3A_708 = arith.constant 8 : i32
          %add3A_709 = arith.addi %add3A_707, %add3A_708 : i32
          %mul3A_710 = arith.constant 2 : i32
          %mul3A_711 = arith.muli %mul3A_710, %add3A_709 : i32
          %add3A_712 = arith.constant 0 : i32
          %add3A_713 = arith.addi %mul3A_711, %add3A_712 : i32
          %dma_start3A_714 = arith.constant 5 : i32
          %dma_start3A_715 = arith.constant 0 : i32
          %dma_start3A_716 = arith.constant 0 : i32
          %dma_start3A_717 = tpu.memref_slice %arg10[%dma_start3A_714, %dma_start3A_715, %dma_start3A_716] : memref<8x128x64xbf16, #tpu.memory_space<vmem>> -> memref<1x64x64xbf16, #tpu.memory_space<vmem>>
          %dma_start3A_718 = tpu.memref_squeeze %dma_start3A_717 : memref<1x64x64xbf16, #tpu.memory_space<vmem>> -> memref<64x64xbf16, #tpu.memory_space<vmem>>
          %dma_start3A_719 = arith.constant 0 : i32
          %dma_start3A_720 = tpu.memref_slice %arg7[%add3A_713, %dma_start3A_719] : memref<1024x64xi32, #tpu.memory_space<vmem>> -> memref<1x64xi32, #tpu.memory_space<vmem>>
          %dma_start3A_721 = tpu.memref_squeeze %dma_start3A_720 : memref<1x64xi32, #tpu.memory_space<vmem>> -> memref<64xi32, #tpu.memory_space<vmem>>
          %dma_start3A_722 = arith.constant 0 : i32
          %dma_start3A_723 = arith.constant 0 : i32
          %dma_start3A_724 = tpu.memref_slice %arg3[%dma_start3A_722, %dma_start3A_723] : memref<100000x64xbf16, #tpu.memory_space<hbm>> -> memref<100000x64xbf16, #tpu.memory_space<hbm>>
          tpu.enqueue_indirect_dma source(%dma_start3A_724 : memref<100000x64xbf16, #tpu.memory_space<hbm>>) target(%dma_start3A_718 : memref<64x64xbf16, #tpu.memory_space<vmem>>) offsets(%dma_start3A_721 : memref<64xi32, #tpu.memory_space<vmem>>) semaphore(%arg17 : memref<!tpu.dma_semaphore, #tpu.memory_space<semaphore_mem>>)
          %mul3A_725 = arith.constant 2 : i32
          %mul3A_726 = arith.muli %mul3A_725, %add3A_709 : i32
          %add3A_727 = arith.constant 1 : i32
          %add3A_728 = arith.addi %mul3A_726, %add3A_727 : i32
          %dma_start3A_729 = arith.constant 5 : i32
          %dma_start3A_730 = arith.constant 64 : i32
          %dma_start3A_731 = arith.constant 0 : i32
          %dma_start3A_732 = tpu.memref_slice %arg10[%dma_start3A_729, %dma_start3A_730, %dma_start3A_731] : memref<8x128x64xbf16, #tpu.memory_space<vmem>> -> memref<1x64x64xbf16, #tpu.memory_space<vmem>>
          %dma_start3A_733 = tpu.memref_squeeze %dma_start3A_732 : memref<1x64x64xbf16, #tpu.memory_space<vmem>> -> memref<64x64xbf16, #tpu.memory_space<vmem>>
          %dma_start3A_734 = arith.constant 0 : i32
          %dma_start3A_735 = tpu.memref_slice %arg7[%add3A_728, %dma_start3A_734] : memref<1024x64xi32, #tpu.memory_space<vmem>> -> memref<1x64xi32, #tpu.memory_space<vmem>>
          %dma_start3A_736 = tpu.memref_squeeze %dma_start3A_735 : memref<1x64xi32, #tpu.memory_space<vmem>> -> memref<64xi32, #tpu.memory_space<vmem>>
          %dma_start3A_737 = arith.constant 0 : i32
          %dma_start3A_738 = arith.constant 0 : i32
          %dma_start3A_739 = tpu.memref_slice %arg3[%dma_start3A_737, %dma_start3A_738] : memref<100000x64xbf16, #tpu.memory_space<hbm>> -> memref<100000x64xbf16, #tpu.memory_space<hbm>>
          tpu.enqueue_indirect_dma source(%dma_start3A_739 : memref<100000x64xbf16, #tpu.memory_space<hbm>>) target(%dma_start3A_733 : memref<64x64xbf16, #tpu.memory_space<vmem>>) offsets(%dma_start3A_736 : memref<64xi32, #tpu.memory_space<vmem>>) semaphore(%arg17 : memref<!tpu.dma_semaphore, #tpu.memory_space<semaphore_mem>>)
        } else {
        }
        %dma_wait3A_600 = arith.constant 0 : i32
        %dma_wait3A_601 = arith.constant 6 : i32
        %dma_wait3A_602 = arith.constant 0 : i32
        %dma_wait3A_603 = arith.constant 0 : i32
        %dma_wait3A_604 = tpu.memref_slice %arg10[%dma_wait3A_601, %dma_wait3A_602, %dma_wait3A_603] : memref<8x128x64xbf16, #tpu.memory_space<vmem>> -> memref<1x64x64xbf16, #tpu.memory_space<vmem>>
        %dma_wait3A_605 = tpu.memref_squeeze %dma_wait3A_604 : memref<1x64x64xbf16, #tpu.memory_space<vmem>> -> memref<64x64xbf16, #tpu.memory_space<vmem>>
        %dma_wait3A_606 = arith.constant 0 : i32
        %dma_wait3A_607 = tpu.memref_slice %arg7[%dma_wait3A_600, %dma_wait3A_606] : memref<1024x64xi32, #tpu.memory_space<vmem>> -> memref<1x64xi32, #tpu.memory_space<vmem>>
        %dma_wait3A_608 = tpu.memref_squeeze %dma_wait3A_607 : memref<1x64xi32, #tpu.memory_space<vmem>> -> memref<64xi32, #tpu.memory_space<vmem>>
        %dma_wait3A_609 = arith.constant 0 : i32
        %dma_wait3A_610 = arith.constant 0 : i32
        %dma_wait3A_611 = tpu.memref_slice %arg3[%dma_wait3A_609, %dma_wait3A_610] : memref<100000x64xbf16, #tpu.memory_space<hbm>> -> memref<100000x64xbf16, #tpu.memory_space<hbm>>
        tpu.wait_indirect_dma semaphore(%arg18 : memref<!tpu.dma_semaphore, #tpu.memory_space<semaphore_mem>>) src(%dma_wait3A_611 : memref<100000x64xbf16, #tpu.memory_space<hbm>>) dst(%dma_wait3A_605 : memref<64x64xbf16, #tpu.memory_space<vmem>>)
        %dma_wait3A_612 = arith.constant 1 : i32
        %dma_wait3A_613 = arith.constant 6 : i32
        %dma_wait3A_614 = arith.constant 64 : i32
        %dma_wait3A_615 = arith.constant 0 : i32
        %dma_wait3A_616 = tpu.memref_slice %arg10[%dma_wait3A_613, %dma_wait3A_614, %dma_wait3A_615] : memref<8x128x64xbf16, #tpu.memory_space<vmem>> -> memref<1x64x64xbf16, #tpu.memory_space<vmem>>
        %dma_wait3A_617 = tpu.memref_squeeze %dma_wait3A_616 : memref<1x64x64xbf16, #tpu.memory_space<vmem>> -> memref<64x64xbf16, #tpu.memory_space<vmem>>
        %dma_wait3A_618 = arith.constant 0 : i32
        %dma_wait3A_619 = tpu.memref_slice %arg7[%dma_wait3A_612, %dma_wait3A_618] : memref<1024x64xi32, #tpu.memory_space<vmem>> -> memref<1x64xi32, #tpu.memory_space<vmem>>
        %dma_wait3A_620 = tpu.memref_squeeze %dma_wait3A_619 : memref<1x64xi32, #tpu.memory_space<vmem>> -> memref<64xi32, #tpu.memory_space<vmem>>
        %dma_wait3A_621 = arith.constant 0 : i32
        %dma_wait3A_622 = arith.constant 0 : i32
        %dma_wait3A_623 = tpu.memref_slice %arg3[%dma_wait3A_621, %dma_wait3A_622] : memref<100000x64xbf16, #tpu.memory_space<hbm>> -> memref<100000x64xbf16, #tpu.memory_space<hbm>>
        tpu.wait_indirect_dma semaphore(%arg18 : memref<!tpu.dma_semaphore, #tpu.memory_space<semaphore_mem>>) src(%dma_wait3A_623 : memref<100000x64xbf16, #tpu.memory_space<hbm>>) dst(%dma_wait3A_617 : memref<64x64xbf16, #tpu.memory_space<vmem>>)
        %add3A_624 = arith.constant 6 : i32
        %add3A_625 = arith.addi %add3A_285, %add3A_624 : i32
        %add3A_626 = arith.constant 6 : i32
        %add3A_627 = arith.addi %add3A_282, %add3A_626 : i32
        %get3A_628 = arith.index_cast %add3A_625 : i32 to index
        %get3A_629 = arith.constant 0 : index
        %get3A_630 = tpu.vector_load %arg9[%get3A_628, %get3A_629] {strides = array<i32>} : memref<512x64xbf16, #tpu.memory_space<vmem>>, vector<32xbf16>,
        %get3A_631 = arith.index_cast %add3A_625 : i32 to index
        %get3A_632 = arith.constant 32 : index
        %get3A_633 = tpu.vector_load %arg9[%get3A_631, %get3A_632] {strides = array<i32>} : memref<512x64xbf16, #tpu.memory_space<vmem>>, vector<32xbf16>,
        %broadcast_in_dim3A_634 = arith.constant 0 : i32
        %broadcast_in_dim3A_635 = vector.broadcast %broadcast_in_dim3A_634 : i32 to vector<16xi32>
        %mul3A_636 = arith.constant 128 : i32
        %mul3A_637 = arith.muli %add3A_627, %mul3A_636 : i32
        %add3A_638 = vector.broadcast %mul3A_637 : i32 to vector<16xi32>
        %add3A_639 = arith.addi %broadcast_in_dim3A_635, %add3A_638 : vector<16xi32>
        %parallel_loop3A_640 = arith.constant 0 : i32
        %parallel_loop3A_641 = arith.constant 128 : i32
        %parallel_loop3A_642 = arith.constant 1 : i32
        %parallel_loop3A_643 = arith.constant 6 : i32
        scf.for %parallel_loop3A_706 = %parallel_loop3A_640 to %parallel_loop3A_641 step %parallel_loop3A_642  : i32 {
          %parallel_loop3A_707 = arith.constant 0 : i32
          %parallel_loop3A_708 = arith.constant 0 : i32
          %parallel_loop3A_709 = tpu.memref_slice %arg10[%parallel_loop3A_643, %parallel_loop3A_707, %parallel_loop3A_708] : memref<8x128x64xbf16, #tpu.memory_space<vmem>> -> memref<1x128x64xbf16, #tpu.memory_space<vmem>>
          %parallel_loop3A_710 = tpu.memref_squeeze %parallel_loop3A_709 : memref<1x128x64xbf16, #tpu.memory_space<vmem>> -> memref<128x64xbf16, #tpu.memory_space<vmem>>
          %parallel_loop3A_711 = arith.index_cast %parallel_loop3A_706 : i32 to index
          %parallel_loop3A_712 = arith.constant 0 : index
          %parallel_loop3A_713 = tpu.vector_load %parallel_loop3A_710[%parallel_loop3A_711, %parallel_loop3A_712] {strides = array<i32>} : memref<128x64xbf16, #tpu.memory_space<vmem>>, vector<32xbf16>,
          %parallel_loop3A_714 = arith.mulf %parallel_loop3A_713, %get3A_630 : vector<32xbf16>
          %parallel_loop3A_715 = arith.constant 0 : i32
          %parallel_loop3A_716 = arith.constant 0 : i32
          %parallel_loop3A_717 = tpu.memref_slice %arg10[%parallel_loop3A_643, %parallel_loop3A_715, %parallel_loop3A_716] : memref<8x128x64xbf16, #tpu.memory_space<vmem>> -> memref<1x128x64xbf16, #tpu.memory_space<vmem>>
          %parallel_loop3A_718 = tpu.memref_squeeze %parallel_loop3A_717 : memref<1x128x64xbf16, #tpu.memory_space<vmem>> -> memref<128x64xbf16, #tpu.memory_space<vmem>>
          %parallel_loop3A_719 = arith.index_cast %parallel_loop3A_706 : i32 to index
          %parallel_loop3A_720 = arith.constant 32 : index
          %parallel_loop3A_721 = tpu.vector_load %parallel_loop3A_718[%parallel_loop3A_719, %parallel_loop3A_720] {strides = array<i32>} : memref<128x64xbf16, #tpu.memory_space<vmem>>, vector<32xbf16>,
          %parallel_loop3A_722 = arith.mulf %parallel_loop3A_721, %get3A_633 : vector<32xbf16>
          %parallel_loop3A_723 = arith.addf %parallel_loop3A_714, %parallel_loop3A_722 : vector<32xbf16>
          %parallel_loop3A_724 = tpu.unpack_subelements %parallel_loop3A_723, 0 {pack_format = #tpu.pack_format<interleaved>} : vector<32xbf16> -> vector<16xf32>
          %parallel_loop3A_725 = tpu.unpack_subelements %parallel_loop3A_723, 1 {pack_format = #tpu.pack_format<interleaved>} : vector<32xbf16> -> vector<16xf32>
          %parallel_loop3A_726 = arith.addf %parallel_loop3A_724, %parallel_loop3A_725 : vector<16xf32>
          %parallel_loop3A_727 = arith.constant true
          %parallel_loop3A_728 = vector.broadcast %parallel_loop3A_727 : i1 to vector<16xi1>
          %parallel_loop3A_729 = tpu.scan <sum>, %parallel_loop3A_726 masked %parallel_loop3A_728 : vector<16xf32>, vector<16xi1> -> vector<16xf32>
          %parallel_loop3A_730 = vector.broadcast %parallel_loop3A_706 : i32 to vector<16xi32>
          %parallel_loop3A_731 = arith.addi %add3A_639, %parallel_loop3A_730 : vector<16xi32>
          %parallel_loop3A_732 = arith.constant 0 : i32
          %parallel_loop3A_733 = arith.constant 0 : i32
          %parallel_loop3A_734 = tpu.memref_slice %arg11[%parallel_loop3A_732, %parallel_loop3A_733] : memref<2x2048xf32, #tpu.memory_space<vmem>> -> memref<1x2048xf32, #tpu.memory_space<vmem>>
          %parallel_loop3A_735 = tpu.memref_squeeze %parallel_loop3A_734 : memref<1x2048xf32, #tpu.memory_space<vmem>> -> memref<2048xf32, #tpu.memory_space<vmem>>
          tpu.vector_store_idx %parallel_loop3A_735[%parallel_loop3A_731], %parallel_loop3A_729 masked %eq3A_4 : memref<2048xf32, #tpu.memory_space<vmem>>[vector<16xi32>], vector<16xf32>, vector<16xi1>
        } {sc.loop_unroll_factor = 8 : i64, sc.parallel_access}
        %add3A_644 = arith.constant 6 : i32
        %add3A_645 = arith.addi %add3A_285, %add3A_644 : i32
        %add3A_646 = arith.constant 8 : i32
        %add3A_647 = arith.addi %add3A_645, %add3A_646 : i32
        %lt3A_648 = arith.constant 512 : i32
        %lt3A_649 = arith.cmpi slt, %add3A_647, %lt3A_648 : i32
        %convert_element_type3A_650 = arith.extui %lt3A_649 : i1 to i32
        %cond3A_651 = arith.constant 0 : i32
        %cond3A_652 = arith.cmpi ne, %convert_element_type3A_650, %cond3A_651 : i32
        scf.if %cond3A_652 {
          %add3A_706 = arith.constant 6 : i32
          %add3A_707 = arith.addi %add3A_285, %add3A_706 : i32
          %add3A_708 = arith.constant 8 : i32
          %add3A_709 = arith.addi %add3A_707, %add3A_708 : i32
          %mul3A_710 = arith.constant 2 : i32
          %mul3A_711 = arith.muli %mul3A_710, %add3A_709 : i32
          %add3A_712 = arith.constant 0 : i32
          %add3A_713 = arith.addi %mul3A_711, %add3A_712 : i32
          %dma_start3A_714 = arith.constant 6 : i32
          %dma_start3A_715 = arith.constant 0 : i32
          %dma_start3A_716 = arith.constant 0 : i32
          %dma_start3A_717 = tpu.memref_slice %arg10[%dma_start3A_714, %dma_start3A_715, %dma_start3A_716] : memref<8x128x64xbf16, #tpu.memory_space<vmem>> -> memref<1x64x64xbf16, #tpu.memory_space<vmem>>
          %dma_start3A_718 = tpu.memref_squeeze %dma_start3A_717 : memref<1x64x64xbf16, #tpu.memory_space<vmem>> -> memref<64x64xbf16, #tpu.memory_space<vmem>>
          %dma_start3A_719 = arith.constant 0 : i32
          %dma_start3A_720 = tpu.memref_slice %arg7[%add3A_713, %dma_start3A_719] : memref<1024x64xi32, #tpu.memory_space<vmem>> -> memref<1x64xi32, #tpu.memory_space<vmem>>
          %dma_start3A_721 = tpu.memref_squeeze %dma_start3A_720 : memref<1x64xi32, #tpu.memory_space<vmem>> -> memref<64xi32, #tpu.memory_space<vmem>>
          %dma_start3A_722 = arith.constant 0 : i32
          %dma_start3A_723 = arith.constant 0 : i32
          %dma_start3A_724 = tpu.memref_slice %arg3[%dma_start3A_722, %dma_start3A_723] : memref<100000x64xbf16, #tpu.memory_space<hbm>> -> memref<100000x64xbf16, #tpu.memory_space<hbm>>
          tpu.enqueue_indirect_dma source(%dma_start3A_724 : memref<100000x64xbf16, #tpu.memory_space<hbm>>) target(%dma_start3A_718 : memref<64x64xbf16, #tpu.memory_space<vmem>>) offsets(%dma_start3A_721 : memref<64xi32, #tpu.memory_space<vmem>>) semaphore(%arg18 : memref<!tpu.dma_semaphore, #tpu.memory_space<semaphore_mem>>)
          %mul3A_725 = arith.constant 2 : i32
          %mul3A_726 = arith.muli %mul3A_725, %add3A_709 : i32
          %add3A_727 = arith.constant 1 : i32
          %add3A_728 = arith.addi %mul3A_726, %add3A_727 : i32
          %dma_start3A_729 = arith.constant 6 : i32
          %dma_start3A_730 = arith.constant 64 : i32
          %dma_start3A_731 = arith.constant 0 : i32
          %dma_start3A_732 = tpu.memref_slice %arg10[%dma_start3A_729, %dma_start3A_730, %dma_start3A_731] : memref<8x128x64xbf16, #tpu.memory_space<vmem>> -> memref<1x64x64xbf16, #tpu.memory_space<vmem>>
          %dma_start3A_733 = tpu.memref_squeeze %dma_start3A_732 : memref<1x64x64xbf16, #tpu.memory_space<vmem>> -> memref<64x64xbf16, #tpu.memory_space<vmem>>
          %dma_start3A_734 = arith.constant 0 : i32
          %dma_start3A_735 = tpu.memref_slice %arg7[%add3A_728, %dma_start3A_734] : memref<1024x64xi32, #tpu.memory_space<vmem>> -> memref<1x64xi32, #tpu.memory_space<vmem>>
          %dma_start3A_736 = tpu.memref_squeeze %dma_start3A_735 : memref<1x64xi32, #tpu.memory_space<vmem>> -> memref<64xi32, #tpu.memory_space<vmem>>
          %dma_start3A_737 = arith.constant 0 : i32
          %dma_start3A_738 = arith.constant 0 : i32
          %dma_start3A_739 = tpu.memref_slice %arg3[%dma_start3A_737, %dma_start3A_738] : memref<100000x64xbf16, #tpu.memory_space<hbm>> -> memref<100000x64xbf16, #tpu.memory_space<hbm>>
          tpu.enqueue_indirect_dma source(%dma_start3A_739 : memref<100000x64xbf16, #tpu.memory_space<hbm>>) target(%dma_start3A_733 : memref<64x64xbf16, #tpu.memory_space<vmem>>) offsets(%dma_start3A_736 : memref<64xi32, #tpu.memory_space<vmem>>) semaphore(%arg18 : memref<!tpu.dma_semaphore, #tpu.memory_space<semaphore_mem>>)
        } else {
        }
        %dma_wait3A_653 = arith.constant 0 : i32
        %dma_wait3A_654 = arith.constant 7 : i32
        %dma_wait3A_655 = arith.constant 0 : i32
        %dma_wait3A_656 = arith.constant 0 : i32
        %dma_wait3A_657 = tpu.memref_slice %arg10[%dma_wait3A_654, %dma_wait3A_655, %dma_wait3A_656] : memref<8x128x64xbf16, #tpu.memory_space<vmem>> -> memref<1x64x64xbf16, #tpu.memory_space<vmem>>
        %dma_wait3A_658 = tpu.memref_squeeze %dma_wait3A_657 : memref<1x64x64xbf16, #tpu.memory_space<vmem>> -> memref<64x64xbf16, #tpu.memory_space<vmem>>
        %dma_wait3A_659 = arith.constant 0 : i32
        %dma_wait3A_660 = tpu.memref_slice %arg7[%dma_wait3A_653, %dma_wait3A_659] : memref<1024x64xi32, #tpu.memory_space<vmem>> -> memref<1x64xi32, #tpu.memory_space<vmem>>
        %dma_wait3A_661 = tpu.memref_squeeze %dma_wait3A_660 : memref<1x64xi32, #tpu.memory_space<vmem>> -> memref<64xi32, #tpu.memory_space<vmem>>
        %dma_wait3A_662 = arith.constant 0 : i32
        %dma_wait3A_663 = arith.constant 0 : i32
        %dma_wait3A_664 = tpu.memref_slice %arg3[%dma_wait3A_662, %dma_wait3A_663] : memref<100000x64xbf16, #tpu.memory_space<hbm>> -> memref<100000x64xbf16, #tpu.memory_space<hbm>>
        tpu.wait_indirect_dma semaphore(%arg19 : memref<!tpu.dma_semaphore, #tpu.memory_space<semaphore_mem>>) src(%dma_wait3A_664 : memref<100000x64xbf16, #tpu.memory_space<hbm>>) dst(%dma_wait3A_658 : memref<64x64xbf16, #tpu.memory_space<vmem>>)
        %dma_wait3A_665 = arith.constant 1 : i32
        %dma_wait3A_666 = arith.constant 7 : i32
        %dma_wait3A_667 = arith.constant 64 : i32
        %dma_wait3A_668 = arith.constant 0 : i32
        %dma_wait3A_669 = tpu.memref_slice %arg10[%dma_wait3A_666, %dma_wait3A_667, %dma_wait3A_668] : memref<8x128x64xbf16, #tpu.memory_space<vmem>> -> memref<1x64x64xbf16, #tpu.memory_space<vmem>>
        %dma_wait3A_670 = tpu.memref_squeeze %dma_wait3A_669 : memref<1x64x64xbf16, #tpu.memory_space<vmem>> -> memref<64x64xbf16, #tpu.memory_space<vmem>>
        %dma_wait3A_671 = arith.constant 0 : i32
        %dma_wait3A_672 = tpu.memref_slice %arg7[%dma_wait3A_665, %dma_wait3A_671] : memref<1024x64xi32, #tpu.memory_space<vmem>> -> memref<1x64xi32, #tpu.memory_space<vmem>>
        %dma_wait3A_673 = tpu.memref_squeeze %dma_wait3A_672 : memref<1x64xi32, #tpu.memory_space<vmem>> -> memref<64xi32, #tpu.memory_space<vmem>>
        %dma_wait3A_674 = arith.constant 0 : i32
        %dma_wait3A_675 = arith.constant 0 : i32
        %dma_wait3A_676 = tpu.memref_slice %arg3[%dma_wait3A_674, %dma_wait3A_675] : memref<100000x64xbf16, #tpu.memory_space<hbm>> -> memref<100000x64xbf16, #tpu.memory_space<hbm>>
        tpu.wait_indirect_dma semaphore(%arg19 : memref<!tpu.dma_semaphore, #tpu.memory_space<semaphore_mem>>) src(%dma_wait3A_676 : memref<100000x64xbf16, #tpu.memory_space<hbm>>) dst(%dma_wait3A_670 : memref<64x64xbf16, #tpu.memory_space<vmem>>)
        %add3A_677 = arith.constant 7 : i32
        %add3A_678 = arith.addi %add3A_285, %add3A_677 : i32
        %add3A_679 = arith.constant 7 : i32
        %add3A_680 = arith.addi %add3A_282, %add3A_679 : i32
        %get3A_681 = arith.index_cast %add3A_678 : i32 to index
        %get3A_682 = arith.constant 0 : index
        %get3A_683 = tpu.vector_load %arg9[%get3A_681, %get3A_682] {strides = array<i32>} : memref<512x64xbf16, #tpu.memory_space<vmem>>, vector<32xbf16>,
        %get3A_684 = arith.index_cast %add3A_678 : i32 to index
        %get3A_685 = arith.constant 32 : index
        %get3A_686 = tpu.vector_load %arg9[%get3A_684, %get3A_685] {strides = array<i32>} : memref<512x64xbf16, #tpu.memory_space<vmem>>, vector<32xbf16>,
        %broadcast_in_dim3A_687 = arith.constant 0 : i32
        %broadcast_in_dim3A_688 = vector.broadcast %broadcast_in_dim3A_687 : i32 to vector<16xi32>
        %mul3A_689 = arith.constant 128 : i32
        %mul3A_690 = arith.muli %add3A_680, %mul3A_689 : i32
        %add3A_691 = vector.broadcast %mul3A_690 : i32 to vector<16xi32>
        %add3A_692 = arith.addi %broadcast_in_dim3A_688, %add3A_691 : vector<16xi32>
        %parallel_loop3A_693 = arith.constant 0 : i32
        %parallel_loop3A_694 = arith.constant 128 : i32
        %parallel_loop3A_695 = arith.constant 1 : i32
        %parallel_loop3A_696 = arith.constant 7 : i32
        scf.for %parallel_loop3A_706 = %parallel_loop3A_693 to %parallel_loop3A_694 step %parallel_loop3A_695  : i32 {
          %parallel_loop3A_707 = arith.constant 0 : i32
          %parallel_loop3A_708 = arith.constant 0 : i32
          %parallel_loop3A_709 = tpu.memref_slice %arg10[%parallel_loop3A_696, %parallel_loop3A_707, %parallel_loop3A_708] : memref<8x128x64xbf16, #tpu.memory_space<vmem>> -> memref<1x128x64xbf16, #tpu.memory_space<vmem>>
          %parallel_loop3A_710 = tpu.memref_squeeze %parallel_loop3A_709 : memref<1x128x64xbf16, #tpu.memory_space<vmem>> -> memref<128x64xbf16, #tpu.memory_space<vmem>>
          %parallel_loop3A_711 = arith.index_cast %parallel_loop3A_706 : i32 to index
          %parallel_loop3A_712 = arith.constant 0 : index
          %parallel_loop3A_713 = tpu.vector_load %parallel_loop3A_710[%parallel_loop3A_711, %parallel_loop3A_712] {strides = array<i32>} : memref<128x64xbf16, #tpu.memory_space<vmem>>, vector<32xbf16>,
          %parallel_loop3A_714 = arith.mulf %parallel_loop3A_713, %get3A_683 : vector<32xbf16>
          %parallel_loop3A_715 = arith.constant 0 : i32
          %parallel_loop3A_716 = arith.constant 0 : i32
          %parallel_loop3A_717 = tpu.memref_slice %arg10[%parallel_loop3A_696, %parallel_loop3A_715, %parallel_loop3A_716] : memref<8x128x64xbf16, #tpu.memory_space<vmem>> -> memref<1x128x64xbf16, #tpu.memory_space<vmem>>
          %parallel_loop3A_718 = tpu.memref_squeeze %parallel_loop3A_717 : memref<1x128x64xbf16, #tpu.memory_space<vmem>> -> memref<128x64xbf16, #tpu.memory_space<vmem>>
          %parallel_loop3A_719 = arith.index_cast %parallel_loop3A_706 : i32 to index
          %parallel_loop3A_720 = arith.constant 32 : index
          %parallel_loop3A_721 = tpu.vector_load %parallel_loop3A_718[%parallel_loop3A_719, %parallel_loop3A_720] {strides = array<i32>} : memref<128x64xbf16, #tpu.memory_space<vmem>>, vector<32xbf16>,
          %parallel_loop3A_722 = arith.mulf %parallel_loop3A_721, %get3A_686 : vector<32xbf16>
          %parallel_loop3A_723 = arith.addf %parallel_loop3A_714, %parallel_loop3A_722 : vector<32xbf16>
          %parallel_loop3A_724 = tpu.unpack_subelements %parallel_loop3A_723, 0 {pack_format = #tpu.pack_format<interleaved>} : vector<32xbf16> -> vector<16xf32>
          %parallel_loop3A_725 = tpu.unpack_subelements %parallel_loop3A_723, 1 {pack_format = #tpu.pack_format<interleaved>} : vector<32xbf16> -> vector<16xf32>
          %parallel_loop3A_726 = arith.addf %parallel_loop3A_724, %parallel_loop3A_725 : vector<16xf32>
          %parallel_loop3A_727 = arith.constant true
          %parallel_loop3A_728 = vector.broadcast %parallel_loop3A_727 : i1 to vector<16xi1>
          %parallel_loop3A_729 = tpu.scan <sum>, %parallel_loop3A_726 masked %parallel_loop3A_728 : vector<16xf32>, vector<16xi1> -> vector<16xf32>
          %parallel_loop3A_730 = vector.broadcast %parallel_loop3A_706 : i32 to vector<16xi32>
          %parallel_loop3A_731 = arith.addi %add3A_692, %parallel_loop3A_730 : vector<16xi32>
          %parallel_loop3A_732 = arith.constant 0 : i32
          %parallel_loop3A_733 = arith.constant 0 : i32
          %parallel_loop3A_734 = tpu.memref_slice %arg11[%parallel_loop3A_732, %parallel_loop3A_733] : memref<2x2048xf32, #tpu.memory_space<vmem>> -> memref<1x2048xf32, #tpu.memory_space<vmem>>
          %parallel_loop3A_735 = tpu.memref_squeeze %parallel_loop3A_734 : memref<1x2048xf32, #tpu.memory_space<vmem>> -> memref<2048xf32, #tpu.memory_space<vmem>>
          tpu.vector_store_idx %parallel_loop3A_735[%parallel_loop3A_731], %parallel_loop3A_729 masked %eq3A_4 : memref<2048xf32, #tpu.memory_space<vmem>>[vector<16xi32>], vector<16xf32>, vector<16xi1>
        } {sc.loop_unroll_factor = 8 : i64, sc.parallel_access}
        %add3A_697 = arith.constant 7 : i32
        %add3A_698 = arith.addi %add3A_285, %add3A_697 : i32
        %add3A_699 = arith.constant 8 : i32
        %add3A_700 = arith.addi %add3A_698, %add3A_699 : i32
        %lt3A_701 = arith.constant 512 : i32
        %lt3A_702 = arith.cmpi slt, %add3A_700, %lt3A_701 : i32
        %convert_element_type3A_703 = arith.extui %lt3A_702 : i1 to i32
        %cond3A_704 = arith.constant 0 : i32
        %cond3A_705 = arith.cmpi ne, %convert_element_type3A_703, %cond3A_704 : i32
        scf.if %cond3A_705 {
          %add3A_706 = arith.constant 7 : i32
          %add3A_707 = arith.addi %add3A_285, %add3A_706 : i32
          %add3A_708 = arith.constant 8 : i32
          %add3A_709 = arith.addi %add3A_707, %add3A_708 : i32
          %mul3A_710 = arith.constant 2 : i32
          %mul3A_711 = arith.muli %mul3A_710, %add3A_709 : i32
          %add3A_712 = arith.constant 0 : i32
          %add3A_713 = arith.addi %mul3A_711, %add3A_712 : i32
          %dma_start3A_714 = arith.constant 7 : i32
          %dma_start3A_715 = arith.constant 0 : i32
          %dma_start3A_716 = arith.constant 0 : i32
          %dma_start3A_717 = tpu.memref_slice %arg10[%dma_start3A_714, %dma_start3A_715, %dma_start3A_716] : memref<8x128x64xbf16, #tpu.memory_space<vmem>> -> memref<1x64x64xbf16, #tpu.memory_space<vmem>>
          %dma_start3A_718 = tpu.memref_squeeze %dma_start3A_717 : memref<1x64x64xbf16, #tpu.memory_space<vmem>> -> memref<64x64xbf16, #tpu.memory_space<vmem>>
          %dma_start3A_719 = arith.constant 0 : i32
          %dma_start3A_720 = tpu.memref_slice %arg7[%add3A_713, %dma_start3A_719] : memref<1024x64xi32, #tpu.memory_space<vmem>> -> memref<1x64xi32, #tpu.memory_space<vmem>>
          %dma_start3A_721 = tpu.memref_squeeze %dma_start3A_720 : memref<1x64xi32, #tpu.memory_space<vmem>> -> memref<64xi32, #tpu.memory_space<vmem>>
          %dma_start3A_722 = arith.constant 0 : i32
          %dma_start3A_723 = arith.constant 0 : i32
          %dma_start3A_724 = tpu.memref_slice %arg3[%dma_start3A_722, %dma_start3A_723] : memref<100000x64xbf16, #tpu.memory_space<hbm>> -> memref<100000x64xbf16, #tpu.memory_space<hbm>>
          tpu.enqueue_indirect_dma source(%dma_start3A_724 : memref<100000x64xbf16, #tpu.memory_space<hbm>>) target(%dma_start3A_718 : memref<64x64xbf16, #tpu.memory_space<vmem>>) offsets(%dma_start3A_721 : memref<64xi32, #tpu.memory_space<vmem>>) semaphore(%arg19 : memref<!tpu.dma_semaphore, #tpu.memory_space<semaphore_mem>>)
          %mul3A_725 = arith.constant 2 : i32
          %mul3A_726 = arith.muli %mul3A_725, %add3A_709 : i32
          %add3A_727 = arith.constant 1 : i32
          %add3A_728 = arith.addi %mul3A_726, %add3A_727 : i32
          %dma_start3A_729 = arith.constant 7 : i32
          %dma_start3A_730 = arith.constant 64 : i32
          %dma_start3A_731 = arith.constant 0 : i32
          %dma_start3A_732 = tpu.memref_slice %arg10[%dma_start3A_729, %dma_start3A_730, %dma_start3A_731] : memref<8x128x64xbf16, #tpu.memory_space<vmem>> -> memref<1x64x64xbf16, #tpu.memory_space<vmem>>
          %dma_start3A_733 = tpu.memref_squeeze %dma_start3A_732 : memref<1x64x64xbf16, #tpu.memory_space<vmem>> -> memref<64x64xbf16, #tpu.memory_space<vmem>>
          %dma_start3A_734 = arith.constant 0 : i32
          %dma_start3A_735 = tpu.memref_slice %arg7[%add3A_728, %dma_start3A_734] : memref<1024x64xi32, #tpu.memory_space<vmem>> -> memref<1x64xi32, #tpu.memory_space<vmem>>
          %dma_start3A_736 = tpu.memref_squeeze %dma_start3A_735 : memref<1x64xi32, #tpu.memory_space<vmem>> -> memref<64xi32, #tpu.memory_space<vmem>>
          %dma_start3A_737 = arith.constant 0 : i32
          %dma_start3A_738 = arith.constant 0 : i32
          %dma_start3A_739 = tpu.memref_slice %arg3[%dma_start3A_737, %dma_start3A_738] : memref<100000x64xbf16, #tpu.memory_space<hbm>> -> memref<100000x64xbf16, #tpu.memory_space<hbm>>
          tpu.enqueue_indirect_dma source(%dma_start3A_739 : memref<100000x64xbf16, #tpu.memory_space<hbm>>) target(%dma_start3A_733 : memref<64x64xbf16, #tpu.memory_space<vmem>>) offsets(%dma_start3A_736 : memref<64xi32, #tpu.memory_space<vmem>>) semaphore(%arg19 : memref<!tpu.dma_semaphore, #tpu.memory_space<semaphore_mem>>)
        } else {
        }
      }
      %scan3A_237 = arith.constant 2 : i32
      %mul3A_238 = arith.constant 16 : i32
      %mul3A_239 = arith.muli %add3A_230, %mul3A_238 : i32
      %add3A_240 = arith.addi %mul3A_2, %mul3A_239 : i32
      %mul3A_241 = arith.constant 128 : i32
      %mul3A_242 = arith.muli %add3A_240, %mul3A_241 : i32
      %dma_start3A_243 = arith.constant 0 : i32
      %dma_start3A_244 = arith.constant 0 : i32
      %dma_start3A_245 = tpu.memref_slice %arg11[%dma_start3A_243, %dma_start3A_244] : memref<2x2048xf32, #tpu.memory_space<vmem>> -> memref<1x2048xf32, #tpu.memory_space<vmem>>
      %dma_start3A_246 = tpu.memref_squeeze %dma_start3A_245 : memref<1x2048xf32, #tpu.memory_space<vmem>> -> memref<2048xf32, #tpu.memory_space<vmem>>
      %dma_start3A_247 = tpu.memref_slice %arg6[%mul3A_242] : memref<2097152xf32, #tpu.memory_space<hbm>> -> memref<2048xf32, #tpu.memory_space<hbm>>
      %dma_start3A_248 = tpu.memref_slice %arg6[%mul3A_242] : memref<2097152xf32, #tpu.memory_space<hbm>> -> memref<2048xf32, #tpu.memory_space<hbm>>
      %dma_start3A_249 = arith.constant 0 : i32
      %dma_start3A_250 = tpu.memref_slice %arg11[%dma_start3A_243, %dma_start3A_249] : memref<2x2048xf32, #tpu.memory_space<vmem>> -> memref<1x2048xf32, #tpu.memory_space<vmem>>
      %dma_start3A_251 = tpu.memref_squeeze %dma_start3A_250 : memref<1x2048xf32, #tpu.memory_space<vmem>> -> memref<2048xf32, #tpu.memory_space<vmem>>
      tpu.enqueue_dma source(%dma_start3A_251 : memref<2048xf32, #tpu.memory_space<vmem>>) target(%dma_start3A_248 : memref<2048xf32, #tpu.memory_space<hbm>>) target_semaphore(%arg20 : memref<!tpu.dma_semaphore, #tpu.memory_space<semaphore_mem>>)
      %ge3A_252 = arith.constant 2 : i32
      %ge3A_253 = arith.cmpi sge, %add3A_230, %ge3A_252 : i32
      %convert_element_type3A_254 = arith.extui %ge3A_253 : i1 to i32
      %cond3A_255 = arith.constant 0 : i32
      %cond3A_256 = arith.cmpi ne, %convert_element_type3A_254, %cond3A_255 : i32
      scf.if %cond3A_256 {
        %dma_wait3A_278 = arith.constant 1 : i32
        %dma_wait3A_279 = arith.constant 0 : i32
        %dma_wait3A_280 = tpu.memref_slice %arg11[%dma_wait3A_278, %dma_wait3A_279] : memref<2x2048xf32, #tpu.memory_space<vmem>> -> memref<1x2048xf32, #tpu.memory_space<vmem>>
        %dma_wait3A_281 = tpu.memref_squeeze %dma_wait3A_280 : memref<1x2048xf32, #tpu.memory_space<vmem>> -> memref<2048xf32, #tpu.memory_space<vmem>>
        %dma_wait3A_282 = arith.constant 0 : i32
        %dma_wait3A_283 = tpu.memref_slice %arg6[%dma_wait3A_282] : memref<2097152xf32, #tpu.memory_space<hbm>> -> memref<2048xf32, #tpu.memory_space<hbm>>
        %dma_wait3A_284 = arith.constant 0 : i32
        %dma_wait3A_285 = tpu.memref_slice %arg6[%dma_wait3A_284] : memref<2097152xf32, #tpu.memory_space<hbm>> -> memref<2048xf32, #tpu.memory_space<hbm>>
        %dma_wait3A_286 = arith.constant 0 : i32
        %dma_wait3A_287 = tpu.memref_slice %arg11[%dma_wait3A_278, %dma_wait3A_286] : memref<2x2048xf32, #tpu.memory_space<vmem>> -> memref<1x2048xf32, #tpu.memory_space<vmem>>
        %dma_wait3A_288 = tpu.memref_squeeze %dma_wait3A_287 : memref<1x2048xf32, #tpu.memory_space<vmem>> -> memref<2048xf32, #tpu.memory_space<vmem>>
        tpu.wait_dma2 semaphore(%arg21 : memref<!tpu.dma_semaphore, #tpu.memory_space<semaphore_mem>>) src(%dma_wait3A_288 : memref<2048xf32, #tpu.memory_space<vmem>>) dst(%dma_wait3A_285 : memref<2048xf32, #tpu.memory_space<hbm>>)
      } else {
      }
      %add3A_257 = arith.constant 1 : i32
      %add3A_258 = arith.addi %add3A_230, %add3A_257 : i32
      %scan3A_259 = arith.constant 0 : i32
      %scan3A_260 = arith.constant 2 : i32
      %scan3A_261 = arith.addi %scan3A_259, %scan3A_260 : i32
      %scan3A_262 = arith.constant 1 : i32
      scf.for %scan3A_278 = %scan3A_259 to %scan3A_261 step %scan3A_262  : i32 {
        %mul3A_279 = arith.constant 8 : i32
        %mul3A_280 = arith.muli %scan3A_278, %mul3A_279 : i32
        %add3A_281 = arith.constant 0 : i32
        %add3A_282 = arith.addi %add3A_281, %mul3A_280 : i32
        %mul3A_283 = arith.constant 16 : i32
        %mul3A_284 = arith.muli %add3A_258, %mul3A_283 : i32
        %add3A_285 = arith.addi %mul3A_284, %add3A_282 : i32
        %dma_wait3A_286 = arith.constant 0 : i32
        %dma_wait3A_287 = arith.constant 0 : i32
        %dma_wait3A_288 = arith.constant 0 : i32
        %dma_wait3A_289 = arith.constant 0 : i32
        %dma_wait3A_290 = tpu.memref_slice %arg10[%dma_wait3A_287, %dma_wait3A_288, %dma_wait3A_289] : memref<8x128x64xbf16, #tpu.memory_space<vmem>> -> memref<1x64x64xbf16, #tpu.memory_space<vmem>>
        %dma_wait3A_291 = tpu.memref_squeeze %dma_wait3A_290 : memref<1x64x64xbf16, #tpu.memory_space<vmem>> -> memref<64x64xbf16, #tpu.memory_space<vmem>>
        %dma_wait3A_292 = arith.constant 0 : i32
        %dma_wait3A_293 = tpu.memref_slice %arg7[%dma_wait3A_286, %dma_wait3A_292] : memref<1024x64xi32, #tpu.memory_space<vmem>> -> memref<1x64xi32, #tpu.memory_space<vmem>>
        %dma_wait3A_294 = tpu.memref_squeeze %dma_wait3A_293 : memref<1x64xi32, #tpu.memory_space<vmem>> -> memref<64xi32, #tpu.memory_space<vmem>>
        %dma_wait3A_295 = arith.constant 0 : i32
        %dma_wait3A_296 = arith.constant 0 : i32
        %dma_wait3A_297 = tpu.memref_slice %arg3[%dma_wait3A_295, %dma_wait3A_296] : memref<100000x64xbf16, #tpu.memory_space<hbm>> -> memref<100000x64xbf16, #tpu.memory_space<hbm>>
        tpu.wait_indirect_dma semaphore(%arg12 : memref<!tpu.dma_semaphore, #tpu.memory_space<semaphore_mem>>) src(%dma_wait3A_297 : memref<100000x64xbf16, #tpu.memory_space<hbm>>) dst(%dma_wait3A_291 : memref<64x64xbf16, #tpu.memory_space<vmem>>)
        %dma_wait3A_298 = arith.constant 1 : i32
        %dma_wait3A_299 = arith.constant 0 : i32
        %dma_wait3A_300 = arith.constant 64 : i32
        %dma_wait3A_301 = arith.constant 0 : i32
        %dma_wait3A_302 = tpu.memref_slice %arg10[%dma_wait3A_299, %dma_wait3A_300, %dma_wait3A_301] : memref<8x128x64xbf16, #tpu.memory_space<vmem>> -> memref<1x64x64xbf16, #tpu.memory_space<vmem>>
        %dma_wait3A_303 = tpu.memref_squeeze %dma_wait3A_302 : memref<1x64x64xbf16, #tpu.memory_space<vmem>> -> memref<64x64xbf16, #tpu.memory_space<vmem>>
        %dma_wait3A_304 = arith.constant 0 : i32
        %dma_wait3A_305 = tpu.memref_slice %arg7[%dma_wait3A_298, %dma_wait3A_304] : memref<1024x64xi32, #tpu.memory_space<vmem>> -> memref<1x64xi32, #tpu.memory_space<vmem>>
        %dma_wait3A_306 = tpu.memref_squeeze %dma_wait3A_305 : memref<1x64xi32, #tpu.memory_space<vmem>> -> memref<64xi32, #tpu.memory_space<vmem>>
        %dma_wait3A_307 = arith.constant 0 : i32
        %dma_wait3A_308 = arith.constant 0 : i32
        %dma_wait3A_309 = tpu.memref_slice %arg3[%dma_wait3A_307, %dma_wait3A_308] : memref<100000x64xbf16, #tpu.memory_space<hbm>> -> memref<100000x64xbf16, #tpu.memory_space<hbm>>
        tpu.wait_indirect_dma semaphore(%arg12 : memref<!tpu.dma_semaphore, #tpu.memory_space<semaphore_mem>>) src(%dma_wait3A_309 : memref<100000x64xbf16, #tpu.memory_space<hbm>>) dst(%dma_wait3A_303 : memref<64x64xbf16, #tpu.memory_space<vmem>>)
        %add3A_310 = arith.constant 0 : i32
        %add3A_311 = arith.addi %add3A_285, %add3A_310 : i32
        %add3A_312 = arith.constant 0 : i32
        %add3A_313 = arith.addi %add3A_282, %add3A_312 : i32
        %get3A = arith.index_cast %add3A_311 : i32 to index
        %get3A_314 = arith.constant 0 : index
        %get3A_315 = tpu.vector_load %arg9[%get3A, %get3A_314] {strides = array<i32>} : memref<512x64xbf16, #tpu.memory_space<vmem>>, vector<32xbf16>,
        %get3A_316 = arith.index_cast %add3A_311 : i32 to index
        %get3A_317 = arith.constant 32 : index
        %get3A_318 = tpu.vector_load %arg9[%get3A_316, %get3A_317] {strides = array<i32>} : memref<512x64xbf16, #tpu.memory_space<vmem>>, vector<32xbf16>,
        %broadcast_in_dim3A = arith.constant 0 : i32
        %broadcast_in_dim3A_319 = vector.broadcast %broadcast_in_dim3A : i32 to vector<16xi32>
        %mul3A_320 = arith.constant 128 : i32
        %mul3A_321 = arith.muli %add3A_313, %mul3A_320 : i32
        %add3A_322 = vector.broadcast %mul3A_321 : i32 to vector<16xi32>
        %add3A_323 = arith.addi %broadcast_in_dim3A_319, %add3A_322 : vector<16xi32>
        %parallel_loop3A = arith.constant 0 : i32
        %parallel_loop3A_324 = arith.constant 128 : i32
        %parallel_loop3A_325 = arith.constant 1 : i32
        %parallel_loop3A_326 = arith.constant 0 : i32
        scf.for %parallel_loop3A_706 = %parallel_loop3A to %parallel_loop3A_324 step %parallel_loop3A_325  : i32 {
          %parallel_loop3A_707 = arith.constant 0 : i32
          %parallel_loop3A_708 = arith.constant 0 : i32
          %parallel_loop3A_709 = tpu.memref_slice %arg10[%parallel_loop3A_326, %parallel_loop3A_707, %parallel_loop3A_708] : memref<8x128x64xbf16, #tpu.memory_space<vmem>> -> memref<1x128x64xbf16, #tpu.memory_space<vmem>>
          %parallel_loop3A_710 = tpu.memref_squeeze %parallel_loop3A_709 : memref<1x128x64xbf16, #tpu.memory_space<vmem>> -> memref<128x64xbf16, #tpu.memory_space<vmem>>
          %parallel_loop3A_711 = arith.index_cast %parallel_loop3A_706 : i32 to index
          %parallel_loop3A_712 = arith.constant 0 : index
          %parallel_loop3A_713 = tpu.vector_load %parallel_loop3A_710[%parallel_loop3A_711, %parallel_loop3A_712] {strides = array<i32>} : memref<128x64xbf16, #tpu.memory_space<vmem>>, vector<32xbf16>,
          %parallel_loop3A_714 = arith.mulf %parallel_loop3A_713, %get3A_315 : vector<32xbf16>
          %parallel_loop3A_715 = arith.constant 0 : i32
          %parallel_loop3A_716 = arith.constant 0 : i32
          %parallel_loop3A_717 = tpu.memref_slice %arg10[%parallel_loop3A_326, %parallel_loop3A_715, %parallel_loop3A_716] : memref<8x128x64xbf16, #tpu.memory_space<vmem>> -> memref<1x128x64xbf16, #tpu.memory_space<vmem>>
          %parallel_loop3A_718 = tpu.memref_squeeze %parallel_loop3A_717 : memref<1x128x64xbf16, #tpu.memory_space<vmem>> -> memref<128x64xbf16, #tpu.memory_space<vmem>>
          %parallel_loop3A_719 = arith.index_cast %parallel_loop3A_706 : i32 to index
          %parallel_loop3A_720 = arith.constant 32 : index
          %parallel_loop3A_721 = tpu.vector_load %parallel_loop3A_718[%parallel_loop3A_719, %parallel_loop3A_720] {strides = array<i32>} : memref<128x64xbf16, #tpu.memory_space<vmem>>, vector<32xbf16>,
          %parallel_loop3A_722 = arith.mulf %parallel_loop3A_721, %get3A_318 : vector<32xbf16>
          %parallel_loop3A_723 = arith.addf %parallel_loop3A_714, %parallel_loop3A_722 : vector<32xbf16>
          %parallel_loop3A_724 = tpu.unpack_subelements %parallel_loop3A_723, 0 {pack_format = #tpu.pack_format<interleaved>} : vector<32xbf16> -> vector<16xf32>
          %parallel_loop3A_725 = tpu.unpack_subelements %parallel_loop3A_723, 1 {pack_format = #tpu.pack_format<interleaved>} : vector<32xbf16> -> vector<16xf32>
          %parallel_loop3A_726 = arith.addf %parallel_loop3A_724, %parallel_loop3A_725 : vector<16xf32>
          %parallel_loop3A_727 = arith.constant true
          %parallel_loop3A_728 = vector.broadcast %parallel_loop3A_727 : i1 to vector<16xi1>
          %parallel_loop3A_729 = tpu.scan <sum>, %parallel_loop3A_726 masked %parallel_loop3A_728 : vector<16xf32>, vector<16xi1> -> vector<16xf32>
          %parallel_loop3A_730 = vector.broadcast %parallel_loop3A_706 : i32 to vector<16xi32>
          %parallel_loop3A_731 = arith.addi %add3A_323, %parallel_loop3A_730 : vector<16xi32>
          %parallel_loop3A_732 = arith.constant 1 : i32
          %parallel_loop3A_733 = arith.constant 0 : i32
          %parallel_loop3A_734 = tpu.memref_slice %arg11[%parallel_loop3A_732, %parallel_loop3A_733] : memref<2x2048xf32, #tpu.memory_space<vmem>> -> memref<1x2048xf32, #tpu.memory_space<vmem>>
          %parallel_loop3A_735 = tpu.memref_squeeze %parallel_loop3A_734 : memref<1x2048xf32, #tpu.memory_space<vmem>> -> memref<2048xf32, #tpu.memory_space<vmem>>
          tpu.vector_store_idx %parallel_loop3A_735[%parallel_loop3A_731], %parallel_loop3A_729 masked %eq3A_4 : memref<2048xf32, #tpu.memory_space<vmem>>[vector<16xi32>], vector<16xf32>, vector<16xi1>
        } {sc.loop_unroll_factor = 8 : i64, sc.parallel_access}
        %add3A_327 = arith.constant 0 : i32
        %add3A_328 = arith.addi %add3A_285, %add3A_327 : i32
        %add3A_329 = arith.constant 8 : i32
        %add3A_330 = arith.addi %add3A_328, %add3A_329 : i32
        %lt3A = arith.constant 512 : i32
        %lt3A_331 = arith.cmpi slt, %add3A_330, %lt3A : i32
        %convert_element_type3A_332 = arith.extui %lt3A_331 : i1 to i32
        %cond3A_333 = arith.constant 0 : i32
        %cond3A_334 = arith.cmpi ne, %convert_element_type3A_332, %cond3A_333 : i32
        scf.if %cond3A_334 {
          %add3A_706 = arith.constant 0 : i32
          %add3A_707 = arith.addi %add3A_285, %add3A_706 : i32
          %add3A_708 = arith.constant 8 : i32
          %add3A_709 = arith.addi %add3A_707, %add3A_708 : i32
          %mul3A_710 = arith.constant 2 : i32
          %mul3A_711 = arith.muli %mul3A_710, %add3A_709 : i32
          %add3A_712 = arith.constant 0 : i32
          %add3A_713 = arith.addi %mul3A_711, %add3A_712 : i32
          %dma_start3A_714 = arith.constant 0 : i32
          %dma_start3A_715 = arith.constant 0 : i32
          %dma_start3A_716 = arith.constant 0 : i32
          %dma_start3A_717 = tpu.memref_slice %arg10[%dma_start3A_714, %dma_start3A_715, %dma_start3A_716] : memref<8x128x64xbf16, #tpu.memory_space<vmem>> -> memref<1x64x64xbf16, #tpu.memory_space<vmem>>
          %dma_start3A_718 = tpu.memref_squeeze %dma_start3A_717 : memref<1x64x64xbf16, #tpu.memory_space<vmem>> -> memref<64x64xbf16, #tpu.memory_space<vmem>>
          %dma_start3A_719 = arith.constant 0 : i32
          %dma_start3A_720 = tpu.memref_slice %arg7[%add3A_713, %dma_start3A_719] : memref<1024x64xi32, #tpu.memory_space<vmem>> -> memref<1x64xi32, #tpu.memory_space<vmem>>
          %dma_start3A_721 = tpu.memref_squeeze %dma_start3A_720 : memref<1x64xi32, #tpu.memory_space<vmem>> -> memref<64xi32, #tpu.memory_space<vmem>>
          %dma_start3A_722 = arith.constant 0 : i32
          %dma_start3A_723 = arith.constant 0 : i32
          %dma_start3A_724 = tpu.memref_slice %arg3[%dma_start3A_722, %dma_start3A_723] : memref<100000x64xbf16, #tpu.memory_space<hbm>> -> memref<100000x64xbf16, #tpu.memory_space<hbm>>
          tpu.enqueue_indirect_dma source(%dma_start3A_724 : memref<100000x64xbf16, #tpu.memory_space<hbm>>) target(%dma_start3A_718 : memref<64x64xbf16, #tpu.memory_space<vmem>>) offsets(%dma_start3A_721 : memref<64xi32, #tpu.memory_space<vmem>>) semaphore(%arg12 : memref<!tpu.dma_semaphore, #tpu.memory_space<semaphore_mem>>)
          %mul3A_725 = arith.constant 2 : i32
          %mul3A_726 = arith.muli %mul3A_725, %add3A_709 : i32
          %add3A_727 = arith.constant 1 : i32
          %add3A_728 = arith.addi %mul3A_726, %add3A_727 : i32
          %dma_start3A_729 = arith.constant 0 : i32
          %dma_start3A_730 = arith.constant 64 : i32
          %dma_start3A_731 = arith.constant 0 : i32
          %dma_start3A_732 = tpu.memref_slice %arg10[%dma_start3A_729, %dma_start3A_730, %dma_start3A_731] : memref<8x128x64xbf16, #tpu.memory_space<vmem>> -> memref<1x64x64xbf16, #tpu.memory_space<vmem>>
          %dma_start3A_733 = tpu.memref_squeeze %dma_start3A_732 : memref<1x64x64xbf16, #tpu.memory_space<vmem>> -> memref<64x64xbf16, #tpu.memory_space<vmem>>
          %dma_start3A_734 = arith.constant 0 : i32
          %dma_start3A_735 = tpu.memref_slice %arg7[%add3A_728, %dma_start3A_734] : memref<1024x64xi32, #tpu.memory_space<vmem>> -> memref<1x64xi32, #tpu.memory_space<vmem>>
          %dma_start3A_736 = tpu.memref_squeeze %dma_start3A_735 : memref<1x64xi32, #tpu.memory_space<vmem>> -> memref<64xi32, #tpu.memory_space<vmem>>
          %dma_start3A_737 = arith.constant 0 : i32
          %dma_start3A_738 = arith.constant 0 : i32
          %dma_start3A_739 = tpu.memref_slice %arg3[%dma_start3A_737, %dma_start3A_738] : memref<100000x64xbf16, #tpu.memory_space<hbm>> -> memref<100000x64xbf16, #tpu.memory_space<hbm>>
          tpu.enqueue_indirect_dma source(%dma_start3A_739 : memref<100000x64xbf16, #tpu.memory_space<hbm>>) target(%dma_start3A_733 : memref<64x64xbf16, #tpu.memory_space<vmem>>) offsets(%dma_start3A_736 : memref<64xi32, #tpu.memory_space<vmem>>) semaphore(%arg12 : memref<!tpu.dma_semaphore, #tpu.memory_space<semaphore_mem>>)
        } else {
        }
        %dma_wait3A_335 = arith.constant 0 : i32
        %dma_wait3A_336 = arith.constant 1 : i32
        %dma_wait3A_337 = arith.constant 0 : i32
        %dma_wait3A_338 = arith.constant 0 : i32
        %dma_wait3A_339 = tpu.memref_slice %arg10[%dma_wait3A_336, %dma_wait3A_337, %dma_wait3A_338] : memref<8x128x64xbf16, #tpu.memory_space<vmem>> -> memref<1x64x64xbf16, #tpu.memory_space<vmem>>
        %dma_wait3A_340 = tpu.memref_squeeze %dma_wait3A_339 : memref<1x64x64xbf16, #tpu.memory_space<vmem>> -> memref<64x64xbf16, #tpu.memory_space<vmem>>
        %dma_wait3A_341 = arith.constant 0 : i32
        %dma_wait3A_342 = tpu.memref_slice %arg7[%dma_wait3A_335, %dma_wait3A_341] : memref<1024x64xi32, #tpu.memory_space<vmem>> -> memref<1x64xi32, #tpu.memory_space<vmem>>
        %dma_wait3A_343 = tpu.memref_squeeze %dma_wait3A_342 : memref<1x64xi32, #tpu.memory_space<vmem>> -> memref<64xi32, #tpu.memory_space<vmem>>
        %dma_wait3A_344 = arith.constant 0 : i32
        %dma_wait3A_345 = arith.constant 0 : i32
        %dma_wait3A_346 = tpu.memref_slice %arg3[%dma_wait3A_344, %dma_wait3A_345] : memref<100000x64xbf16, #tpu.memory_space<hbm>> -> memref<100000x64xbf16, #tpu.memory_space<hbm>>
        tpu.wait_indirect_dma semaphore(%arg13 : memref<!tpu.dma_semaphore, #tpu.memory_space<semaphore_mem>>) src(%dma_wait3A_346 : memref<100000x64xbf16, #tpu.memory_space<hbm>>) dst(%dma_wait3A_340 : memref<64x64xbf16, #tpu.memory_space<vmem>>)
        %dma_wait3A_347 = arith.constant 1 : i32
        %dma_wait3A_348 = arith.constant 1 : i32
        %dma_wait3A_349 = arith.constant 64 : i32
        %dma_wait3A_350 = arith.constant 0 : i32
        %dma_wait3A_351 = tpu.memref_slice %arg10[%dma_wait3A_348, %dma_wait3A_349, %dma_wait3A_350] : memref<8x128x64xbf16, #tpu.memory_space<vmem>> -> memref<1x64x64xbf16, #tpu.memory_space<vmem>>
        %dma_wait3A_352 = tpu.memref_squeeze %dma_wait3A_351 : memref<1x64x64xbf16, #tpu.memory_space<vmem>> -> memref<64x64xbf16, #tpu.memory_space<vmem>>
        %dma_wait3A_353 = arith.constant 0 : i32
        %dma_wait3A_354 = tpu.memref_slice %arg7[%dma_wait3A_347, %dma_wait3A_353] : memref<1024x64xi32, #tpu.memory_space<vmem>> -> memref<1x64xi32, #tpu.memory_space<vmem>>
        %dma_wait3A_355 = tpu.memref_squeeze %dma_wait3A_354 : memref<1x64xi32, #tpu.memory_space<vmem>> -> memref<64xi32, #tpu.memory_space<vmem>>
        %dma_wait3A_356 = arith.constant 0 : i32
        %dma_wait3A_357 = arith.constant 0 : i32
        %dma_wait3A_358 = tpu.memref_slice %arg3[%dma_wait3A_356, %dma_wait3A_357] : memref<100000x64xbf16, #tpu.memory_space<hbm>> -> memref<100000x64xbf16, #tpu.memory_space<hbm>>
        tpu.wait_indirect_dma semaphore(%arg13 : memref<!tpu.dma_semaphore, #tpu.memory_space<semaphore_mem>>) src(%dma_wait3A_358 : memref<100000x64xbf16, #tpu.memory_space<hbm>>) dst(%dma_wait3A_352 : memref<64x64xbf16, #tpu.memory_space<vmem>>)
        %add3A_359 = arith.constant 1 : i32
        %add3A_360 = arith.addi %add3A_285, %add3A_359 : i32
        %add3A_361 = arith.constant 1 : i32
        %add3A_362 = arith.addi %add3A_282, %add3A_361 : i32
        %get3A_363 = arith.index_cast %add3A_360 : i32 to index
        %get3A_364 = arith.constant 0 : index
        %get3A_365 = tpu.vector_load %arg9[%get3A_363, %get3A_364] {strides = array<i32>} : memref<512x64xbf16, #tpu.memory_space<vmem>>, vector<32xbf16>,
        %get3A_366 = arith.index_cast %add3A_360 : i32 to index
        %get3A_367 = arith.constant 32 : index
        %get3A_368 = tpu.vector_load %arg9[%get3A_366, %get3A_367] {strides = array<i32>} : memref<512x64xbf16, #tpu.memory_space<vmem>>, vector<32xbf16>,
        %broadcast_in_dim3A_369 = arith.constant 0 : i32
        %broadcast_in_dim3A_370 = vector.broadcast %broadcast_in_dim3A_369 : i32 to vector<16xi32>
        %mul3A_371 = arith.constant 128 : i32
        %mul3A_372 = arith.muli %add3A_362, %mul3A_371 : i32
        %add3A_373 = vector.broadcast %mul3A_372 : i32 to vector<16xi32>
        %add3A_374 = arith.addi %broadcast_in_dim3A_370, %add3A_373 : vector<16xi32>
        %parallel_loop3A_375 = arith.constant 0 : i32
        %parallel_loop3A_376 = arith.constant 128 : i32
        %parallel_loop3A_377 = arith.constant 1 : i32
        %parallel_loop3A_378 = arith.constant 1 : i32
        scf.for %parallel_loop3A_706 = %parallel_loop3A_375 to %parallel_loop3A_376 step %parallel_loop3A_377  : i32 {
          %parallel_loop3A_707 = arith.constant 0 : i32
          %parallel_loop3A_708 = arith.constant 0 : i32
          %parallel_loop3A_709 = tpu.memref_slice %arg10[%parallel_loop3A_378, %parallel_loop3A_707, %parallel_loop3A_708] : memref<8x128x64xbf16, #tpu.memory_space<vmem>> -> memref<1x128x64xbf16, #tpu.memory_space<vmem>>
          %parallel_loop3A_710 = tpu.memref_squeeze %parallel_loop3A_709 : memref<1x128x64xbf16, #tpu.memory_space<vmem>> -> memref<128x64xbf16, #tpu.memory_space<vmem>>
          %parallel_loop3A_711 = arith.index_cast %parallel_loop3A_706 : i32 to index
          %parallel_loop3A_712 = arith.constant 0 : index
          %parallel_loop3A_713 = tpu.vector_load %parallel_loop3A_710[%parallel_loop3A_711, %parallel_loop3A_712] {strides = array<i32>} : memref<128x64xbf16, #tpu.memory_space<vmem>>, vector<32xbf16>,
          %parallel_loop3A_714 = arith.mulf %parallel_loop3A_713, %get3A_365 : vector<32xbf16>
          %parallel_loop3A_715 = arith.constant 0 : i32
          %parallel_loop3A_716 = arith.constant 0 : i32
          %parallel_loop3A_717 = tpu.memref_slice %arg10[%parallel_loop3A_378, %parallel_loop3A_715, %parallel_loop3A_716] : memref<8x128x64xbf16, #tpu.memory_space<vmem>> -> memref<1x128x64xbf16, #tpu.memory_space<vmem>>
          %parallel_loop3A_718 = tpu.memref_squeeze %parallel_loop3A_717 : memref<1x128x64xbf16, #tpu.memory_space<vmem>> -> memref<128x64xbf16, #tpu.memory_space<vmem>>
          %parallel_loop3A_719 = arith.index_cast %parallel_loop3A_706 : i32 to index
          %parallel_loop3A_720 = arith.constant 32 : index
          %parallel_loop3A_721 = tpu.vector_load %parallel_loop3A_718[%parallel_loop3A_719, %parallel_loop3A_720] {strides = array<i32>} : memref<128x64xbf16, #tpu.memory_space<vmem>>, vector<32xbf16>,
          %parallel_loop3A_722 = arith.mulf %parallel_loop3A_721, %get3A_368 : vector<32xbf16>
          %parallel_loop3A_723 = arith.addf %parallel_loop3A_714, %parallel_loop3A_722 : vector<32xbf16>
          %parallel_loop3A_724 = tpu.unpack_subelements %parallel_loop3A_723, 0 {pack_format = #tpu.pack_format<interleaved>} : vector<32xbf16> -> vector<16xf32>
          %parallel_loop3A_725 = tpu.unpack_subelements %parallel_loop3A_723, 1 {pack_format = #tpu.pack_format<interleaved>} : vector<32xbf16> -> vector<16xf32>
          %parallel_loop3A_726 = arith.addf %parallel_loop3A_724, %parallel_loop3A_725 : vector<16xf32>
          %parallel_loop3A_727 = arith.constant true
          %parallel_loop3A_728 = vector.broadcast %parallel_loop3A_727 : i1 to vector<16xi1>
          %parallel_loop3A_729 = tpu.scan <sum>, %parallel_loop3A_726 masked %parallel_loop3A_728 : vector<16xf32>, vector<16xi1> -> vector<16xf32>
          %parallel_loop3A_730 = vector.broadcast %parallel_loop3A_706 : i32 to vector<16xi32>
          %parallel_loop3A_731 = arith.addi %add3A_374, %parallel_loop3A_730 : vector<16xi32>
          %parallel_loop3A_732 = arith.constant 1 : i32
          %parallel_loop3A_733 = arith.constant 0 : i32
          %parallel_loop3A_734 = tpu.memref_slice %arg11[%parallel_loop3A_732, %parallel_loop3A_733] : memref<2x2048xf32, #tpu.memory_space<vmem>> -> memref<1x2048xf32, #tpu.memory_space<vmem>>
          %parallel_loop3A_735 = tpu.memref_squeeze %parallel_loop3A_734 : memref<1x2048xf32, #tpu.memory_space<vmem>> -> memref<2048xf32, #tpu.memory_space<vmem>>
          tpu.vector_store_idx %parallel_loop3A_735[%parallel_loop3A_731], %parallel_loop3A_729 masked %eq3A_4 : memref<2048xf32, #tpu.memory_space<vmem>>[vector<16xi32>], vector<16xf32>, vector<16xi1>
        } {sc.loop_unroll_factor = 8 : i64, sc.parallel_access}
        %add3A_379 = arith.constant 1 : i32
        %add3A_380 = arith.addi %add3A_285, %add3A_379 : i32
        %add3A_381 = arith.constant 8 : i32
        %add3A_382 = arith.addi %add3A_380, %add3A_381 : i32
        %lt3A_383 = arith.constant 512 : i32
        %lt3A_384 = arith.cmpi slt, %add3A_382, %lt3A_383 : i32
        %convert_element_type3A_385 = arith.extui %lt3A_384 : i1 to i32
        %cond3A_386 = arith.constant 0 : i32
        %cond3A_387 = arith.cmpi ne, %convert_element_type3A_385, %cond3A_386 : i32
        scf.if %cond3A_387 {
          %add3A_706 = arith.constant 1 : i32
          %add3A_707 = arith.addi %add3A_285, %add3A_706 : i32
          %add3A_708 = arith.constant 8 : i32
          %add3A_709 = arith.addi %add3A_707, %add3A_708 : i32
          %mul3A_710 = arith.constant 2 : i32
          %mul3A_711 = arith.muli %mul3A_710, %add3A_709 : i32
          %add3A_712 = arith.constant 0 : i32
          %add3A_713 = arith.addi %mul3A_711, %add3A_712 : i32
          %dma_start3A_714 = arith.constant 1 : i32
          %dma_start3A_715 = arith.constant 0 : i32
          %dma_start3A_716 = arith.constant 0 : i32
          %dma_start3A_717 = tpu.memref_slice %arg10[%dma_start3A_714, %dma_start3A_715, %dma_start3A_716] : memref<8x128x64xbf16, #tpu.memory_space<vmem>> -> memref<1x64x64xbf16, #tpu.memory_space<vmem>>
          %dma_start3A_718 = tpu.memref_squeeze %dma_start3A_717 : memref<1x64x64xbf16, #tpu.memory_space<vmem>> -> memref<64x64xbf16, #tpu.memory_space<vmem>>
          %dma_start3A_719 = arith.constant 0 : i32
          %dma_start3A_720 = tpu.memref_slice %arg7[%add3A_713, %dma_start3A_719] : memref<1024x64xi32, #tpu.memory_space<vmem>> -> memref<1x64xi32, #tpu.memory_space<vmem>>
          %dma_start3A_721 = tpu.memref_squeeze %dma_start3A_720 : memref<1x64xi32, #tpu.memory_space<vmem>> -> memref<64xi32, #tpu.memory_space<vmem>>
          %dma_start3A_722 = arith.constant 0 : i32
          %dma_start3A_723 = arith.constant 0 : i32
          %dma_start3A_724 = tpu.memref_slice %arg3[%dma_start3A_722, %dma_start3A_723] : memref<100000x64xbf16, #tpu.memory_space<hbm>> -> memref<100000x64xbf16, #tpu.memory_space<hbm>>
          tpu.enqueue_indirect_dma source(%dma_start3A_724 : memref<100000x64xbf16, #tpu.memory_space<hbm>>) target(%dma_start3A_718 : memref<64x64xbf16, #tpu.memory_space<vmem>>) offsets(%dma_start3A_721 : memref<64xi32, #tpu.memory_space<vmem>>) semaphore(%arg13 : memref<!tpu.dma_semaphore, #tpu.memory_space<semaphore_mem>>)
          %mul3A_725 = arith.constant 2 : i32
          %mul3A_726 = arith.muli %mul3A_725, %add3A_709 : i32
          %add3A_727 = arith.constant 1 : i32
          %add3A_728 = arith.addi %mul3A_726, %add3A_727 : i32
          %dma_start3A_729 = arith.constant 1 : i32
          %dma_start3A_730 = arith.constant 64 : i32
          %dma_start3A_731 = arith.constant 0 : i32
          %dma_start3A_732 = tpu.memref_slice %arg10[%dma_start3A_729, %dma_start3A_730, %dma_start3A_731] : memref<8x128x64xbf16, #tpu.memory_space<vmem>> -> memref<1x64x64xbf16, #tpu.memory_space<vmem>>
          %dma_start3A_733 = tpu.memref_squeeze %dma_start3A_732 : memref<1x64x64xbf16, #tpu.memory_space<vmem>> -> memref<64x64xbf16, #tpu.memory_space<vmem>>
          %dma_start3A_734 = arith.constant 0 : i32
          %dma_start3A_735 = tpu.memref_slice %arg7[%add3A_728, %dma_start3A_734] : memref<1024x64xi32, #tpu.memory_space<vmem>> -> memref<1x64xi32, #tpu.memory_space<vmem>>
          %dma_start3A_736 = tpu.memref_squeeze %dma_start3A_735 : memref<1x64xi32, #tpu.memory_space<vmem>> -> memref<64xi32, #tpu.memory_space<vmem>>
          %dma_start3A_737 = arith.constant 0 : i32
          %dma_start3A_738 = arith.constant 0 : i32
          %dma_start3A_739 = tpu.memref_slice %arg3[%dma_start3A_737, %dma_start3A_738] : memref<100000x64xbf16, #tpu.memory_space<hbm>> -> memref<100000x64xbf16, #tpu.memory_space<hbm>>
          tpu.enqueue_indirect_dma source(%dma_start3A_739 : memref<100000x64xbf16, #tpu.memory_space<hbm>>) target(%dma_start3A_733 : memref<64x64xbf16, #tpu.memory_space<vmem>>) offsets(%dma_start3A_736 : memref<64xi32, #tpu.memory_space<vmem>>) semaphore(%arg13 : memref<!tpu.dma_semaphore, #tpu.memory_space<semaphore_mem>>)
        } else {
        }
        %dma_wait3A_388 = arith.constant 0 : i32
        %dma_wait3A_389 = arith.constant 2 : i32
        %dma_wait3A_390 = arith.constant 0 : i32
        %dma_wait3A_391 = arith.constant 0 : i32
        %dma_wait3A_392 = tpu.memref_slice %arg10[%dma_wait3A_389, %dma_wait3A_390, %dma_wait3A_391] : memref<8x128x64xbf16, #tpu.memory_space<vmem>> -> memref<1x64x64xbf16, #tpu.memory_space<vmem>>
        %dma_wait3A_393 = tpu.memref_squeeze %dma_wait3A_392 : memref<1x64x64xbf16, #tpu.memory_space<vmem>> -> memref<64x64xbf16, #tpu.memory_space<vmem>>
        %dma_wait3A_394 = arith.constant 0 : i32
        %dma_wait3A_395 = tpu.memref_slice %arg7[%dma_wait3A_388, %dma_wait3A_394] : memref<1024x64xi32, #tpu.memory_space<vmem>> -> memref<1x64xi32, #tpu.memory_space<vmem>>
        %dma_wait3A_396 = tpu.memref_squeeze %dma_wait3A_395 : memref<1x64xi32, #tpu.memory_space<vmem>> -> memref<64xi32, #tpu.memory_space<vmem>>
        %dma_wait3A_397 = arith.constant 0 : i32
        %dma_wait3A_398 = arith.constant 0 : i32
        %dma_wait3A_399 = tpu.memref_slice %arg3[%dma_wait3A_397, %dma_wait3A_398] : memref<100000x64xbf16, #tpu.memory_space<hbm>> -> memref<100000x64xbf16, #tpu.memory_space<hbm>>
        tpu.wait_indirect_dma semaphore(%arg14 : memref<!tpu.dma_semaphore, #tpu.memory_space<semaphore_mem>>) src(%dma_wait3A_399 : memref<100000x64xbf16, #tpu.memory_space<hbm>>) dst(%dma_wait3A_393 : memref<64x64xbf16, #tpu.memory_space<vmem>>)
        %dma_wait3A_400 = arith.constant 1 : i32
        %dma_wait3A_401 = arith.constant 2 : i32
        %dma_wait3A_402 = arith.constant 64 : i32
        %dma_wait3A_403 = arith.constant 0 : i32
        %dma_wait3A_404 = tpu.memref_slice %arg10[%dma_wait3A_401, %dma_wait3A_402, %dma_wait3A_403] : memref<8x128x64xbf16, #tpu.memory_space<vmem>> -> memref<1x64x64xbf16, #tpu.memory_space<vmem>>
        %dma_wait3A_405 = tpu.memref_squeeze %dma_wait3A_404 : memref<1x64x64xbf16, #tpu.memory_space<vmem>> -> memref<64x64xbf16, #tpu.memory_space<vmem>>
        %dma_wait3A_406 = arith.constant 0 : i32
        %dma_wait3A_407 = tpu.memref_slice %arg7[%dma_wait3A_400, %dma_wait3A_406] : memref<1024x64xi32, #tpu.memory_space<vmem>> -> memref<1x64xi32, #tpu.memory_space<vmem>>
        %dma_wait3A_408 = tpu.memref_squeeze %dma_wait3A_407 : memref<1x64xi32, #tpu.memory_space<vmem>> -> memref<64xi32, #tpu.memory_space<vmem>>
        %dma_wait3A_409 = arith.constant 0 : i32
        %dma_wait3A_410 = arith.constant 0 : i32
        %dma_wait3A_411 = tpu.memref_slice %arg3[%dma_wait3A_409, %dma_wait3A_410] : memref<100000x64xbf16, #tpu.memory_space<hbm>> -> memref<100000x64xbf16, #tpu.memory_space<hbm>>
        tpu.wait_indirect_dma semaphore(%arg14 : memref<!tpu.dma_semaphore, #tpu.memory_space<semaphore_mem>>) src(%dma_wait3A_411 : memref<100000x64xbf16, #tpu.memory_space<hbm>>) dst(%dma_wait3A_405 : memref<64x64xbf16, #tpu.memory_space<vmem>>)
        %add3A_412 = arith.constant 2 : i32
        %add3A_413 = arith.addi %add3A_285, %add3A_412 : i32
        %add3A_414 = arith.constant 2 : i32
        %add3A_415 = arith.addi %add3A_282, %add3A_414 : i32
        %get3A_416 = arith.index_cast %add3A_413 : i32 to index
        %get3A_417 = arith.constant 0 : index
        %get3A_418 = tpu.vector_load %arg9[%get3A_416, %get3A_417] {strides = array<i32>} : memref<512x64xbf16, #tpu.memory_space<vmem>>, vector<32xbf16>,
        %get3A_419 = arith.index_cast %add3A_413 : i32 to index
        %get3A_420 = arith.constant 32 : index
        %get3A_421 = tpu.vector_load %arg9[%get3A_419, %get3A_420] {strides = array<i32>} : memref<512x64xbf16, #tpu.memory_space<vmem>>, vector<32xbf16>,
        %broadcast_in_dim3A_422 = arith.constant 0 : i32
        %broadcast_in_dim3A_423 = vector.broadcast %broadcast_in_dim3A_422 : i32 to vector<16xi32>
        %mul3A_424 = arith.constant 128 : i32
        %mul3A_425 = arith.muli %add3A_415, %mul3A_424 : i32
        %add3A_426 = vector.broadcast %mul3A_425 : i32 to vector<16xi32>
        %add3A_427 = arith.addi %broadcast_in_dim3A_423, %add3A_426 : vector<16xi32>
        %parallel_loop3A_428 = arith.constant 0 : i32
        %parallel_loop3A_429 = arith.constant 128 : i32
        %parallel_loop3A_430 = arith.constant 1 : i32
        %parallel_loop3A_431 = arith.constant 2 : i32
        scf.for %parallel_loop3A_706 = %parallel_loop3A_428 to %parallel_loop3A_429 step %parallel_loop3A_430  : i32 {
          %parallel_loop3A_707 = arith.constant 0 : i32
          %parallel_loop3A_708 = arith.constant 0 : i32
          %parallel_loop3A_709 = tpu.memref_slice %arg10[%parallel_loop3A_431, %parallel_loop3A_707, %parallel_loop3A_708] : memref<8x128x64xbf16, #tpu.memory_space<vmem>> -> memref<1x128x64xbf16, #tpu.memory_space<vmem>>
          %parallel_loop3A_710 = tpu.memref_squeeze %parallel_loop3A_709 : memref<1x128x64xbf16, #tpu.memory_space<vmem>> -> memref<128x64xbf16, #tpu.memory_space<vmem>>
          %parallel_loop3A_711 = arith.index_cast %parallel_loop3A_706 : i32 to index
          %parallel_loop3A_712 = arith.constant 0 : index
          %parallel_loop3A_713 = tpu.vector_load %parallel_loop3A_710[%parallel_loop3A_711, %parallel_loop3A_712] {strides = array<i32>} : memref<128x64xbf16, #tpu.memory_space<vmem>>, vector<32xbf16>,
          %parallel_loop3A_714 = arith.mulf %parallel_loop3A_713, %get3A_418 : vector<32xbf16>
          %parallel_loop3A_715 = arith.constant 0 : i32
          %parallel_loop3A_716 = arith.constant 0 : i32
          %parallel_loop3A_717 = tpu.memref_slice %arg10[%parallel_loop3A_431, %parallel_loop3A_715, %parallel_loop3A_716] : memref<8x128x64xbf16, #tpu.memory_space<vmem>> -> memref<1x128x64xbf16, #tpu.memory_space<vmem>>
          %parallel_loop3A_718 = tpu.memref_squeeze %parallel_loop3A_717 : memref<1x128x64xbf16, #tpu.memory_space<vmem>> -> memref<128x64xbf16, #tpu.memory_space<vmem>>
          %parallel_loop3A_719 = arith.index_cast %parallel_loop3A_706 : i32 to index
          %parallel_loop3A_720 = arith.constant 32 : index
          %parallel_loop3A_721 = tpu.vector_load %parallel_loop3A_718[%parallel_loop3A_719, %parallel_loop3A_720] {strides = array<i32>} : memref<128x64xbf16, #tpu.memory_space<vmem>>, vector<32xbf16>,
          %parallel_loop3A_722 = arith.mulf %parallel_loop3A_721, %get3A_421 : vector<32xbf16>
          %parallel_loop3A_723 = arith.addf %parallel_loop3A_714, %parallel_loop3A_722 : vector<32xbf16>
          %parallel_loop3A_724 = tpu.unpack_subelements %parallel_loop3A_723, 0 {pack_format = #tpu.pack_format<interleaved>} : vector<32xbf16> -> vector<16xf32>
          %parallel_loop3A_725 = tpu.unpack_subelements %parallel_loop3A_723, 1 {pack_format = #tpu.pack_format<interleaved>} : vector<32xbf16> -> vector<16xf32>
          %parallel_loop3A_726 = arith.addf %parallel_loop3A_724, %parallel_loop3A_725 : vector<16xf32>
          %parallel_loop3A_727 = arith.constant true
          %parallel_loop3A_728 = vector.broadcast %parallel_loop3A_727 : i1 to vector<16xi1>
          %parallel_loop3A_729 = tpu.scan <sum>, %parallel_loop3A_726 masked %parallel_loop3A_728 : vector<16xf32>, vector<16xi1> -> vector<16xf32>
          %parallel_loop3A_730 = vector.broadcast %parallel_loop3A_706 : i32 to vector<16xi32>
          %parallel_loop3A_731 = arith.addi %add3A_427, %parallel_loop3A_730 : vector<16xi32>
          %parallel_loop3A_732 = arith.constant 1 : i32
          %parallel_loop3A_733 = arith.constant 0 : i32
          %parallel_loop3A_734 = tpu.memref_slice %arg11[%parallel_loop3A_732, %parallel_loop3A_733] : memref<2x2048xf32, #tpu.memory_space<vmem>> -> memref<1x2048xf32, #tpu.memory_space<vmem>>
          %parallel_loop3A_735 = tpu.memref_squeeze %parallel_loop3A_734 : memref<1x2048xf32, #tpu.memory_space<vmem>> -> memref<2048xf32, #tpu.memory_space<vmem>>
          tpu.vector_store_idx %parallel_loop3A_735[%parallel_loop3A_731], %parallel_loop3A_729 masked %eq3A_4 : memref<2048xf32, #tpu.memory_space<vmem>>[vector<16xi32>], vector<16xf32>, vector<16xi1>
        } {sc.loop_unroll_factor = 8 : i64, sc.parallel_access}
        %add3A_432 = arith.constant 2 : i32
        %add3A_433 = arith.addi %add3A_285, %add3A_432 : i32
        %add3A_434 = arith.constant 8 : i32
        %add3A_435 = arith.addi %add3A_433, %add3A_434 : i32
        %lt3A_436 = arith.constant 512 : i32
        %lt3A_437 = arith.cmpi slt, %add3A_435, %lt3A_436 : i32
        %convert_element_type3A_438 = arith.extui %lt3A_437 : i1 to i32
        %cond3A_439 = arith.constant 0 : i32
        %cond3A_440 = arith.cmpi ne, %convert_element_type3A_438, %cond3A_439 : i32
        scf.if %cond3A_440 {
          %add3A_706 = arith.constant 2 : i32
          %add3A_707 = arith.addi %add3A_285, %add3A_706 : i32
          %add3A_708 = arith.constant 8 : i32
          %add3A_709 = arith.addi %add3A_707, %add3A_708 : i32
          %mul3A_710 = arith.constant 2 : i32
          %mul3A_711 = arith.muli %mul3A_710, %add3A_709 : i32
          %add3A_712 = arith.constant 0 : i32
          %add3A_713 = arith.addi %mul3A_711, %add3A_712 : i32
          %dma_start3A_714 = arith.constant 2 : i32
          %dma_start3A_715 = arith.constant 0 : i32
          %dma_start3A_716 = arith.constant 0 : i32
          %dma_start3A_717 = tpu.memref_slice %arg10[%dma_start3A_714, %dma_start3A_715, %dma_start3A_716] : memref<8x128x64xbf16, #tpu.memory_space<vmem>> -> memref<1x64x64xbf16, #tpu.memory_space<vmem>>
          %dma_start3A_718 = tpu.memref_squeeze %dma_start3A_717 : memref<1x64x64xbf16, #tpu.memory_space<vmem>> -> memref<64x64xbf16, #tpu.memory_space<vmem>>
          %dma_start3A_719 = arith.constant 0 : i32
          %dma_start3A_720 = tpu.memref_slice %arg7[%add3A_713, %dma_start3A_719] : memref<1024x64xi32, #tpu.memory_space<vmem>> -> memref<1x64xi32, #tpu.memory_space<vmem>>
          %dma_start3A_721 = tpu.memref_squeeze %dma_start3A_720 : memref<1x64xi32, #tpu.memory_space<vmem>> -> memref<64xi32, #tpu.memory_space<vmem>>
          %dma_start3A_722 = arith.constant 0 : i32
          %dma_start3A_723 = arith.constant 0 : i32
          %dma_start3A_724 = tpu.memref_slice %arg3[%dma_start3A_722, %dma_start3A_723] : memref<100000x64xbf16, #tpu.memory_space<hbm>> -> memref<100000x64xbf16, #tpu.memory_space<hbm>>
          tpu.enqueue_indirect_dma source(%dma_start3A_724 : memref<100000x64xbf16, #tpu.memory_space<hbm>>) target(%dma_start3A_718 : memref<64x64xbf16, #tpu.memory_space<vmem>>) offsets(%dma_start3A_721 : memref<64xi32, #tpu.memory_space<vmem>>) semaphore(%arg14 : memref<!tpu.dma_semaphore, #tpu.memory_space<semaphore_mem>>)
          %mul3A_725 = arith.constant 2 : i32
          %mul3A_726 = arith.muli %mul3A_725, %add3A_709 : i32
          %add3A_727 = arith.constant 1 : i32
          %add3A_728 = arith.addi %mul3A_726, %add3A_727 : i32
          %dma_start3A_729 = arith.constant 2 : i32
          %dma_start3A_730 = arith.constant 64 : i32
          %dma_start3A_731 = arith.constant 0 : i32
          %dma_start3A_732 = tpu.memref_slice %arg10[%dma_start3A_729, %dma_start3A_730, %dma_start3A_731] : memref<8x128x64xbf16, #tpu.memory_space<vmem>> -> memref<1x64x64xbf16, #tpu.memory_space<vmem>>
          %dma_start3A_733 = tpu.memref_squeeze %dma_start3A_732 : memref<1x64x64xbf16, #tpu.memory_space<vmem>> -> memref<64x64xbf16, #tpu.memory_space<vmem>>
          %dma_start3A_734 = arith.constant 0 : i32
          %dma_start3A_735 = tpu.memref_slice %arg7[%add3A_728, %dma_start3A_734] : memref<1024x64xi32, #tpu.memory_space<vmem>> -> memref<1x64xi32, #tpu.memory_space<vmem>>
          %dma_start3A_736 = tpu.memref_squeeze %dma_start3A_735 : memref<1x64xi32, #tpu.memory_space<vmem>> -> memref<64xi32, #tpu.memory_space<vmem>>
          %dma_start3A_737 = arith.constant 0 : i32
          %dma_start3A_738 = arith.constant 0 : i32
          %dma_start3A_739 = tpu.memref_slice %arg3[%dma_start3A_737, %dma_start3A_738] : memref<100000x64xbf16, #tpu.memory_space<hbm>> -> memref<100000x64xbf16, #tpu.memory_space<hbm>>
          tpu.enqueue_indirect_dma source(%dma_start3A_739 : memref<100000x64xbf16, #tpu.memory_space<hbm>>) target(%dma_start3A_733 : memref<64x64xbf16, #tpu.memory_space<vmem>>) offsets(%dma_start3A_736 : memref<64xi32, #tpu.memory_space<vmem>>) semaphore(%arg14 : memref<!tpu.dma_semaphore, #tpu.memory_space<semaphore_mem>>)
        } else {
        }
        %dma_wait3A_441 = arith.constant 0 : i32
        %dma_wait3A_442 = arith.constant 3 : i32
        %dma_wait3A_443 = arith.constant 0 : i32
        %dma_wait3A_444 = arith.constant 0 : i32
        %dma_wait3A_445 = tpu.memref_slice %arg10[%dma_wait3A_442, %dma_wait3A_443, %dma_wait3A_444] : memref<8x128x64xbf16, #tpu.memory_space<vmem>> -> memref<1x64x64xbf16, #tpu.memory_space<vmem>>
        %dma_wait3A_446 = tpu.memref_squeeze %dma_wait3A_445 : memref<1x64x64xbf16, #tpu.memory_space<vmem>> -> memref<64x64xbf16, #tpu.memory_space<vmem>>
        %dma_wait3A_447 = arith.constant 0 : i32
        %dma_wait3A_448 = tpu.memref_slice %arg7[%dma_wait3A_441, %dma_wait3A_447] : memref<1024x64xi32, #tpu.memory_space<vmem>> -> memref<1x64xi32, #tpu.memory_space<vmem>>
        %dma_wait3A_449 = tpu.memref_squeeze %dma_wait3A_448 : memref<1x64xi32, #tpu.memory_space<vmem>> -> memref<64xi32, #tpu.memory_space<vmem>>
        %dma_wait3A_450 = arith.constant 0 : i32
        %dma_wait3A_451 = arith.constant 0 : i32
        %dma_wait3A_452 = tpu.memref_slice %arg3[%dma_wait3A_450, %dma_wait3A_451] : memref<100000x64xbf16, #tpu.memory_space<hbm>> -> memref<100000x64xbf16, #tpu.memory_space<hbm>>
        tpu.wait_indirect_dma semaphore(%arg15 : memref<!tpu.dma_semaphore, #tpu.memory_space<semaphore_mem>>) src(%dma_wait3A_452 : memref<100000x64xbf16, #tpu.memory_space<hbm>>) dst(%dma_wait3A_446 : memref<64x64xbf16, #tpu.memory_space<vmem>>)
        %dma_wait3A_453 = arith.constant 1 : i32
        %dma_wait3A_454 = arith.constant 3 : i32
        %dma_wait3A_455 = arith.constant 64 : i32
        %dma_wait3A_456 = arith.constant 0 : i32
        %dma_wait3A_457 = tpu.memref_slice %arg10[%dma_wait3A_454, %dma_wait3A_455, %dma_wait3A_456] : memref<8x128x64xbf16, #tpu.memory_space<vmem>> -> memref<1x64x64xbf16, #tpu.memory_space<vmem>>
        %dma_wait3A_458 = tpu.memref_squeeze %dma_wait3A_457 : memref<1x64x64xbf16, #tpu.memory_space<vmem>> -> memref<64x64xbf16, #tpu.memory_space<vmem>>
        %dma_wait3A_459 = arith.constant 0 : i32
        %dma_wait3A_460 = tpu.memref_slice %arg7[%dma_wait3A_453, %dma_wait3A_459] : memref<1024x64xi32, #tpu.memory_space<vmem>> -> memref<1x64xi32, #tpu.memory_space<vmem>>
        %dma_wait3A_461 = tpu.memref_squeeze %dma_wait3A_460 : memref<1x64xi32, #tpu.memory_space<vmem>> -> memref<64xi32, #tpu.memory_space<vmem>>
        %dma_wait3A_462 = arith.constant 0 : i32
        %dma_wait3A_463 = arith.constant 0 : i32
        %dma_wait3A_464 = tpu.memref_slice %arg3[%dma_wait3A_462, %dma_wait3A_463] : memref<100000x64xbf16, #tpu.memory_space<hbm>> -> memref<100000x64xbf16, #tpu.memory_space<hbm>>
        tpu.wait_indirect_dma semaphore(%arg15 : memref<!tpu.dma_semaphore, #tpu.memory_space<semaphore_mem>>) src(%dma_wait3A_464 : memref<100000x64xbf16, #tpu.memory_space<hbm>>) dst(%dma_wait3A_458 : memref<64x64xbf16, #tpu.memory_space<vmem>>)
        %add3A_465 = arith.constant 3 : i32
        %add3A_466 = arith.addi %add3A_285, %add3A_465 : i32
        %add3A_467 = arith.constant 3 : i32
        %add3A_468 = arith.addi %add3A_282, %add3A_467 : i32
        %get3A_469 = arith.index_cast %add3A_466 : i32 to index
        %get3A_470 = arith.constant 0 : index
        %get3A_471 = tpu.vector_load %arg9[%get3A_469, %get3A_470] {strides = array<i32>} : memref<512x64xbf16, #tpu.memory_space<vmem>>, vector<32xbf16>,
        %get3A_472 = arith.index_cast %add3A_466 : i32 to index
        %get3A_473 = arith.constant 32 : index
        %get3A_474 = tpu.vector_load %arg9[%get3A_472, %get3A_473] {strides = array<i32>} : memref<512x64xbf16, #tpu.memory_space<vmem>>, vector<32xbf16>,
        %broadcast_in_dim3A_475 = arith.constant 0 : i32
        %broadcast_in_dim3A_476 = vector.broadcast %broadcast_in_dim3A_475 : i32 to vector<16xi32>
        %mul3A_477 = arith.constant 128 : i32
        %mul3A_478 = arith.muli %add3A_468, %mul3A_477 : i32
        %add3A_479 = vector.broadcast %mul3A_478 : i32 to vector<16xi32>
        %add3A_480 = arith.addi %broadcast_in_dim3A_476, %add3A_479 : vector<16xi32>
        %parallel_loop3A_481 = arith.constant 0 : i32
        %parallel_loop3A_482 = arith.constant 128 : i32
        %parallel_loop3A_483 = arith.constant 1 : i32
        %parallel_loop3A_484 = arith.constant 3 : i32
        scf.for %parallel_loop3A_706 = %parallel_loop3A_481 to %parallel_loop3A_482 step %parallel_loop3A_483  : i32 {
          %parallel_loop3A_707 = arith.constant 0 : i32
          %parallel_loop3A_708 = arith.constant 0 : i32
          %parallel_loop3A_709 = tpu.memref_slice %arg10[%parallel_loop3A_484, %parallel_loop3A_707, %parallel_loop3A_708] : memref<8x128x64xbf16, #tpu.memory_space<vmem>> -> memref<1x128x64xbf16, #tpu.memory_space<vmem>>
          %parallel_loop3A_710 = tpu.memref_squeeze %parallel_loop3A_709 : memref<1x128x64xbf16, #tpu.memory_space<vmem>> -> memref<128x64xbf16, #tpu.memory_space<vmem>>
          %parallel_loop3A_711 = arith.index_cast %parallel_loop3A_706 : i32 to index
          %parallel_loop3A_712 = arith.constant 0 : index
          %parallel_loop3A_713 = tpu.vector_load %parallel_loop3A_710[%parallel_loop3A_711, %parallel_loop3A_712] {strides = array<i32>} : memref<128x64xbf16, #tpu.memory_space<vmem>>, vector<32xbf16>,
          %parallel_loop3A_714 = arith.mulf %parallel_loop3A_713, %get3A_471 : vector<32xbf16>
          %parallel_loop3A_715 = arith.constant 0 : i32
          %parallel_loop3A_716 = arith.constant 0 : i32
          %parallel_loop3A_717 = tpu.memref_slice %arg10[%parallel_loop3A_484, %parallel_loop3A_715, %parallel_loop3A_716] : memref<8x128x64xbf16, #tpu.memory_space<vmem>> -> memref<1x128x64xbf16, #tpu.memory_space<vmem>>
          %parallel_loop3A_718 = tpu.memref_squeeze %parallel_loop3A_717 : memref<1x128x64xbf16, #tpu.memory_space<vmem>> -> memref<128x64xbf16, #tpu.memory_space<vmem>>
          %parallel_loop3A_719 = arith.index_cast %parallel_loop3A_706 : i32 to index
          %parallel_loop3A_720 = arith.constant 32 : index
          %parallel_loop3A_721 = tpu.vector_load %parallel_loop3A_718[%parallel_loop3A_719, %parallel_loop3A_720] {strides = array<i32>} : memref<128x64xbf16, #tpu.memory_space<vmem>>, vector<32xbf16>,
          %parallel_loop3A_722 = arith.mulf %parallel_loop3A_721, %get3A_474 : vector<32xbf16>
          %parallel_loop3A_723 = arith.addf %parallel_loop3A_714, %parallel_loop3A_722 : vector<32xbf16>
          %parallel_loop3A_724 = tpu.unpack_subelements %parallel_loop3A_723, 0 {pack_format = #tpu.pack_format<interleaved>} : vector<32xbf16> -> vector<16xf32>
          %parallel_loop3A_725 = tpu.unpack_subelements %parallel_loop3A_723, 1 {pack_format = #tpu.pack_format<interleaved>} : vector<32xbf16> -> vector<16xf32>
          %parallel_loop3A_726 = arith.addf %parallel_loop3A_724, %parallel_loop3A_725 : vector<16xf32>
          %parallel_loop3A_727 = arith.constant true
          %parallel_loop3A_728 = vector.broadcast %parallel_loop3A_727 : i1 to vector<16xi1>
          %parallel_loop3A_729 = tpu.scan <sum>, %parallel_loop3A_726 masked %parallel_loop3A_728 : vector<16xf32>, vector<16xi1> -> vector<16xf32>
          %parallel_loop3A_730 = vector.broadcast %parallel_loop3A_706 : i32 to vector<16xi32>
          %parallel_loop3A_731 = arith.addi %add3A_480, %parallel_loop3A_730 : vector<16xi32>
          %parallel_loop3A_732 = arith.constant 1 : i32
          %parallel_loop3A_733 = arith.constant 0 : i32
          %parallel_loop3A_734 = tpu.memref_slice %arg11[%parallel_loop3A_732, %parallel_loop3A_733] : memref<2x2048xf32, #tpu.memory_space<vmem>> -> memref<1x2048xf32, #tpu.memory_space<vmem>>
          %parallel_loop3A_735 = tpu.memref_squeeze %parallel_loop3A_734 : memref<1x2048xf32, #tpu.memory_space<vmem>> -> memref<2048xf32, #tpu.memory_space<vmem>>
          tpu.vector_store_idx %parallel_loop3A_735[%parallel_loop3A_731], %parallel_loop3A_729 masked %eq3A_4 : memref<2048xf32, #tpu.memory_space<vmem>>[vector<16xi32>], vector<16xf32>, vector<16xi1>
        } {sc.loop_unroll_factor = 8 : i64, sc.parallel_access}
        %add3A_485 = arith.constant 3 : i32
        %add3A_486 = arith.addi %add3A_285, %add3A_485 : i32
        %add3A_487 = arith.constant 8 : i32
        %add3A_488 = arith.addi %add3A_486, %add3A_487 : i32
        %lt3A_489 = arith.constant 512 : i32
        %lt3A_490 = arith.cmpi slt, %add3A_488, %lt3A_489 : i32
        %convert_element_type3A_491 = arith.extui %lt3A_490 : i1 to i32
        %cond3A_492 = arith.constant 0 : i32
        %cond3A_493 = arith.cmpi ne, %convert_element_type3A_491, %cond3A_492 : i32
        scf.if %cond3A_493 {
          %add3A_706 = arith.constant 3 : i32
          %add3A_707 = arith.addi %add3A_285, %add3A_706 : i32
          %add3A_708 = arith.constant 8 : i32
          %add3A_709 = arith.addi %add3A_707, %add3A_708 : i32
          %mul3A_710 = arith.constant 2 : i32
          %mul3A_711 = arith.muli %mul3A_710, %add3A_709 : i32
          %add3A_712 = arith.constant 0 : i32
          %add3A_713 = arith.addi %mul3A_711, %add3A_712 : i32
          %dma_start3A_714 = arith.constant 3 : i32
          %dma_start3A_715 = arith.constant 0 : i32
          %dma_start3A_716 = arith.constant 0 : i32
          %dma_start3A_717 = tpu.memref_slice %arg10[%dma_start3A_714, %dma_start3A_715, %dma_start3A_716] : memref<8x128x64xbf16, #tpu.memory_space<vmem>> -> memref<1x64x64xbf16, #tpu.memory_space<vmem>>
          %dma_start3A_718 = tpu.memref_squeeze %dma_start3A_717 : memref<1x64x64xbf16, #tpu.memory_space<vmem>> -> memref<64x64xbf16, #tpu.memory_space<vmem>>
          %dma_start3A_719 = arith.constant 0 : i32
          %dma_start3A_720 = tpu.memref_slice %arg7[%add3A_713, %dma_start3A_719] : memref<1024x64xi32, #tpu.memory_space<vmem>> -> memref<1x64xi32, #tpu.memory_space<vmem>>
          %dma_start3A_721 = tpu.memref_squeeze %dma_start3A_720 : memref<1x64xi32, #tpu.memory_space<vmem>> -> memref<64xi32, #tpu.memory_space<vmem>>
          %dma_start3A_722 = arith.constant 0 : i32
          %dma_start3A_723 = arith.constant 0 : i32
          %dma_start3A_724 = tpu.memref_slice %arg3[%dma_start3A_722, %dma_start3A_723] : memref<100000x64xbf16, #tpu.memory_space<hbm>> -> memref<100000x64xbf16, #tpu.memory_space<hbm>>
          tpu.enqueue_indirect_dma source(%dma_start3A_724 : memref<100000x64xbf16, #tpu.memory_space<hbm>>) target(%dma_start3A_718 : memref<64x64xbf16, #tpu.memory_space<vmem>>) offsets(%dma_start3A_721 : memref<64xi32, #tpu.memory_space<vmem>>) semaphore(%arg15 : memref<!tpu.dma_semaphore, #tpu.memory_space<semaphore_mem>>)
          %mul3A_725 = arith.constant 2 : i32
          %mul3A_726 = arith.muli %mul3A_725, %add3A_709 : i32
          %add3A_727 = arith.constant 1 : i32
          %add3A_728 = arith.addi %mul3A_726, %add3A_727 : i32
          %dma_start3A_729 = arith.constant 3 : i32
          %dma_start3A_730 = arith.constant 64 : i32
          %dma_start3A_731 = arith.constant 0 : i32
          %dma_start3A_732 = tpu.memref_slice %arg10[%dma_start3A_729, %dma_start3A_730, %dma_start3A_731] : memref<8x128x64xbf16, #tpu.memory_space<vmem>> -> memref<1x64x64xbf16, #tpu.memory_space<vmem>>
          %dma_start3A_733 = tpu.memref_squeeze %dma_start3A_732 : memref<1x64x64xbf16, #tpu.memory_space<vmem>> -> memref<64x64xbf16, #tpu.memory_space<vmem>>
          %dma_start3A_734 = arith.constant 0 : i32
          %dma_start3A_735 = tpu.memref_slice %arg7[%add3A_728, %dma_start3A_734] : memref<1024x64xi32, #tpu.memory_space<vmem>> -> memref<1x64xi32, #tpu.memory_space<vmem>>
          %dma_start3A_736 = tpu.memref_squeeze %dma_start3A_735 : memref<1x64xi32, #tpu.memory_space<vmem>> -> memref<64xi32, #tpu.memory_space<vmem>>
          %dma_start3A_737 = arith.constant 0 : i32
          %dma_start3A_738 = arith.constant 0 : i32
          %dma_start3A_739 = tpu.memref_slice %arg3[%dma_start3A_737, %dma_start3A_738] : memref<100000x64xbf16, #tpu.memory_space<hbm>> -> memref<100000x64xbf16, #tpu.memory_space<hbm>>
          tpu.enqueue_indirect_dma source(%dma_start3A_739 : memref<100000x64xbf16, #tpu.memory_space<hbm>>) target(%dma_start3A_733 : memref<64x64xbf16, #tpu.memory_space<vmem>>) offsets(%dma_start3A_736 : memref<64xi32, #tpu.memory_space<vmem>>) semaphore(%arg15 : memref<!tpu.dma_semaphore, #tpu.memory_space<semaphore_mem>>)
        } else {
        }
        %dma_wait3A_494 = arith.constant 0 : i32
        %dma_wait3A_495 = arith.constant 4 : i32
        %dma_wait3A_496 = arith.constant 0 : i32
        %dma_wait3A_497 = arith.constant 0 : i32
        %dma_wait3A_498 = tpu.memref_slice %arg10[%dma_wait3A_495, %dma_wait3A_496, %dma_wait3A_497] : memref<8x128x64xbf16, #tpu.memory_space<vmem>> -> memref<1x64x64xbf16, #tpu.memory_space<vmem>>
        %dma_wait3A_499 = tpu.memref_squeeze %dma_wait3A_498 : memref<1x64x64xbf16, #tpu.memory_space<vmem>> -> memref<64x64xbf16, #tpu.memory_space<vmem>>
        %dma_wait3A_500 = arith.constant 0 : i32
        %dma_wait3A_501 = tpu.memref_slice %arg7[%dma_wait3A_494, %dma_wait3A_500] : memref<1024x64xi32, #tpu.memory_space<vmem>> -> memref<1x64xi32, #tpu.memory_space<vmem>>
        %dma_wait3A_502 = tpu.memref_squeeze %dma_wait3A_501 : memref<1x64xi32, #tpu.memory_space<vmem>> -> memref<64xi32, #tpu.memory_space<vmem>>
        %dma_wait3A_503 = arith.constant 0 : i32
        %dma_wait3A_504 = arith.constant 0 : i32
        %dma_wait3A_505 = tpu.memref_slice %arg3[%dma_wait3A_503, %dma_wait3A_504] : memref<100000x64xbf16, #tpu.memory_space<hbm>> -> memref<100000x64xbf16, #tpu.memory_space<hbm>>
        tpu.wait_indirect_dma semaphore(%arg16 : memref<!tpu.dma_semaphore, #tpu.memory_space<semaphore_mem>>) src(%dma_wait3A_505 : memref<100000x64xbf16, #tpu.memory_space<hbm>>) dst(%dma_wait3A_499 : memref<64x64xbf16, #tpu.memory_space<vmem>>)
        %dma_wait3A_506 = arith.constant 1 : i32
        %dma_wait3A_507 = arith.constant 4 : i32
        %dma_wait3A_508 = arith.constant 64 : i32
        %dma_wait3A_509 = arith.constant 0 : i32
        %dma_wait3A_510 = tpu.memref_slice %arg10[%dma_wait3A_507, %dma_wait3A_508, %dma_wait3A_509] : memref<8x128x64xbf16, #tpu.memory_space<vmem>> -> memref<1x64x64xbf16, #tpu.memory_space<vmem>>
        %dma_wait3A_511 = tpu.memref_squeeze %dma_wait3A_510 : memref<1x64x64xbf16, #tpu.memory_space<vmem>> -> memref<64x64xbf16, #tpu.memory_space<vmem>>
        %dma_wait3A_512 = arith.constant 0 : i32
        %dma_wait3A_513 = tpu.memref_slice %arg7[%dma_wait3A_506, %dma_wait3A_512] : memref<1024x64xi32, #tpu.memory_space<vmem>> -> memref<1x64xi32, #tpu.memory_space<vmem>>
        %dma_wait3A_514 = tpu.memref_squeeze %dma_wait3A_513 : memref<1x64xi32, #tpu.memory_space<vmem>> -> memref<64xi32, #tpu.memory_space<vmem>>
        %dma_wait3A_515 = arith.constant 0 : i32
        %dma_wait3A_516 = arith.constant 0 : i32
        %dma_wait3A_517 = tpu.memref_slice %arg3[%dma_wait3A_515, %dma_wait3A_516] : memref<100000x64xbf16, #tpu.memory_space<hbm>> -> memref<100000x64xbf16, #tpu.memory_space<hbm>>
        tpu.wait_indirect_dma semaphore(%arg16 : memref<!tpu.dma_semaphore, #tpu.memory_space<semaphore_mem>>) src(%dma_wait3A_517 : memref<100000x64xbf16, #tpu.memory_space<hbm>>) dst(%dma_wait3A_511 : memref<64x64xbf16, #tpu.memory_space<vmem>>)
        %add3A_518 = arith.constant 4 : i32
        %add3A_519 = arith.addi %add3A_285, %add3A_518 : i32
        %add3A_520 = arith.constant 4 : i32
        %add3A_521 = arith.addi %add3A_282, %add3A_520 : i32
        %get3A_522 = arith.index_cast %add3A_519 : i32 to index
        %get3A_523 = arith.constant 0 : index
        %get3A_524 = tpu.vector_load %arg9[%get3A_522, %get3A_523] {strides = array<i32>} : memref<512x64xbf16, #tpu.memory_space<vmem>>, vector<32xbf16>,
        %get3A_525 = arith.index_cast %add3A_519 : i32 to index
        %get3A_526 = arith.constant 32 : index
        %get3A_527 = tpu.vector_load %arg9[%get3A_525, %get3A_526] {strides = array<i32>} : memref<512x64xbf16, #tpu.memory_space<vmem>>, vector<32xbf16>,
        %broadcast_in_dim3A_528 = arith.constant 0 : i32
        %broadcast_in_dim3A_529 = vector.broadcast %broadcast_in_dim3A_528 : i32 to vector<16xi32>
        %mul3A_530 = arith.constant 128 : i32
        %mul3A_531 = arith.muli %add3A_521, %mul3A_530 : i32
        %add3A_532 = vector.broadcast %mul3A_531 : i32 to vector<16xi32>
        %add3A_533 = arith.addi %broadcast_in_dim3A_529, %add3A_532 : vector<16xi32>
        %parallel_loop3A_534 = arith.constant 0 : i32
        %parallel_loop3A_535 = arith.constant 128 : i32
        %parallel_loop3A_536 = arith.constant 1 : i32
        %parallel_loop3A_537 = arith.constant 4 : i32
        scf.for %parallel_loop3A_706 = %parallel_loop3A_534 to %parallel_loop3A_535 step %parallel_loop3A_536  : i32 {
          %parallel_loop3A_707 = arith.constant 0 : i32
          %parallel_loop3A_708 = arith.constant 0 : i32
          %parallel_loop3A_709 = tpu.memref_slice %arg10[%parallel_loop3A_537, %parallel_loop3A_707, %parallel_loop3A_708] : memref<8x128x64xbf16, #tpu.memory_space<vmem>> -> memref<1x128x64xbf16, #tpu.memory_space<vmem>>
          %parallel_loop3A_710 = tpu.memref_squeeze %parallel_loop3A_709 : memref<1x128x64xbf16, #tpu.memory_space<vmem>> -> memref<128x64xbf16, #tpu.memory_space<vmem>>
          %parallel_loop3A_711 = arith.index_cast %parallel_loop3A_706 : i32 to index
          %parallel_loop3A_712 = arith.constant 0 : index
          %parallel_loop3A_713 = tpu.vector_load %parallel_loop3A_710[%parallel_loop3A_711, %parallel_loop3A_712] {strides = array<i32>} : memref<128x64xbf16, #tpu.memory_space<vmem>>, vector<32xbf16>,
          %parallel_loop3A_714 = arith.mulf %parallel_loop3A_713, %get3A_524 : vector<32xbf16>
          %parallel_loop3A_715 = arith.constant 0 : i32
          %parallel_loop3A_716 = arith.constant 0 : i32
          %parallel_loop3A_717 = tpu.memref_slice %arg10[%parallel_loop3A_537, %parallel_loop3A_715, %parallel_loop3A_716] : memref<8x128x64xbf16, #tpu.memory_space<vmem>> -> memref<1x128x64xbf16, #tpu.memory_space<vmem>>
          %parallel_loop3A_718 = tpu.memref_squeeze %parallel_loop3A_717 : memref<1x128x64xbf16, #tpu.memory_space<vmem>> -> memref<128x64xbf16, #tpu.memory_space<vmem>>
          %parallel_loop3A_719 = arith.index_cast %parallel_loop3A_706 : i32 to index
          %parallel_loop3A_720 = arith.constant 32 : index
          %parallel_loop3A_721 = tpu.vector_load %parallel_loop3A_718[%parallel_loop3A_719, %parallel_loop3A_720] {strides = array<i32>} : memref<128x64xbf16, #tpu.memory_space<vmem>>, vector<32xbf16>,
          %parallel_loop3A_722 = arith.mulf %parallel_loop3A_721, %get3A_527 : vector<32xbf16>
          %parallel_loop3A_723 = arith.addf %parallel_loop3A_714, %parallel_loop3A_722 : vector<32xbf16>
          %parallel_loop3A_724 = tpu.unpack_subelements %parallel_loop3A_723, 0 {pack_format = #tpu.pack_format<interleaved>} : vector<32xbf16> -> vector<16xf32>
          %parallel_loop3A_725 = tpu.unpack_subelements %parallel_loop3A_723, 1 {pack_format = #tpu.pack_format<interleaved>} : vector<32xbf16> -> vector<16xf32>
          %parallel_loop3A_726 = arith.addf %parallel_loop3A_724, %parallel_loop3A_725 : vector<16xf32>
          %parallel_loop3A_727 = arith.constant true
          %parallel_loop3A_728 = vector.broadcast %parallel_loop3A_727 : i1 to vector<16xi1>
          %parallel_loop3A_729 = tpu.scan <sum>, %parallel_loop3A_726 masked %parallel_loop3A_728 : vector<16xf32>, vector<16xi1> -> vector<16xf32>
          %parallel_loop3A_730 = vector.broadcast %parallel_loop3A_706 : i32 to vector<16xi32>
          %parallel_loop3A_731 = arith.addi %add3A_533, %parallel_loop3A_730 : vector<16xi32>
          %parallel_loop3A_732 = arith.constant 1 : i32
          %parallel_loop3A_733 = arith.constant 0 : i32
          %parallel_loop3A_734 = tpu.memref_slice %arg11[%parallel_loop3A_732, %parallel_loop3A_733] : memref<2x2048xf32, #tpu.memory_space<vmem>> -> memref<1x2048xf32, #tpu.memory_space<vmem>>
          %parallel_loop3A_735 = tpu.memref_squeeze %parallel_loop3A_734 : memref<1x2048xf32, #tpu.memory_space<vmem>> -> memref<2048xf32, #tpu.memory_space<vmem>>
          tpu.vector_store_idx %parallel_loop3A_735[%parallel_loop3A_731], %parallel_loop3A_729 masked %eq3A_4 : memref<2048xf32, #tpu.memory_space<vmem>>[vector<16xi32>], vector<16xf32>, vector<16xi1>
        } {sc.loop_unroll_factor = 8 : i64, sc.parallel_access}
        %add3A_538 = arith.constant 4 : i32
        %add3A_539 = arith.addi %add3A_285, %add3A_538 : i32
        %add3A_540 = arith.constant 8 : i32
        %add3A_541 = arith.addi %add3A_539, %add3A_540 : i32
        %lt3A_542 = arith.constant 512 : i32
        %lt3A_543 = arith.cmpi slt, %add3A_541, %lt3A_542 : i32
        %convert_element_type3A_544 = arith.extui %lt3A_543 : i1 to i32
        %cond3A_545 = arith.constant 0 : i32
        %cond3A_546 = arith.cmpi ne, %convert_element_type3A_544, %cond3A_545 : i32
        scf.if %cond3A_546 {
          %add3A_706 = arith.constant 4 : i32
          %add3A_707 = arith.addi %add3A_285, %add3A_706 : i32
          %add3A_708 = arith.constant 8 : i32
          %add3A_709 = arith.addi %add3A_707, %add3A_708 : i32
          %mul3A_710 = arith.constant 2 : i32
          %mul3A_711 = arith.muli %mul3A_710, %add3A_709 : i32
          %add3A_712 = arith.constant 0 : i32
          %add3A_713 = arith.addi %mul3A_711, %add3A_712 : i32
          %dma_start3A_714 = arith.constant 4 : i32
          %dma_start3A_715 = arith.constant 0 : i32
          %dma_start3A_716 = arith.constant 0 : i32
          %dma_start3A_717 = tpu.memref_slice %arg10[%dma_start3A_714, %dma_start3A_715, %dma_start3A_716] : memref<8x128x64xbf16, #tpu.memory_space<vmem>> -> memref<1x64x64xbf16, #tpu.memory_space<vmem>>
          %dma_start3A_718 = tpu.memref_squeeze %dma_start3A_717 : memref<1x64x64xbf16, #tpu.memory_space<vmem>> -> memref<64x64xbf16, #tpu.memory_space<vmem>>
          %dma_start3A_719 = arith.constant 0 : i32
          %dma_start3A_720 = tpu.memref_slice %arg7[%add3A_713, %dma_start3A_719] : memref<1024x64xi32, #tpu.memory_space<vmem>> -> memref<1x64xi32, #tpu.memory_space<vmem>>
          %dma_start3A_721 = tpu.memref_squeeze %dma_start3A_720 : memref<1x64xi32, #tpu.memory_space<vmem>> -> memref<64xi32, #tpu.memory_space<vmem>>
          %dma_start3A_722 = arith.constant 0 : i32
          %dma_start3A_723 = arith.constant 0 : i32
          %dma_start3A_724 = tpu.memref_slice %arg3[%dma_start3A_722, %dma_start3A_723] : memref<100000x64xbf16, #tpu.memory_space<hbm>> -> memref<100000x64xbf16, #tpu.memory_space<hbm>>
          tpu.enqueue_indirect_dma source(%dma_start3A_724 : memref<100000x64xbf16, #tpu.memory_space<hbm>>) target(%dma_start3A_718 : memref<64x64xbf16, #tpu.memory_space<vmem>>) offsets(%dma_start3A_721 : memref<64xi32, #tpu.memory_space<vmem>>) semaphore(%arg16 : memref<!tpu.dma_semaphore, #tpu.memory_space<semaphore_mem>>)
          %mul3A_725 = arith.constant 2 : i32
          %mul3A_726 = arith.muli %mul3A_725, %add3A_709 : i32
          %add3A_727 = arith.constant 1 : i32
          %add3A_728 = arith.addi %mul3A_726, %add3A_727 : i32
          %dma_start3A_729 = arith.constant 4 : i32
          %dma_start3A_730 = arith.constant 64 : i32
          %dma_start3A_731 = arith.constant 0 : i32
          %dma_start3A_732 = tpu.memref_slice %arg10[%dma_start3A_729, %dma_start3A_730, %dma_start3A_731] : memref<8x128x64xbf16, #tpu.memory_space<vmem>> -> memref<1x64x64xbf16, #tpu.memory_space<vmem>>
          %dma_start3A_733 = tpu.memref_squeeze %dma_start3A_732 : memref<1x64x64xbf16, #tpu.memory_space<vmem>> -> memref<64x64xbf16, #tpu.memory_space<vmem>>
          %dma_start3A_734 = arith.constant 0 : i32
          %dma_start3A_735 = tpu.memref_slice %arg7[%add3A_728, %dma_start3A_734] : memref<1024x64xi32, #tpu.memory_space<vmem>> -> memref<1x64xi32, #tpu.memory_space<vmem>>
          %dma_start3A_736 = tpu.memref_squeeze %dma_start3A_735 : memref<1x64xi32, #tpu.memory_space<vmem>> -> memref<64xi32, #tpu.memory_space<vmem>>
          %dma_start3A_737 = arith.constant 0 : i32
          %dma_start3A_738 = arith.constant 0 : i32
          %dma_start3A_739 = tpu.memref_slice %arg3[%dma_start3A_737, %dma_start3A_738] : memref<100000x64xbf16, #tpu.memory_space<hbm>> -> memref<100000x64xbf16, #tpu.memory_space<hbm>>
          tpu.enqueue_indirect_dma source(%dma_start3A_739 : memref<100000x64xbf16, #tpu.memory_space<hbm>>) target(%dma_start3A_733 : memref<64x64xbf16, #tpu.memory_space<vmem>>) offsets(%dma_start3A_736 : memref<64xi32, #tpu.memory_space<vmem>>) semaphore(%arg16 : memref<!tpu.dma_semaphore, #tpu.memory_space<semaphore_mem>>)
        } else {
        }
        %dma_wait3A_547 = arith.constant 0 : i32
        %dma_wait3A_548 = arith.constant 5 : i32
        %dma_wait3A_549 = arith.constant 0 : i32
        %dma_wait3A_550 = arith.constant 0 : i32
        %dma_wait3A_551 = tpu.memref_slice %arg10[%dma_wait3A_548, %dma_wait3A_549, %dma_wait3A_550] : memref<8x128x64xbf16, #tpu.memory_space<vmem>> -> memref<1x64x64xbf16, #tpu.memory_space<vmem>>
        %dma_wait3A_552 = tpu.memref_squeeze %dma_wait3A_551 : memref<1x64x64xbf16, #tpu.memory_space<vmem>> -> memref<64x64xbf16, #tpu.memory_space<vmem>>
        %dma_wait3A_553 = arith.constant 0 : i32
        %dma_wait3A_554 = tpu.memref_slice %arg7[%dma_wait3A_547, %dma_wait3A_553] : memref<1024x64xi32, #tpu.memory_space<vmem>> -> memref<1x64xi32, #tpu.memory_space<vmem>>
        %dma_wait3A_555 = tpu.memref_squeeze %dma_wait3A_554 : memref<1x64xi32, #tpu.memory_space<vmem>> -> memref<64xi32, #tpu.memory_space<vmem>>
        %dma_wait3A_556 = arith.constant 0 : i32
        %dma_wait3A_557 = arith.constant 0 : i32
        %dma_wait3A_558 = tpu.memref_slice %arg3[%dma_wait3A_556, %dma_wait3A_557] : memref<100000x64xbf16, #tpu.memory_space<hbm>> -> memref<100000x64xbf16, #tpu.memory_space<hbm>>
        tpu.wait_indirect_dma semaphore(%arg17 : memref<!tpu.dma_semaphore, #tpu.memory_space<semaphore_mem>>) src(%dma_wait3A_558 : memref<100000x64xbf16, #tpu.memory_space<hbm>>) dst(%dma_wait3A_552 : memref<64x64xbf16, #tpu.memory_space<vmem>>)
        %dma_wait3A_559 = arith.constant 1 : i32
        %dma_wait3A_560 = arith.constant 5 : i32
        %dma_wait3A_561 = arith.constant 64 : i32
        %dma_wait3A_562 = arith.constant 0 : i32
        %dma_wait3A_563 = tpu.memref_slice %arg10[%dma_wait3A_560, %dma_wait3A_561, %dma_wait3A_562] : memref<8x128x64xbf16, #tpu.memory_space<vmem>> -> memref<1x64x64xbf16, #tpu.memory_space<vmem>>
        %dma_wait3A_564 = tpu.memref_squeeze %dma_wait3A_563 : memref<1x64x64xbf16, #tpu.memory_space<vmem>> -> memref<64x64xbf16, #tpu.memory_space<vmem>>
        %dma_wait3A_565 = arith.constant 0 : i32
        %dma_wait3A_566 = tpu.memref_slice %arg7[%dma_wait3A_559, %dma_wait3A_565] : memref<1024x64xi32, #tpu.memory_space<vmem>> -> memref<1x64xi32, #tpu.memory_space<vmem>>
        %dma_wait3A_567 = tpu.memref_squeeze %dma_wait3A_566 : memref<1x64xi32, #tpu.memory_space<vmem>> -> memref<64xi32, #tpu.memory_space<vmem>>
        %dma_wait3A_568 = arith.constant 0 : i32
        %dma_wait3A_569 = arith.constant 0 : i32
        %dma_wait3A_570 = tpu.memref_slice %arg3[%dma_wait3A_568, %dma_wait3A_569] : memref<100000x64xbf16, #tpu.memory_space<hbm>> -> memref<100000x64xbf16, #tpu.memory_space<hbm>>
        tpu.wait_indirect_dma semaphore(%arg17 : memref<!tpu.dma_semaphore, #tpu.memory_space<semaphore_mem>>) src(%dma_wait3A_570 : memref<100000x64xbf16, #tpu.memory_space<hbm>>) dst(%dma_wait3A_564 : memref<64x64xbf16, #tpu.memory_space<vmem>>)
        %add3A_571 = arith.constant 5 : i32
        %add3A_572 = arith.addi %add3A_285, %add3A_571 : i32
        %add3A_573 = arith.constant 5 : i32
        %add3A_574 = arith.addi %add3A_282, %add3A_573 : i32
        %get3A_575 = arith.index_cast %add3A_572 : i32 to index
        %get3A_576 = arith.constant 0 : index
        %get3A_577 = tpu.vector_load %arg9[%get3A_575, %get3A_576] {strides = array<i32>} : memref<512x64xbf16, #tpu.memory_space<vmem>>, vector<32xbf16>,
        %get3A_578 = arith.index_cast %add3A_572 : i32 to index
        %get3A_579 = arith.constant 32 : index
        %get3A_580 = tpu.vector_load %arg9[%get3A_578, %get3A_579] {strides = array<i32>} : memref<512x64xbf16, #tpu.memory_space<vmem>>, vector<32xbf16>,
        %broadcast_in_dim3A_581 = arith.constant 0 : i32
        %broadcast_in_dim3A_582 = vector.broadcast %broadcast_in_dim3A_581 : i32 to vector<16xi32>
        %mul3A_583 = arith.constant 128 : i32
        %mul3A_584 = arith.muli %add3A_574, %mul3A_583 : i32
        %add3A_585 = vector.broadcast %mul3A_584 : i32 to vector<16xi32>
        %add3A_586 = arith.addi %broadcast_in_dim3A_582, %add3A_585 : vector<16xi32>
        %parallel_loop3A_587 = arith.constant 0 : i32
        %parallel_loop3A_588 = arith.constant 128 : i32
        %parallel_loop3A_589 = arith.constant 1 : i32
        %parallel_loop3A_590 = arith.constant 5 : i32
        scf.for %parallel_loop3A_706 = %parallel_loop3A_587 to %parallel_loop3A_588 step %parallel_loop3A_589  : i32 {
          %parallel_loop3A_707 = arith.constant 0 : i32
          %parallel_loop3A_708 = arith.constant 0 : i32
          %parallel_loop3A_709 = tpu.memref_slice %arg10[%parallel_loop3A_590, %parallel_loop3A_707, %parallel_loop3A_708] : memref<8x128x64xbf16, #tpu.memory_space<vmem>> -> memref<1x128x64xbf16, #tpu.memory_space<vmem>>
          %parallel_loop3A_710 = tpu.memref_squeeze %parallel_loop3A_709 : memref<1x128x64xbf16, #tpu.memory_space<vmem>> -> memref<128x64xbf16, #tpu.memory_space<vmem>>
          %parallel_loop3A_711 = arith.index_cast %parallel_loop3A_706 : i32 to index
          %parallel_loop3A_712 = arith.constant 0 : index
          %parallel_loop3A_713 = tpu.vector_load %parallel_loop3A_710[%parallel_loop3A_711, %parallel_loop3A_712] {strides = array<i32>} : memref<128x64xbf16, #tpu.memory_space<vmem>>, vector<32xbf16>,
          %parallel_loop3A_714 = arith.mulf %parallel_loop3A_713, %get3A_577 : vector<32xbf16>
          %parallel_loop3A_715 = arith.constant 0 : i32
          %parallel_loop3A_716 = arith.constant 0 : i32
          %parallel_loop3A_717 = tpu.memref_slice %arg10[%parallel_loop3A_590, %parallel_loop3A_715, %parallel_loop3A_716] : memref<8x128x64xbf16, #tpu.memory_space<vmem>> -> memref<1x128x64xbf16, #tpu.memory_space<vmem>>
          %parallel_loop3A_718 = tpu.memref_squeeze %parallel_loop3A_717 : memref<1x128x64xbf16, #tpu.memory_space<vmem>> -> memref<128x64xbf16, #tpu.memory_space<vmem>>
          %parallel_loop3A_719 = arith.index_cast %parallel_loop3A_706 : i32 to index
          %parallel_loop3A_720 = arith.constant 32 : index
          %parallel_loop3A_721 = tpu.vector_load %parallel_loop3A_718[%parallel_loop3A_719, %parallel_loop3A_720] {strides = array<i32>} : memref<128x64xbf16, #tpu.memory_space<vmem>>, vector<32xbf16>,
          %parallel_loop3A_722 = arith.mulf %parallel_loop3A_721, %get3A_580 : vector<32xbf16>
          %parallel_loop3A_723 = arith.addf %parallel_loop3A_714, %parallel_loop3A_722 : vector<32xbf16>
          %parallel_loop3A_724 = tpu.unpack_subelements %parallel_loop3A_723, 0 {pack_format = #tpu.pack_format<interleaved>} : vector<32xbf16> -> vector<16xf32>
          %parallel_loop3A_725 = tpu.unpack_subelements %parallel_loop3A_723, 1 {pack_format = #tpu.pack_format<interleaved>} : vector<32xbf16> -> vector<16xf32>
          %parallel_loop3A_726 = arith.addf %parallel_loop3A_724, %parallel_loop3A_725 : vector<16xf32>
          %parallel_loop3A_727 = arith.constant true
          %parallel_loop3A_728 = vector.broadcast %parallel_loop3A_727 : i1 to vector<16xi1>
          %parallel_loop3A_729 = tpu.scan <sum>, %parallel_loop3A_726 masked %parallel_loop3A_728 : vector<16xf32>, vector<16xi1> -> vector<16xf32>
          %parallel_loop3A_730 = vector.broadcast %parallel_loop3A_706 : i32 to vector<16xi32>
          %parallel_loop3A_731 = arith.addi %add3A_586, %parallel_loop3A_730 : vector<16xi32>
          %parallel_loop3A_732 = arith.constant 1 : i32
          %parallel_loop3A_733 = arith.constant 0 : i32
          %parallel_loop3A_734 = tpu.memref_slice %arg11[%parallel_loop3A_732, %parallel_loop3A_733] : memref<2x2048xf32, #tpu.memory_space<vmem>> -> memref<1x2048xf32, #tpu.memory_space<vmem>>
          %parallel_loop3A_735 = tpu.memref_squeeze %parallel_loop3A_734 : memref<1x2048xf32, #tpu.memory_space<vmem>> -> memref<2048xf32, #tpu.memory_space<vmem>>
          tpu.vector_store_idx %parallel_loop3A_735[%parallel_loop3A_731], %parallel_loop3A_729 masked %eq3A_4 : memref<2048xf32, #tpu.memory_space<vmem>>[vector<16xi32>], vector<16xf32>, vector<16xi1>
        } {sc.loop_unroll_factor = 8 : i64, sc.parallel_access}
        %add3A_591 = arith.constant 5 : i32
        %add3A_592 = arith.addi %add3A_285, %add3A_591 : i32
        %add3A_593 = arith.constant 8 : i32
        %add3A_594 = arith.addi %add3A_592, %add3A_593 : i32
        %lt3A_595 = arith.constant 512 : i32
        %lt3A_596 = arith.cmpi slt, %add3A_594, %lt3A_595 : i32
        %convert_element_type3A_597 = arith.extui %lt3A_596 : i1 to i32
        %cond3A_598 = arith.constant 0 : i32
        %cond3A_599 = arith.cmpi ne, %convert_element_type3A_597, %cond3A_598 : i32
        scf.if %cond3A_599 {
          %add3A_706 = arith.constant 5 : i32
          %add3A_707 = arith.addi %add3A_285, %add3A_706 : i32
          %add3A_708 = arith.constant 8 : i32
          %add3A_709 = arith.addi %add3A_707, %add3A_708 : i32
          %mul3A_710 = arith.constant 2 : i32
          %mul3A_711 = arith.muli %mul3A_710, %add3A_709 : i32
          %add3A_712 = arith.constant 0 : i32
          %add3A_713 = arith.addi %mul3A_711, %add3A_712 : i32
          %dma_start3A_714 = arith.constant 5 : i32
          %dma_start3A_715 = arith.constant 0 : i32
          %dma_start3A_716 = arith.constant 0 : i32
          %dma_start3A_717 = tpu.memref_slice %arg10[%dma_start3A_714, %dma_start3A_715, %dma_start3A_716] : memref<8x128x64xbf16, #tpu.memory_space<vmem>> -> memref<1x64x64xbf16, #tpu.memory_space<vmem>>
          %dma_start3A_718 = tpu.memref_squeeze %dma_start3A_717 : memref<1x64x64xbf16, #tpu.memory_space<vmem>> -> memref<64x64xbf16, #tpu.memory_space<vmem>>
          %dma_start3A_719 = arith.constant 0 : i32
          %dma_start3A_720 = tpu.memref_slice %arg7[%add3A_713, %dma_start3A_719] : memref<1024x64xi32, #tpu.memory_space<vmem>> -> memref<1x64xi32, #tpu.memory_space<vmem>>
          %dma_start3A_721 = tpu.memref_squeeze %dma_start3A_720 : memref<1x64xi32, #tpu.memory_space<vmem>> -> memref<64xi32, #tpu.memory_space<vmem>>
          %dma_start3A_722 = arith.constant 0 : i32
          %dma_start3A_723 = arith.constant 0 : i32
          %dma_start3A_724 = tpu.memref_slice %arg3[%dma_start3A_722, %dma_start3A_723] : memref<100000x64xbf16, #tpu.memory_space<hbm>> -> memref<100000x64xbf16, #tpu.memory_space<hbm>>
          tpu.enqueue_indirect_dma source(%dma_start3A_724 : memref<100000x64xbf16, #tpu.memory_space<hbm>>) target(%dma_start3A_718 : memref<64x64xbf16, #tpu.memory_space<vmem>>) offsets(%dma_start3A_721 : memref<64xi32, #tpu.memory_space<vmem>>) semaphore(%arg17 : memref<!tpu.dma_semaphore, #tpu.memory_space<semaphore_mem>>)
          %mul3A_725 = arith.constant 2 : i32
          %mul3A_726 = arith.muli %mul3A_725, %add3A_709 : i32
          %add3A_727 = arith.constant 1 : i32
          %add3A_728 = arith.addi %mul3A_726, %add3A_727 : i32
          %dma_start3A_729 = arith.constant 5 : i32
          %dma_start3A_730 = arith.constant 64 : i32
          %dma_start3A_731 = arith.constant 0 : i32
          %dma_start3A_732 = tpu.memref_slice %arg10[%dma_start3A_729, %dma_start3A_730, %dma_start3A_731] : memref<8x128x64xbf16, #tpu.memory_space<vmem>> -> memref<1x64x64xbf16, #tpu.memory_space<vmem>>
          %dma_start3A_733 = tpu.memref_squeeze %dma_start3A_732 : memref<1x64x64xbf16, #tpu.memory_space<vmem>> -> memref<64x64xbf16, #tpu.memory_space<vmem>>
          %dma_start3A_734 = arith.constant 0 : i32
          %dma_start3A_735 = tpu.memref_slice %arg7[%add3A_728, %dma_start3A_734] : memref<1024x64xi32, #tpu.memory_space<vmem>> -> memref<1x64xi32, #tpu.memory_space<vmem>>
          %dma_start3A_736 = tpu.memref_squeeze %dma_start3A_735 : memref<1x64xi32, #tpu.memory_space<vmem>> -> memref<64xi32, #tpu.memory_space<vmem>>
          %dma_start3A_737 = arith.constant 0 : i32
          %dma_start3A_738 = arith.constant 0 : i32
          %dma_start3A_739 = tpu.memref_slice %arg3[%dma_start3A_737, %dma_start3A_738] : memref<100000x64xbf16, #tpu.memory_space<hbm>> -> memref<100000x64xbf16, #tpu.memory_space<hbm>>
          tpu.enqueue_indirect_dma source(%dma_start3A_739 : memref<100000x64xbf16, #tpu.memory_space<hbm>>) target(%dma_start3A_733 : memref<64x64xbf16, #tpu.memory_space<vmem>>) offsets(%dma_start3A_736 : memref<64xi32, #tpu.memory_space<vmem>>) semaphore(%arg17 : memref<!tpu.dma_semaphore, #tpu.memory_space<semaphore_mem>>)
        } else {
        }
        %dma_wait3A_600 = arith.constant 0 : i32
        %dma_wait3A_601 = arith.constant 6 : i32
        %dma_wait3A_602 = arith.constant 0 : i32
        %dma_wait3A_603 = arith.constant 0 : i32
        %dma_wait3A_604 = tpu.memref_slice %arg10[%dma_wait3A_601, %dma_wait3A_602, %dma_wait3A_603] : memref<8x128x64xbf16, #tpu.memory_space<vmem>> -> memref<1x64x64xbf16, #tpu.memory_space<vmem>>
        %dma_wait3A_605 = tpu.memref_squeeze %dma_wait3A_604 : memref<1x64x64xbf16, #tpu.memory_space<vmem>> -> memref<64x64xbf16, #tpu.memory_space<vmem>>
        %dma_wait3A_606 = arith.constant 0 : i32
        %dma_wait3A_607 = tpu.memref_slice %arg7[%dma_wait3A_600, %dma_wait3A_606] : memref<1024x64xi32, #tpu.memory_space<vmem>> -> memref<1x64xi32, #tpu.memory_space<vmem>>
        %dma_wait3A_608 = tpu.memref_squeeze %dma_wait3A_607 : memref<1x64xi32, #tpu.memory_space<vmem>> -> memref<64xi32, #tpu.memory_space<vmem>>
        %dma_wait3A_609 = arith.constant 0 : i32
        %dma_wait3A_610 = arith.constant 0 : i32
        %dma_wait3A_611 = tpu.memref_slice %arg3[%dma_wait3A_609, %dma_wait3A_610] : memref<100000x64xbf16, #tpu.memory_space<hbm>> -> memref<100000x64xbf16, #tpu.memory_space<hbm>>
        tpu.wait_indirect_dma semaphore(%arg18 : memref<!tpu.dma_semaphore, #tpu.memory_space<semaphore_mem>>) src(%dma_wait3A_611 : memref<100000x64xbf16, #tpu.memory_space<hbm>>) dst(%dma_wait3A_605 : memref<64x64xbf16, #tpu.memory_space<vmem>>)
        %dma_wait3A_612 = arith.constant 1 : i32
        %dma_wait3A_613 = arith.constant 6 : i32
        %dma_wait3A_614 = arith.constant 64 : i32
        %dma_wait3A_615 = arith.constant 0 : i32
        %dma_wait3A_616 = tpu.memref_slice %arg10[%dma_wait3A_613, %dma_wait3A_614, %dma_wait3A_615] : memref<8x128x64xbf16, #tpu.memory_space<vmem>> -> memref<1x64x64xbf16, #tpu.memory_space<vmem>>
        %dma_wait3A_617 = tpu.memref_squeeze %dma_wait3A_616 : memref<1x64x64xbf16, #tpu.memory_space<vmem>> -> memref<64x64xbf16, #tpu.memory_space<vmem>>
        %dma_wait3A_618 = arith.constant 0 : i32
        %dma_wait3A_619 = tpu.memref_slice %arg7[%dma_wait3A_612, %dma_wait3A_618] : memref<1024x64xi32, #tpu.memory_space<vmem>> -> memref<1x64xi32, #tpu.memory_space<vmem>>
        %dma_wait3A_620 = tpu.memref_squeeze %dma_wait3A_619 : memref<1x64xi32, #tpu.memory_space<vmem>> -> memref<64xi32, #tpu.memory_space<vmem>>
        %dma_wait3A_621 = arith.constant 0 : i32
        %dma_wait3A_622 = arith.constant 0 : i32
        %dma_wait3A_623 = tpu.memref_slice %arg3[%dma_wait3A_621, %dma_wait3A_622] : memref<100000x64xbf16, #tpu.memory_space<hbm>> -> memref<100000x64xbf16, #tpu.memory_space<hbm>>
        tpu.wait_indirect_dma semaphore(%arg18 : memref<!tpu.dma_semaphore, #tpu.memory_space<semaphore_mem>>) src(%dma_wait3A_623 : memref<100000x64xbf16, #tpu.memory_space<hbm>>) dst(%dma_wait3A_617 : memref<64x64xbf16, #tpu.memory_space<vmem>>)
        %add3A_624 = arith.constant 6 : i32
        %add3A_625 = arith.addi %add3A_285, %add3A_624 : i32
        %add3A_626 = arith.constant 6 : i32
        %add3A_627 = arith.addi %add3A_282, %add3A_626 : i32
        %get3A_628 = arith.index_cast %add3A_625 : i32 to index
        %get3A_629 = arith.constant 0 : index
        %get3A_630 = tpu.vector_load %arg9[%get3A_628, %get3A_629] {strides = array<i32>} : memref<512x64xbf16, #tpu.memory_space<vmem>>, vector<32xbf16>,
        %get3A_631 = arith.index_cast %add3A_625 : i32 to index
        %get3A_632 = arith.constant 32 : index
        %get3A_633 = tpu.vector_load %arg9[%get3A_631, %get3A_632] {strides = array<i32>} : memref<512x64xbf16, #tpu.memory_space<vmem>>, vector<32xbf16>,
        %broadcast_in_dim3A_634 = arith.constant 0 : i32
        %broadcast_in_dim3A_635 = vector.broadcast %broadcast_in_dim3A_634 : i32 to vector<16xi32>
        %mul3A_636 = arith.constant 128 : i32
        %mul3A_637 = arith.muli %add3A_627, %mul3A_636 : i32
        %add3A_638 = vector.broadcast %mul3A_637 : i32 to vector<16xi32>
        %add3A_639 = arith.addi %broadcast_in_dim3A_635, %add3A_638 : vector<16xi32>
        %parallel_loop3A_640 = arith.constant 0 : i32
        %parallel_loop3A_641 = arith.constant 128 : i32
        %parallel_loop3A_642 = arith.constant 1 : i32
        %parallel_loop3A_643 = arith.constant 6 : i32
        scf.for %parallel_loop3A_706 = %parallel_loop3A_640 to %parallel_loop3A_641 step %parallel_loop3A_642  : i32 {
          %parallel_loop3A_707 = arith.constant 0 : i32
          %parallel_loop3A_708 = arith.constant 0 : i32
          %parallel_loop3A_709 = tpu.memref_slice %arg10[%parallel_loop3A_643, %parallel_loop3A_707, %parallel_loop3A_708] : memref<8x128x64xbf16, #tpu.memory_space<vmem>> -> memref<1x128x64xbf16, #tpu.memory_space<vmem>>
          %parallel_loop3A_710 = tpu.memref_squeeze %parallel_loop3A_709 : memref<1x128x64xbf16, #tpu.memory_space<vmem>> -> memref<128x64xbf16, #tpu.memory_space<vmem>>
          %parallel_loop3A_711 = arith.index_cast %parallel_loop3A_706 : i32 to index
          %parallel_loop3A_712 = arith.constant 0 : index
          %parallel_loop3A_713 = tpu.vector_load %parallel_loop3A_710[%parallel_loop3A_711, %parallel_loop3A_712] {strides = array<i32>} : memref<128x64xbf16, #tpu.memory_space<vmem>>, vector<32xbf16>,
          %parallel_loop3A_714 = arith.mulf %parallel_loop3A_713, %get3A_630 : vector<32xbf16>
          %parallel_loop3A_715 = arith.constant 0 : i32
          %parallel_loop3A_716 = arith.constant 0 : i32
          %parallel_loop3A_717 = tpu.memref_slice %arg10[%parallel_loop3A_643, %parallel_loop3A_715, %parallel_loop3A_716] : memref<8x128x64xbf16, #tpu.memory_space<vmem>> -> memref<1x128x64xbf16, #tpu.memory_space<vmem>>
          %parallel_loop3A_718 = tpu.memref_squeeze %parallel_loop3A_717 : memref<1x128x64xbf16, #tpu.memory_space<vmem>> -> memref<128x64xbf16, #tpu.memory_space<vmem>>
          %parallel_loop3A_719 = arith.index_cast %parallel_loop3A_706 : i32 to index
          %parallel_loop3A_720 = arith.constant 32 : index
          %parallel_loop3A_721 = tpu.vector_load %parallel_loop3A_718[%parallel_loop3A_719, %parallel_loop3A_720] {strides = array<i32>} : memref<128x64xbf16, #tpu.memory_space<vmem>>, vector<32xbf16>,
          %parallel_loop3A_722 = arith.mulf %parallel_loop3A_721, %get3A_633 : vector<32xbf16>
          %parallel_loop3A_723 = arith.addf %parallel_loop3A_714, %parallel_loop3A_722 : vector<32xbf16>
          %parallel_loop3A_724 = tpu.unpack_subelements %parallel_loop3A_723, 0 {pack_format = #tpu.pack_format<interleaved>} : vector<32xbf16> -> vector<16xf32>
          %parallel_loop3A_725 = tpu.unpack_subelements %parallel_loop3A_723, 1 {pack_format = #tpu.pack_format<interleaved>} : vector<32xbf16> -> vector<16xf32>
          %parallel_loop3A_726 = arith.addf %parallel_loop3A_724, %parallel_loop3A_725 : vector<16xf32>
          %parallel_loop3A_727 = arith.constant true
          %parallel_loop3A_728 = vector.broadcast %parallel_loop3A_727 : i1 to vector<16xi1>
          %parallel_loop3A_729 = tpu.scan <sum>, %parallel_loop3A_726 masked %parallel_loop3A_728 : vector<16xf32>, vector<16xi1> -> vector<16xf32>
          %parallel_loop3A_730 = vector.broadcast %parallel_loop3A_706 : i32 to vector<16xi32>
          %parallel_loop3A_731 = arith.addi %add3A_639, %parallel_loop3A_730 : vector<16xi32>
          %parallel_loop3A_732 = arith.constant 1 : i32
          %parallel_loop3A_733 = arith.constant 0 : i32
          %parallel_loop3A_734 = tpu.memref_slice %arg11[%parallel_loop3A_732, %parallel_loop3A_733] : memref<2x2048xf32, #tpu.memory_space<vmem>> -> memref<1x2048xf32, #tpu.memory_space<vmem>>
          %parallel_loop3A_735 = tpu.memref_squeeze %parallel_loop3A_734 : memref<1x2048xf32, #tpu.memory_space<vmem>> -> memref<2048xf32, #tpu.memory_space<vmem>>
          tpu.vector_store_idx %parallel_loop3A_735[%parallel_loop3A_731], %parallel_loop3A_729 masked %eq3A_4 : memref<2048xf32, #tpu.memory_space<vmem>>[vector<16xi32>], vector<16xf32>, vector<16xi1>
        } {sc.loop_unroll_factor = 8 : i64, sc.parallel_access}
        %add3A_644 = arith.constant 6 : i32
        %add3A_645 = arith.addi %add3A_285, %add3A_644 : i32
        %add3A_646 = arith.constant 8 : i32
        %add3A_647 = arith.addi %add3A_645, %add3A_646 : i32
        %lt3A_648 = arith.constant 512 : i32
        %lt3A_649 = arith.cmpi slt, %add3A_647, %lt3A_648 : i32
        %convert_element_type3A_650 = arith.extui %lt3A_649 : i1 to i32
        %cond3A_651 = arith.constant 0 : i32
        %cond3A_652 = arith.cmpi ne, %convert_element_type3A_650, %cond3A_651 : i32
        scf.if %cond3A_652 {
          %add3A_706 = arith.constant 6 : i32
          %add3A_707 = arith.addi %add3A_285, %add3A_706 : i32
          %add3A_708 = arith.constant 8 : i32
          %add3A_709 = arith.addi %add3A_707, %add3A_708 : i32
          %mul3A_710 = arith.constant 2 : i32
          %mul3A_711 = arith.muli %mul3A_710, %add3A_709 : i32
          %add3A_712 = arith.constant 0 : i32
          %add3A_713 = arith.addi %mul3A_711, %add3A_712 : i32
          %dma_start3A_714 = arith.constant 6 : i32
          %dma_start3A_715 = arith.constant 0 : i32
          %dma_start3A_716 = arith.constant 0 : i32
          %dma_start3A_717 = tpu.memref_slice %arg10[%dma_start3A_714, %dma_start3A_715, %dma_start3A_716] : memref<8x128x64xbf16, #tpu.memory_space<vmem>> -> memref<1x64x64xbf16, #tpu.memory_space<vmem>>
          %dma_start3A_718 = tpu.memref_squeeze %dma_start3A_717 : memref<1x64x64xbf16, #tpu.memory_space<vmem>> -> memref<64x64xbf16, #tpu.memory_space<vmem>>
          %dma_start3A_719 = arith.constant 0 : i32
          %dma_start3A_720 = tpu.memref_slice %arg7[%add3A_713, %dma_start3A_719] : memref<1024x64xi32, #tpu.memory_space<vmem>> -> memref<1x64xi32, #tpu.memory_space<vmem>>
          %dma_start3A_721 = tpu.memref_squeeze %dma_start3A_720 : memref<1x64xi32, #tpu.memory_space<vmem>> -> memref<64xi32, #tpu.memory_space<vmem>>
          %dma_start3A_722 = arith.constant 0 : i32
          %dma_start3A_723 = arith.constant 0 : i32
          %dma_start3A_724 = tpu.memref_slice %arg3[%dma_start3A_722, %dma_start3A_723] : memref<100000x64xbf16, #tpu.memory_space<hbm>> -> memref<100000x64xbf16, #tpu.memory_space<hbm>>
          tpu.enqueue_indirect_dma source(%dma_start3A_724 : memref<100000x64xbf16, #tpu.memory_space<hbm>>) target(%dma_start3A_718 : memref<64x64xbf16, #tpu.memory_space<vmem>>) offsets(%dma_start3A_721 : memref<64xi32, #tpu.memory_space<vmem>>) semaphore(%arg18 : memref<!tpu.dma_semaphore, #tpu.memory_space<semaphore_mem>>)
          %mul3A_725 = arith.constant 2 : i32
          %mul3A_726 = arith.muli %mul3A_725, %add3A_709 : i32
          %add3A_727 = arith.constant 1 : i32
          %add3A_728 = arith.addi %mul3A_726, %add3A_727 : i32
          %dma_start3A_729 = arith.constant 6 : i32
          %dma_start3A_730 = arith.constant 64 : i32
          %dma_start3A_731 = arith.constant 0 : i32
          %dma_start3A_732 = tpu.memref_slice %arg10[%dma_start3A_729, %dma_start3A_730, %dma_start3A_731] : memref<8x128x64xbf16, #tpu.memory_space<vmem>> -> memref<1x64x64xbf16, #tpu.memory_space<vmem>>
          %dma_start3A_733 = tpu.memref_squeeze %dma_start3A_732 : memref<1x64x64xbf16, #tpu.memory_space<vmem>> -> memref<64x64xbf16, #tpu.memory_space<vmem>>
          %dma_start3A_734 = arith.constant 0 : i32
          %dma_start3A_735 = tpu.memref_slice %arg7[%add3A_728, %dma_start3A_734] : memref<1024x64xi32, #tpu.memory_space<vmem>> -> memref<1x64xi32, #tpu.memory_space<vmem>>
          %dma_start3A_736 = tpu.memref_squeeze %dma_start3A_735 : memref<1x64xi32, #tpu.memory_space<vmem>> -> memref<64xi32, #tpu.memory_space<vmem>>
          %dma_start3A_737 = arith.constant 0 : i32
          %dma_start3A_738 = arith.constant 0 : i32
          %dma_start3A_739 = tpu.memref_slice %arg3[%dma_start3A_737, %dma_start3A_738] : memref<100000x64xbf16, #tpu.memory_space<hbm>> -> memref<100000x64xbf16, #tpu.memory_space<hbm>>
          tpu.enqueue_indirect_dma source(%dma_start3A_739 : memref<100000x64xbf16, #tpu.memory_space<hbm>>) target(%dma_start3A_733 : memref<64x64xbf16, #tpu.memory_space<vmem>>) offsets(%dma_start3A_736 : memref<64xi32, #tpu.memory_space<vmem>>) semaphore(%arg18 : memref<!tpu.dma_semaphore, #tpu.memory_space<semaphore_mem>>)
        } else {
        }
        %dma_wait3A_653 = arith.constant 0 : i32
        %dma_wait3A_654 = arith.constant 7 : i32
        %dma_wait3A_655 = arith.constant 0 : i32
        %dma_wait3A_656 = arith.constant 0 : i32
        %dma_wait3A_657 = tpu.memref_slice %arg10[%dma_wait3A_654, %dma_wait3A_655, %dma_wait3A_656] : memref<8x128x64xbf16, #tpu.memory_space<vmem>> -> memref<1x64x64xbf16, #tpu.memory_space<vmem>>
        %dma_wait3A_658 = tpu.memref_squeeze %dma_wait3A_657 : memref<1x64x64xbf16, #tpu.memory_space<vmem>> -> memref<64x64xbf16, #tpu.memory_space<vmem>>
        %dma_wait3A_659 = arith.constant 0 : i32
        %dma_wait3A_660 = tpu.memref_slice %arg7[%dma_wait3A_653, %dma_wait3A_659] : memref<1024x64xi32, #tpu.memory_space<vmem>> -> memref<1x64xi32, #tpu.memory_space<vmem>>
        %dma_wait3A_661 = tpu.memref_squeeze %dma_wait3A_660 : memref<1x64xi32, #tpu.memory_space<vmem>> -> memref<64xi32, #tpu.memory_space<vmem>>
        %dma_wait3A_662 = arith.constant 0 : i32
        %dma_wait3A_663 = arith.constant 0 : i32
        %dma_wait3A_664 = tpu.memref_slice %arg3[%dma_wait3A_662, %dma_wait3A_663] : memref<100000x64xbf16, #tpu.memory_space<hbm>> -> memref<100000x64xbf16, #tpu.memory_space<hbm>>
        tpu.wait_indirect_dma semaphore(%arg19 : memref<!tpu.dma_semaphore, #tpu.memory_space<semaphore_mem>>) src(%dma_wait3A_664 : memref<100000x64xbf16, #tpu.memory_space<hbm>>) dst(%dma_wait3A_658 : memref<64x64xbf16, #tpu.memory_space<vmem>>)
        %dma_wait3A_665 = arith.constant 1 : i32
        %dma_wait3A_666 = arith.constant 7 : i32
        %dma_wait3A_667 = arith.constant 64 : i32
        %dma_wait3A_668 = arith.constant 0 : i32
        %dma_wait3A_669 = tpu.memref_slice %arg10[%dma_wait3A_666, %dma_wait3A_667, %dma_wait3A_668] : memref<8x128x64xbf16, #tpu.memory_space<vmem>> -> memref<1x64x64xbf16, #tpu.memory_space<vmem>>
        %dma_wait3A_670 = tpu.memref_squeeze %dma_wait3A_669 : memref<1x64x64xbf16, #tpu.memory_space<vmem>> -> memref<64x64xbf16, #tpu.memory_space<vmem>>
        %dma_wait3A_671 = arith.constant 0 : i32
        %dma_wait3A_672 = tpu.memref_slice %arg7[%dma_wait3A_665, %dma_wait3A_671] : memref<1024x64xi32, #tpu.memory_space<vmem>> -> memref<1x64xi32, #tpu.memory_space<vmem>>
        %dma_wait3A_673 = tpu.memref_squeeze %dma_wait3A_672 : memref<1x64xi32, #tpu.memory_space<vmem>> -> memref<64xi32, #tpu.memory_space<vmem>>
        %dma_wait3A_674 = arith.constant 0 : i32
        %dma_wait3A_675 = arith.constant 0 : i32
        %dma_wait3A_676 = tpu.memref_slice %arg3[%dma_wait3A_674, %dma_wait3A_675] : memref<100000x64xbf16, #tpu.memory_space<hbm>> -> memref<100000x64xbf16, #tpu.memory_space<hbm>>
        tpu.wait_indirect_dma semaphore(%arg19 : memref<!tpu.dma_semaphore, #tpu.memory_space<semaphore_mem>>) src(%dma_wait3A_676 : memref<100000x64xbf16, #tpu.memory_space<hbm>>) dst(%dma_wait3A_670 : memref<64x64xbf16, #tpu.memory_space<vmem>>)
        %add3A_677 = arith.constant 7 : i32
        %add3A_678 = arith.addi %add3A_285, %add3A_677 : i32
        %add3A_679 = arith.constant 7 : i32
        %add3A_680 = arith.addi %add3A_282, %add3A_679 : i32
        %get3A_681 = arith.index_cast %add3A_678 : i32 to index
        %get3A_682 = arith.constant 0 : index
        %get3A_683 = tpu.vector_load %arg9[%get3A_681, %get3A_682] {strides = array<i32>} : memref<512x64xbf16, #tpu.memory_space<vmem>>, vector<32xbf16>,
        %get3A_684 = arith.index_cast %add3A_678 : i32 to index
        %get3A_685 = arith.constant 32 : index
        %get3A_686 = tpu.vector_load %arg9[%get3A_684, %get3A_685] {strides = array<i32>} : memref<512x64xbf16, #tpu.memory_space<vmem>>, vector<32xbf16>,
        %broadcast_in_dim3A_687 = arith.constant 0 : i32
        %broadcast_in_dim3A_688 = vector.broadcast %broadcast_in_dim3A_687 : i32 to vector<16xi32>
        %mul3A_689 = arith.constant 128 : i32
        %mul3A_690 = arith.muli %add3A_680, %mul3A_689 : i32
        %add3A_691 = vector.broadcast %mul3A_690 : i32 to vector<16xi32>
        %add3A_692 = arith.addi %broadcast_in_dim3A_688, %add3A_691 : vector<16xi32>
        %parallel_loop3A_693 = arith.constant 0 : i32
        %parallel_loop3A_694 = arith.constant 128 : i32
        %parallel_loop3A_695 = arith.constant 1 : i32
        %parallel_loop3A_696 = arith.constant 7 : i32
        scf.for %parallel_loop3A_706 = %parallel_loop3A_693 to %parallel_loop3A_694 step %parallel_loop3A_695  : i32 {
          %parallel_loop3A_707 = arith.constant 0 : i32
          %parallel_loop3A_708 = arith.constant 0 : i32
          %parallel_loop3A_709 = tpu.memref_slice %arg10[%parallel_loop3A_696, %parallel_loop3A_707, %parallel_loop3A_708] : memref<8x128x64xbf16, #tpu.memory_space<vmem>> -> memref<1x128x64xbf16, #tpu.memory_space<vmem>>
          %parallel_loop3A_710 = tpu.memref_squeeze %parallel_loop3A_709 : memref<1x128x64xbf16, #tpu.memory_space<vmem>> -> memref<128x64xbf16, #tpu.memory_space<vmem>>
          %parallel_loop3A_711 = arith.index_cast %parallel_loop3A_706 : i32 to index
          %parallel_loop3A_712 = arith.constant 0 : index
          %parallel_loop3A_713 = tpu.vector_load %parallel_loop3A_710[%parallel_loop3A_711, %parallel_loop3A_712] {strides = array<i32>} : memref<128x64xbf16, #tpu.memory_space<vmem>>, vector<32xbf16>,
          %parallel_loop3A_714 = arith.mulf %parallel_loop3A_713, %get3A_683 : vector<32xbf16>
          %parallel_loop3A_715 = arith.constant 0 : i32
          %parallel_loop3A_716 = arith.constant 0 : i32
          %parallel_loop3A_717 = tpu.memref_slice %arg10[%parallel_loop3A_696, %parallel_loop3A_715, %parallel_loop3A_716] : memref<8x128x64xbf16, #tpu.memory_space<vmem>> -> memref<1x128x64xbf16, #tpu.memory_space<vmem>>
          %parallel_loop3A_718 = tpu.memref_squeeze %parallel_loop3A_717 : memref<1x128x64xbf16, #tpu.memory_space<vmem>> -> memref<128x64xbf16, #tpu.memory_space<vmem>>
          %parallel_loop3A_719 = arith.index_cast %parallel_loop3A_706 : i32 to index
          %parallel_loop3A_720 = arith.constant 32 : index
          %parallel_loop3A_721 = tpu.vector_load %parallel_loop3A_718[%parallel_loop3A_719, %parallel_loop3A_720] {strides = array<i32>} : memref<128x64xbf16, #tpu.memory_space<vmem>>, vector<32xbf16>,
          %parallel_loop3A_722 = arith.mulf %parallel_loop3A_721, %get3A_686 : vector<32xbf16>
          %parallel_loop3A_723 = arith.addf %parallel_loop3A_714, %parallel_loop3A_722 : vector<32xbf16>
          %parallel_loop3A_724 = tpu.unpack_subelements %parallel_loop3A_723, 0 {pack_format = #tpu.pack_format<interleaved>} : vector<32xbf16> -> vector<16xf32>
          %parallel_loop3A_725 = tpu.unpack_subelements %parallel_loop3A_723, 1 {pack_format = #tpu.pack_format<interleaved>} : vector<32xbf16> -> vector<16xf32>
          %parallel_loop3A_726 = arith.addf %parallel_loop3A_724, %parallel_loop3A_725 : vector<16xf32>
          %parallel_loop3A_727 = arith.constant true
          %parallel_loop3A_728 = vector.broadcast %parallel_loop3A_727 : i1 to vector<16xi1>
          %parallel_loop3A_729 = tpu.scan <sum>, %parallel_loop3A_726 masked %parallel_loop3A_728 : vector<16xf32>, vector<16xi1> -> vector<16xf32>
          %parallel_loop3A_730 = vector.broadcast %parallel_loop3A_706 : i32 to vector<16xi32>
          %parallel_loop3A_731 = arith.addi %add3A_692, %parallel_loop3A_730 : vector<16xi32>
          %parallel_loop3A_732 = arith.constant 1 : i32
          %parallel_loop3A_733 = arith.constant 0 : i32
          %parallel_loop3A_734 = tpu.memref_slice %arg11[%parallel_loop3A_732, %parallel_loop3A_733] : memref<2x2048xf32, #tpu.memory_space<vmem>> -> memref<1x2048xf32, #tpu.memory_space<vmem>>
          %parallel_loop3A_735 = tpu.memref_squeeze %parallel_loop3A_734 : memref<1x2048xf32, #tpu.memory_space<vmem>> -> memref<2048xf32, #tpu.memory_space<vmem>>
          tpu.vector_store_idx %parallel_loop3A_735[%parallel_loop3A_731], %parallel_loop3A_729 masked %eq3A_4 : memref<2048xf32, #tpu.memory_space<vmem>>[vector<16xi32>], vector<16xf32>, vector<16xi1>
        } {sc.loop_unroll_factor = 8 : i64, sc.parallel_access}
        %add3A_697 = arith.constant 7 : i32
        %add3A_698 = arith.addi %add3A_285, %add3A_697 : i32
        %add3A_699 = arith.constant 8 : i32
        %add3A_700 = arith.addi %add3A_698, %add3A_699 : i32
        %lt3A_701 = arith.constant 512 : i32
        %lt3A_702 = arith.cmpi slt, %add3A_700, %lt3A_701 : i32
        %convert_element_type3A_703 = arith.extui %lt3A_702 : i1 to i32
        %cond3A_704 = arith.constant 0 : i32
        %cond3A_705 = arith.cmpi ne, %convert_element_type3A_703, %cond3A_704 : i32
        scf.if %cond3A_705 {
          %add3A_706 = arith.constant 7 : i32
          %add3A_707 = arith.addi %add3A_285, %add3A_706 : i32
          %add3A_708 = arith.constant 8 : i32
          %add3A_709 = arith.addi %add3A_707, %add3A_708 : i32
          %mul3A_710 = arith.constant 2 : i32
          %mul3A_711 = arith.muli %mul3A_710, %add3A_709 : i32
          %add3A_712 = arith.constant 0 : i32
          %add3A_713 = arith.addi %mul3A_711, %add3A_712 : i32
          %dma_start3A_714 = arith.constant 7 : i32
          %dma_start3A_715 = arith.constant 0 : i32
          %dma_start3A_716 = arith.constant 0 : i32
          %dma_start3A_717 = tpu.memref_slice %arg10[%dma_start3A_714, %dma_start3A_715, %dma_start3A_716] : memref<8x128x64xbf16, #tpu.memory_space<vmem>> -> memref<1x64x64xbf16, #tpu.memory_space<vmem>>
          %dma_start3A_718 = tpu.memref_squeeze %dma_start3A_717 : memref<1x64x64xbf16, #tpu.memory_space<vmem>> -> memref<64x64xbf16, #tpu.memory_space<vmem>>
          %dma_start3A_719 = arith.constant 0 : i32
          %dma_start3A_720 = tpu.memref_slice %arg7[%add3A_713, %dma_start3A_719] : memref<1024x64xi32, #tpu.memory_space<vmem>> -> memref<1x64xi32, #tpu.memory_space<vmem>>
          %dma_start3A_721 = tpu.memref_squeeze %dma_start3A_720 : memref<1x64xi32, #tpu.memory_space<vmem>> -> memref<64xi32, #tpu.memory_space<vmem>>
          %dma_start3A_722 = arith.constant 0 : i32
          %dma_start3A_723 = arith.constant 0 : i32
          %dma_start3A_724 = tpu.memref_slice %arg3[%dma_start3A_722, %dma_start3A_723] : memref<100000x64xbf16, #tpu.memory_space<hbm>> -> memref<100000x64xbf16, #tpu.memory_space<hbm>>
          tpu.enqueue_indirect_dma source(%dma_start3A_724 : memref<100000x64xbf16, #tpu.memory_space<hbm>>) target(%dma_start3A_718 : memref<64x64xbf16, #tpu.memory_space<vmem>>) offsets(%dma_start3A_721 : memref<64xi32, #tpu.memory_space<vmem>>) semaphore(%arg19 : memref<!tpu.dma_semaphore, #tpu.memory_space<semaphore_mem>>)
          %mul3A_725 = arith.constant 2 : i32
          %mul3A_726 = arith.muli %mul3A_725, %add3A_709 : i32
          %add3A_727 = arith.constant 1 : i32
          %add3A_728 = arith.addi %mul3A_726, %add3A_727 : i32
          %dma_start3A_729 = arith.constant 7 : i32
          %dma_start3A_730 = arith.constant 64 : i32
          %dma_start3A_731 = arith.constant 0 : i32
          %dma_start3A_732 = tpu.memref_slice %arg10[%dma_start3A_729, %dma_start3A_730, %dma_start3A_731] : memref<8x128x64xbf16, #tpu.memory_space<vmem>> -> memref<1x64x64xbf16, #tpu.memory_space<vmem>>
          %dma_start3A_733 = tpu.memref_squeeze %dma_start3A_732 : memref<1x64x64xbf16, #tpu.memory_space<vmem>> -> memref<64x64xbf16, #tpu.memory_space<vmem>>
          %dma_start3A_734 = arith.constant 0 : i32
          %dma_start3A_735 = tpu.memref_slice %arg7[%add3A_728, %dma_start3A_734] : memref<1024x64xi32, #tpu.memory_space<vmem>> -> memref<1x64xi32, #tpu.memory_space<vmem>>
          %dma_start3A_736 = tpu.memref_squeeze %dma_start3A_735 : memref<1x64xi32, #tpu.memory_space<vmem>> -> memref<64xi32, #tpu.memory_space<vmem>>
          %dma_start3A_737 = arith.constant 0 : i32
          %dma_start3A_738 = arith.constant 0 : i32
          %dma_start3A_739 = tpu.memref_slice %arg3[%dma_start3A_737, %dma_start3A_738] : memref<100000x64xbf16, #tpu.memory_space<hbm>> -> memref<100000x64xbf16, #tpu.memory_space<hbm>>
          tpu.enqueue_indirect_dma source(%dma_start3A_739 : memref<100000x64xbf16, #tpu.memory_space<hbm>>) target(%dma_start3A_733 : memref<64x64xbf16, #tpu.memory_space<vmem>>) offsets(%dma_start3A_736 : memref<64xi32, #tpu.memory_space<vmem>>) semaphore(%arg19 : memref<!tpu.dma_semaphore, #tpu.memory_space<semaphore_mem>>)
        } else {
        }
      }
      %scan3A_263 = arith.constant 2 : i32
      %mul3A_264 = arith.constant 16 : i32
      %mul3A_265 = arith.muli %add3A_258, %mul3A_264 : i32
      %add3A_266 = arith.addi %mul3A_2, %mul3A_265 : i32
      %mul3A_267 = arith.constant 128 : i32
      %mul3A_268 = arith.muli %add3A_266, %mul3A_267 : i32
      %dma_start3A_269 = arith.constant 1 : i32
      %dma_start3A_270 = arith.constant 0 : i32
      %dma_start3A_271 = tpu.memref_slice %arg11[%dma_start3A_269, %dma_start3A_270] : memref<2x2048xf32, #tpu.memory_space<vmem>> -> memref<1x2048xf32, #tpu.memory_space<vmem>>
      %dma_start3A_272 = tpu.memref_squeeze %dma_start3A_271 : memref<1x2048xf32, #tpu.memory_space<vmem>> -> memref<2048xf32, #tpu.memory_space<vmem>>
      %dma_start3A_273 = tpu.memref_slice %arg6[%mul3A_268] : memref<2097152xf32, #tpu.memory_space<hbm>> -> memref<2048xf32, #tpu.memory_space<hbm>>
      %dma_start3A_274 = tpu.memref_slice %arg6[%mul3A_268] : memref<2097152xf32, #tpu.memory_space<hbm>> -> memref<2048xf32, #tpu.memory_space<hbm>>
      %dma_start3A_275 = arith.constant 0 : i32
      %dma_start3A_276 = tpu.memref_slice %arg11[%dma_start3A_269, %dma_start3A_275] : memref<2x2048xf32, #tpu.memory_space<vmem>> -> memref<1x2048xf32, #tpu.memory_space<vmem>>
      %dma_start3A_277 = tpu.memref_squeeze %dma_start3A_276 : memref<1x2048xf32, #tpu.memory_space<vmem>> -> memref<2048xf32, #tpu.memory_space<vmem>>
      tpu.enqueue_dma source(%dma_start3A_277 : memref<2048xf32, #tpu.memory_space<vmem>>) target(%dma_start3A_274 : memref<2048xf32, #tpu.memory_space<hbm>>) target_semaphore(%arg21 : memref<!tpu.dma_semaphore, #tpu.memory_space<semaphore_mem>>)
    }
    %scan3A_204 = arith.constant 16 : i32
    %dma_wait3A = arith.constant 0 : i32
    %dma_wait3A_205 = arith.constant 0 : i32
    %dma_wait3A_206 = tpu.memref_slice %arg11[%dma_wait3A, %dma_wait3A_205] : memref<2x2048xf32, #tpu.memory_space<vmem>> -> memref<1x2048xf32, #tpu.memory_space<vmem>>
    %dma_wait3A_207 = tpu.memref_squeeze %dma_wait3A_206 : memref<1x2048xf32, #tpu.memory_space<vmem>> -> memref<2048xf32, #tpu.memory_space<vmem>>
    %dma_wait3A_208 = arith.constant 0 : i32
    %dma_wait3A_209 = tpu.memref_slice %arg6[%dma_wait3A_208] : memref<2097152xf32, #tpu.memory_space<hbm>> -> memref<2048xf32, #tpu.memory_space<hbm>>
    %dma_wait3A_210 = arith.constant 0 : i32
    %dma_wait3A_211 = tpu.memref_slice %arg6[%dma_wait3A_210] : memref<2097152xf32, #tpu.memory_space<hbm>> -> memref<2048xf32, #tpu.memory_space<hbm>>
    %dma_wait3A_212 = arith.constant 0 : i32
    %dma_wait3A_213 = tpu.memref_slice %arg11[%dma_wait3A, %dma_wait3A_212] : memref<2x2048xf32, #tpu.memory_space<vmem>> -> memref<1x2048xf32, #tpu.memory_space<vmem>>
    %dma_wait3A_214 = tpu.memref_squeeze %dma_wait3A_213 : memref<1x2048xf32, #tpu.memory_space<vmem>> -> memref<2048xf32, #tpu.memory_space<vmem>>
    tpu.wait_dma2 semaphore(%arg20 : memref<!tpu.dma_semaphore, #tpu.memory_space<semaphore_mem>>) src(%dma_wait3A_214 : memref<2048xf32, #tpu.memory_space<vmem>>) dst(%dma_wait3A_211 : memref<2048xf32, #tpu.memory_space<hbm>>)
    %dma_wait3A_215 = arith.constant 1 : i32
    %dma_wait3A_216 = arith.constant 0 : i32
    %dma_wait3A_217 = tpu.memref_slice %arg11[%dma_wait3A_215, %dma_wait3A_216] : memref<2x2048xf32, #tpu.memory_space<vmem>> -> memref<1x2048xf32, #tpu.memory_space<vmem>>
    %dma_wait3A_218 = tpu.memref_squeeze %dma_wait3A_217 : memref<1x2048xf32, #tpu.memory_space<vmem>> -> memref<2048xf32, #tpu.memory_space<vmem>>
    %dma_wait3A_219 = arith.constant 0 : i32
    %dma_wait3A_220 = tpu.memref_slice %arg6[%dma_wait3A_219] : memref<2097152xf32, #tpu.memory_space<hbm>> -> memref<2048xf32, #tpu.memory_space<hbm>>
    %dma_wait3A_221 = arith.constant 0 : i32
    %dma_wait3A_222 = tpu.memref_slice %arg6[%dma_wait3A_221] : memref<2097152xf32, #tpu.memory_space<hbm>> -> memref<2048xf32, #tpu.memory_space<hbm>>
    %dma_wait3A_223 = arith.constant 0 : i32
    %dma_wait3A_224 = tpu.memref_slice %arg11[%dma_wait3A_215, %dma_wait3A_223] : memref<2x2048xf32, #tpu.memory_space<vmem>> -> memref<1x2048xf32, #tpu.memory_space<vmem>>
    %dma_wait3A_225 = tpu.memref_squeeze %dma_wait3A_224 : memref<1x2048xf32, #tpu.memory_space<vmem>> -> memref<2048xf32, #tpu.memory_space<vmem>>
    tpu.wait_dma2 semaphore(%arg21 : memref<!tpu.dma_semaphore, #tpu.memory_space<semaphore_mem>>) src(%dma_wait3A_225 : memref<2048xf32, #tpu.memory_space<vmem>>) dst(%dma_wait3A_222 : memref<2048xf32, #tpu.memory_space<hbm>>)
    return
  }
}

module attributes {stable_mosaic.version = 14 : i64} {
  func.func @body(%arg0: i32, %arg1: memref<2048x128xf32, #tpu.memory_space<vmem>>, %arg2: memref<2048xf32, #tpu.memory_space<vmem>>) attributes {dimension_semantics = [#tpu.dimension_semantics<arbitrary>], iteration_bounds = array<i64: 8>, scalar_prefetch = 0 : i64, scratch_operands = 0 : i64, tpu.core_type = #tpu.core_type<tc>, window_params = [{transform_indices = @transform_0, window_bounds = array<i64: 2048, 128>}, {transform_indices = @transform_1, window_bounds = array<i64: 2048>}]} {
    %get3A = arith.constant 0 : index
    %get3A_0 = arith.constant 0 : index
    %get3A_1 = vector.load %arg1[%get3A, %get3A_0] : memref<2048x128xf32, #tpu.memory_space<vmem>>, vector<2048x128xf32>
    %iota3A = tpu.iota {dimensions = array<i32: 1>} : vector<2048x128xi32>
    %lt3A = arith.constant 20 : i32
    %lt3A_2 = vector.broadcast %lt3A : i32 to vector<2048x128xi32>
    %lt3A_3 = arith.cmpi slt, %iota3A, %lt3A_2 : vector<2048x128xi32>
    %neg3A = arith.constant 0.000000e+00 : f32
    %neg3A_4 = vector.broadcast %neg3A : f32 to vector<2048x128xf32>
    %neg3A_5 = arith.subf %neg3A_4, %get3A_1 : vector<2048x128xf32>
    %select_n3A = arith.select %lt3A_3, %get3A_1, %neg3A_5 : vector<2048x128xi1>, vector<2048x128xf32>
    %min3A = arith.constant 0.000000e+00 : f32
    %min3A_6 = vector.broadcast %min3A : f32 to vector<2048x128xf32>
    %min3A_7 = arith.minimumf %select_n3A, %min3A_6 : vector<2048x128xf32>
    %abs3A = math.absf %select_n3A : vector<2048x128xf32>
    %neg3A_8 = arith.constant 0.000000e+00 : f32
    %neg3A_9 = vector.broadcast %neg3A_8 : f32 to vector<2048x128xf32>
    %neg3A_10 = arith.subf %neg3A_9, %abs3A : vector<2048x128xf32>
    %exp3A = math.exp %neg3A_10 : vector<2048x128xf32>
    %log1p3A = math.log1p %exp3A : vector<2048x128xf32>
    %sub3A = arith.subf %min3A_7, %log1p3A : vector<2048x128xf32>
    %lt3A_11 = arith.constant 120 : i32
    %lt3A_12 = vector.broadcast %lt3A_11 : i32 to vector<2048x128xi32>
    %lt3A_13 = arith.cmpi slt, %iota3A, %lt3A_12 : vector<2048x128xi32>
    %jit3A = arith.constant 0.000000e+00 : f32
    %broadcast_in_dim3A = vector.broadcast %jit3A : f32 to vector<2048x128xf32>
    %select_n3A_14 = arith.select %lt3A_13, %sub3A, %broadcast_in_dim3A : vector<2048x128xi1>, vector<2048x128xf32>
    %reduce_sum3A = arith.constant dense<0.000000e+00> : vector<2048xf32>
    %reduce_sum3A_15 = vector.multi_reduction <add>, %select_n3A_14, %reduce_sum3A [1] : vector<2048x128xf32> to vector<2048xf32>
    %neg3A_16 = arith.constant 0.000000e+00 : f32
    %neg3A_17 = vector.broadcast %neg3A_16 : f32 to vector<2048xf32>
    %neg3A_18 = arith.subf %neg3A_17, %reduce_sum3A_15 : vector<2048xf32>
    %swap3A = arith.constant 0 : index
    %swap3A_19 = vector.load %arg2[%swap3A] : memref<2048xf32, #tpu.memory_space<vmem>>, vector<2048xf32>
    tpu.vector_store %arg2[%swap3A], %neg3A_18 {strides = array<i32>} : memref<2048xf32, #tpu.memory_space<vmem>>, vector<2048xf32>,
    return
  }
  func.func @transform_0(%arg0: i32) -> (i32, i32) {
    %c0_i32 = arith.constant 0 : i32
    %c0_i32_0 = arith.constant 0 : i32
    return %arg0, %c0_i32 : i32, i32
  }
  func.func @transform_1(%arg0: i32) -> i32 {
    %c0_i32 = arith.constant 0 : i32
    return %arg0 : i32
  }
}

</mosaic_0001>

<sc_bundles>
// kernel: kernel.4.cloned.1.call-start
scs
__scs_entry_jumppad:
0x0: {  	(pc) =	sbr.rel $0x88, $3  }
0x1: {  	(tag) =	ssettag $0x0;
	lr =	simm.s32 $0x1  }
0x2: {  	[smem:$0x3F9C] =	sst lr;
	_ =	strace $0xD0000000  }
0x3: {  	_ = 	snop  }
0x4: {  	_ = 	snop  }
0x5: {  	_ = 	snop  }
0x6: {  	_ = 	snop  }
0x7: {  	_ = 	snop  }
__scs_overlays_trampoline_lowered:
0x8: {  	[smem:$0x3FAB] =	sst s0  }
0x9: {  	[smem:$0x3FAC] =	sst s1  }
0xa: {  	[smem:$0x3FAD] =	sst s2  }
0xb: {  	[smem:$0x3FAE] =	sst s3  }
0xc: {  	[smem:$0x3FAF] =	sst s4  }
0xd: {  	[smem:$0x3FB0] =	sst s5  }
0xe: {  	[smem:$0x3FB1] =	sst s6  }
0xf: {  	[smem:$0x3FB2] =	sst s7  }
0x10: {  	[smem:$0x3FB3] =	sst s8  }
0x11: {  	[smem:$0x3FB4] =	sst s9;
	s0 =	simm.s32 @!p0 $0x0  }
0x12: {  	s1 =	sld [smem:$0x3F9A];
	s0 =	simm.s32 @p0 $0x1  }
0x13: {  	[smem:$0x3FB5] =	sst s0;
	s0 =	simm.s32 @!p1 $0x0  }
0x14: {  	s2 =	sld [smem:$0x3F99];
	s0 =	simm.s32 @p1 $0x1  }
0x15: {  	[smem:$0x3FB6] =	sst s0;
	s0 =	simm.s32 @!p2 $0x0  }
0x16: {  	s3 =	sld [smem:$0x3FDB];
	s0 =	simm.s32 @p2 $0x1  }
0x17: {  	s4 =	simm.s32 $0x1BF5;
	[smem:$0x3FB8] =	sst s0  }
0x18: {  	s0 =	sld [smem:$0x3F9B];
	_ =	swait.ge [sflag:s4], $0x0  }
0x19: {  	s7 =	sld [smem:$0x3F9C]  }
0x1a: {  	s8 =	sadd.s32 $0xFFFFE003, lr  }
0x1b: {  	s9 =	sadd.s32 $0xFFFFFEF7, lr;
	s5 =	simm.s32 $0xFFFFFFFF;
	p2 =	slt.u32 s8, $0xFFFFF086  }
0x1c: {  	p1 =	slt.u32 s9, $0xF7A;
	s5 =	simm.s32 @!p2 $0x0  }
0x1d: {  	s5 =	simm.s32 @p1 $0x1;
	p0 =	seq.s32 s7, s2  }
0x1e: {  	s7 =	smul.u32 @!p0 $0xF7A, s2;
	p2 =	seq.s32 @!p0 s5, $0x0  }
0x1f: {  	s9 =	smul.u32 $0xF7A, s1;
	s8 =	simm.s32 @!p0 $0x1BF5;
	p2 =	por !p2, p0  }
0x20: {  	[sflag:s8] =	ssyncset.s32 @!p0 $0xFFFFF086;
	s6 =	sadd.s32 @!p0 s3, s7;
	s7 =	simm.s32 @!p0 $0x108  }
0x21: {  	s3 =	sadd.s32 s3, s9;
	s6 =	sadd.s32 @!p0 $0x88, s6;
	s7 =	simm.s32 @p2 $0x1082  }
0x22: {  	[simem:s7], [sflag:s8] =	dma.local @!p0 [hbm:s6], $0xF7A  }
0x23: {  	s9 =	sor.u32 $0xD0000000, s2;
	s6 =	simm.s32 $0x108;
	_ =	swait.ge @!p0 [sflag:s8], $0x0  }
0x24: {  	s3 =	sadd.s32 $0x88, s3;
	s6 =	simm.s32 @!p1 $0x1082;
	[sflag:s4] =	ssyncset.s32 $0xFFFFF086  }
0x25: {  	[simem:s6], [sflag:s4] =	dma.local [hbm:s3], $0xF7A  }
0x26: {  	[smem:$0x3F9C] =	sst s1;
	(tag) =	ssettag s2;
	_ =	strace s9  }
0x27: {  	s1 =	sld [smem:$0x3FAC]  }
0x28: {  	s2 =	sld [smem:$0x3FAD]  }
0x29: {  	s4 =	sld [smem:$0x3FAF]  }
0x2a: {  	p0 =	seq.s32 s5, $0x0;
	s5 =	sld [smem:$0x3FB0]  }
0x2b: {  	s6 =	sld [smem:$0x3FB1]  }
0x2c: {  	s7 =	sld [smem:$0x3FB2]  }
0x2d: {  	s3 =	simm.s32 $0x108;
	s8 =	sld [smem:$0x3FB3]  }
0x2e: {  	s3 =	simm.s32 @!p0 $0x1082;
	s9 =	sld [smem:$0x3FB4]  }
0x2f: {  	lr =	sadd.s32 s0, s3;
	s0 =	sld [smem:$0x3FAB]  }
0x30: {  	s3 =	sld [smem:$0x3FAE]  }
0x31: {  	[smem:$0x3FB7] =	sst s10  }
0x32: {  	s10 =	sld [smem:$0x3FB5];
	_ =	sdelay $0x3  }
0x33: {  	p0 =	seq.s32 s10, $0x1;
	s10 =	sld [smem:$0x3FB7];
	_ =	sdelay $0x3  }
0x34: {  	[smem:$0x3FB7] =	sst s10  }
0x35: {  	s10 =	sld [smem:$0x3FB6];
	_ =	sdelay $0x3  }
0x36: {  	p1 =	seq.s32 s10, $0x1;
	s10 =	sld [smem:$0x3FB7];
	_ =	sdelay $0x3  }
0x37: {  	[smem:$0x3FB7] =	sst s10  }
0x38: {  	s10 =	sld [smem:$0x3FB8]  }
0x39: {  	_ = 	snop;
	(pc) =	sbr.ind lr, $3  }
0x3a: {  	_ = 	snop  }
0x3b: {  	_ = 	snop  }
0x3c: {  	p2 =	seq.s32 s10, $0x1;
	s10 =	sld [smem:$0x3FB7]  }
0x3d: {  	_ =	shalt  }
0x3e: {  	_ =	shalt  }
0x3f: {  	_ =	shalt  }
0x40: {  	_ =	shalt  }
0x41: {  	_ =	shalt  }
0x42: {  	_ =	shalt  }
0x43: {  	_ =	shalt  }
0x44: {  	_ =	shalt  }
0x45: {  	_ =	shalt  }
0x46: {  	_ =	shalt  }
0x47: {  	_ =	shalt  }
0x48: {  	_ =	shalt  }
0x49: {  	_ =	shalt  }
0x4a: {  	_ =	shalt  }
0x4b: {  	_ =	shalt  }
0x4c: {  	_ =	shalt  }
0x4d: {  	_ =	shalt  }
0x4e: {  	_ =	shalt  }
0x4f: {  	_ =	shalt  }
0x50: {  	_ =	shalt  }
0x51: {  	_ =	shalt  }
0x52: {  	_ =	shalt  }
0x53: {  	_ =	shalt  }
0x54: {  	_ =	shalt  }
0x55: {  	_ =	shalt  }
0x56: {  	_ =	shalt  }
0x57: {  	_ =	shalt  }
0x58: {  	_ =	shalt  }
0x59: {  	_ =	shalt  }
0x5a: {  	_ =	shalt  }
0x5b: {  	_ =	shalt  }
0x5c: {  	_ =	shalt  }
0x5d: {  	_ =	shalt  }
0x5e: {  	_ =	shalt  }
0x5f: {  	_ =	shalt  }
0x60: {  	_ =	shalt  }
0x61: {  	_ =	shalt  }
0x62: {  	_ =	shalt  }
0x63: {  	_ =	shalt  }
0x64: {  	_ =	shalt  }
0x65: {  	_ =	shalt  }
0x66: {  	_ =	shalt  }
0x67: {  	_ =	shalt  }
0x68: {  	_ =	shalt  }
0x69: {  	_ =	shalt  }
0x6a: {  	_ =	shalt  }
0x6b: {  	_ =	shalt  }
0x6c: {  	_ =	shalt  }
0x6d: {  	_ =	shalt  }
0x6e: {  	_ =	shalt  }
0x6f: {  	_ =	shalt  }
0x70: {  	_ =	shalt  }
0x71: {  	_ =	shalt  }
0x72: {  	_ =	shalt  }
0x73: {  	_ =	shalt  }
0x74: {  	_ =	shalt  }
0x75: {  	_ =	shalt  }
0x76: {  	_ =	shalt  }
0x77: {  	_ =	shalt  }
0x78: {  	_ =	shalt  }
0x79: {  	_ =	shalt  }
0x7a: {  	_ =	shalt  }
0x7b: {  	_ =	shalt  }
0x7c: {  	_ =	shalt  }
0x7d: {  	_ =	shalt  }
0x7e: {  	_ =	shalt  }
0x7f: {  	_ =	shalt  }
0x80: {  	_ =	shalt  }
0x81: {  	_ =	shalt  }
0x82: {  	_ =	shalt  }
0x83: {  	_ =	shalt  }
0x84: {  	_ =	shalt  }
0x85: {  	_ =	shalt  }
0x86: {  	_ =	shalt  }
0x87: {  	_ =	shalt  }
.Lfunc_end0:
.L_simem_size_0:
called_computation_lowered:
.L_overlay_start_0:
0x88: {  	s2 =	sld [smem:$0x3FD9]  }
0x89: {  	s3 =	sld [smem:$0x3FFE];
	_ =	sdelay $0x1  }
0x8a: {  	s1 =	srdreg.scid  }
0x8b: {  	s0 =	sand.u32 $0x1, s1  }
0x8c: {  	s17 =	sshll.u32 s0, $0xA;
	s2 =	sadd.s32 s3, s2  }
0x8d: {  	s2 =	sadd.s32 s2, s17  }
0x8e: {  	[smem:$0x3FC3] =	sst s2  }
0x8f: {  	_ = 	snop  }
0x90: {  	s2 =	sld [smem:$0x3FC9];
	(tm) =	ssettm $0x1  }
0x91: {  	s18 =	sld [smem:$0x3FFB];
	_ =	sdelay $0x3  }
0x92: {  	_ =	strace s18  }
0x93: {  	s3 =	sld [smem:$0x3FFC];
	_ =	sdelay $0x3  }
0x94: {  	_ =	strace s3  }
0x95: {  	s3 =	sld [smem:$0x3FFD];
	_ =	sdelay $0x3  }
0x96: {  	_ =	strace s3  }
0x97: {  	_ =	strace $0x8FFFFFFF  }
0x98: {  	s19 =	sld [smem:$0x3FDB];
	_ =	sdelay $0x1  }
0x99: {  	s4 =	simm.s32 $_scs_section_size  }
0x9a: {  	s5 =	simm.s32 $_size__tile_overlayer_lowered;
	s6 =	simm.s32 $_tile_overlayer_lowered  }
0x9b: {  	s22 =	simm.s32 $0x1BFF;
	s21 =	sshll.u32 s6, $0x1;
	s3 =	sadd.s32 s4, s19  }
0x9c: {  	s7 =	simm.s32 $0x0;
	s20 =	sshll.u32 s5, $0x1;
	s5 =	sadd.s32 s21, s3  }
0x9d: {  	[timem:s7], [sflag:s22] =	dma.local [hbm:s5], s20  }
0x9e: {  	_ =	swait.ge [sflag:s22], s20  }
0x9f: {  	s4 =	ssub.s32 $0x0, s20;
	[sflag:s22] =	ssyncset.done $0x0  }
0xa0: {  	[sflag:s22] =	ssyncadd.s32 s4;
	_ =	sdelay $0x1  }
0xa1: {  	s23 =	simm.s32 $0x1B8B  }
0xa2: {  	_ =	swait.ge [sflag:s23], $0x1  }
0xa3: {  	[sflag:s23] =	ssyncset.done $0x0  }
0xa4: {  	s25 =	simm.s32 $0x1B8E;
	s24 =	sld [smem:$0x3FFE];
	[sflag:s23] =	ssyncadd.s32 $0xFFFFFFFF  }
0xa5: {  	s26 =	simm.s32 $execute0_lowered;
	[smem:$0x3FD2] =	sst s25  }
0xa6: {  	s5 =	sshll.u32 s26, $0x1;
	_ =	strace $0x80000046;
	[dreg:$0x1] =	wrdreg $0xFFFFFFFF  }
0xa7: {  	s28 =	simm.s32 $_size_execute0_lowered;
	s3 =	sadd.s32 s3, s5;
	[dreg:$0x0] =	wrdreg $0x0  }
0xa8: {  	s5 =	sshll.u32 s28, $0x1;
	[dreg:$0x2] =	wrdreg s3  }
0xa9: {  	[dreg:$0x3] =	wrdreg s5  }
0xaa: {  	[dreg:$0x4] =	wrdreg $0xC0  }
0xab: {  	_ =	task [dreg:s7], $0x5FFFF  }
0xac: {  	[dreg:$0x1] =	wrdreg $0xFFFFFFFF  }
0xad: {  	[dreg:$0x0] =	wrdreg $0x60  }
0xae: {  	[dreg:$0x2] =	wrdreg s24  }
0xaf: {  	[dreg:$0x3] =	wrdreg s2  }
0xb0: {  	[dreg:$0x4] =	wrdreg $0x9  }
0xb1: {  	_ =	task.clear_ibuf [dreg:s7], $0x5FFFF;
	_ =	strace $0x90000046  }
0xb2: {  	s29 =	simm.s32 $0x9;
	_ =	strace $0x80000048  }
0xb3: {  	_ =	swait.ge [sflag:s29], $0x1  }
0xb4: {  	[sflag:s29] =	ssyncadd.s32 $0xFFFFFFFF  }
0xb5: {  	_ =	strace $0x90000048  }
0xb6: {  	_ =	sfence  }
0xb7: {  	s30 =	sld [smem:$0x0];
	_ =	sdelay $0x2  }
0xb8: {  	s31 =	sshll.u32 s1, $0xD;
	s1 =	sshrl.u32 s1, $0x2  }
0xb9: {  	s3 =	sand.u32 $0x4000, s31;
	s1 =	sadd.s32 s1, s30  }
0xba: {  	s0 =	sor.u32 s3, s0;
	s1 =	sshll.u32 s1, $0x11  }
0xbb: {  	s0 =	sor.u32 s1, s0  }
0xbc: {  	s0 =	sadd.s32 $0x8F2B, s0  }
0xbd: {  	[sflag:s0] =	ssyncadd.remote.s32 $0x1  }
0xbe: {  	_ =	sfence.sel $0xFFFF  }
0xbf: {  	[dreg:$0x0] =	wrdreg $0xFFFFFFFF;
	(pc) =	sbr.abs _section_cstart, $3  }
0xc0: {  	[dreg:$0x1] =	wrdreg $0xFFFFFFFF  }
0xc1: {  	_ =	task.clear_ibuf [dreg:s7], $0x2FFFF;
	_ =	strace $0x9FFFFFFF  }
0xc2: {  	(tm) =	ssettm $0x7FFFFFFF  }
0xc3: {  	_ =	shalt  }
tec
execute0_lowered:
.L_overlay_start_1:
0x0: {  	(tag) =	ssettag $0x1  }
0x1: {  	s0 =	rddreg [dreg:$0x0]  }
0x2: {  	s1 =	rddreg [dreg:$0x1]  }
0x3: {  	s2 =	simm.s32 $0x0;
	s29 =	srdreg.scid;
	s3 =	stileid.u32  }
0x4: {  	s19 =	simm.s32 $0x40;
	s13 =	simm.s32 $0x18200;
	s15 =	simm.s32 $0x18A00  }
0x5: {  	s17 =	simm.s32 $0x19200;
	s23 =	simm.s32 $0x19A00;
	s28 =	simm.s32 $0x1A200  }
0x6: {  	s14 =	simm.s32 $0x1B200;
	s18 =	simm.s32 $0x1BA00;
	s25 =	simm.s32 $0x1  }
0x7: {  	s30 =	simm.s32 $0x1C200;
	s12 =	simm.s32 $0x2;
	s16 =	simm.s32 $0x3  }
0x8: {  	s10 =	simm.s32 $0x4;
	s8 =	simm.s32 $0x7;
	s11 =	simm.s32 $0x8  }
0x9: {  	s7 =	simm.s32 $0x0;
	[smem:$0x7FF] =	sst s2;
	s2 =	sand.u32 $0x1, s29  }
0xa: {  	s3 =	sshll.u32 s3, $0x1;
	s4 =	sadd.s32 $0x64800, s0;
	_ =	strace $0x80000047  }
0xb: {  	[dreg:$0x3] =	wrdreg s4;
	s3 =	sor.u32 s2, s3;
	s2 =	ssub.s32 $0x2, s2  }
0xc: {  	v0 =	vimm.s32 $0x0;
	vm0 =	vcmask $0x300;
	s4 =	sadd.s32 $0x2C00, s0;
	s5 =	sshll.u32 s3, $0xD;
	s3 =	sshll.u32 s3, $0x6  }
0xd: {  	v0 =	vsel vm0, $0x3, v0;
	vm0 =	vcmask $0x3F3C;
	s6 =	sshrl.u32 s2, $0x1;
	s0 =	sadd.s32 s5, s0;
	s1 =	sadd.s32 s1, s3  }
0xe: {  	s2 =	ssub.s32 s2, s6;
	s5 =	sadd.s32 $0xC6400, s0;
	[dreg:$0x5] =	wrdreg s1  }
0xf: {  	s6 =	simm.s32 $0x6;
	s0 =	sadd.s32 $0x106400, s0;
	[dreg:$0x4] =	wrdreg s5  }
0x10: {  	s3 =	simm.s32 $0x1CA00;
	s31 =	smax.u32 s2, $0x1;
	[dreg:$0x6] =	wrdreg s0  }
0x11: {  	[dreg:$0x7] =	wrdreg s31;
	s0 =	simm.s32 $0x1AA00;
	s5 =	simm.s32 $0x5  }
.LBB2_1:
0x12: {  	[dreg:$0x8] =	wrdreg s7  }
0x13: {  	s1 =	simm.s32 $0x0;
	s2 =	rddreg [dreg:$0x4];
	s7 =	simm.s32 $0xB  }
0x14: {  	[tilespmem:s1], [sflag:$0xB] =	stream.linear.gather [hbm4b:s2+s1], $0x10000, $0x38;
	[tilespmem:$0x1D200] =	vst v63  }
0x15: {  	_ =	swait.ge [sflag:s7], $0x10000  }
0x16: {  	[sflag:s7] =	ssyncset.done $0x0  }
0x17: {  	s9 =	simm.s32 $0x10000;
	s26 =	rddreg [dreg:$0x5];
	[sflag:s7] =	ssyncadd.s32 $0xFFFF0000  }
0x18: {  	[tilespmem:s9], [sflag:$0xB] =	stream.linear.gather [hbm4b:s26+s1], $0x200, $0x38;
	[tilespmem:$0x1D200] =	vst v63  }
0x19: {  	_ =	swait.ge [sflag:s7], $0x200  }
0x1a: {  	s20 =	simm.s32 $0x80;
	[sflag:s7] =	ssyncset.done $0x0  }
0x1b: {  	s21 =	simm.s32 $0x10200;
	s2 =	rddreg [dreg:$0x3];
	[sflag:s7] =	ssyncadd.s32 $0xFFFFFE00  }
0x1c: {  	[tilespmem:s21], [sflag:$0xB] =	stream.indirect.gather [hbm4b:s2+s20], $0x20, s9, s20, $0xb8;
	[tilespmem:$0x1D200] =	vst v63  }
0x1d: {  	_ =	swait.ge [sflag:s7], $0x1000  }
0x1e: {  	[sflag:s7] =	ssyncset.done $0x0  }
0x1f: {  	s29 =	simm.s32 $0x10080;
	s31 =	simm.s32 $0x11200;
	[sflag:s7] =	ssyncadd.s32 $0xFFFFF000  }
0x20: {  	[tilespmem:s31], [sflag:$0xB] =	stream.indirect.gather [hbm4b:s2+s20], $0x20, s29, s20, $0xb8;
	[tilespmem:$0x1D200] =	vst v63  }
0x21: {  	_ =	swait.ge [sflag:s7], $0x1000  }
0x22: {  	[sflag:s7] =	ssyncset.done $0x0  }
0x23: {  	s22 =	simm.s32 $0x10100;
	s24 =	simm.s32 $0x12200;
	[sflag:s7] =	ssyncadd.s32 $0xFFFFF000  }
0x24: {  	[tilespmem:s24], [sflag:$0xB] =	stream.indirect.gather [hbm4b:s2+s20], $0x20, s22, s20, $0xb8;
	[tilespmem:$0x1D200] =	vst v63  }
0x25: {  	_ =	swait.ge [sflag:s7], $0x1000  }
0x26: {  	[sflag:s7] =	ssyncset.done $0x0  }
0x27: {  	s26 =	simm.s32 $0x10180;
	s29 =	simm.s32 $0x13200;
	[sflag:s7] =	ssyncadd.s32 $0xFFFFF000  }
0x28: {  	[tilespmem:s29], [sflag:$0xB] =	stream.indirect.gather [hbm4b:s2+s20], $0x20, s26, s20, $0xb8;
	[tilespmem:$0x1D200] =	vst v63  }
0x29: {  	_ =	swait.ge [sflag:s7], $0x1000  }
0x2a: {  	[sflag:s7] =	ssyncset.done $0x0  }
0x2b: {  	s31 =	simm.s32 $0x14200;
	[sflag:s7] =	ssyncadd.s32 $0xFFFFF000  }
0x2c: {  	[tilespmem:s31], [sflag:$0x1] =	stream.indirect.gather [hbm4b:s4+s19], $0x20, s1, s19, $0xb8;
	[tilespmem:$0x1D200] =	vst v63  }
0x2d: {  	s2 =	simm.s32 $0x14A00  }
0x2e: {  	[tilespmem:s2], [sflag:$0x1] =	stream.indirect.gather [hbm4b:s4+s19], $0x20, s19, s19, $0xb8;
	[tilespmem:$0x1D200] =	vst v63  }
0x2f: {  	s7 =	simm.s32 $0x15200  }
0x30: {  	[tilespmem:s7], [sflag:$0x2] =	stream.indirect.gather [hbm4b:s4+s19], $0x20, s20, s19, $0xb8;
	[tilespmem:$0x1D200] =	vst v63  }
0x31: {  	s9 =	simm.s32 $0xC0;
	s20 =	simm.s32 $0x15A00  }
0x32: {  	[tilespmem:s20], [sflag:$0x2] =	stream.indirect.gather [hbm4b:s4+s19], $0x20, s9, s19, $0xb8;
	[tilespmem:$0x1D200] =	vst v63  }
0x33: {  	s21 =	simm.s32 $0x100;
	s22 =	simm.s32 $0x16200  }
0x34: {  	[tilespmem:s22], [sflag:$0x3] =	stream.indirect.gather [hbm4b:s4+s19], $0x20, s21, s19, $0xb8;
	[tilespmem:$0x1D200] =	vst v63  }
0x35: {  	s24 =	simm.s32 $0x140;
	s26 =	simm.s32 $0x16A00  }
0x36: {  	[tilespmem:s26], [sflag:$0x3] =	stream.indirect.gather [hbm4b:s4+s19], $0x20, s24, s19, $0xb8;
	[tilespmem:$0x1D200] =	vst v63  }
0x37: {  	s29 =	simm.s32 $0x180;
	s31 =	simm.s32 $0x17200  }
0x38: {  	[tilespmem:s31], [sflag:$0x4] =	stream.indirect.gather [hbm4b:s4+s19], $0x20, s29, s19, $0xb8;
	[tilespmem:$0x1D200] =	vst v63  }
0x39: {  	s2 =	simm.s32 $0x1C0;
	s7 =	simm.s32 $0x17A00  }
0x3a: {  	[tilespmem:s7], [sflag:$0x4] =	stream.indirect.gather [hbm4b:s4+s19], $0x20, s2, s19, $0xb8;
	[tilespmem:$0x1D200] =	vst v63  }
0x3b: {  	s9 =	simm.s32 $0x200  }
0x3c: {  	[tilespmem:s13], [sflag:$0x5] =	stream.indirect.gather [hbm4b:s4+s19], $0x20, s9, s19, $0xb8;
	[tilespmem:$0x1D200] =	vst v63  }
0x3d: {  	s20 =	simm.s32 $0x240  }
0x3e: {  	[tilespmem:s15], [sflag:$0x5] =	stream.indirect.gather [hbm4b:s4+s19], $0x20, s20, s19, $0xb8;
	[tilespmem:$0x1D200] =	vst v63  }
0x3f: {  	s21 =	simm.s32 $0x280  }
0x40: {  	[tilespmem:s17], [sflag:$0x6] =	stream.indirect.gather [hbm4b:s4+s19], $0x20, s21, s19, $0xb8;
	[tilespmem:$0x1D200] =	vst v63  }
0x41: {  	s22 =	simm.s32 $0x2C0  }
0x42: {  	[tilespmem:s23], [sflag:$0x6] =	stream.indirect.gather [hbm4b:s4+s19], $0x20, s22, s19, $0xb8;
	[tilespmem:$0x1D200] =	vst v63  }
0x43: {  	s24 =	simm.s32 $0x300  }
0x44: {  	[tilespmem:s28], [sflag:$0x7] =	stream.indirect.gather [hbm4b:s4+s19], $0x20, s24, s19, $0xb8;
	[tilespmem:$0x1D200] =	vst v63  }
0x45: {  	s26 =	simm.s32 $0x340  }
0x46: {  	[tilespmem:s0], [sflag:$0x7] =	stream.indirect.gather [hbm4b:s4+s19], $0x20, s26, s19, $0xb8;
	[tilespmem:$0x1D200] =	vst v63  }
0x47: {  	s29 =	simm.s32 $0x380  }
0x48: {  	[tilespmem:s14], [sflag:$0x8] =	stream.indirect.gather [hbm4b:s4+s19], $0x20, s29, s19, $0xb8;
	[tilespmem:$0x1D200] =	vst v63  }
0x49: {  	s1 =	simm.s32 $0x0;
	s31 =	simm.s32 $0x3C0  }
0x4a: {  	[tilespmem:s18], [sflag:$0x8] =	stream.indirect.gather [hbm4b:s4+s19], $0x20, s31, s19, $0xb8;
	[tilespmem:$0x1D200] =	vst v63  }
.LBB2_2:
0x4b: {  	p0 =	seq.s32 s1, $0x0  }
0x4c: {  	s7 =	sshll.u32 s1, $0x1;
	s2 =	simm.s32 @!p0 $0x9  }
0x4d: {  	_ =	swait.ge @!p0 [sflag:s2], $0x800;
	[dreg:$0xb] =	wrdreg s7  }
0x4e: {  	p2 =	por $0x1, $0x1;
	[dreg:$0x9] =	wrdreg s1;
	[sflag:s2] =	ssyncset.done @!p0 $0x0  }
0x4f: {  	s7 =	sshll.u32 s1, $0x5;
	[sflag:s2] =	ssyncadd.s32 @!p0 $0xFFFFF800;
	s2 =	simm.s32 $0x0  }
.LBB2_3:
0x50: {  	_ =	swait.ge [sflag:s25], $0x800  }
0x51: {  	[sflag:s25] =	ssyncset.done $0x0  }
0x52: {  	s9 =	sshll.u32 s2, $0x3;
	[sflag:s25] =	ssyncadd.s32 $0xFFFFF800  }
0x53: {  	s20 =	sor.u32 s7, s9;
	_ =	swait.ge [sflag:s25], $0x800  }
0x54: {  	s9 =	sshll.u32 s20, $0x5;
	[sflag:s25] =	ssyncset.done $0x0  }
0x55: {  	s9 =	sand.u32 $0x3FFFFFE0, s9;
	[sflag:s25] =	ssyncadd.s32 $0xFFFFF800  }
0x56: {  	v1 =	vld [tilespmem:s9+$0x10200]  }
0x57: {  	s21 =	simm.s32 $0x14280;
	v2 =	vld [tilespmem:s9+$0x10210]  }
0x58: {  	v3 =	vld [tilespmem:s21+$0xFFFFFFA0]  }
0x59: {  	s2 =	sshll.u32 s2, $0xA;
	v4 =	vld [tilespmem:s21+$0x20]  }
0x5a: {  	s22 =	sadd.s32 $0x0, s2;
	v5 =	vld [tilespmem:s21+$0x30]  }
0x5b: {  	s24 =	sadd.s32 $0x3, s22;
	v8 =	vld [tilespmem:s21+$0x10]  }
0x5c: {  	s26 =	sadd.s32 $0x5, s22;
	v9 =	vmov s22;
	s1 =	sadd.s32 $0x4, s22;
	s31 =	sadd.s32 $0x6, s22;
	v6 =	vmov s24;
	v10 =	vld [tilespmem:s21+$0x40]  }
0x5d: {  	v7 =	vmov s26;
	v11 =	vmov s1;
	v16 =	vmov s31;
	v12 =	vld [tilespmem:s21+$0xFFFFFFD0]  }
0x5e: {  	v9 =	vshrl.u32 v9, $0x3;
	v6 =	vshrl.u32 v6, $0x3;
	v7 =	vshrl.u32 v7, $0x3;
	v14 =	vld [tilespmem:s21+$0x60]  }
0x5f: {  	s29 =	sadd.s32 $0x1, s22;
	s26 =	sadd.s32 $0x7, s22;
	s22 =	sadd.s32 $0x2, s22;
	v16 =	vshrl.u32 v16, $0x3;
	v11 =	vshrl.u32 v11, $0x3;
	v6 =	vshll.u32 v6, v0;
	v17 =	vld [tilespmem:s21+$0x0]  }
0x60: {  	v25 =	vmov s22;
	v7 =	vshll.u32 v7, v0;
	v13 =	vadd.s32 $0x3, v6;
	v18 =	vld [tilespmem:s21+$0xFFFFFFB0]  }
0x61: {  	v7 =	vadd.s32 $0x5, v7;
	v6 =	vmov s26;
	v19 =	vld [tilespmem:s21+$0xFFFFFFF0];
	v15 =	vmul.bf16 v3, v1  }
0x62: {  	v6 =	vshrl.u32 v6, $0x3;
	v5 =	vmul.bf16 v5, v2;
	v8 =	vmul.bf16 v8, v2  }
0x63: {  	v20 =	vld [tilespmem:s21+$0xFFFFFFE0];
	v6 =	vshll.u32 v6, v0;
	v10 =	vmul.bf16 v10, v1;
	v4 =	vmul.bf16 v4, v1  }
0x64: {  	v22 =	vld [tilespmem:s21+$0xFFFFFF80];
	v6 =	vadd.s32 $0x7, v6;
	v21 =	vmul.bf16 v12, v2;
	v23 =	vmul.bf16 v14, v1  }
0x65: {  	v3 =	vmov s29;
	v14 =	vmul.bf16 v18, v2;
	v18 =	vld [tilespmem:s21+$0x70];
	v17 =	vmul.bf16 v17, v1  }
0x66: {  	v12 =	vld [tilespmem:s21+$0xFFFFFF90];
	v19 =	vmul.bf16 v19, v2;
	v3 =	vshrl.u32 v3, $0x3;
	v4 =	vadd.bf16 v5, v4  }
0x67: {  	v59 =	vld [tilespmem:s21+$0xFFFFFFC0];
	v3 =	vshll.u32 v3, v0;
	v5 =	vshll.u32 v11, v0;
	v8 =	vadd.bf16 v8, v17  }
0x68: {  	v11 =	vunpack.i.u.bf16.f32 v4;
	v24 =	vunpack.i.l.bf16.f32 v4;
	v4 =	vshll.u32 v9, v0;
	v9 =	vld [tilespmem:s21+$0x50]  }
0x69: {  	v17 =	vmul.bf16 v22, v1;
	v14 =	vadd.bf16 v14, v15;
	v24 =	vadd.f32 v24, v11  }
0x6a: {  	v11 =	vshll.u32 v16, v0;
	v16 =	vmul.bf16 v20, v1;
	v18 =	vmul.bf16 v18, v2  }
0x6b: {  	v3 =	vadd.s32 $0x1, v3;
	v26 =	vmul.bf16 v12, v2;
	v12 =	vbroadcast v7, $0x0;
	(xrf2) =	vadd.scan.msk.f32 $0xffff, v24  }
0x6c: {  	v11 =	vadd.s32 $0x6, v11;
	v16 =	vadd.bf16 v19, v16;
	v15 =	vadd.bf16 v18, v23  }
0x6d: {  	v17 =	vadd.bf16 v26, v17;
	v19 =	vmul.bf16 v59, v1;
	v7 =	vmul.bf16 v9, v2  }
0x6e: {  	v9 =	vunpack.i.u.bf16.f32 v8;
	v8 =	vunpack.i.l.bf16.f32 v8;
	v18 =	vunpack.i.u.bf16.f32 v16  }
0x6f: {  	v16 =	vunpack.i.l.bf16.f32 v16;
	v60 =	vunpack.i.l.bf16.f32 v15;
	v61 =	vunpack.i.l.bf16.f32 v17  }
0x70: {  	v8 =	vadd.f32 v8, v9;
	v16 =	vadd.f32 v16, v18;
	v18 =	vshrl.u32 v25, $0x3  }
0x71: {  	v9 =	vbroadcast v13, $0x0;
	v13 =	vunpack.i.u.bf16.f32 v15;
	v7 =	vadd.bf16 v7, v10  }
0x72: {  	v15 =	vunpack.i.u.bf16.f32 v14;
	v10 =	vunpack.i.u.bf16.f32 v17;
	v17 =	vadd.f32 v60, v13;
	(xrf2) =	vadd.scan.msk.f32 $0xffff, v16  }
0x73: {  	v13 =	vadd.bf16 v21, v19;
	v62 =	vunpack.i.u.bf16.f32 v7;
	v63 =	vunpack.i.l.bf16.f32 v7  }
0x74: {  	p1 =	por p2, p2;
	s22 =	simm.s32 $0x14380;
	s21 =	simm.s32 $0x8;
	v10 =	vadd.f32 v61, v10;
	v7 =	vshll.u32 v18, v0;
	v16 =	vadd.f32 v63, v62  }
.LBB2_4:
0x75: {  	s24 =	sadd.s32 s2, s21;
	v18 =	vld [tilespmem:s22+$0xFFFFFFA0];
	p2 =	slt.u32 s21, $0x78;
	s21 =	sadd.s32 $0x8, s21;
	v7 =	vadd.s32 $0x2, v7;
	v11 =	vbroadcast v11, $0x0;
	v19 =	vbroadcast v6, $0x0;
	v6, _, _ =	vpop (xrf2);
	(xrf2) =	vadd.scan.msk.f32 $0xffff, v17  }
0x76: {  	v14 =	vunpack.i.l.bf16.f32 v14;
	v17 =	vmov s24;
	s26 =	sadd.s32 $0x3, s24;
	s29 =	sadd.s32 $0x4, s24;
	v20 =	vld [tilespmem:s22+$0x20];
	s31 =	sadd.s32 $0x5, s24;
	v7 =	vbroadcast v7, $0x0;
	[tilespmem:v12+s30+$0x0] =	vst.idx.msk vm0, v6  }
0x77: {  	v6 =	vmov s26;
	v12 =	vmov s29;
	v21 =	vld [tilespmem:s22+$0x30];
	v22 =	vmov s31  }
0x78: {  	v24 =	vunpack.i.l.bf16.f32 v13;
	s26 =	sadd.s32 $0x7, s24;
	v6 =	vshrl.u32 v6, $0x3;
	v23 =	vld [tilespmem:s22+$0x10];
	v22 =	vshrl.u32 v22, $0x3;
	(xrf2) =	vadd.scan.msk.f32 $0xffff, v16  }
0x79: {  	v30 =	vadd.f32 v14, v15;
	s29 =	sadd.s32 $0x6, s24;
	v6 =	vshll.u32 v6, v0;
	v16 =	vshll.u32 v22, v0;
	v22 =	vld [tilespmem:s22+$0x40]  }
0x7a: {  	s31 =	sadd.s32 $0x1, s24;
	v15 =	vld [tilespmem:s22+$0xFFFFFFD0];
	v25 =	vadd.s32 $0x3, v6;
	v16 =	vadd.s32 $0x5, v16;
	v6 =	vmov s26  }
0x7b: {  	v26 =	vmov s31;
	v27 =	vmov s29;
	v18 =	vmul.bf16 v18, v1;
	v28 =	vld [tilespmem:s22+$0x60]  }
0x7c: {  	v26 =	vshrl.u32 v26, $0x3;
	v27 =	vshrl.u32 v27, $0x3;
	v6 =	vshrl.u32 v6, $0x3;
	v29 =	vld [tilespmem:s22+$0x0];
	(xrf2) =	vadd.scan.msk.f32 $0xffff, v30;
	v14, _, _ =	vpop (xrf2)  }
0x7d: {  	v21 =	vmul.bf16 v21, v2;
	v6 =	vshll.u32 v6, v0;
	v30 =	vld [tilespmem:s22+$0xFFFFFFB0];
	[tilespmem:v9+s30+$0x0] =	vst.idx.msk vm0, v14;
	v9 =	vadd.s32 $0x4, v5  }
0x7e: {  	v5 =	vshll.u32 v26, v0;
	v23 =	vmul.bf16 v23, v2;
	v14 =	vld [tilespmem:s22+$0xFFFFFFF0];
	v22 =	vmul.bf16 v22, v1  }
0x7f: {  	v20 =	vmul.bf16 v20, v1;
	v5 =	vadd.s32 $0x1, v5;
	v26 =	vmul.bf16 v15, v2;
	v15 =	vld [tilespmem:s22+$0xFFFFFFE0];
	(xrf2) =	vadd.scan.msk.f32 $0xffff, v8;
	v8, _, _ =	vpop (xrf2)  }
0x80: {  	v17 =	vshrl.u32 v17, $0x3;
	v12 =	vshrl.u32 v12, $0x3;
	v6 =	vadd.s32 $0x7, v6;
	v31 =	vld [tilespmem:s22+$0xFFFFFF90];
	[tilespmem:v19+s30+$0x0] =	vst.idx.msk vm0, v8  }
0x81: {  	v8 =	vadd.bf16 v21, v20;
	v20 =	vmul.bf16 v28, v1;
	v21 =	vbroadcast v3, $0x0;
	v3 =	vmovc v5;
	v19 =	vld [tilespmem:s22+$0xFFFFFFC0]  }
0x82: {  	v5 =	vshll.u32 v12, v0;
	v12 =	vunpack.i.u.bf16.f32 v13;
	v28 =	vld [tilespmem:s22+$0xFFFFFF80];
	v30 =	vmul.bf16 v30, v2;
	(xrf2) =	vadd.scan.msk.f32 $0xffff, v10;
	v10, _, _ =	vpop (xrf2)  }
0x83: {  	v12 =	vadd.f32 v24, v12;
	v13 =	vunpack.i.u.bf16.f32 v8;
	v8 =	vunpack.i.l.bf16.f32 v8;
	v32 =	vld [tilespmem:s22+$0x70];
	[tilespmem:v11+s30+$0x0] =	vst.idx.msk vm0, v10  }
0x84: {  	s24 =	sadd.s32 $0x2, s24;
	v9 =	vbroadcast v9, $0x0;
	v10 =	vshll.u32 v17, v0;
	v8 =	vadd.f32 v8, v13;
	v13 =	vld [tilespmem:s22+$0x50]  }
0x85: {  	v24 =	vmul.bf16 v29, v1;
	v17 =	vmov s24;
	v11 =	vshll.u32 v27, v0;
	(xrf2) =	vadd.scan.msk.f32 $0xffff, v12  }
0x86: {  	v14 =	vmul.bf16 v14, v2;
	v11 =	vadd.s32 $0x6, v11;
	v12 =	vmul.bf16 v15, v1;
	v15, _, _ =	vpop (xrf2)  }
0x87: {  	v23 =	vadd.bf16 v23, v24;
	v24 =	vbroadcast v4, $0x0;
	v27 =	vmul.bf16 v31, v2;
	[tilespmem:v21+s30+$0x0] =	vst.idx.msk vm0, v15  }
0x88: {  	v15 =	vmul.bf16 v28, v1;
	v21 =	vadd.bf16 v14, v12;
	v28 =	vmul.bf16 v32, v2;
	(xrf2) =	vadd.scan.msk.f32 $0xffff, v8  }
0x89: {  	v14 =	vadd.bf16 v30, v18;
	v12 =	vbroadcast v16, $0x0;
	v13 =	vmul.bf16 v13, v2;
	v8, _, _ =	vpop (xrf2)  }
0x8a: {  	v4 =	vmovc v10;
	v16 =	vunpack.i.u.bf16.f32 v23;
	v23 =	vunpack.i.l.bf16.f32 v23;
	v20 =	vadd.bf16 v28, v20;
	[tilespmem:v9+s30+$0x0] =	vst.idx.msk vm0, v8  }
0x8b: {  	v10 =	vunpack.i.l.bf16.f32 v21;
	v9 =	vunpack.i.u.bf16.f32 v21;
	v8 =	vadd.f32 v23, v16  }
0x8c: {  	v15 =	vadd.bf16 v27, v15;
	v16 =	vmul.bf16 v19, v1;
	v10 =	vadd.f32 v10, v9;
	v18, _, _ =	vpop (xrf2)  }
.Ltmp0:
0x8d: {  	v19 =	vshrl.u32 v17, $0x3;
	v9 =	vbroadcast v25, $0x0;
	v13 =	vadd.bf16 v13, v22;
	[tilespmem:v24+s30+$0x0] =	vst.idx.msk vm0, v18;
	(pc) =	sbr.rel @p2 .LBB2_4-.Ltmp0, $4  }
0x8e: {  	v17 =	vunpack.i.u.bf16.f32 v20;
	v22 =	vunpack.i.l.bf16.f32 v20;
	v18 =	vunpack.i.u.bf16.f32 v15  }
0x8f: {  	v21 =	vunpack.i.l.bf16.f32 v15;
	v15 =	vunpack.i.u.bf16.f32 v14;
	v17 =	vadd.f32 v22, v17;
	(xrf2) =	vadd.scan.msk.f32 $0xffff, v10;
	v20, _, _ =	vpop (xrf2)  }
0x90: {  	v10 =	vadd.f32 v21, v18;
	v18 =	vunpack.i.u.bf16.f32 v13;
	v21 =	vunpack.i.l.bf16.f32 v13;
	[tilespmem:v7+s30+$0x0] =	vst.idx.msk vm0, v20  }
0x91: {  	s22 =	sadd.s32 $0x100, s22;
	v13 =	vadd.bf16 v26, v16;
	v7 =	vshll.u32 v19, v0;
	v16 =	vadd.f32 v21, v18  }
0x92: {  	v1 =	vunpack.i.l.bf16.f32 v14  }
0x93: {  	(xrf2) =	vadd.scan.msk.f32 $0xffff, v17;
	v1 =	vadd.f32 v1, v15  }
0x94: {  	(xrf2) =	vadd.scan.msk.f32 $0xffff, v16  }
0x95: {  	v2 =	vunpack.i.l.bf16.f32 v13;
	(xrf2) =	vadd.scan.msk.f32 $0xffff, v1;
	v1 =	vunpack.i.u.bf16.f32 v13  }
0x96: {  	(xrf2) =	vadd.scan.msk.f32 $0xffff, v8;
	v1 =	vadd.f32 v2, v1  }
0x97: {  	(xrf2) =	vadd.scan.msk.f32 $0xffff, v10  }
0x98: {  	v2 =	vbroadcast v6, $0x0;
	(xrf2) =	vadd.scan.msk.f32 $0xffff, v1  }
0x99: {  	v1 =	vbroadcast v11, $0x0  }
0x9a: {  	v5 =	vadd.s32 $0x4, v5;
	v3 =	vbroadcast v3, $0x0  }
0x9b: {  	v5 =	vbroadcast v5, $0x0;
	v6, _, _ =	vpop (xrf2)  }
0x9c: {  	v7 =	vadd.s32 $0x2, v7;
	v4 =	vbroadcast v4, $0x0;
	[tilespmem:v12+s30+$0x0] =	vst.idx.msk vm0, v6;
	v8, _, _ =	vpop (xrf2)  }
0x9d: {  	v7 =	vbroadcast v7, $0x0;
	[tilespmem:v9+s30+$0x0] =	vst.idx.msk vm0, v8;
	v6, _, _ =	vpop (xrf2)  }
0x9e: {  	v8, _, _ =	vpop (xrf2);
	[tilespmem:v2+s30+$0x0] =	vst.idx.msk vm0, v6  }
0x9f: {  	[tilespmem:v1+s30+$0x0] =	vst.idx.msk vm0, v8;
	v1, _, _ =	vpop (xrf2)  }
0xa0: {  	[tilespmem:v3+s30+$0x0] =	vst.idx.msk vm0, v1;
	v1, _, _ =	vpop (xrf2)  }
0xa1: {  	s20 =	sshll.u32 s20, $0x7;
	[tilespmem:v5+s30+$0x0] =	vst.idx.msk vm0, v1;
	v1, _, _ =	vpop (xrf2)  }
0xa2: {  	s20 =	sand.u32 $0x3FFFFF80, s20;
	[tilespmem:v4+s30+$0x0] =	vst.idx.msk vm0, v1;
	v1, _, _ =	vpop (xrf2)  }
0xa3: {  	s1 =	simm.s32 $0x14200;
	s21 =	sadd.s32 $0x400, s20;
	[tilespmem:v7+s30+$0x0] =	vst.idx.msk vm0, v1  }
0xa4: {  	[tilespmem:s1], [sflag:$0x1] =	stream.indirect.gather [hbm4b:s4+s19], $0x20, s21, s19, $0xb8;
	[tilespmem:$0x1D200] =	vst v63  }
0xa5: {  	s29 =	simm.s32 $0x14A00;
	s26 =	sadd.s32 $0x440, s20  }
0xa6: {  	[tilespmem:s29], [sflag:$0x1] =	stream.indirect.gather [hbm4b:s4+s19], $0x20, s26, s19, $0xb8;
	[tilespmem:$0x1D200] =	vst v63  }
0xa7: {  	_ =	swait.ge [sflag:s12], $0x800  }
0xa8: {  	[sflag:s12] =	ssyncset.done $0x0  }
0xa9: {  	[sflag:s12] =	ssyncadd.s32 $0xFFFFF800  }
0xaa: {  	_ =	swait.ge [sflag:s12], $0x800  }
0xab: {  	[sflag:s12] =	ssyncset.done $0x0  }
0xac: {  	[sflag:s12] =	ssyncadd.s32 $0xFFFFF800  }
0xad: {  	v1 =	vld [tilespmem:s9+$0x10220]  }
0xae: {  	s22 =	simm.s32 $0x152F0;
	v2 =	vld [tilespmem:s9+$0x10230]  }
0xaf: {  	v3 =	vld [tilespmem:s22+$0xFFFFFF30]  }
0xb0: {  	s21 =	sor.u32 $0x80, s2;
	v4 =	vld [tilespmem:s22+$0xFFFFFFB0]  }
0xb1: {  	s24 =	sadd.s32 $0x0, s21;
	v5 =	vld [tilespmem:s22+$0xFFFFFFC0]  }
0xb2: {  	s26 =	sadd.s32 $0x3, s24;
	v8 =	vld [tilespmem:s22+$0xFFFFFFA0]  }
0xb3: {  	s29 =	sadd.s32 $0x5, s24;
	v9 =	vmov s24;
	s31 =	sadd.s32 $0x4, s24;
	s1 =	sadd.s32 $0x6, s24;
	v6 =	vmov s26;
	v10 =	vld [tilespmem:s22+$0xFFFFFFD0]  }
0xb4: {  	v7 =	vmov s29;
	v11 =	vmov s31;
	v16 =	vmov s1;
	v12 =	vld [tilespmem:s22+$0xFFFFFF60]  }
0xb5: {  	v9 =	vshrl.u32 v9, $0x3;
	v6 =	vshrl.u32 v6, $0x3;
	v7 =	vshrl.u32 v7, $0x3;
	v14 =	vld [tilespmem:s22+$0xFFFFFFF0]  }
0xb6: {  	s26 =	sadd.s32 $0x7, s24;
	s31 =	sadd.s32 $0x1, s24;
	s24 =	sadd.s32 $0x2, s24;
	v16 =	vshrl.u32 v16, $0x3;
	v11 =	vshrl.u32 v11, $0x3;
	v6 =	vshll.u32 v6, v0;
	v17 =	vld [tilespmem:s22+$0xFFFFFF90]  }
0xb7: {  	v25 =	vmov s24;
	v7 =	vshll.u32 v7, v0;
	v13 =	vadd.s32 $0x3, v6;
	v18 =	vld [tilespmem:s22+$0xFFFFFF40]  }
0xb8: {  	v7 =	vadd.s32 $0x5, v7;
	v6 =	vmov s26;
	v19 =	vld [tilespmem:s22+$0xFFFFFF80];
	v15 =	vmul.bf16 v3, v1  }
0xb9: {  	v6 =	vshrl.u32 v6, $0x3;
	v5 =	vmul.bf16 v5, v2;
	v8 =	vmul.bf16 v8, v2  }
0xba: {  	v6 =	vshll.u32 v6, v0;
	v20 =	vld [tilespmem:s22+$0xFFFFFF70];
	v10 =	vmul.bf16 v10, v1;
	v4 =	vmul.bf16 v4, v1  }
0xbb: {  	v6 =	vadd.s32 $0x7, v6;
	v22 =	vld [tilespmem:s22+$0xFFFFFF10];
	v21 =	vmul.bf16 v12, v2;
	v23 =	vmul.bf16 v14, v1  }
0xbc: {  	v3 =	vmov s31;
	v14 =	vmul.bf16 v18, v2;
	v18 =	vld [tilespmem:s22+$0x0];
	v17 =	vmul.bf16 v17, v1  }
0xbd: {  	v12 =	vld [tilespmem:s22+$0xFFFFFF20];
	v19 =	vmul.bf16 v19, v2;
	v3 =	vshrl.u32 v3, $0x3;
	v4 =	vadd.bf16 v5, v4  }
0xbe: {  	v59 =	vld [tilespmem:s22+$0xFFFFFF50];
	v3 =	vshll.u32 v3, v0;
	v5 =	vshll.u32 v11, v0;
	v8 =	vadd.bf16 v8, v17  }
0xbf: {  	v11 =	vunpack.i.u.bf16.f32 v4;
	v24 =	vunpack.i.l.bf16.f32 v4;
	v4 =	vshll.u32 v9, v0;
	v9 =	vld [tilespmem:s22+$0xFFFFFFE0]  }
0xc0: {  	v17 =	vmul.bf16 v22, v1;
	v14 =	vadd.bf16 v14, v15;
	v24 =	vadd.f32 v24, v11  }
0xc1: {  	v11 =	vshll.u32 v16, v0;
	v16 =	vmul.bf16 v20, v1;
	v18 =	vmul.bf16 v18, v2  }
0xc2: {  	v3 =	vadd.s32 $0x1, v3;
	v26 =	vmul.bf16 v12, v2;
	v12 =	vbroadcast v7, $0x0;
	(xrf2) =	vadd.scan.msk.f32 $0xffff, v24  }
0xc3: {  	v11 =	vadd.s32 $0x6, v11;
	v16 =	vadd.bf16 v19, v16;
	v15 =	vadd.bf16 v18, v23  }
0xc4: {  	v17 =	vadd.bf16 v26, v17;
	v19 =	vmul.bf16 v59, v1;
	v7 =	vmul.bf16 v9, v2  }
0xc5: {  	v9 =	vunpack.i.u.bf16.f32 v8;
	v8 =	vunpack.i.l.bf16.f32 v8;
	v18 =	vunpack.i.u.bf16.f32 v16  }
0xc6: {  	v16 =	vunpack.i.l.bf16.f32 v16;
	v60 =	vunpack.i.l.bf16.f32 v15;
	v61 =	vunpack.i.l.bf16.f32 v17  }
0xc7: {  	v8 =	vadd.f32 v8, v9;
	v16 =	vadd.f32 v16, v18;
	v18 =	vshrl.u32 v25, $0x3  }
0xc8: {  	v9 =	vbroadcast v13, $0x0;
	v13 =	vunpack.i.u.bf16.f32 v15;
	v7 =	vadd.bf16 v7, v10  }
0xc9: {  	v15 =	vunpack.i.u.bf16.f32 v14;
	v10 =	vunpack.i.u.bf16.f32 v17;
	v17 =	vadd.f32 v60, v13;
	(xrf2) =	vadd.scan.msk.f32 $0xffff, v16  }
0xca: {  	v13 =	vadd.bf16 v21, v19;
	v62 =	vunpack.i.u.bf16.f32 v7;
	v63 =	vunpack.i.l.bf16.f32 v7  }
0xcb: {  	s24 =	simm.s32 $0x153F0;
	s22 =	simm.s32 $0x8;
	v10 =	vadd.f32 v61, v10;
	v7 =	vshll.u32 v18, v0;
	v16 =	vadd.f32 v63, v62  }
.LBB2_6:
0xcc: {  	s26 =	sadd.s32 s21, s22;
	v18 =	vld [tilespmem:s24+$0xFFFFFF30];
	p2 =	slt.u32 s22, $0x78;
	s22 =	sadd.s32 $0x8, s22;
	v7 =	vadd.s32 $0x2, v7;
	v11 =	vbroadcast v11, $0x0;
	v19 =	vbroadcast v6, $0x0;
	v6, _, _ =	vpop (xrf2);
	(xrf2) =	vadd.scan.msk.f32 $0xffff, v17  }
0xcd: {  	v14 =	vunpack.i.l.bf16.f32 v14;
	v17 =	vmov s26;
	s29 =	sadd.s32 $0x3, s26;
	s31 =	sadd.s32 $0x4, s26;
	v20 =	vld [tilespmem:s24+$0xFFFFFFB0];
	s1 =	sadd.s32 $0x5, s26;
	v7 =	vbroadcast v7, $0x0;
	[tilespmem:v12+s30+$0x0] =	vst.idx.msk vm0, v6  }
0xce: {  	v6 =	vmov s29;
	v12 =	vmov s31;
	v21 =	vld [tilespmem:s24+$0xFFFFFFC0];
	v22 =	vmov s1  }
0xcf: {  	v24 =	vunpack.i.l.bf16.f32 v13;
	s1 =	sadd.s32 $0x7, s26;
	v6 =	vshrl.u32 v6, $0x3;
	v23 =	vld [tilespmem:s24+$0xFFFFFFA0];
	v22 =	vshrl.u32 v22, $0x3;
	(xrf2) =	vadd.scan.msk.f32 $0xffff, v16  }
0xd0: {  	v30 =	vadd.f32 v14, v15;
	s29 =	sadd.s32 $0x6, s26;
	v6 =	vshll.u32 v6, v0;
	v16 =	vshll.u32 v22, v0;
	v22 =	vld [tilespmem:s24+$0xFFFFFFD0]  }
0xd1: {  	s31 =	sadd.s32 $0x1, s26;
	v15 =	vld [tilespmem:s24+$0xFFFFFF60];
	v25 =	vadd.s32 $0x3, v6;
	v16 =	vadd.s32 $0x5, v16;
	v6 =	vmov s1  }
0xd2: {  	v26 =	vmov s31;
	v27 =	vmov s29;
	v18 =	vmul.bf16 v18, v1;
	v28 =	vld [tilespmem:s24+$0xFFFFFFF0]  }
0xd3: {  	v26 =	vshrl.u32 v26, $0x3;
	v27 =	vshrl.u32 v27, $0x3;
	v6 =	vshrl.u32 v6, $0x3;
	v29 =	vld [tilespmem:s24+$0xFFFFFF90];
	(xrf2) =	vadd.scan.msk.f32 $0xffff, v30;
	v14, _, _ =	vpop (xrf2)  }
0xd4: {  	v21 =	vmul.bf16 v21, v2;
	v6 =	vshll.u32 v6, v0;
	v30 =	vld [tilespmem:s24+$0xFFFFFF40];
	[tilespmem:v9+s30+$0x0] =	vst.idx.msk vm0, v14;
	v9 =	vadd.s32 $0x4, v5  }
0xd5: {  	v5 =	vshll.u32 v26, v0;
	v23 =	vmul.bf16 v23, v2;
	v14 =	vld [tilespmem:s24+$0xFFFFFF80];
	v22 =	vmul.bf16 v22, v1  }
0xd6: {  	v20 =	vmul.bf16 v20, v1;
	v5 =	vadd.s32 $0x1, v5;
	v26 =	vmul.bf16 v15, v2;
	v15 =	vld [tilespmem:s24+$0xFFFFFF70];
	(xrf2) =	vadd.scan.msk.f32 $0xffff, v8;
	v8, _, _ =	vpop (xrf2)  }
0xd7: {  	v17 =	vshrl.u32 v17, $0x3;
	v12 =	vshrl.u32 v12, $0x3;
	v6 =	vadd.s32 $0x7, v6;
	v31 =	vld [tilespmem:s24+$0xFFFFFF20];
	[tilespmem:v19+s30+$0x0] =	vst.idx.msk vm0, v8  }
0xd8: {  	v8 =	vadd.bf16 v21, v20;
	v20 =	vmul.bf16 v28, v1;
	v21 =	vbroadcast v3, $0x0;
	v3 =	vmovc v5;
	v19 =	vld [tilespmem:s24+$0xFFFFFF50]  }
0xd9: {  	v5 =	vshll.u32 v12, v0;
	v12 =	vunpack.i.u.bf16.f32 v13;
	v28 =	vld [tilespmem:s24+$0xFFFFFF10];
	v30 =	vmul.bf16 v30, v2;
	(xrf2) =	vadd.scan.msk.f32 $0xffff, v10;
	v10, _, _ =	vpop (xrf2)  }
0xda: {  	v12 =	vadd.f32 v24, v12;
	v13 =	vunpack.i.u.bf16.f32 v8;
	v8 =	vunpack.i.l.bf16.f32 v8;
	v32 =	vld [tilespmem:s24+$0x0];
	[tilespmem:v11+s30+$0x0] =	vst.idx.msk vm0, v10  }
0xdb: {  	s1 =	sadd.s32 $0x2, s26;
	v9 =	vbroadcast v9, $0x0;
	v10 =	vshll.u32 v17, v0;
	v8 =	vadd.f32 v8, v13;
	v13 =	vld [tilespmem:s24+$0xFFFFFFE0]  }
0xdc: {  	v24 =	vmul.bf16 v29, v1;
	v17 =	vmov s1;
	v11 =	vshll.u32 v27, v0;
	(xrf2) =	vadd.scan.msk.f32 $0xffff, v12  }
0xdd: {  	v14 =	vmul.bf16 v14, v2;
	v11 =	vadd.s32 $0x6, v11;
	v12 =	vmul.bf16 v15, v1;
	v15, _, _ =	vpop (xrf2)  }
0xde: {  	v23 =	vadd.bf16 v23, v24;
	v24 =	vbroadcast v4, $0x0;
	v27 =	vmul.bf16 v31, v2;
	[tilespmem:v21+s30+$0x0] =	vst.idx.msk vm0, v15  }
0xdf: {  	v15 =	vmul.bf16 v28, v1;
	v21 =	vadd.bf16 v14, v12;
	v28 =	vmul.bf16 v32, v2;
	(xrf2) =	vadd.scan.msk.f32 $0xffff, v8  }
0xe0: {  	v14 =	vadd.bf16 v30, v18;
	v12 =	vbroadcast v16, $0x0;
	v13 =	vmul.bf16 v13, v2;
	v8, _, _ =	vpop (xrf2)  }
0xe1: {  	v4 =	vmovc v10;
	v16 =	vunpack.i.u.bf16.f32 v23;
	v23 =	vunpack.i.l.bf16.f32 v23;
	v20 =	vadd.bf16 v28, v20;
	[tilespmem:v9+s30+$0x0] =	vst.idx.msk vm0, v8  }
0xe2: {  	v10 =	vunpack.i.l.bf16.f32 v21;
	v9 =	vunpack.i.u.bf16.f32 v21;
	v8 =	vadd.f32 v23, v16  }
0xe3: {  	v15 =	vadd.bf16 v27, v15;
	v16 =	vmul.bf16 v19, v1;
	v10 =	vadd.f32 v10, v9;
	v18, _, _ =	vpop (xrf2)  }
.Ltmp1:
0xe4: {  	v19 =	vshrl.u32 v17, $0x3;
	v9 =	vbroadcast v25, $0x0;
	v13 =	vadd.bf16 v13, v22;
	[tilespmem:v24+s30+$0x0] =	vst.idx.msk vm0, v18;
	(pc) =	sbr.rel @p2 .LBB2_6-.Ltmp1, $4  }
0xe5: {  	v17 =	vunpack.i.u.bf16.f32 v20;
	v22 =	vunpack.i.l.bf16.f32 v20;
	v18 =	vunpack.i.u.bf16.f32 v15  }
0xe6: {  	v21 =	vunpack.i.l.bf16.f32 v15;
	v15 =	vunpack.i.u.bf16.f32 v14;
	v17 =	vadd.f32 v22, v17;
	(xrf2) =	vadd.scan.msk.f32 $0xffff, v10;
	v20, _, _ =	vpop (xrf2)  }
0xe7: {  	v10 =	vadd.f32 v21, v18;
	v18 =	vunpack.i.u.bf16.f32 v13;
	v21 =	vunpack.i.l.bf16.f32 v13;
	[tilespmem:v7+s30+$0x0] =	vst.idx.msk vm0, v20  }
0xe8: {  	s24 =	sadd.s32 $0x100, s24;
	v13 =	vadd.bf16 v26, v16;
	v7 =	vshll.u32 v19, v0;
	v16 =	vadd.f32 v21, v18  }
0xe9: {  	v1 =	vunpack.i.l.bf16.f32 v14  }
0xea: {  	(xrf2) =	vadd.scan.msk.f32 $0xffff, v17;
	v1 =	vadd.f32 v1, v15  }
0xeb: {  	(xrf2) =	vadd.scan.msk.f32 $0xffff, v16  }
0xec: {  	v2 =	vunpack.i.l.bf16.f32 v13;
	(xrf2) =	vadd.scan.msk.f32 $0xffff, v1;
	v1 =	vunpack.i.u.bf16.f32 v13  }
0xed: {  	(xrf2) =	vadd.scan.msk.f32 $0xffff, v8;
	v1 =	vadd.f32 v2, v1  }
0xee: {  	(xrf2) =	vadd.scan.msk.f32 $0xffff, v10  }
0xef: {  	v2 =	vbroadcast v6, $0x0;
	(xrf2) =	vadd.scan.msk.f32 $0xffff, v1  }
0xf0: {  	v1 =	vbroadcast v11, $0x0  }
0xf1: {  	v5 =	vadd.s32 $0x4, v5;
	v3 =	vbroadcast v3, $0x0  }
0xf2: {  	v5 =	vbroadcast v5, $0x0;
	v6, _, _ =	vpop (xrf2)  }
0xf3: {  	v7 =	vadd.s32 $0x2, v7;
	v4 =	vbroadcast v4, $0x0;
	[tilespmem:v12+s30+$0x0] =	vst.idx.msk vm0, v6;
	v8, _, _ =	vpop (xrf2)  }
0xf4: {  	v7 =	vbroadcast v7, $0x0;
	[tilespmem:v9+s30+$0x0] =	vst.idx.msk vm0, v8;
	v6, _, _ =	vpop (xrf2)  }
0xf5: {  	v8, _, _ =	vpop (xrf2);
	[tilespmem:v2+s30+$0x0] =	vst.idx.msk vm0, v6  }
0xf6: {  	[tilespmem:v1+s30+$0x0] =	vst.idx.msk vm0, v8;
	v1, _, _ =	vpop (xrf2)  }
0xf7: {  	[tilespmem:v3+s30+$0x0] =	vst.idx.msk vm0, v1;
	v1, _, _ =	vpop (xrf2)  }
0xf8: {  	[tilespmem:v5+s30+$0x0] =	vst.idx.msk vm0, v1;
	v1, _, _ =	vpop (xrf2)  }
0xf9: {  	[tilespmem:v4+s30+$0x0] =	vst.idx.msk vm0, v1;
	v1, _, _ =	vpop (xrf2)  }
0xfa: {  	s1 =	sadd.s32 $0x480, s20;
	s21 =	simm.s32 $0x15200;
	[tilespmem:v7+s30+$0x0] =	vst.idx.msk vm0, v1  }
0xfb: {  	[tilespmem:s21], [sflag:$0x2] =	stream.indirect.gather [hbm4b:s4+s19], $0x20, s1, s19, $0xb8;
	[tilespmem:$0x1D200] =	vst v63  }
0xfc: {  	s26 =	sadd.s32 $0x4C0, s20;
	s29 =	simm.s32 $0x15A00  }
0xfd: {  	[tilespmem:s29], [sflag:$0x2] =	stream.indirect.gather [hbm4b:s4+s19], $0x20, s26, s19, $0xb8;
	[tilespmem:$0x1D200] =	vst v63  }
0xfe: {  	_ =	swait.ge [sflag:s16], $0x800  }
0xff: {  	[sflag:s16] =	ssyncset.done $0x0  }
0x100: {  	[sflag:s16] =	ssyncadd.s32 $0xFFFFF800  }
0x101: {  	_ =	swait.ge [sflag:s16], $0x800  }
0x102: {  	[sflag:s16] =	ssyncset.done $0x0  }
0x103: {  	[sflag:s16] =	ssyncadd.s32 $0xFFFFF800  }
0x104: {  	v1 =	vld [tilespmem:s9+$0x10240]  }
0x105: {  	s22 =	simm.s32 $0x162F0;
	v2 =	vld [tilespmem:s9+$0x10250]  }
0x106: {  	v3 =	vld [tilespmem:s22+$0xFFFFFF30]  }
0x107: {  	s21 =	sor.u32 $0x100, s2;
	v4 =	vld [tilespmem:s22+$0xFFFFFFB0]  }
0x108: {  	s1 =	sadd.s32 $0x0, s21;
	v5 =	vld [tilespmem:s22+$0xFFFFFFC0]  }
0x109: {  	s24 =	sadd.s32 $0x3, s1;
	v8 =	vld [tilespmem:s22+$0xFFFFFFA0]  }
0x10a: {  	s26 =	sadd.s32 $0x5, s1;
	v9 =	vmov s1;
	s31 =	sadd.s32 $0x4, s1;
	v6 =	vmov s24;
	v10 =	vld [tilespmem:s22+$0xFFFFFFD0]  }
0x10b: {  	v7 =	vmov s26;
	v11 =	vmov s31;
	s31 =	sadd.s32 $0x6, s1;
	v9 =	vshrl.u32 v9, $0x3;
	v12 =	vld [tilespmem:s22+$0xFFFFFF60]  }
0x10c: {  	s29 =	sadd.s32 $0x1, s1;
	s26 =	sadd.s32 $0x7, s1;
	s1 =	sadd.s32 $0x2, s1;
	v6 =	vshrl.u32 v6, $0x3;
	v7 =	vshrl.u32 v7, $0x3;
	v16 =	vmov s31;
	v14 =	vld [tilespmem:s22+$0xFFFFFFF0]  }
0x10d: {  	v11 =	vshrl.u32 v11, $0x3;
	v25 =	vmov s1;
	v6 =	vshll.u32 v6, v0;
	v17 =	vld [tilespmem:s22+$0xFFFFFF90]  }
0x10e: {  	v7 =	vshll.u32 v7, v0;
	v16 =	vshrl.u32 v16, $0x3;
	v13 =	vadd.s32 $0x3, v6;
	v18 =	vld [tilespmem:s22+$0xFFFFFF40]  }
0x10f: {  	v7 =	vadd.s32 $0x5, v7;
	v6 =	vmov s26;
	v19 =	vld [tilespmem:s22+$0xFFFFFF80];
	v15 =	vmul.bf16 v3, v1  }
0x110: {  	v6 =	vshrl.u32 v6, $0x3;
	v5 =	vmul.bf16 v5, v2;
	v8 =	vmul.bf16 v8, v2  }
0x111: {  	v6 =	vshll.u32 v6, v0;
	v20 =	vld [tilespmem:s22+$0xFFFFFF70];
	v10 =	vmul.bf16 v10, v1;
	v4 =	vmul.bf16 v4, v1  }
0x112: {  	v6 =	vadd.s32 $0x7, v6;
	v22 =	vld [tilespmem:s22+$0xFFFFFF10];
	v21 =	vmul.bf16 v12, v2;
	v23 =	vmul.bf16 v14, v1  }
0x113: {  	v3 =	vmov s29;
	v14 =	vmul.bf16 v18, v2;
	v18 =	vld [tilespmem:s22+$0x0];
	v17 =	vmul.bf16 v17, v1  }
0x114: {  	v12 =	vld [tilespmem:s22+$0xFFFFFF20];
	v19 =	vmul.bf16 v19, v2;
	v3 =	vshrl.u32 v3, $0x3;
	v4 =	vadd.bf16 v5, v4  }
0x115: {  	v59 =	vld [tilespmem:s22+$0xFFFFFF50];
	v3 =	vshll.u32 v3, v0;
	v5 =	vshll.u32 v11, v0;
	v8 =	vadd.bf16 v8, v17  }
0x116: {  	v11 =	vunpack.i.u.bf16.f32 v4;
	v24 =	vunpack.i.l.bf16.f32 v4;
	v4 =	vshll.u32 v9, v0;
	v9 =	vld [tilespmem:s22+$0xFFFFFFE0]  }
0x117: {  	v17 =	vmul.bf16 v22, v1;
	v14 =	vadd.bf16 v14, v15;
	v24 =	vadd.f32 v24, v11  }
0x118: {  	v11 =	vshll.u32 v16, v0;
	v16 =	vmul.bf16 v20, v1;
	v18 =	vmul.bf16 v18, v2  }
0x119: {  	v3 =	vadd.s32 $0x1, v3;
	v26 =	vmul.bf16 v12, v2;
	v12 =	vbroadcast v7, $0x0;
	(xrf2) =	vadd.scan.msk.f32 $0xffff, v24  }
0x11a: {  	v11 =	vadd.s32 $0x6, v11;
	v16 =	vadd.bf16 v19, v16;
	v15 =	vadd.bf16 v18, v23  }
0x11b: {  	v17 =	vadd.bf16 v26, v17;
	v19 =	vmul.bf16 v59, v1;
	v7 =	vmul.bf16 v9, v2  }
0x11c: {  	v9 =	vunpack.i.u.bf16.f32 v8;
	v8 =	vunpack.i.l.bf16.f32 v8;
	v18 =	vunpack.i.u.bf16.f32 v16  }
0x11d: {  	v16 =	vunpack.i.l.bf16.f32 v16;
	v60 =	vunpack.i.l.bf16.f32 v15;
	v61 =	vunpack.i.l.bf16.f32 v17  }
0x11e: {  	v8 =	vadd.f32 v8, v9;
	v16 =	vadd.f32 v16, v18;
	v18 =	vshrl.u32 v25, $0x3  }
0x11f: {  	v9 =	vbroadcast v13, $0x0;
	v13 =	vunpack.i.u.bf16.f32 v15;
	v7 =	vadd.bf16 v7, v10  }
0x120: {  	v15 =	vunpack.i.u.bf16.f32 v14;
	v10 =	vunpack.i.u.bf16.f32 v17;
	v17 =	vadd.f32 v60, v13;
	(xrf2) =	vadd.scan.msk.f32 $0xffff, v16  }
0x121: {  	v13 =	vadd.bf16 v21, v19;
	v62 =	vunpack.i.u.bf16.f32 v7;
	v63 =	vunpack.i.l.bf16.f32 v7  }
0x122: {  	s24 =	simm.s32 $0x163F0;
	s22 =	simm.s32 $0x8;
	v10 =	vadd.f32 v61, v10;
	v7 =	vshll.u32 v18, v0;
	v16 =	vadd.f32 v63, v62  }
.LBB2_8:
0x123: {  	s26 =	sadd.s32 s21, s22;
	v18 =	vld [tilespmem:s24+$0xFFFFFF30];
	p2 =	slt.u32 s22, $0x78;
	s22 =	sadd.s32 $0x8, s22;
	v7 =	vadd.s32 $0x2, v7;
	v11 =	vbroadcast v11, $0x0;
	v19 =	vbroadcast v6, $0x0;
	v6, _, _ =	vpop (xrf2);
	(xrf2) =	vadd.scan.msk.f32 $0xffff, v17  }
0x124: {  	v14 =	vunpack.i.l.bf16.f32 v14;
	v17 =	vmov s26;
	s1 =	sadd.s32 $0x3, s26;
	s29 =	sadd.s32 $0x4, s26;
	v20 =	vld [tilespmem:s24+$0xFFFFFFB0];
	s31 =	sadd.s32 $0x5, s26;
	v7 =	vbroadcast v7, $0x0;
	[tilespmem:v12+s30+$0x0] =	vst.idx.msk vm0, v6  }
0x125: {  	v6 =	vmov s1;
	v12 =	vmov s29;
	v21 =	vld [tilespmem:s24+$0xFFFFFFC0];
	v22 =	vmov s31  }
0x126: {  	v24 =	vunpack.i.l.bf16.f32 v13;
	s1 =	sadd.s32 $0x7, s26;
	v6 =	vshrl.u32 v6, $0x3;
	v23 =	vld [tilespmem:s24+$0xFFFFFFA0];
	v22 =	vshrl.u32 v22, $0x3;
	(xrf2) =	vadd.scan.msk.f32 $0xffff, v16  }
0x127: {  	v30 =	vadd.f32 v14, v15;
	s29 =	sadd.s32 $0x6, s26;
	v6 =	vshll.u32 v6, v0;
	v16 =	vshll.u32 v22, v0;
	v22 =	vld [tilespmem:s24+$0xFFFFFFD0]  }
0x128: {  	s31 =	sadd.s32 $0x1, s26;
	v15 =	vld [tilespmem:s24+$0xFFFFFF60];
	v25 =	vadd.s32 $0x3, v6;
	v16 =	vadd.s32 $0x5, v16;
	v6 =	vmov s1  }
0x129: {  	v26 =	vmov s31;
	v27 =	vmov s29;
	v18 =	vmul.bf16 v18, v1;
	v28 =	vld [tilespmem:s24+$0xFFFFFFF0]  }
0x12a: {  	v26 =	vshrl.u32 v26, $0x3;
	v27 =	vshrl.u32 v27, $0x3;
	v6 =	vshrl.u32 v6, $0x3;
	v29 =	vld [tilespmem:s24+$0xFFFFFF90];
	(xrf2) =	vadd.scan.msk.f32 $0xffff, v30;
	v14, _, _ =	vpop (xrf2)  }
0x12b: {  	v21 =	vmul.bf16 v21, v2;
	v6 =	vshll.u32 v6, v0;
	v30 =	vld [tilespmem:s24+$0xFFFFFF40];
	[tilespmem:v9+s30+$0x0] =	vst.idx.msk vm0, v14;
	v9 =	vadd.s32 $0x4, v5  }
0x12c: {  	v5 =	vshll.u32 v26, v0;
	v23 =	vmul.bf16 v23, v2;
	v14 =	vld [tilespmem:s24+$0xFFFFFF80];
	v22 =	vmul.bf16 v22, v1  }
0x12d: {  	v20 =	vmul.bf16 v20, v1;
	v5 =	vadd.s32 $0x1, v5;
	v26 =	vmul.bf16 v15, v2;
	v15 =	vld [tilespmem:s24+$0xFFFFFF70];
	(xrf2) =	vadd.scan.msk.f32 $0xffff, v8;
	v8, _, _ =	vpop (xrf2)  }
0x12e: {  	v17 =	vshrl.u32 v17, $0x3;
	v12 =	vshrl.u32 v12, $0x3;
	v6 =	vadd.s32 $0x7, v6;
	v31 =	vld [tilespmem:s24+$0xFFFFFF20];
	[tilespmem:v19+s30+$0x0] =	vst.idx.msk vm0, v8  }
0x12f: {  	v8 =	vadd.bf16 v21, v20;
	v20 =	vmul.bf16 v28, v1;
	v21 =	vbroadcast v3, $0x0;
	v3 =	vmovc v5;
	v19 =	vld [tilespmem:s24+$0xFFFFFF50]  }
0x130: {  	v5 =	vshll.u32 v12, v0;
	v12 =	vunpack.i.u.bf16.f32 v13;
	v28 =	vld [tilespmem:s24+$0xFFFFFF10];
	v30 =	vmul.bf16 v30, v2;
	(xrf2) =	vadd.scan.msk.f32 $0xffff, v10;
	v10, _, _ =	vpop (xrf2)  }
0x131: {  	v12 =	vadd.f32 v24, v12;
	v13 =	vunpack.i.u.bf16.f32 v8;
	v8 =	vunpack.i.l.bf16.f32 v8;
	v32 =	vld [tilespmem:s24+$0x0];
	[tilespmem:v11+s30+$0x0] =	vst.idx.msk vm0, v10  }
0x132: {  	s1 =	sadd.s32 $0x2, s26;
	v9 =	vbroadcast v9, $0x0;
	v10 =	vshll.u32 v17, v0;
	v8 =	vadd.f32 v8, v13;
	v13 =	vld [tilespmem:s24+$0xFFFFFFE0]  }
0x133: {  	v24 =	vmul.bf16 v29, v1;
	v17 =	vmov s1;
	v11 =	vshll.u32 v27, v0;
	(xrf2) =	vadd.scan.msk.f32 $0xffff, v12  }
0x134: {  	v14 =	vmul.bf16 v14, v2;
	v11 =	vadd.s32 $0x6, v11;
	v12 =	vmul.bf16 v15, v1;
	v15, _, _ =	vpop (xrf2)  }
0x135: {  	v23 =	vadd.bf16 v23, v24;
	v24 =	vbroadcast v4, $0x0;
	v27 =	vmul.bf16 v31, v2;
	[tilespmem:v21+s30+$0x0] =	vst.idx.msk vm0, v15  }
0x136: {  	v15 =	vmul.bf16 v28, v1;
	v21 =	vadd.bf16 v14, v12;
	v28 =	vmul.bf16 v32, v2;
	(xrf2) =	vadd.scan.msk.f32 $0xffff, v8  }
0x137: {  	v14 =	vadd.bf16 v30, v18;
	v12 =	vbroadcast v16, $0x0;
	v13 =	vmul.bf16 v13, v2;
	v8, _, _ =	vpop (xrf2)  }
0x138: {  	v4 =	vmovc v10;
	v16 =	vunpack.i.u.bf16.f32 v23;
	v23 =	vunpack.i.l.bf16.f32 v23;
	v20 =	vadd.bf16 v28, v20;
	[tilespmem:v9+s30+$0x0] =	vst.idx.msk vm0, v8  }
0x139: {  	v10 =	vunpack.i.l.bf16.f32 v21;
	v9 =	vunpack.i.u.bf16.f32 v21;
	v8 =	vadd.f32 v23, v16  }
0x13a: {  	v15 =	vadd.bf16 v27, v15;
	v16 =	vmul.bf16 v19, v1;
	v10 =	vadd.f32 v10, v9;
	v18, _, _ =	vpop (xrf2)  }
.Ltmp2:
0x13b: {  	v19 =	vshrl.u32 v17, $0x3;
	v9 =	vbroadcast v25, $0x0;
	v13 =	vadd.bf16 v13, v22;
	[tilespmem:v24+s30+$0x0] =	vst.idx.msk vm0, v18;
	(pc) =	sbr.rel @p2 .LBB2_8-.Ltmp2, $4  }
0x13c: {  	v17 =	vunpack.i.u.bf16.f32 v20;
	v22 =	vunpack.i.l.bf16.f32 v20;
	v18 =	vunpack.i.u.bf16.f32 v15  }
0x13d: {  	v21 =	vunpack.i.l.bf16.f32 v15;
	v15 =	vunpack.i.u.bf16.f32 v14;
	v17 =	vadd.f32 v22, v17;
	(xrf2) =	vadd.scan.msk.f32 $0xffff, v10;
	v20, _, _ =	vpop (xrf2)  }
0x13e: {  	v10 =	vadd.f32 v21, v18;
	v18 =	vunpack.i.u.bf16.f32 v13;
	v21 =	vunpack.i.l.bf16.f32 v13;
	[tilespmem:v7+s30+$0x0] =	vst.idx.msk vm0, v20  }
0x13f: {  	s24 =	sadd.s32 $0x100, s24;
	v13 =	vadd.bf16 v26, v16;
	v7 =	vshll.u32 v19, v0;
	v16 =	vadd.f32 v21, v18  }
0x140: {  	v1 =	vunpack.i.l.bf16.f32 v14  }
0x141: {  	(xrf2) =	vadd.scan.msk.f32 $0xffff, v17;
	v1 =	vadd.f32 v1, v15  }
0x142: {  	(xrf2) =	vadd.scan.msk.f32 $0xffff, v16  }
0x143: {  	v2 =	vunpack.i.l.bf16.f32 v13;
	(xrf2) =	vadd.scan.msk.f32 $0xffff, v1;
	v1 =	vunpack.i.u.bf16.f32 v13  }
0x144: {  	(xrf2) =	vadd.scan.msk.f32 $0xffff, v8;
	v1 =	vadd.f32 v2, v1  }
0x145: {  	(xrf2) =	vadd.scan.msk.f32 $0xffff, v10  }
0x146: {  	v2 =	vbroadcast v6, $0x0;
	(xrf2) =	vadd.scan.msk.f32 $0xffff, v1  }
0x147: {  	v1 =	vbroadcast v11, $0x0  }
0x148: {  	v5 =	vadd.s32 $0x4, v5;
	v3 =	vbroadcast v3, $0x0  }
0x149: {  	v5 =	vbroadcast v5, $0x0;
	v6, _, _ =	vpop (xrf2)  }
0x14a: {  	v7 =	vadd.s32 $0x2, v7;
	v4 =	vbroadcast v4, $0x0;
	[tilespmem:v12+s30+$0x0] =	vst.idx.msk vm0, v6;
	v8, _, _ =	vpop (xrf2)  }
0x14b: {  	v7 =	vbroadcast v7, $0x0;
	[tilespmem:v9+s30+$0x0] =	vst.idx.msk vm0, v8;
	v6, _, _ =	vpop (xrf2)  }
0x14c: {  	v8, _, _ =	vpop (xrf2);
	[tilespmem:v2+s30+$0x0] =	vst.idx.msk vm0, v6  }
0x14d: {  	[tilespmem:v1+s30+$0x0] =	vst.idx.msk vm0, v8;
	v1, _, _ =	vpop (xrf2)  }
0x14e: {  	[tilespmem:v3+s30+$0x0] =	vst.idx.msk vm0, v1;
	v1, _, _ =	vpop (xrf2)  }
0x14f: {  	[tilespmem:v5+s30+$0x0] =	vst.idx.msk vm0, v1;
	v1, _, _ =	vpop (xrf2)  }
0x150: {  	[tilespmem:v4+s30+$0x0] =	vst.idx.msk vm0, v1;
	v1, _, _ =	vpop (xrf2)  }
0x151: {  	s1 =	sadd.s32 $0x500, s20;
	s21 =	simm.s32 $0x16200;
	[tilespmem:v7+s30+$0x0] =	vst.idx.msk vm0, v1  }
0x152: {  	[tilespmem:s21], [sflag:$0x3] =	stream.indirect.gather [hbm4b:s4+s19], $0x20, s1, s19, $0xb8;
	[tilespmem:$0x1D200] =	vst v63  }
0x153: {  	s26 =	sadd.s32 $0x540, s20;
	s29 =	simm.s32 $0x16A00  }
0x154: {  	[tilespmem:s29], [sflag:$0x3] =	stream.indirect.gather [hbm4b:s4+s19], $0x20, s26, s19, $0xb8;
	[tilespmem:$0x1D200] =	vst v63  }
0x155: {  	_ =	swait.ge [sflag:s10], $0x800  }
0x156: {  	[sflag:s10] =	ssyncset.done $0x0  }
0x157: {  	[sflag:s10] =	ssyncadd.s32 $0xFFFFF800  }
0x158: {  	_ =	swait.ge [sflag:s10], $0x800  }
0x159: {  	[sflag:s10] =	ssyncset.done $0x0  }
0x15a: {  	[sflag:s10] =	ssyncadd.s32 $0xFFFFF800  }
0x15b: {  	v1 =	vld [tilespmem:s9+$0x10260]  }
0x15c: {  	s22 =	simm.s32 $0x172F0;
	v2 =	vld [tilespmem:s9+$0x10270]  }
0x15d: {  	v3 =	vld [tilespmem:s22+$0xFFFFFF30]  }
0x15e: {  	s21 =	sor.u32 $0x180, s2;
	v4 =	vld [tilespmem:s22+$0xFFFFFFB0]  }
0x15f: {  	s1 =	sadd.s32 $0x0, s21;
	v5 =	vld [tilespmem:s22+$0xFFFFFFC0]  }
0x160: {  	s24 =	sadd.s32 $0x3, s1;
	v8 =	vld [tilespmem:s22+$0xFFFFFFA0]  }
0x161: {  	s26 =	sadd.s32 $0x5, s1;
	v9 =	vmov s1;
	s31 =	sadd.s32 $0x4, s1;
	v6 =	vmov s24;
	v10 =	vld [tilespmem:s22+$0xFFFFFFD0]  }
0x162: {  	v7 =	vmov s26;
	v11 =	vmov s31;
	s31 =	sadd.s32 $0x6, s1;
	v9 =	vshrl.u32 v9, $0x3;
	v12 =	vld [tilespmem:s22+$0xFFFFFF60]  }
0x163: {  	s29 =	sadd.s32 $0x1, s1;
	s26 =	sadd.s32 $0x7, s1;
	s1 =	sadd.s32 $0x2, s1;
	v6 =	vshrl.u32 v6, $0x3;
	v7 =	vshrl.u32 v7, $0x3;
	v16 =	vmov s31;
	v14 =	vld [tilespmem:s22+$0xFFFFFFF0]  }
0x164: {  	v11 =	vshrl.u32 v11, $0x3;
	v25 =	vmov s1;
	v6 =	vshll.u32 v6, v0;
	v17 =	vld [tilespmem:s22+$0xFFFFFF90]  }
0x165: {  	v7 =	vshll.u32 v7, v0;
	v16 =	vshrl.u32 v16, $0x3;
	v13 =	vadd.s32 $0x3, v6;
	v18 =	vld [tilespmem:s22+$0xFFFFFF40]  }
0x166: {  	v7 =	vadd.s32 $0x5, v7;
	v6 =	vmov s26;
	v19 =	vld [tilespmem:s22+$0xFFFFFF80];
	v15 =	vmul.bf16 v3, v1  }
0x167: {  	v6 =	vshrl.u32 v6, $0x3;
	v5 =	vmul.bf16 v5, v2;
	v8 =	vmul.bf16 v8, v2  }
0x168: {  	v6 =	vshll.u32 v6, v0;
	v20 =	vld [tilespmem:s22+$0xFFFFFF70];
	v10 =	vmul.bf16 v10, v1;
	v4 =	vmul.bf16 v4, v1  }
0x169: {  	v6 =	vadd.s32 $0x7, v6;
	v22 =	vld [tilespmem:s22+$0xFFFFFF10];
	v21 =	vmul.bf16 v12, v2;
	v23 =	vmul.bf16 v14, v1  }
0x16a: {  	v3 =	vmov s29;
	v14 =	vmul.bf16 v18, v2;
	v18 =	vld [tilespmem:s22+$0x0];
	v17 =	vmul.bf16 v17, v1  }
0x16b: {  	v12 =	vld [tilespmem:s22+$0xFFFFFF20];
	v19 =	vmul.bf16 v19, v2;
	v3 =	vshrl.u32 v3, $0x3;
	v4 =	vadd.bf16 v5, v4  }
0x16c: {  	v59 =	vld [tilespmem:s22+$0xFFFFFF50];
	v3 =	vshll.u32 v3, v0;
	v5 =	vshll.u32 v11, v0;
	v8 =	vadd.bf16 v8, v17  }
0x16d: {  	v11 =	vunpack.i.u.bf16.f32 v4;
	v24 =	vunpack.i.l.bf16.f32 v4;
	v4 =	vshll.u32 v9, v0;
	v9 =	vld [tilespmem:s22+$0xFFFFFFE0]  }
0x16e: {  	v17 =	vmul.bf16 v22, v1;
	v14 =	vadd.bf16 v14, v15;
	v24 =	vadd.f32 v24, v11  }
0x16f: {  	v11 =	vshll.u32 v16, v0;
	v16 =	vmul.bf16 v20, v1;
	v18 =	vmul.bf16 v18, v2  }
0x170: {  	v3 =	vadd.s32 $0x1, v3;
	v26 =	vmul.bf16 v12, v2;
	v12 =	vbroadcast v7, $0x0;
	(xrf2) =	vadd.scan.msk.f32 $0xffff, v24  }
0x171: {  	v11 =	vadd.s32 $0x6, v11;
	v16 =	vadd.bf16 v19, v16;
	v15 =	vadd.bf16 v18, v23  }
0x172: {  	v17 =	vadd.bf16 v26, v17;
	v19 =	vmul.bf16 v59, v1;
	v7 =	vmul.bf16 v9, v2  }
0x173: {  	v9 =	vunpack.i.u.bf16.f32 v8;
	v8 =	vunpack.i.l.bf16.f32 v8;
	v18 =	vunpack.i.u.bf16.f32 v16  }
0x174: {  	v16 =	vunpack.i.l.bf16.f32 v16;
	v60 =	vunpack.i.l.bf16.f32 v15;
	v61 =	vunpack.i.l.bf16.f32 v17  }
0x175: {  	v8 =	vadd.f32 v8, v9;
	v16 =	vadd.f32 v16, v18;
	v18 =	vshrl.u32 v25, $0x3  }
0x176: {  	v9 =	vbroadcast v13, $0x0;
	v13 =	vunpack.i.u.bf16.f32 v15;
	v7 =	vadd.bf16 v7, v10  }
0x177: {  	v15 =	vunpack.i.u.bf16.f32 v14;
	v10 =	vunpack.i.u.bf16.f32 v17;
	v17 =	vadd.f32 v60, v13;
	(xrf2) =	vadd.scan.msk.f32 $0xffff, v16  }
0x178: {  	v13 =	vadd.bf16 v21, v19;
	v62 =	vunpack.i.u.bf16.f32 v7;
	v63 =	vunpack.i.l.bf16.f32 v7  }
0x179: {  	s24 =	simm.s32 $0x173F0;
	s22 =	simm.s32 $0x8;
	v10 =	vadd.f32 v61, v10;
	v7 =	vshll.u32 v18, v0;
	v16 =	vadd.f32 v63, v62  }
.LBB2_10:
0x17a: {  	s26 =	sadd.s32 s21, s22;
	v18 =	vld [tilespmem:s24+$0xFFFFFF30];
	p2 =	slt.u32 s22, $0x78;
	s22 =	sadd.s32 $0x8, s22;
	v7 =	vadd.s32 $0x2, v7;
	v11 =	vbroadcast v11, $0x0;
	v19 =	vbroadcast v6, $0x0;
	v6, _, _ =	vpop (xrf2);
	(xrf2) =	vadd.scan.msk.f32 $0xffff, v17  }
0x17b: {  	v14 =	vunpack.i.l.bf16.f32 v14;
	v17 =	vmov s26;
	s1 =	sadd.s32 $0x3, s26;
	s29 =	sadd.s32 $0x4, s26;
	v20 =	vld [tilespmem:s24+$0xFFFFFFB0];
	s31 =	sadd.s32 $0x5, s26;
	v7 =	vbroadcast v7, $0x0;
	[tilespmem:v12+s30+$0x0] =	vst.idx.msk vm0, v6  }
0x17c: {  	v6 =	vmov s1;
	v12 =	vmov s29;
	v21 =	vld [tilespmem:s24+$0xFFFFFFC0];
	v22 =	vmov s31  }
0x17d: {  	v24 =	vunpack.i.l.bf16.f32 v13;
	s1 =	sadd.s32 $0x7, s26;
	v6 =	vshrl.u32 v6, $0x3;
	v23 =	vld [tilespmem:s24+$0xFFFFFFA0];
	v22 =	vshrl.u32 v22, $0x3;
	(xrf2) =	vadd.scan.msk.f32 $0xffff, v16  }
0x17e: {  	v30 =	vadd.f32 v14, v15;
	s29 =	sadd.s32 $0x6, s26;
	v6 =	vshll.u32 v6, v0;
	v16 =	vshll.u32 v22, v0;
	v22 =	vld [tilespmem:s24+$0xFFFFFFD0]  }
0x17f: {  	s31 =	sadd.s32 $0x1, s26;
	v15 =	vld [tilespmem:s24+$0xFFFFFF60];
	v25 =	vadd.s32 $0x3, v6;
	v16 =	vadd.s32 $0x5, v16;
	v6 =	vmov s1  }
0x180: {  	v26 =	vmov s31;
	v27 =	vmov s29;
	v18 =	vmul.bf16 v18, v1;
	v28 =	vld [tilespmem:s24+$0xFFFFFFF0]  }
0x181: {  	v26 =	vshrl.u32 v26, $0x3;
	v27 =	vshrl.u32 v27, $0x3;
	v6 =	vshrl.u32 v6, $0x3;
	v29 =	vld [tilespmem:s24+$0xFFFFFF90];
	(xrf2) =	vadd.scan.msk.f32 $0xffff, v30;
	v14, _, _ =	vpop (xrf2)  }
0x182: {  	v21 =	vmul.bf16 v21, v2;
	v6 =	vshll.u32 v6, v0;
	v30 =	vld [tilespmem:s24+$0xFFFFFF40];
	[tilespmem:v9+s30+$0x0] =	vst.idx.msk vm0, v14;
	v9 =	vadd.s32 $0x4, v5  }
0x183: {  	v5 =	vshll.u32 v26, v0;
	v23 =	vmul.bf16 v23, v2;
	v14 =	vld [tilespmem:s24+$0xFFFFFF80];
	v22 =	vmul.bf16 v22, v1  }
0x184: {  	v20 =	vmul.bf16 v20, v1;
	v5 =	vadd.s32 $0x1, v5;
	v26 =	vmul.bf16 v15, v2;
	v15 =	vld [tilespmem:s24+$0xFFFFFF70];
	(xrf2) =	vadd.scan.msk.f32 $0xffff, v8;
	v8, _, _ =	vpop (xrf2)  }
0x185: {  	v17 =	vshrl.u32 v17, $0x3;
	v12 =	vshrl.u32 v12, $0x3;
	v6 =	vadd.s32 $0x7, v6;
	v31 =	vld [tilespmem:s24+$0xFFFFFF20];
	[tilespmem:v19+s30+$0x0] =	vst.idx.msk vm0, v8  }
0x186: {  	v8 =	vadd.bf16 v21, v20;
	v20 =	vmul.bf16 v28, v1;
	v21 =	vbroadcast v3, $0x0;
	v3 =	vmovc v5;
	v19 =	vld [tilespmem:s24+$0xFFFFFF50]  }
0x187: {  	v5 =	vshll.u32 v12, v0;
	v12 =	vunpack.i.u.bf16.f32 v13;
	v28 =	vld [tilespmem:s24+$0xFFFFFF10];
	v30 =	vmul.bf16 v30, v2;
	(xrf2) =	vadd.scan.msk.f32 $0xffff, v10;
	v10, _, _ =	vpop (xrf2)  }
0x188: {  	v12 =	vadd.f32 v24, v12;
	v13 =	vunpack.i.u.bf16.f32 v8;
	v8 =	vunpack.i.l.bf16.f32 v8;
	v32 =	vld [tilespmem:s24+$0x0];
	[tilespmem:v11+s30+$0x0] =	vst.idx.msk vm0, v10  }
0x189: {  	s1 =	sadd.s32 $0x2, s26;
	v9 =	vbroadcast v9, $0x0;
	v10 =	vshll.u32 v17, v0;
	v8 =	vadd.f32 v8, v13;
	v13 =	vld [tilespmem:s24+$0xFFFFFFE0]  }
0x18a: {  	v24 =	vmul.bf16 v29, v1;
	v17 =	vmov s1;
	v11 =	vshll.u32 v27, v0;
	(xrf2) =	vadd.scan.msk.f32 $0xffff, v12  }
0x18b: {  	v14 =	vmul.bf16 v14, v2;
	v11 =	vadd.s32 $0x6, v11;
	v12 =	vmul.bf16 v15, v1;
	v15, _, _ =	vpop (xrf2)  }
0x18c: {  	v23 =	vadd.bf16 v23, v24;
	v24 =	vbroadcast v4, $0x0;
	v27 =	vmul.bf16 v31, v2;
	[tilespmem:v21+s30+$0x0] =	vst.idx.msk vm0, v15  }
0x18d: {  	v15 =	vmul.bf16 v28, v1;
	v21 =	vadd.bf16 v14, v12;
	v28 =	vmul.bf16 v32, v2;
	(xrf2) =	vadd.scan.msk.f32 $0xffff, v8  }
0x18e: {  	v14 =	vadd.bf16 v30, v18;
	v12 =	vbroadcast v16, $0x0;
	v13 =	vmul.bf16 v13, v2;
	v8, _, _ =	vpop (xrf2)  }
0x18f: {  	v4 =	vmovc v10;
	v16 =	vunpack.i.u.bf16.f32 v23;
	v23 =	vunpack.i.l.bf16.f32 v23;
	v20 =	vadd.bf16 v28, v20;
	[tilespmem:v9+s30+$0x0] =	vst.idx.msk vm0, v8  }
0x190: {  	v10 =	vunpack.i.l.bf16.f32 v21;
	v9 =	vunpack.i.u.bf16.f32 v21;
	v8 =	vadd.f32 v23, v16  }
0x191: {  	v15 =	vadd.bf16 v27, v15;
	v16 =	vmul.bf16 v19, v1;
	v10 =	vadd.f32 v10, v9;
	v18, _, _ =	vpop (xrf2)  }
.Ltmp3:
0x192: {  	v19 =	vshrl.u32 v17, $0x3;
	v9 =	vbroadcast v25, $0x0;
	v13 =	vadd.bf16 v13, v22;
	[tilespmem:v24+s30+$0x0] =	vst.idx.msk vm0, v18;
	(pc) =	sbr.rel @p2 .LBB2_10-.Ltmp3, $4  }
0x193: {  	v17 =	vunpack.i.u.bf16.f32 v20;
	v22 =	vunpack.i.l.bf16.f32 v20;
	v18 =	vunpack.i.u.bf16.f32 v15  }
0x194: {  	v21 =	vunpack.i.l.bf16.f32 v15;
	v15 =	vunpack.i.u.bf16.f32 v14;
	v17 =	vadd.f32 v22, v17;
	(xrf2) =	vadd.scan.msk.f32 $0xffff, v10;
	v20, _, _ =	vpop (xrf2)  }
0x195: {  	v10 =	vadd.f32 v21, v18;
	v18 =	vunpack.i.u.bf16.f32 v13;
	v21 =	vunpack.i.l.bf16.f32 v13;
	[tilespmem:v7+s30+$0x0] =	vst.idx.msk vm0, v20  }
0x196: {  	s24 =	sadd.s32 $0x100, s24;
	v13 =	vadd.bf16 v26, v16;
	v7 =	vshll.u32 v19, v0;
	v16 =	vadd.f32 v21, v18  }
0x197: {  	v1 =	vunpack.i.l.bf16.f32 v14  }
0x198: {  	(xrf2) =	vadd.scan.msk.f32 $0xffff, v17;
	v1 =	vadd.f32 v1, v15  }
0x199: {  	(xrf2) =	vadd.scan.msk.f32 $0xffff, v16  }
0x19a: {  	v2 =	vunpack.i.l.bf16.f32 v13;
	(xrf2) =	vadd.scan.msk.f32 $0xffff, v1;
	v1 =	vunpack.i.u.bf16.f32 v13  }
0x19b: {  	(xrf2) =	vadd.scan.msk.f32 $0xffff, v8;
	v1 =	vadd.f32 v2, v1  }
0x19c: {  	(xrf2) =	vadd.scan.msk.f32 $0xffff, v10  }
0x19d: {  	v2 =	vbroadcast v6, $0x0;
	(xrf2) =	vadd.scan.msk.f32 $0xffff, v1  }
0x19e: {  	v1 =	vbroadcast v11, $0x0  }
0x19f: {  	v5 =	vadd.s32 $0x4, v5;
	v3 =	vbroadcast v3, $0x0  }
0x1a0: {  	v5 =	vbroadcast v5, $0x0;
	v6, _, _ =	vpop (xrf2)  }
0x1a1: {  	v7 =	vadd.s32 $0x2, v7;
	v4 =	vbroadcast v4, $0x0;
	[tilespmem:v12+s30+$0x0] =	vst.idx.msk vm0, v6;
	v8, _, _ =	vpop (xrf2)  }
0x1a2: {  	v7 =	vbroadcast v7, $0x0;
	[tilespmem:v9+s30+$0x0] =	vst.idx.msk vm0, v8;
	v6, _, _ =	vpop (xrf2)  }
0x1a3: {  	v8, _, _ =	vpop (xrf2);
	[tilespmem:v2+s30+$0x0] =	vst.idx.msk vm0, v6  }
0x1a4: {  	[tilespmem:v1+s30+$0x0] =	vst.idx.msk vm0, v8;
	v1, _, _ =	vpop (xrf2)  }
0x1a5: {  	[tilespmem:v3+s30+$0x0] =	vst.idx.msk vm0, v1;
	v1, _, _ =	vpop (xrf2)  }
0x1a6: {  	[tilespmem:v5+s30+$0x0] =	vst.idx.msk vm0, v1;
	v1, _, _ =	vpop (xrf2)  }
0x1a7: {  	[tilespmem:v4+s30+$0x0] =	vst.idx.msk vm0, v1;
	v1, _, _ =	vpop (xrf2)  }
0x1a8: {  	s1 =	sadd.s32 $0x580, s20;
	s21 =	simm.s32 $0x17200;
	[tilespmem:v7+s30+$0x0] =	vst.idx.msk vm0, v1  }
0x1a9: {  	[tilespmem:s21], [sflag:$0x4] =	stream.indirect.gather [hbm4b:s4+s19], $0x20, s1, s19, $0xb8;
	[tilespmem:$0x1D200] =	vst v63  }
0x1aa: {  	s26 =	sadd.s32 $0x5C0, s20;
	s29 =	simm.s32 $0x17A00  }
0x1ab: {  	[tilespmem:s29], [sflag:$0x4] =	stream.indirect.gather [hbm4b:s4+s19], $0x20, s26, s19, $0xb8;
	[tilespmem:$0x1D200] =	vst v63  }
0x1ac: {  	_ =	swait.ge [sflag:s5], $0x800  }
0x1ad: {  	[sflag:s5] =	ssyncset.done $0x0  }
0x1ae: {  	[sflag:s5] =	ssyncadd.s32 $0xFFFFF800  }
0x1af: {  	_ =	swait.ge [sflag:s5], $0x800  }
0x1b0: {  	[sflag:s5] =	ssyncset.done $0x0  }
0x1b1: {  	[sflag:s5] =	ssyncadd.s32 $0xFFFFF800  }
0x1b2: {  	v1 =	vld [tilespmem:s9+$0x10280]  }
0x1b3: {  	s22 =	simm.s32 $0x182F0;
	v2 =	vld [tilespmem:s9+$0x10290]  }
0x1b4: {  	v3 =	vld [tilespmem:s22+$0xFFFFFF30]  }
0x1b5: {  	s21 =	sor.u32 $0x200, s2;
	v4 =	vld [tilespmem:s22+$0xFFFFFFB0]  }
0x1b6: {  	s1 =	sadd.s32 $0x0, s21;
	v5 =	vld [tilespmem:s22+$0xFFFFFFC0]  }
0x1b7: {  	s24 =	sadd.s32 $0x3, s1;
	v8 =	vld [tilespmem:s22+$0xFFFFFFA0]  }
0x1b8: {  	s26 =	sadd.s32 $0x5, s1;
	v9 =	vmov s1;
	s31 =	sadd.s32 $0x4, s1;
	v6 =	vmov s24;
	v10 =	vld [tilespmem:s22+$0xFFFFFFD0]  }
0x1b9: {  	v7 =	vmov s26;
	v11 =	vmov s31;
	s31 =	sadd.s32 $0x6, s1;
	v9 =	vshrl.u32 v9, $0x3;
	v12 =	vld [tilespmem:s22+$0xFFFFFF60]  }
0x1ba: {  	s29 =	sadd.s32 $0x1, s1;
	s26 =	sadd.s32 $0x7, s1;
	s1 =	sadd.s32 $0x2, s1;
	v6 =	vshrl.u32 v6, $0x3;
	v7 =	vshrl.u32 v7, $0x3;
	v16 =	vmov s31;
	v14 =	vld [tilespmem:s22+$0xFFFFFFF0]  }
0x1bb: {  	v11 =	vshrl.u32 v11, $0x3;
	v25 =	vmov s1;
	v6 =	vshll.u32 v6, v0;
	v17 =	vld [tilespmem:s22+$0xFFFFFF90]  }
0x1bc: {  	v7 =	vshll.u32 v7, v0;
	v16 =	vshrl.u32 v16, $0x3;
	v13 =	vadd.s32 $0x3, v6;
	v18 =	vld [tilespmem:s22+$0xFFFFFF40]  }
0x1bd: {  	v7 =	vadd.s32 $0x5, v7;
	v6 =	vmov s26;
	v19 =	vld [tilespmem:s22+$0xFFFFFF80];
	v15 =	vmul.bf16 v3, v1  }
0x1be: {  	v6 =	vshrl.u32 v6, $0x3;
	v5 =	vmul.bf16 v5, v2;
	v8 =	vmul.bf16 v8, v2  }
0x1bf: {  	v6 =	vshll.u32 v6, v0;
	v20 =	vld [tilespmem:s22+$0xFFFFFF70];
	v10 =	vmul.bf16 v10, v1;
	v4 =	vmul.bf16 v4, v1  }
0x1c0: {  	v6 =	vadd.s32 $0x7, v6;
	v22 =	vld [tilespmem:s22+$0xFFFFFF10];
	v21 =	vmul.bf16 v12, v2;
	v23 =	vmul.bf16 v14, v1  }
0x1c1: {  	v3 =	vmov s29;
	v14 =	vmul.bf16 v18, v2;
	v18 =	vld [tilespmem:s22+$0x0];
	v17 =	vmul.bf16 v17, v1  }
0x1c2: {  	v12 =	vld [tilespmem:s22+$0xFFFFFF20];
	v19 =	vmul.bf16 v19, v2;
	v3 =	vshrl.u32 v3, $0x3;
	v4 =	vadd.bf16 v5, v4  }
0x1c3: {  	v59 =	vld [tilespmem:s22+$0xFFFFFF50];
	v3 =	vshll.u32 v3, v0;
	v5 =	vshll.u32 v11, v0;
	v8 =	vadd.bf16 v8, v17  }
0x1c4: {  	v11 =	vunpack.i.u.bf16.f32 v4;
	v24 =	vunpack.i.l.bf16.f32 v4;
	v4 =	vshll.u32 v9, v0;
	v9 =	vld [tilespmem:s22+$0xFFFFFFE0]  }
0x1c5: {  	v17 =	vmul.bf16 v22, v1;
	v14 =	vadd.bf16 v14, v15;
	v24 =	vadd.f32 v24, v11  }
0x1c6: {  	v11 =	vshll.u32 v16, v0;
	v16 =	vmul.bf16 v20, v1;
	v18 =	vmul.bf16 v18, v2  }
0x1c7: {  	v3 =	vadd.s32 $0x1, v3;
	v26 =	vmul.bf16 v12, v2;
	v12 =	vbroadcast v7, $0x0;
	(xrf2) =	vadd.scan.msk.f32 $0xffff, v24  }
0x1c8: {  	v11 =	vadd.s32 $0x6, v11;
	v16 =	vadd.bf16 v19, v16;
	v15 =	vadd.bf16 v18, v23  }
0x1c9: {  	v17 =	vadd.bf16 v26, v17;
	v19 =	vmul.bf16 v59, v1;
	v7 =	vmul.bf16 v9, v2  }
0x1ca: {  	v9 =	vunpack.i.u.bf16.f32 v8;
	v8 =	vunpack.i.l.bf16.f32 v8;
	v18 =	vunpack.i.u.bf16.f32 v16  }
0x1cb: {  	v16 =	vunpack.i.l.bf16.f32 v16;
	v60 =	vunpack.i.l.bf16.f32 v15;
	v61 =	vunpack.i.l.bf16.f32 v17  }
0x1cc: {  	v8 =	vadd.f32 v8, v9;
	v16 =	vadd.f32 v16, v18;
	v18 =	vshrl.u32 v25, $0x3  }
0x1cd: {  	v9 =	vbroadcast v13, $0x0;
	v13 =	vunpack.i.u.bf16.f32 v15;
	v7 =	vadd.bf16 v7, v10  }
0x1ce: {  	v15 =	vunpack.i.u.bf16.f32 v14;
	v10 =	vunpack.i.u.bf16.f32 v17;
	v17 =	vadd.f32 v60, v13;
	(xrf2) =	vadd.scan.msk.f32 $0xffff, v16  }
0x1cf: {  	v13 =	vadd.bf16 v21, v19;
	v62 =	vunpack.i.u.bf16.f32 v7;
	v63 =	vunpack.i.l.bf16.f32 v7  }
0x1d0: {  	s24 =	simm.s32 $0x183F0;
	s22 =	simm.s32 $0x8;
	v10 =	vadd.f32 v61, v10;
	v7 =	vshll.u32 v18, v0;
	v16 =	vadd.f32 v63, v62  }
.LBB2_12:
0x1d1: {  	s26 =	sadd.s32 s21, s22;
	v18 =	vld [tilespmem:s24+$0xFFFFFF30];
	p2 =	slt.u32 s22, $0x78;
	s22 =	sadd.s32 $0x8, s22;
	v7 =	vadd.s32 $0x2, v7;
	v11 =	vbroadcast v11, $0x0;
	v19 =	vbroadcast v6, $0x0;
	v6, _, _ =	vpop (xrf2);
	(xrf2) =	vadd.scan.msk.f32 $0xffff, v17  }
0x1d2: {  	v14 =	vunpack.i.l.bf16.f32 v14;
	v17 =	vmov s26;
	s1 =	sadd.s32 $0x3, s26;
	s29 =	sadd.s32 $0x4, s26;
	v20 =	vld [tilespmem:s24+$0xFFFFFFB0];
	s31 =	sadd.s32 $0x5, s26;
	v7 =	vbroadcast v7, $0x0;
	[tilespmem:v12+s30+$0x0] =	vst.idx.msk vm0, v6  }
0x1d3: {  	v6 =	vmov s1;
	v12 =	vmov s29;
	v21 =	vld [tilespmem:s24+$0xFFFFFFC0];
	v22 =	vmov s31  }
0x1d4: {  	v24 =	vunpack.i.l.bf16.f32 v13;
	s1 =	sadd.s32 $0x7, s26;
	v6 =	vshrl.u32 v6, $0x3;
	v23 =	vld [tilespmem:s24+$0xFFFFFFA0];
	v22 =	vshrl.u32 v22, $0x3;
	(xrf2) =	vadd.scan.msk.f32 $0xffff, v16  }
0x1d5: {  	v30 =	vadd.f32 v14, v15;
	s29 =	sadd.s32 $0x6, s26;
	v6 =	vshll.u32 v6, v0;
	v16 =	vshll.u32 v22, v0;
	v22 =	vld [tilespmem:s24+$0xFFFFFFD0]  }
0x1d6: {  	s31 =	sadd.s32 $0x1, s26;
	v15 =	vld [tilespmem:s24+$0xFFFFFF60];
	v25 =	vadd.s32 $0x3, v6;
	v16 =	vadd.s32 $0x5, v16;
	v6 =	vmov s1  }
0x1d7: {  	v26 =	vmov s31;
	v27 =	vmov s29;
	v18 =	vmul.bf16 v18, v1;
	v28 =	vld [tilespmem:s24+$0xFFFFFFF0]  }
0x1d8: {  	v26 =	vshrl.u32 v26, $0x3;
	v27 =	vshrl.u32 v27, $0x3;
	v6 =	vshrl.u32 v6, $0x3;
	v29 =	vld [tilespmem:s24+$0xFFFFFF90];
	(xrf2) =	vadd.scan.msk.f32 $0xffff, v30;
	v14, _, _ =	vpop (xrf2)  }
0x1d9: {  	v21 =	vmul.bf16 v21, v2;
	v6 =	vshll.u32 v6, v0;
	v30 =	vld [tilespmem:s24+$0xFFFFFF40];
	[tilespmem:v9+s30+$0x0] =	vst.idx.msk vm0, v14;
	v9 =	vadd.s32 $0x4, v5  }
0x1da: {  	v5 =	vshll.u32 v26, v0;
	v23 =	vmul.bf16 v23, v2;
	v14 =	vld [tilespmem:s24+$0xFFFFFF80];
	v22 =	vmul.bf16 v22, v1  }
0x1db: {  	v20 =	vmul.bf16 v20, v1;
	v5 =	vadd.s32 $0x1, v5;
	v26 =	vmul.bf16 v15, v2;
	v15 =	vld [tilespmem:s24+$0xFFFFFF70];
	(xrf2) =	vadd.scan.msk.f32 $0xffff, v8;
	v8, _, _ =	vpop (xrf2)  }
0x1dc: {  	v17 =	vshrl.u32 v17, $0x3;
	v12 =	vshrl.u32 v12, $0x3;
	v6 =	vadd.s32 $0x7, v6;
	v31 =	vld [tilespmem:s24+$0xFFFFFF20];
	[tilespmem:v19+s30+$0x0] =	vst.idx.msk vm0, v8  }
0x1dd: {  	v8 =	vadd.bf16 v21, v20;
	v20 =	vmul.bf16 v28, v1;
	v21 =	vbroadcast v3, $0x0;
	v3 =	vmovc v5;
	v19 =	vld [tilespmem:s24+$0xFFFFFF50]  }
0x1de: {  	v5 =	vshll.u32 v12, v0;
	v12 =	vunpack.i.u.bf16.f32 v13;
	v28 =	vld [tilespmem:s24+$0xFFFFFF10];
	v30 =	vmul.bf16 v30, v2;
	(xrf2) =	vadd.scan.msk.f32 $0xffff, v10;
	v10, _, _ =	vpop (xrf2)  }
0x1df: {  	v12 =	vadd.f32 v24, v12;
	v13 =	vunpack.i.u.bf16.f32 v8;
	v8 =	vunpack.i.l.bf16.f32 v8;
	v32 =	vld [tilespmem:s24+$0x0];
	[tilespmem:v11+s30+$0x0] =	vst.idx.msk vm0, v10  }
0x1e0: {  	s1 =	sadd.s32 $0x2, s26;
	v9 =	vbroadcast v9, $0x0;
	v10 =	vshll.u32 v17, v0;
	v8 =	vadd.f32 v8, v13;
	v13 =	vld [tilespmem:s24+$0xFFFFFFE0]  }
0x1e1: {  	v24 =	vmul.bf16 v29, v1;
	v17 =	vmov s1;
	v11 =	vshll.u32 v27, v0;
	(xrf2) =	vadd.scan.msk.f32 $0xffff, v12  }
0x1e2: {  	v14 =	vmul.bf16 v14, v2;
	v11 =	vadd.s32 $0x6, v11;
	v12 =	vmul.bf16 v15, v1;
	v15, _, _ =	vpop (xrf2)  }
0x1e3: {  	v23 =	vadd.bf16 v23, v24;
	v24 =	vbroadcast v4, $0x0;
	v27 =	vmul.bf16 v31, v2;
	[tilespmem:v21+s30+$0x0] =	vst.idx.msk vm0, v15  }
0x1e4: {  	v15 =	vmul.bf16 v28, v1;
	v21 =	vadd.bf16 v14, v12;
	v28 =	vmul.bf16 v32, v2;
	(xrf2) =	vadd.scan.msk.f32 $0xffff, v8  }
0x1e5: {  	v14 =	vadd.bf16 v30, v18;
	v12 =	vbroadcast v16, $0x0;
	v13 =	vmul.bf16 v13, v2;
	v8, _, _ =	vpop (xrf2)  }
0x1e6: {  	v4 =	vmovc v10;
	v16 =	vunpack.i.u.bf16.f32 v23;
	v23 =	vunpack.i.l.bf16.f32 v23;
	v20 =	vadd.bf16 v28, v20;
	[tilespmem:v9+s30+$0x0] =	vst.idx.msk vm0, v8  }
0x1e7: {  	v10 =	vunpack.i.l.bf16.f32 v21;
	v9 =	vunpack.i.u.bf16.f32 v21;
	v8 =	vadd.f32 v23, v16  }
0x1e8: {  	v15 =	vadd.bf16 v27, v15;
	v16 =	vmul.bf16 v19, v1;
	v10 =	vadd.f32 v10, v9;
	v18, _, _ =	vpop (xrf2)  }
.Ltmp4:
0x1e9: {  	v19 =	vshrl.u32 v17, $0x3;
	v9 =	vbroadcast v25, $0x0;
	v13 =	vadd.bf16 v13, v22;
	[tilespmem:v24+s30+$0x0] =	vst.idx.msk vm0, v18;
	(pc) =	sbr.rel @p2 .LBB2_12-.Ltmp4, $4  }
0x1ea: {  	v17 =	vunpack.i.u.bf16.f32 v20;
	v22 =	vunpack.i.l.bf16.f32 v20;
	v18 =	vunpack.i.u.bf16.f32 v15  }
0x1eb: {  	v21 =	vunpack.i.l.bf16.f32 v15;
	v15 =	vunpack.i.u.bf16.f32 v14;
	v17 =	vadd.f32 v22, v17;
	(xrf2) =	vadd.scan.msk.f32 $0xffff, v10;
	v20, _, _ =	vpop (xrf2)  }
0x1ec: {  	v10 =	vadd.f32 v21, v18;
	v18 =	vunpack.i.u.bf16.f32 v13;
	v21 =	vunpack.i.l.bf16.f32 v13;
	[tilespmem:v7+s30+$0x0] =	vst.idx.msk vm0, v20  }
0x1ed: {  	s24 =	sadd.s32 $0x100, s24;
	v13 =	vadd.bf16 v26, v16;
	v7 =	vshll.u32 v19, v0;
	v16 =	vadd.f32 v21, v18  }
0x1ee: {  	v1 =	vunpack.i.l.bf16.f32 v14  }
0x1ef: {  	(xrf2) =	vadd.scan.msk.f32 $0xffff, v17;
	v1 =	vadd.f32 v1, v15  }
0x1f0: {  	(xrf2) =	vadd.scan.msk.f32 $0xffff, v16  }
0x1f1: {  	v2 =	vunpack.i.l.bf16.f32 v13;
	(xrf2) =	vadd.scan.msk.f32 $0xffff, v1;
	v1 =	vunpack.i.u.bf16.f32 v13  }
0x1f2: {  	(xrf2) =	vadd.scan.msk.f32 $0xffff, v8;
	v1 =	vadd.f32 v2, v1  }
0x1f3: {  	(xrf2) =	vadd.scan.msk.f32 $0xffff, v10  }
0x1f4: {  	v2 =	vbroadcast v6, $0x0;
	(xrf2) =	vadd.scan.msk.f32 $0xffff, v1  }
0x1f5: {  	v1 =	vbroadcast v11, $0x0  }
0x1f6: {  	v5 =	vadd.s32 $0x4, v5;
	v3 =	vbroadcast v3, $0x0  }
0x1f7: {  	v5 =	vbroadcast v5, $0x0;
	v6, _, _ =	vpop (xrf2)  }
0x1f8: {  	v7 =	vadd.s32 $0x2, v7;
	v4 =	vbroadcast v4, $0x0;
	[tilespmem:v12+s30+$0x0] =	vst.idx.msk vm0, v6;
	v8, _, _ =	vpop (xrf2)  }
0x1f9: {  	v7 =	vbroadcast v7, $0x0;
	[tilespmem:v9+s30+$0x0] =	vst.idx.msk vm0, v8;
	v6, _, _ =	vpop (xrf2)  }
0x1fa: {  	v8, _, _ =	vpop (xrf2);
	[tilespmem:v2+s30+$0x0] =	vst.idx.msk vm0, v6  }
0x1fb: {  	[tilespmem:v1+s30+$0x0] =	vst.idx.msk vm0, v8;
	v1, _, _ =	vpop (xrf2)  }
0x1fc: {  	[tilespmem:v3+s30+$0x0] =	vst.idx.msk vm0, v1;
	v1, _, _ =	vpop (xrf2)  }
0x1fd: {  	[tilespmem:v5+s30+$0x0] =	vst.idx.msk vm0, v1;
	v1, _, _ =	vpop (xrf2)  }
0x1fe: {  	[tilespmem:v4+s30+$0x0] =	vst.idx.msk vm0, v1;
	v1, _, _ =	vpop (xrf2)  }
0x1ff: {  	s1 =	sadd.s32 $0x600, s20;
	[tilespmem:v7+s30+$0x0] =	vst.idx.msk vm0, v1  }
0x200: {  	[tilespmem:s13], [sflag:$0x5] =	stream.indirect.gather [hbm4b:s4+s19], $0x20, s1, s19, $0xb8;
	[tilespmem:$0x1D200] =	vst v63  }
0x201: {  	s29 =	sadd.s32 $0x640, s20  }
0x202: {  	[tilespmem:s15], [sflag:$0x5] =	stream.indirect.gather [hbm4b:s4+s19], $0x20, s29, s19, $0xb8;
	[tilespmem:$0x1D200] =	vst v63  }
0x203: {  	_ =	swait.ge [sflag:s6], $0x800  }
0x204: {  	[sflag:s6] =	ssyncset.done $0x0  }
0x205: {  	[sflag:s6] =	ssyncadd.s32 $0xFFFFF800  }
0x206: {  	_ =	swait.ge [sflag:s6], $0x800  }
0x207: {  	[sflag:s6] =	ssyncset.done $0x0  }
0x208: {  	[sflag:s6] =	ssyncadd.s32 $0xFFFFF800  }
0x209: {  	v1 =	vld [tilespmem:s9+$0x102A0]  }
0x20a: {  	s22 =	simm.s32 $0x192F0;
	v2 =	vld [tilespmem:s9+$0x102B0]  }
0x20b: {  	v3 =	vld [tilespmem:s22+$0xFFFFFF30]  }
0x20c: {  	s21 =	sor.u32 $0x280, s2;
	v4 =	vld [tilespmem:s22+$0xFFFFFFB0]  }
0x20d: {  	s1 =	sadd.s32 $0x0, s21;
	v5 =	vld [tilespmem:s22+$0xFFFFFFC0]  }
0x20e: {  	s24 =	sadd.s32 $0x3, s1;
	v8 =	vld [tilespmem:s22+$0xFFFFFFA0]  }
0x20f: {  	s26 =	sadd.s32 $0x5, s1;
	v9 =	vmov s1;
	s31 =	sadd.s32 $0x4, s1;
	v6 =	vmov s24;
	v10 =	vld [tilespmem:s22+$0xFFFFFFD0]  }
0x210: {  	v7 =	vmov s26;
	v11 =	vmov s31;
	s31 =	sadd.s32 $0x6, s1;
	v9 =	vshrl.u32 v9, $0x3;
	v12 =	vld [tilespmem:s22+$0xFFFFFF60]  }
0x211: {  	s26 =	sadd.s32 $0x7, s1;
	s29 =	sadd.s32 $0x1, s1;
	s1 =	sadd.s32 $0x2, s1;
	v6 =	vshrl.u32 v6, $0x3;
	v7 =	vshrl.u32 v7, $0x3;
	v16 =	vmov s31;
	v14 =	vld [tilespmem:s22+$0xFFFFFFF0]  }
0x212: {  	v11 =	vshrl.u32 v11, $0x3;
	v25 =	vmov s1;
	v6 =	vshll.u32 v6, v0;
	v17 =	vld [tilespmem:s22+$0xFFFFFF90]  }
0x213: {  	v7 =	vshll.u32 v7, v0;
	v16 =	vshrl.u32 v16, $0x3;
	v13 =	vadd.s32 $0x3, v6;
	v18 =	vld [tilespmem:s22+$0xFFFFFF40]  }
0x214: {  	v7 =	vadd.s32 $0x5, v7;
	v6 =	vmov s26;
	v19 =	vld [tilespmem:s22+$0xFFFFFF80];
	v15 =	vmul.bf16 v3, v1  }
0x215: {  	v6 =	vshrl.u32 v6, $0x3;
	v5 =	vmul.bf16 v5, v2;
	v8 =	vmul.bf16 v8, v2  }
0x216: {  	v6 =	vshll.u32 v6, v0;
	v20 =	vld [tilespmem:s22+$0xFFFFFF70];
	v10 =	vmul.bf16 v10, v1;
	v4 =	vmul.bf16 v4, v1  }
0x217: {  	v6 =	vadd.s32 $0x7, v6;
	v22 =	vld [tilespmem:s22+$0xFFFFFF10];
	v21 =	vmul.bf16 v12, v2;
	v23 =	vmul.bf16 v14, v1  }
0x218: {  	v3 =	vmov s29;
	v14 =	vmul.bf16 v18, v2;
	v18 =	vld [tilespmem:s22+$0x0];
	v17 =	vmul.bf16 v17, v1  }
0x219: {  	v12 =	vld [tilespmem:s22+$0xFFFFFF20];
	v19 =	vmul.bf16 v19, v2;
	v3 =	vshrl.u32 v3, $0x3;
	v4 =	vadd.bf16 v5, v4  }
0x21a: {  	v59 =	vld [tilespmem:s22+$0xFFFFFF50];
	v3 =	vshll.u32 v3, v0;
	v5 =	vshll.u32 v11, v0;
	v8 =	vadd.bf16 v8, v17  }
0x21b: {  	v11 =	vunpack.i.u.bf16.f32 v4;
	v24 =	vunpack.i.l.bf16.f32 v4;
	v4 =	vshll.u32 v9, v0;
	v9 =	vld [tilespmem:s22+$0xFFFFFFE0]  }
0x21c: {  	v17 =	vmul.bf16 v22, v1;
	v14 =	vadd.bf16 v14, v15;
	v24 =	vadd.f32 v24, v11  }
0x21d: {  	v11 =	vshll.u32 v16, v0;
	v16 =	vmul.bf16 v20, v1;
	v18 =	vmul.bf16 v18, v2  }
0x21e: {  	v3 =	vadd.s32 $0x1, v3;
	v26 =	vmul.bf16 v12, v2;
	v12 =	vbroadcast v7, $0x0;
	(xrf2) =	vadd.scan.msk.f32 $0xffff, v24  }
0x21f: {  	v11 =	vadd.s32 $0x6, v11;
	v16 =	vadd.bf16 v19, v16;
	v15 =	vadd.bf16 v18, v23  }
0x220: {  	v17 =	vadd.bf16 v26, v17;
	v19 =	vmul.bf16 v59, v1;
	v7 =	vmul.bf16 v9, v2  }
0x221: {  	v9 =	vunpack.i.u.bf16.f32 v8;
	v8 =	vunpack.i.l.bf16.f32 v8;
	v18 =	vunpack.i.u.bf16.f32 v16  }
0x222: {  	v16 =	vunpack.i.l.bf16.f32 v16;
	v60 =	vunpack.i.l.bf16.f32 v15;
	v61 =	vunpack.i.l.bf16.f32 v17  }
0x223: {  	v8 =	vadd.f32 v8, v9;
	v16 =	vadd.f32 v16, v18;
	v18 =	vshrl.u32 v25, $0x3  }
0x224: {  	v9 =	vbroadcast v13, $0x0;
	v13 =	vunpack.i.u.bf16.f32 v15;
	v7 =	vadd.bf16 v7, v10  }
0x225: {  	v15 =	vunpack.i.u.bf16.f32 v14;
	v10 =	vunpack.i.u.bf16.f32 v17;
	v17 =	vadd.f32 v60, v13;
	(xrf2) =	vadd.scan.msk.f32 $0xffff, v16  }
0x226: {  	v13 =	vadd.bf16 v21, v19;
	v62 =	vunpack.i.u.bf16.f32 v7;
	v63 =	vunpack.i.l.bf16.f32 v7  }
0x227: {  	s24 =	simm.s32 $0x193F0;
	s22 =	simm.s32 $0x8;
	v10 =	vadd.f32 v61, v10;
	v7 =	vshll.u32 v18, v0;
	v16 =	vadd.f32 v63, v62  }
.LBB2_14:
0x228: {  	s26 =	sadd.s32 s21, s22;
	v18 =	vld [tilespmem:s24+$0xFFFFFF30];
	p2 =	slt.u32 s22, $0x78;
	s22 =	sadd.s32 $0x8, s22;
	v7 =	vadd.s32 $0x2, v7;
	v11 =	vbroadcast v11, $0x0;
	v19 =	vbroadcast v6, $0x0;
	v6, _, _ =	vpop (xrf2);
	(xrf2) =	vadd.scan.msk.f32 $0xffff, v17  }
0x229: {  	v14 =	vunpack.i.l.bf16.f32 v14;
	v17 =	vmov s26;
	s1 =	sadd.s32 $0x3, s26;
	s29 =	sadd.s32 $0x4, s26;
	v20 =	vld [tilespmem:s24+$0xFFFFFFB0];
	s31 =	sadd.s32 $0x5, s26;
	v7 =	vbroadcast v7, $0x0;
	[tilespmem:v12+s30+$0x0] =	vst.idx.msk vm0, v6  }
0x22a: {  	v6 =	vmov s1;
	v12 =	vmov s29;
	v21 =	vld [tilespmem:s24+$0xFFFFFFC0];
	v22 =	vmov s31  }
0x22b: {  	v24 =	vunpack.i.l.bf16.f32 v13;
	s1 =	sadd.s32 $0x7, s26;
	v6 =	vshrl.u32 v6, $0x3;
	v23 =	vld [tilespmem:s24+$0xFFFFFFA0];
	v22 =	vshrl.u32 v22, $0x3;
	(xrf2) =	vadd.scan.msk.f32 $0xffff, v16  }
0x22c: {  	v30 =	vadd.f32 v14, v15;
	s29 =	sadd.s32 $0x6, s26;
	v6 =	vshll.u32 v6, v0;
	v16 =	vshll.u32 v22, v0;
	v22 =	vld [tilespmem:s24+$0xFFFFFFD0]  }
0x22d: {  	s31 =	sadd.s32 $0x1, s26;
	v15 =	vld [tilespmem:s24+$0xFFFFFF60];
	v25 =	vadd.s32 $0x3, v6;
	v16 =	vadd.s32 $0x5, v16;
	v6 =	vmov s1  }
0x22e: {  	v26 =	vmov s31;
	v27 =	vmov s29;
	v18 =	vmul.bf16 v18, v1;
	v28 =	vld [tilespmem:s24+$0xFFFFFFF0]  }
0x22f: {  	v26 =	vshrl.u32 v26, $0x3;
	v27 =	vshrl.u32 v27, $0x3;
	v6 =	vshrl.u32 v6, $0x3;
	v29 =	vld [tilespmem:s24+$0xFFFFFF90];
	(xrf2) =	vadd.scan.msk.f32 $0xffff, v30;
	v14, _, _ =	vpop (xrf2)  }
0x230: {  	v21 =	vmul.bf16 v21, v2;
	v6 =	vshll.u32 v6, v0;
	v30 =	vld [tilespmem:s24+$0xFFFFFF40];
	[tilespmem:v9+s30+$0x0] =	vst.idx.msk vm0, v14;
	v9 =	vadd.s32 $0x4, v5  }
0x231: {  	v5 =	vshll.u32 v26, v0;
	v23 =	vmul.bf16 v23, v2;
	v14 =	vld [tilespmem:s24+$0xFFFFFF80];
	v22 =	vmul.bf16 v22, v1  }
0x232: {  	v20 =	vmul.bf16 v20, v1;
	v5 =	vadd.s32 $0x1, v5;
	v26 =	vmul.bf16 v15, v2;
	v15 =	vld [tilespmem:s24+$0xFFFFFF70];
	(xrf2) =	vadd.scan.msk.f32 $0xffff, v8;
	v8, _, _ =	vpop (xrf2)  }
0x233: {  	v17 =	vshrl.u32 v17, $0x3;
	v12 =	vshrl.u32 v12, $0x3;
	v6 =	vadd.s32 $0x7, v6;
	v31 =	vld [tilespmem:s24+$0xFFFFFF20];
	[tilespmem:v19+s30+$0x0] =	vst.idx.msk vm0, v8  }
0x234: {  	v8 =	vadd.bf16 v21, v20;
	v20 =	vmul.bf16 v28, v1;
	v21 =	vbroadcast v3, $0x0;
	v3 =	vmovc v5;
	v19 =	vld [tilespmem:s24+$0xFFFFFF50]  }
0x235: {  	v5 =	vshll.u32 v12, v0;
	v12 =	vunpack.i.u.bf16.f32 v13;
	v28 =	vld [tilespmem:s24+$0xFFFFFF10];
	v30 =	vmul.bf16 v30, v2;
	(xrf2) =	vadd.scan.msk.f32 $0xffff, v10;
	v10, _, _ =	vpop (xrf2)  }
0x236: {  	v12 =	vadd.f32 v24, v12;
	v13 =	vunpack.i.u.bf16.f32 v8;
	v8 =	vunpack.i.l.bf16.f32 v8;
	v32 =	vld [tilespmem:s24+$0x0];
	[tilespmem:v11+s30+$0x0] =	vst.idx.msk vm0, v10  }
0x237: {  	s1 =	sadd.s32 $0x2, s26;
	v9 =	vbroadcast v9, $0x0;
	v10 =	vshll.u32 v17, v0;
	v8 =	vadd.f32 v8, v13;
	v13 =	vld [tilespmem:s24+$0xFFFFFFE0]  }
0x238: {  	v24 =	vmul.bf16 v29, v1;
	v17 =	vmov s1;
	v11 =	vshll.u32 v27, v0;
	(xrf2) =	vadd.scan.msk.f32 $0xffff, v12  }
0x239: {  	v14 =	vmul.bf16 v14, v2;
	v11 =	vadd.s32 $0x6, v11;
	v12 =	vmul.bf16 v15, v1;
	v15, _, _ =	vpop (xrf2)  }
0x23a: {  	v23 =	vadd.bf16 v23, v24;
	v24 =	vbroadcast v4, $0x0;
	v27 =	vmul.bf16 v31, v2;
	[tilespmem:v21+s30+$0x0] =	vst.idx.msk vm0, v15  }
0x23b: {  	v15 =	vmul.bf16 v28, v1;
	v21 =	vadd.bf16 v14, v12;
	v28 =	vmul.bf16 v32, v2;
	(xrf2) =	vadd.scan.msk.f32 $0xffff, v8  }
0x23c: {  	v14 =	vadd.bf16 v30, v18;
	v12 =	vbroadcast v16, $0x0;
	v13 =	vmul.bf16 v13, v2;
	v8, _, _ =	vpop (xrf2)  }
0x23d: {  	v4 =	vmovc v10;
	v16 =	vunpack.i.u.bf16.f32 v23;
	v23 =	vunpack.i.l.bf16.f32 v23;
	v20 =	vadd.bf16 v28, v20;
	[tilespmem:v9+s30+$0x0] =	vst.idx.msk vm0, v8  }
0x23e: {  	v10 =	vunpack.i.l.bf16.f32 v21;
	v9 =	vunpack.i.u.bf16.f32 v21;
	v8 =	vadd.f32 v23, v16  }
0x23f: {  	v15 =	vadd.bf16 v27, v15;
	v16 =	vmul.bf16 v19, v1;
	v10 =	vadd.f32 v10, v9;
	v18, _, _ =	vpop (xrf2)  }
.Ltmp5:
0x240: {  	v19 =	vshrl.u32 v17, $0x3;
	v9 =	vbroadcast v25, $0x0;
	v13 =	vadd.bf16 v13, v22;
	[tilespmem:v24+s30+$0x0] =	vst.idx.msk vm0, v18;
	(pc) =	sbr.rel @p2 .LBB2_14-.Ltmp5, $4  }
0x241: {  	v17 =	vunpack.i.u.bf16.f32 v20;
	v22 =	vunpack.i.l.bf16.f32 v20;
	v18 =	vunpack.i.u.bf16.f32 v15  }
0x242: {  	v21 =	vunpack.i.l.bf16.f32 v15;
	v15 =	vunpack.i.u.bf16.f32 v14;
	v17 =	vadd.f32 v22, v17;
	(xrf2) =	vadd.scan.msk.f32 $0xffff, v10;
	v20, _, _ =	vpop (xrf2)  }
0x243: {  	v10 =	vadd.f32 v21, v18;
	v18 =	vunpack.i.u.bf16.f32 v13;
	v21 =	vunpack.i.l.bf16.f32 v13;
	[tilespmem:v7+s30+$0x0] =	vst.idx.msk vm0, v20  }
0x244: {  	s24 =	sadd.s32 $0x100, s24;
	v13 =	vadd.bf16 v26, v16;
	v7 =	vshll.u32 v19, v0;
	v16 =	vadd.f32 v21, v18  }
0x245: {  	v1 =	vunpack.i.l.bf16.f32 v14  }
0x246: {  	(xrf2) =	vadd.scan.msk.f32 $0xffff, v17;
	v1 =	vadd.f32 v1, v15  }
0x247: {  	(xrf2) =	vadd.scan.msk.f32 $0xffff, v16  }
0x248: {  	v2 =	vunpack.i.l.bf16.f32 v13;
	(xrf2) =	vadd.scan.msk.f32 $0xffff, v1;
	v1 =	vunpack.i.u.bf16.f32 v13  }
0x249: {  	(xrf2) =	vadd.scan.msk.f32 $0xffff, v8;
	v1 =	vadd.f32 v2, v1  }
0x24a: {  	(xrf2) =	vadd.scan.msk.f32 $0xffff, v10  }
0x24b: {  	v2 =	vbroadcast v6, $0x0;
	(xrf2) =	vadd.scan.msk.f32 $0xffff, v1  }
0x24c: {  	v1 =	vbroadcast v11, $0x0  }
0x24d: {  	v5 =	vadd.s32 $0x4, v5;
	v3 =	vbroadcast v3, $0x0  }
0x24e: {  	v5 =	vbroadcast v5, $0x0;
	v6, _, _ =	vpop (xrf2)  }
0x24f: {  	v7 =	vadd.s32 $0x2, v7;
	v4 =	vbroadcast v4, $0x0;
	[tilespmem:v12+s30+$0x0] =	vst.idx.msk vm0, v6;
	v8, _, _ =	vpop (xrf2)  }
0x250: {  	v7 =	vbroadcast v7, $0x0;
	[tilespmem:v9+s30+$0x0] =	vst.idx.msk vm0, v8;
	v6, _, _ =	vpop (xrf2)  }
0x251: {  	v8, _, _ =	vpop (xrf2);
	[tilespmem:v2+s30+$0x0] =	vst.idx.msk vm0, v6  }
0x252: {  	[tilespmem:v1+s30+$0x0] =	vst.idx.msk vm0, v8;
	v1, _, _ =	vpop (xrf2)  }
0x253: {  	[tilespmem:v3+s30+$0x0] =	vst.idx.msk vm0, v1;
	v1, _, _ =	vpop (xrf2)  }
0x254: {  	[tilespmem:v5+s30+$0x0] =	vst.idx.msk vm0, v1;
	v1, _, _ =	vpop (xrf2)  }
0x255: {  	[tilespmem:v4+s30+$0x0] =	vst.idx.msk vm0, v1;
	v1, _, _ =	vpop (xrf2)  }
0x256: {  	s1 =	sadd.s32 $0x680, s20;
	[tilespmem:v7+s30+$0x0] =	vst.idx.msk vm0, v1  }
0x257: {  	[tilespmem:s17], [sflag:$0x6] =	stream.indirect.gather [hbm4b:s4+s19], $0x20, s1, s19, $0xb8;
	[tilespmem:$0x1D200] =	vst v63  }
0x258: {  	s29 =	sadd.s32 $0x6C0, s20  }
0x259: {  	[tilespmem:s23], [sflag:$0x6] =	stream.indirect.gather [hbm4b:s4+s19], $0x20, s29, s19, $0xb8;
	[tilespmem:$0x1D200] =	vst v63  }
0x25a: {  	_ =	swait.ge [sflag:s8], $0x800  }
0x25b: {  	[sflag:s8] =	ssyncset.done $0x0  }
0x25c: {  	[sflag:s8] =	ssyncadd.s32 $0xFFFFF800  }
0x25d: {  	_ =	swait.ge [sflag:s8], $0x800  }
0x25e: {  	[sflag:s8] =	ssyncset.done $0x0  }
0x25f: {  	[sflag:s8] =	ssyncadd.s32 $0xFFFFF800  }
0x260: {  	v1 =	vld [tilespmem:s9+$0x102C0]  }
0x261: {  	s22 =	simm.s32 $0x1A2F0;
	v2 =	vld [tilespmem:s9+$0x102D0]  }
0x262: {  	v3 =	vld [tilespmem:s22+$0xFFFFFF30]  }
0x263: {  	s21 =	sor.u32 $0x300, s2;
	v4 =	vld [tilespmem:s22+$0xFFFFFFB0]  }
0x264: {  	s1 =	sadd.s32 $0x0, s21;
	v5 =	vld [tilespmem:s22+$0xFFFFFFC0]  }
0x265: {  	s24 =	sadd.s32 $0x3, s1;
	v8 =	vld [tilespmem:s22+$0xFFFFFFA0]  }
0x266: {  	s26 =	sadd.s32 $0x5, s1;
	v9 =	vmov s1;
	s31 =	sadd.s32 $0x4, s1;
	v6 =	vmov s24;
	v10 =	vld [tilespmem:s22+$0xFFFFFFD0]  }
0x267: {  	v7 =	vmov s26;
	v11 =	vmov s31;
	s31 =	sadd.s32 $0x6, s1;
	v9 =	vshrl.u32 v9, $0x3;
	v12 =	vld [tilespmem:s22+$0xFFFFFF60]  }
0x268: {  	s26 =	sadd.s32 $0x7, s1;
	s29 =	sadd.s32 $0x1, s1;
	s1 =	sadd.s32 $0x2, s1;
	v6 =	vshrl.u32 v6, $0x3;
	v7 =	vshrl.u32 v7, $0x3;
	v16 =	vmov s31;
	v14 =	vld [tilespmem:s22+$0xFFFFFFF0]  }
0x269: {  	v11 =	vshrl.u32 v11, $0x3;
	v25 =	vmov s1;
	v6 =	vshll.u32 v6, v0;
	v17 =	vld [tilespmem:s22+$0xFFFFFF90]  }
0x26a: {  	v7 =	vshll.u32 v7, v0;
	v16 =	vshrl.u32 v16, $0x3;
	v13 =	vadd.s32 $0x3, v6;
	v18 =	vld [tilespmem:s22+$0xFFFFFF40]  }
0x26b: {  	v7 =	vadd.s32 $0x5, v7;
	v6 =	vmov s26;
	v19 =	vld [tilespmem:s22+$0xFFFFFF80];
	v15 =	vmul.bf16 v3, v1  }
0x26c: {  	v6 =	vshrl.u32 v6, $0x3;
	v5 =	vmul.bf16 v5, v2;
	v8 =	vmul.bf16 v8, v2  }
0x26d: {  	v6 =	vshll.u32 v6, v0;
	v20 =	vld [tilespmem:s22+$0xFFFFFF70];
	v10 =	vmul.bf16 v10, v1;
	v4 =	vmul.bf16 v4, v1  }
0x26e: {  	v6 =	vadd.s32 $0x7, v6;
	v22 =	vld [tilespmem:s22+$0xFFFFFF10];
	v21 =	vmul.bf16 v12, v2;
	v23 =	vmul.bf16 v14, v1  }
0x26f: {  	v3 =	vmov s29;
	v14 =	vmul.bf16 v18, v2;
	v18 =	vld [tilespmem:s22+$0x0];
	v17 =	vmul.bf16 v17, v1  }
0x270: {  	v12 =	vld [tilespmem:s22+$0xFFFFFF20];
	v19 =	vmul.bf16 v19, v2;
	v3 =	vshrl.u32 v3, $0x3;
	v4 =	vadd.bf16 v5, v4  }
0x271: {  	v59 =	vld [tilespmem:s22+$0xFFFFFF50];
	v3 =	vshll.u32 v3, v0;
	v5 =	vshll.u32 v11, v0;
	v8 =	vadd.bf16 v8, v17  }
0x272: {  	v11 =	vunpack.i.u.bf16.f32 v4;
	v24 =	vunpack.i.l.bf16.f32 v4;
	v4 =	vshll.u32 v9, v0;
	v9 =	vld [tilespmem:s22+$0xFFFFFFE0]  }
0x273: {  	v17 =	vmul.bf16 v22, v1;
	v14 =	vadd.bf16 v14, v15;
	v24 =	vadd.f32 v24, v11  }
0x274: {  	v11 =	vshll.u32 v16, v0;
	v16 =	vmul.bf16 v20, v1;
	v18 =	vmul.bf16 v18, v2  }
0x275: {  	v3 =	vadd.s32 $0x1, v3;
	v26 =	vmul.bf16 v12, v2;
	v12 =	vbroadcast v7, $0x0;
	(xrf2) =	vadd.scan.msk.f32 $0xffff, v24  }
0x276: {  	v11 =	vadd.s32 $0x6, v11;
	v16 =	vadd.bf16 v19, v16;
	v15 =	vadd.bf16 v18, v23  }
0x277: {  	v17 =	vadd.bf16 v26, v17;
	v19 =	vmul.bf16 v59, v1;
	v7 =	vmul.bf16 v9, v2  }
0x278: {  	v9 =	vunpack.i.u.bf16.f32 v8;
	v8 =	vunpack.i.l.bf16.f32 v8;
	v18 =	vunpack.i.u.bf16.f32 v16  }
0x279: {  	v16 =	vunpack.i.l.bf16.f32 v16;
	v60 =	vunpack.i.l.bf16.f32 v15;
	v61 =	vunpack.i.l.bf16.f32 v17  }
0x27a: {  	v8 =	vadd.f32 v8, v9;
	v16 =	vadd.f32 v16, v18;
	v18 =	vshrl.u32 v25, $0x3  }
0x27b: {  	v9 =	vbroadcast v13, $0x0;
	v13 =	vunpack.i.u.bf16.f32 v15;
	v7 =	vadd.bf16 v7, v10  }
0x27c: {  	v15 =	vunpack.i.u.bf16.f32 v14;
	v10 =	vunpack.i.u.bf16.f32 v17;
	v17 =	vadd.f32 v60, v13;
	(xrf2) =	vadd.scan.msk.f32 $0xffff, v16  }
0x27d: {  	v13 =	vadd.bf16 v21, v19;
	v62 =	vunpack.i.u.bf16.f32 v7;
	v63 =	vunpack.i.l.bf16.f32 v7  }
0x27e: {  	s24 =	simm.s32 $0x1A3F0;
	s22 =	simm.s32 $0x8;
	v10 =	vadd.f32 v61, v10;
	v7 =	vshll.u32 v18, v0;
	v16 =	vadd.f32 v63, v62  }
.LBB2_16:
0x27f: {  	s26 =	sadd.s32 s21, s22;
	v18 =	vld [tilespmem:s24+$0xFFFFFF30];
	p2 =	slt.u32 s22, $0x78;
	s22 =	sadd.s32 $0x8, s22;
	v7 =	vadd.s32 $0x2, v7;
	v11 =	vbroadcast v11, $0x0;
	v19 =	vbroadcast v6, $0x0;
	v6, _, _ =	vpop (xrf2);
	(xrf2) =	vadd.scan.msk.f32 $0xffff, v17  }
0x280: {  	v14 =	vunpack.i.l.bf16.f32 v14;
	v17 =	vmov s26;
	s1 =	sadd.s32 $0x3, s26;
	s29 =	sadd.s32 $0x4, s26;
	v20 =	vld [tilespmem:s24+$0xFFFFFFB0];
	s31 =	sadd.s32 $0x5, s26;
	v7 =	vbroadcast v7, $0x0;
	[tilespmem:v12+s30+$0x0] =	vst.idx.msk vm0, v6  }
0x281: {  	v6 =	vmov s1;
	v12 =	vmov s29;
	v21 =	vld [tilespmem:s24+$0xFFFFFFC0];
	v22 =	vmov s31  }
0x282: {  	v24 =	vunpack.i.l.bf16.f32 v13;
	s1 =	sadd.s32 $0x7, s26;
	v6 =	vshrl.u32 v6, $0x3;
	v23 =	vld [tilespmem:s24+$0xFFFFFFA0];
	v22 =	vshrl.u32 v22, $0x3;
	(xrf2) =	vadd.scan.msk.f32 $0xffff, v16  }
0x283: {  	v30 =	vadd.f32 v14, v15;
	s29 =	sadd.s32 $0x6, s26;
	v6 =	vshll.u32 v6, v0;
	v16 =	vshll.u32 v22, v0;
	v22 =	vld [tilespmem:s24+$0xFFFFFFD0]  }
0x284: {  	s31 =	sadd.s32 $0x1, s26;
	v15 =	vld [tilespmem:s24+$0xFFFFFF60];
	v25 =	vadd.s32 $0x3, v6;
	v16 =	vadd.s32 $0x5, v16;
	v6 =	vmov s1  }
0x285: {  	v26 =	vmov s31;
	v27 =	vmov s29;
	v18 =	vmul.bf16 v18, v1;
	v28 =	vld [tilespmem:s24+$0xFFFFFFF0]  }
0x286: {  	v26 =	vshrl.u32 v26, $0x3;
	v27 =	vshrl.u32 v27, $0x3;
	v6 =	vshrl.u32 v6, $0x3;
	v29 =	vld [tilespmem:s24+$0xFFFFFF90];
	(xrf2) =	vadd.scan.msk.f32 $0xffff, v30;
	v14, _, _ =	vpop (xrf2)  }
0x287: {  	v21 =	vmul.bf16 v21, v2;
	v6 =	vshll.u32 v6, v0;
	v30 =	vld [tilespmem:s24+$0xFFFFFF40];
	[tilespmem:v9+s30+$0x0] =	vst.idx.msk vm0, v14;
	v9 =	vadd.s32 $0x4, v5  }
0x288: {  	v5 =	vshll.u32 v26, v0;
	v23 =	vmul.bf16 v23, v2;
	v14 =	vld [tilespmem:s24+$0xFFFFFF80];
	v22 =	vmul.bf16 v22, v1  }
0x289: {  	v20 =	vmul.bf16 v20, v1;
	v5 =	vadd.s32 $0x1, v5;
	v26 =	vmul.bf16 v15, v2;
	v15 =	vld [tilespmem:s24+$0xFFFFFF70];
	(xrf2) =	vadd.scan.msk.f32 $0xffff, v8;
	v8, _, _ =	vpop (xrf2)  }
0x28a: {  	v17 =	vshrl.u32 v17, $0x3;
	v12 =	vshrl.u32 v12, $0x3;
	v6 =	vadd.s32 $0x7, v6;
	v31 =	vld [tilespmem:s24+$0xFFFFFF20];
	[tilespmem:v19+s30+$0x0] =	vst.idx.msk vm0, v8  }
0x28b: {  	v8 =	vadd.bf16 v21, v20;
	v20 =	vmul.bf16 v28, v1;
	v21 =	vbroadcast v3, $0x0;
	v3 =	vmovc v5;
	v19 =	vld [tilespmem:s24+$0xFFFFFF50]  }
0x28c: {  	v5 =	vshll.u32 v12, v0;
	v12 =	vunpack.i.u.bf16.f32 v13;
	v28 =	vld [tilespmem:s24+$0xFFFFFF10];
	v30 =	vmul.bf16 v30, v2;
	(xrf2) =	vadd.scan.msk.f32 $0xffff, v10;
	v10, _, _ =	vpop (xrf2)  }
0x28d: {  	v12 =	vadd.f32 v24, v12;
	v13 =	vunpack.i.u.bf16.f32 v8;
	v8 =	vunpack.i.l.bf16.f32 v8;
	v32 =	vld [tilespmem:s24+$0x0];
	[tilespmem:v11+s30+$0x0] =	vst.idx.msk vm0, v10  }
0x28e: {  	s1 =	sadd.s32 $0x2, s26;
	v9 =	vbroadcast v9, $0x0;
	v10 =	vshll.u32 v17, v0;
	v8 =	vadd.f32 v8, v13;
	v13 =	vld [tilespmem:s24+$0xFFFFFFE0]  }
0x28f: {  	v24 =	vmul.bf16 v29, v1;
	v17 =	vmov s1;
	v11 =	vshll.u32 v27, v0;
	(xrf2) =	vadd.scan.msk.f32 $0xffff, v12  }
0x290: {  	v14 =	vmul.bf16 v14, v2;
	v11 =	vadd.s32 $0x6, v11;
	v12 =	vmul.bf16 v15, v1;
	v15, _, _ =	vpop (xrf2)  }
0x291: {  	v23 =	vadd.bf16 v23, v24;
	v24 =	vbroadcast v4, $0x0;
	v27 =	vmul.bf16 v31, v2;
	[tilespmem:v21+s30+$0x0] =	vst.idx.msk vm0, v15  }
0x292: {  	v15 =	vmul.bf16 v28, v1;
	v21 =	vadd.bf16 v14, v12;
	v28 =	vmul.bf16 v32, v2;
	(xrf2) =	vadd.scan.msk.f32 $0xffff, v8  }
0x293: {  	v14 =	vadd.bf16 v30, v18;
	v12 =	vbroadcast v16, $0x0;
	v13 =	vmul.bf16 v13, v2;
	v8, _, _ =	vpop (xrf2)  }
0x294: {  	v4 =	vmovc v10;
	v16 =	vunpack.i.u.bf16.f32 v23;
	v23 =	vunpack.i.l.bf16.f32 v23;
	v20 =	vadd.bf16 v28, v20;
	[tilespmem:v9+s30+$0x0] =	vst.idx.msk vm0, v8  }
0x295: {  	v10 =	vunpack.i.l.bf16.f32 v21;
	v9 =	vunpack.i.u.bf16.f32 v21;
	v8 =	vadd.f32 v23, v16  }
0x296: {  	v15 =	vadd.bf16 v27, v15;
	v16 =	vmul.bf16 v19, v1;
	v10 =	vadd.f32 v10, v9;
	v18, _, _ =	vpop (xrf2)  }
.Ltmp6:
0x297: {  	v19 =	vshrl.u32 v17, $0x3;
	v9 =	vbroadcast v25, $0x0;
	v13 =	vadd.bf16 v13, v22;
	[tilespmem:v24+s30+$0x0] =	vst.idx.msk vm0, v18;
	(pc) =	sbr.rel @p2 .LBB2_16-.Ltmp6, $4  }
0x298: {  	v17 =	vunpack.i.u.bf16.f32 v20;
	v22 =	vunpack.i.l.bf16.f32 v20;
	v18 =	vunpack.i.u.bf16.f32 v15  }
0x299: {  	v21 =	vunpack.i.l.bf16.f32 v15;
	v15 =	vunpack.i.u.bf16.f32 v14;
	v17 =	vadd.f32 v22, v17;
	(xrf2) =	vadd.scan.msk.f32 $0xffff, v10;
	v20, _, _ =	vpop (xrf2)  }
0x29a: {  	v10 =	vadd.f32 v21, v18;
	v18 =	vunpack.i.u.bf16.f32 v13;
	v21 =	vunpack.i.l.bf16.f32 v13;
	[tilespmem:v7+s30+$0x0] =	vst.idx.msk vm0, v20  }
0x29b: {  	s24 =	sadd.s32 $0x100, s24;
	v13 =	vadd.bf16 v26, v16;
	v7 =	vshll.u32 v19, v0;
	v16 =	vadd.f32 v21, v18  }
0x29c: {  	v1 =	vunpack.i.l.bf16.f32 v14  }
0x29d: {  	(xrf2) =	vadd.scan.msk.f32 $0xffff, v17;
	v1 =	vadd.f32 v1, v15  }
0x29e: {  	(xrf2) =	vadd.scan.msk.f32 $0xffff, v16  }
0x29f: {  	v2 =	vunpack.i.l.bf16.f32 v13;
	(xrf2) =	vadd.scan.msk.f32 $0xffff, v1;
	v1 =	vunpack.i.u.bf16.f32 v13  }
0x2a0: {  	(xrf2) =	vadd.scan.msk.f32 $0xffff, v8;
	v1 =	vadd.f32 v2, v1  }
0x2a1: {  	(xrf2) =	vadd.scan.msk.f32 $0xffff, v10  }
0x2a2: {  	v2 =	vbroadcast v6, $0x0;
	(xrf2) =	vadd.scan.msk.f32 $0xffff, v1  }
0x2a3: {  	v1 =	vbroadcast v11, $0x0  }
0x2a4: {  	v5 =	vadd.s32 $0x4, v5;
	v3 =	vbroadcast v3, $0x0  }
0x2a5: {  	v5 =	vbroadcast v5, $0x0;
	v6, _, _ =	vpop (xrf2)  }
0x2a6: {  	v7 =	vadd.s32 $0x2, v7;
	v4 =	vbroadcast v4, $0x0;
	[tilespmem:v12+s30+$0x0] =	vst.idx.msk vm0, v6;
	v8, _, _ =	vpop (xrf2)  }
0x2a7: {  	v7 =	vbroadcast v7, $0x0;
	[tilespmem:v9+s30+$0x0] =	vst.idx.msk vm0, v8;
	v6, _, _ =	vpop (xrf2)  }
0x2a8: {  	v8, _, _ =	vpop (xrf2);
	[tilespmem:v2+s30+$0x0] =	vst.idx.msk vm0, v6  }
0x2a9: {  	[tilespmem:v1+s30+$0x0] =	vst.idx.msk vm0, v8;
	v1, _, _ =	vpop (xrf2)  }
0x2aa: {  	[tilespmem:v3+s30+$0x0] =	vst.idx.msk vm0, v1;
	v1, _, _ =	vpop (xrf2)  }
0x2ab: {  	[tilespmem:v5+s30+$0x0] =	vst.idx.msk vm0, v1;
	v1, _, _ =	vpop (xrf2)  }
0x2ac: {  	[tilespmem:v4+s30+$0x0] =	vst.idx.msk vm0, v1;
	v1, _, _ =	vpop (xrf2)  }
0x2ad: {  	s1 =	sadd.s32 $0x700, s20;
	[tilespmem:v7+s30+$0x0] =	vst.idx.msk vm0, v1  }
0x2ae: {  	[tilespmem:s28], [sflag:$0x7] =	stream.indirect.gather [hbm4b:s4+s19], $0x20, s1, s19, $0xb8;
	[tilespmem:$0x1D200] =	vst v63  }
0x2af: {  	s24 =	sadd.s32 $0x740, s20  }
0x2b0: {  	[tilespmem:s0], [sflag:$0x7] =	stream.indirect.gather [hbm4b:s4+s19], $0x20, s24, s19, $0xb8;
	[tilespmem:$0x1D200] =	vst v63  }
0x2b1: {  	_ =	swait.ge [sflag:s11], $0x800  }
0x2b2: {  	[sflag:s11] =	ssyncset.done $0x0  }
0x2b3: {  	[sflag:s11] =	ssyncadd.s32 $0xFFFFF800  }
0x2b4: {  	_ =	swait.ge [sflag:s11], $0x800  }
0x2b5: {  	[sflag:s11] =	ssyncset.done $0x0  }
0x2b6: {  	[sflag:s11] =	ssyncadd.s32 $0xFFFFF800  }
0x2b7: {  	v1 =	vld [tilespmem:s9+$0x102E0]  }
0x2b8: {  	v2 =	vld [tilespmem:s9+$0x102F0];
	s9 =	simm.s32 $0x1B2F0  }
0x2b9: {  	v3 =	vld [tilespmem:s9+$0xFFFFFF30]  }
0x2ba: {  	s2 =	sor.u32 $0x380, s2;
	v4 =	vld [tilespmem:s9+$0xFFFFFFB0]  }
0x2bb: {  	s1 =	sadd.s32 $0x0, s2;
	v5 =	vld [tilespmem:s9+$0xFFFFFFC0]  }
0x2bc: {  	s21 =	sadd.s32 $0x3, s1;
	v8 =	vld [tilespmem:s9+$0xFFFFFFA0]  }
0x2bd: {  	s22 =	sadd.s32 $0x5, s1;
	v9 =	vmov s1;
	s26 =	sadd.s32 $0x4, s1;
	s31 =	sadd.s32 $0x6, s1;
	v6 =	vmov s21;
	v10 =	vld [tilespmem:s9+$0xFFFFFFD0]  }
0x2be: {  	v7 =	vmov s22;
	v11 =	vmov s26;
	v16 =	vmov s31;
	v12 =	vld [tilespmem:s9+$0xFFFFFF60]  }
0x2bf: {  	v9 =	vshrl.u32 v9, $0x3;
	v6 =	vshrl.u32 v6, $0x3;
	v7 =	vshrl.u32 v7, $0x3;
	v14 =	vld [tilespmem:s9+$0xFFFFFFF0]  }
0x2c0: {  	s29 =	sadd.s32 $0x7, s1;
	s24 =	sadd.s32 $0x1, s1;
	s1 =	sadd.s32 $0x2, s1;
	v16 =	vshrl.u32 v16, $0x3;
	v11 =	vshrl.u32 v11, $0x3;
	v6 =	vshll.u32 v6, v0;
	v17 =	vld [tilespmem:s9+$0xFFFFFF90]  }
0x2c1: {  	v25 =	vmov s1;
	v7 =	vshll.u32 v7, v0;
	v13 =	vadd.s32 $0x3, v6;
	v18 =	vld [tilespmem:s9+$0xFFFFFF40]  }
0x2c2: {  	v7 =	vadd.s32 $0x5, v7;
	v6 =	vmov s29;
	v19 =	vld [tilespmem:s9+$0xFFFFFF80];
	v15 =	vmul.bf16 v3, v1  }
0x2c3: {  	v6 =	vshrl.u32 v6, $0x3;
	v5 =	vmul.bf16 v5, v2;
	v8 =	vmul.bf16 v8, v2  }
0x2c4: {  	v6 =	vshll.u32 v6, v0;
	v20 =	vld [tilespmem:s9+$0xFFFFFF70];
	v10 =	vmul.bf16 v10, v1;
	v4 =	vmul.bf16 v4, v1  }
0x2c5: {  	v6 =	vadd.s32 $0x7, v6;
	v22 =	vld [tilespmem:s9+$0xFFFFFF10];
	v21 =	vmul.bf16 v12, v2;
	v23 =	vmul.bf16 v14, v1  }
0x2c6: {  	v3 =	vmov s24;
	v14 =	vmul.bf16 v18, v2;
	v18 =	vld [tilespmem:s9+$0x0];
	v17 =	vmul.bf16 v17, v1  }
0x2c7: {  	v12 =	vld [tilespmem:s9+$0xFFFFFF20];
	v19 =	vmul.bf16 v19, v2;
	v3 =	vshrl.u32 v3, $0x3;
	v4 =	vadd.bf16 v5, v4  }
0x2c8: {  	v59 =	vld [tilespmem:s9+$0xFFFFFF50];
	v3 =	vshll.u32 v3, v0;
	v5 =	vshll.u32 v11, v0;
	v8 =	vadd.bf16 v8, v17  }
0x2c9: {  	v11 =	vunpack.i.u.bf16.f32 v4;
	v24 =	vunpack.i.l.bf16.f32 v4;
	v4 =	vshll.u32 v9, v0;
	v9 =	vld [tilespmem:s9+$0xFFFFFFE0]  }
0x2ca: {  	v17 =	vmul.bf16 v22, v1;
	v14 =	vadd.bf16 v14, v15;
	v24 =	vadd.f32 v24, v11  }
0x2cb: {  	v11 =	vshll.u32 v16, v0;
	v16 =	vmul.bf16 v20, v1;
	v18 =	vmul.bf16 v18, v2  }
0x2cc: {  	v3 =	vadd.s32 $0x1, v3;
	v26 =	vmul.bf16 v12, v2;
	v12 =	vbroadcast v7, $0x0;
	(xrf2) =	vadd.scan.msk.f32 $0xffff, v24  }
0x2cd: {  	v11 =	vadd.s32 $0x6, v11;
	v16 =	vadd.bf16 v19, v16;
	v15 =	vadd.bf16 v18, v23  }
0x2ce: {  	v17 =	vadd.bf16 v26, v17;
	v19 =	vmul.bf16 v59, v1;
	v7 =	vmul.bf16 v9, v2  }
0x2cf: {  	v9 =	vunpack.i.u.bf16.f32 v8;
	v8 =	vunpack.i.l.bf16.f32 v8;
	v18 =	vunpack.i.u.bf16.f32 v16  }
0x2d0: {  	v16 =	vunpack.i.l.bf16.f32 v16;
	v60 =	vunpack.i.l.bf16.f32 v15;
	v61 =	vunpack.i.l.bf16.f32 v17  }
0x2d1: {  	v8 =	vadd.f32 v8, v9;
	v16 =	vadd.f32 v16, v18;
	v18 =	vshrl.u32 v25, $0x3  }
0x2d2: {  	v9 =	vbroadcast v13, $0x0;
	v13 =	vunpack.i.u.bf16.f32 v15;
	v7 =	vadd.bf16 v7, v10  }
0x2d3: {  	v15 =	vunpack.i.u.bf16.f32 v14;
	v10 =	vunpack.i.u.bf16.f32 v17;
	v17 =	vadd.f32 v60, v13;
	(xrf2) =	vadd.scan.msk.f32 $0xffff, v16  }
0x2d4: {  	v13 =	vadd.bf16 v21, v19;
	v62 =	vunpack.i.u.bf16.f32 v7;
	v63 =	vunpack.i.l.bf16.f32 v7  }
0x2d5: {  	s21 =	simm.s32 $0x1B3F0;
	s9 =	simm.s32 $0x8;
	v10 =	vadd.f32 v61, v10;
	v7 =	vshll.u32 v18, v0;
	v16 =	vadd.f32 v63, v62  }
.LBB2_18:
0x2d6: {  	s22 =	sadd.s32 s2, s9;
	v18 =	vld [tilespmem:s21+$0xFFFFFF30];
	p2 =	slt.u32 s9, $0x78;
	s9 =	sadd.s32 $0x8, s9;
	v7 =	vadd.s32 $0x2, v7;
	v11 =	vbroadcast v11, $0x0;
	v19 =	vbroadcast v6, $0x0;
	v6, _, _ =	vpop (xrf2);
	(xrf2) =	vadd.scan.msk.f32 $0xffff, v17  }
0x2d7: {  	v14 =	vunpack.i.l.bf16.f32 v14;
	v17 =	vmov s22;
	s1 =	sadd.s32 $0x3, s22;
	s24 =	sadd.s32 $0x4, s22;
	v20 =	vld [tilespmem:s21+$0xFFFFFFB0];
	s26 =	sadd.s32 $0x5, s22;
	v7 =	vbroadcast v7, $0x0;
	[tilespmem:v12+s30+$0x0] =	vst.idx.msk vm0, v6  }
0x2d8: {  	v6 =	vmov s1;
	v12 =	vmov s24;
	v21 =	vld [tilespmem:s21+$0xFFFFFFC0];
	v22 =	vmov s26  }
0x2d9: {  	v24 =	vunpack.i.l.bf16.f32 v13;
	s1 =	sadd.s32 $0x7, s22;
	v6 =	vshrl.u32 v6, $0x3;
	v23 =	vld [tilespmem:s21+$0xFFFFFFA0];
	v22 =	vshrl.u32 v22, $0x3;
	(xrf2) =	vadd.scan.msk.f32 $0xffff, v16  }
0x2da: {  	v30 =	vadd.f32 v14, v15;
	s24 =	sadd.s32 $0x6, s22;
	v6 =	vshll.u32 v6, v0;
	v16 =	vshll.u32 v22, v0;
	v22 =	vld [tilespmem:s21+$0xFFFFFFD0]  }
0x2db: {  	s26 =	sadd.s32 $0x1, s22;
	v15 =	vld [tilespmem:s21+$0xFFFFFF60];
	v25 =	vadd.s32 $0x3, v6;
	v16 =	vadd.s32 $0x5, v16;
	v6 =	vmov s1  }
0x2dc: {  	v26 =	vmov s26;
	v27 =	vmov s24;
	v18 =	vmul.bf16 v18, v1;
	v28 =	vld [tilespmem:s21+$0xFFFFFFF0]  }
0x2dd: {  	v26 =	vshrl.u32 v26, $0x3;
	v27 =	vshrl.u32 v27, $0x3;
	v6 =	vshrl.u32 v6, $0x3;
	v29 =	vld [tilespmem:s21+$0xFFFFFF90];
	(xrf2) =	vadd.scan.msk.f32 $0xffff, v30;
	v14, _, _ =	vpop (xrf2)  }
0x2de: {  	v21 =	vmul.bf16 v21, v2;
	v6 =	vshll.u32 v6, v0;
	v30 =	vld [tilespmem:s21+$0xFFFFFF40];
	[tilespmem:v9+s30+$0x0] =	vst.idx.msk vm0, v14;
	v9 =	vadd.s32 $0x4, v5  }
0x2df: {  	v5 =	vshll.u32 v26, v0;
	v23 =	vmul.bf16 v23, v2;
	v14 =	vld [tilespmem:s21+$0xFFFFFF80];
	v22 =	vmul.bf16 v22, v1  }
0x2e0: {  	v20 =	vmul.bf16 v20, v1;
	v5 =	vadd.s32 $0x1, v5;
	v26 =	vmul.bf16 v15, v2;
	v15 =	vld [tilespmem:s21+$0xFFFFFF70];
	(xrf2) =	vadd.scan.msk.f32 $0xffff, v8;
	v8, _, _ =	vpop (xrf2)  }
0x2e1: {  	v17 =	vshrl.u32 v17, $0x3;
	v12 =	vshrl.u32 v12, $0x3;
	v6 =	vadd.s32 $0x7, v6;
	v31 =	vld [tilespmem:s21+$0xFFFFFF20];
	[tilespmem:v19+s30+$0x0] =	vst.idx.msk vm0, v8  }
0x2e2: {  	v8 =	vadd.bf16 v21, v20;
	v20 =	vmul.bf16 v28, v1;
	v21 =	vbroadcast v3, $0x0;
	v3 =	vmovc v5;
	v19 =	vld [tilespmem:s21+$0xFFFFFF50]  }
0x2e3: {  	v5 =	vshll.u32 v12, v0;
	v12 =	vunpack.i.u.bf16.f32 v13;
	v28 =	vld [tilespmem:s21+$0xFFFFFF10];
	v30 =	vmul.bf16 v30, v2;
	(xrf2) =	vadd.scan.msk.f32 $0xffff, v10;
	v10, _, _ =	vpop (xrf2)  }
0x2e4: {  	v12 =	vadd.f32 v24, v12;
	v13 =	vunpack.i.u.bf16.f32 v8;
	v8 =	vunpack.i.l.bf16.f32 v8;
	v32 =	vld [tilespmem:s21+$0x0];
	[tilespmem:v11+s30+$0x0] =	vst.idx.msk vm0, v10  }
0x2e5: {  	s1 =	sadd.s32 $0x2, s22;
	v9 =	vbroadcast v9, $0x0;
	v10 =	vshll.u32 v17, v0;
	v8 =	vadd.f32 v8, v13;
	v13 =	vld [tilespmem:s21+$0xFFFFFFE0]  }
0x2e6: {  	v24 =	vmul.bf16 v29, v1;
	v17 =	vmov s1;
	v11 =	vshll.u32 v27, v0;
	(xrf2) =	vadd.scan.msk.f32 $0xffff, v12  }
0x2e7: {  	v14 =	vmul.bf16 v14, v2;
	v11 =	vadd.s32 $0x6, v11;
	v12 =	vmul.bf16 v15, v1;
	v15, _, _ =	vpop (xrf2)  }
0x2e8: {  	v23 =	vadd.bf16 v23, v24;
	v24 =	vbroadcast v4, $0x0;
	v27 =	vmul.bf16 v31, v2;
	[tilespmem:v21+s30+$0x0] =	vst.idx.msk vm0, v15  }
0x2e9: {  	v15 =	vmul.bf16 v28, v1;
	v21 =	vadd.bf16 v14, v12;
	v28 =	vmul.bf16 v32, v2;
	(xrf2) =	vadd.scan.msk.f32 $0xffff, v8  }
0x2ea: {  	v14 =	vadd.bf16 v30, v18;
	v12 =	vbroadcast v16, $0x0;
	v13 =	vmul.bf16 v13, v2;
	v8, _, _ =	vpop (xrf2)  }
0x2eb: {  	v4 =	vmovc v10;
	v16 =	vunpack.i.u.bf16.f32 v23;
	v23 =	vunpack.i.l.bf16.f32 v23;
	v20 =	vadd.bf16 v28, v20;
	[tilespmem:v9+s30+$0x0] =	vst.idx.msk vm0, v8  }
0x2ec: {  	v10 =	vunpack.i.l.bf16.f32 v21;
	v9 =	vunpack.i.u.bf16.f32 v21;
	v8 =	vadd.f32 v23, v16  }
0x2ed: {  	v15 =	vadd.bf16 v27, v15;
	v16 =	vmul.bf16 v19, v1;
	v10 =	vadd.f32 v10, v9;
	v18, _, _ =	vpop (xrf2)  }
.Ltmp7:
0x2ee: {  	v19 =	vshrl.u32 v17, $0x3;
	v9 =	vbroadcast v25, $0x0;
	v13 =	vadd.bf16 v13, v22;
	[tilespmem:v24+s30+$0x0] =	vst.idx.msk vm0, v18;
	(pc) =	sbr.rel @p2 .LBB2_18-.Ltmp7, $4  }
0x2ef: {  	v17 =	vunpack.i.u.bf16.f32 v20;
	v22 =	vunpack.i.l.bf16.f32 v20;
	v18 =	vunpack.i.u.bf16.f32 v15  }
0x2f0: {  	v21 =	vunpack.i.l.bf16.f32 v15;
	v15 =	vunpack.i.u.bf16.f32 v14;
	v17 =	vadd.f32 v22, v17;
	(xrf2) =	vadd.scan.msk.f32 $0xffff, v10;
	v20, _, _ =	vpop (xrf2)  }
0x2f1: {  	v10 =	vadd.f32 v21, v18;
	v18 =	vunpack.i.u.bf16.f32 v13;
	v21 =	vunpack.i.l.bf16.f32 v13;
	[tilespmem:v7+s30+$0x0] =	vst.idx.msk vm0, v20  }
0x2f2: {  	s21 =	sadd.s32 $0x100, s21;
	v13 =	vadd.bf16 v26, v16;
	v7 =	vshll.u32 v19, v0;
	v16 =	vadd.f32 v21, v18  }
0x2f3: {  	v1 =	vunpack.i.l.bf16.f32 v14  }
0x2f4: {  	(xrf2) =	vadd.scan.msk.f32 $0xffff, v17;
	v1 =	vadd.f32 v1, v15  }
0x2f5: {  	(xrf2) =	vadd.scan.msk.f32 $0xffff, v16  }
0x2f6: {  	v2 =	vunpack.i.l.bf16.f32 v13;
	(xrf2) =	vadd.scan.msk.f32 $0xffff, v1;
	v1 =	vunpack.i.u.bf16.f32 v13  }
0x2f7: {  	(xrf2) =	vadd.scan.msk.f32 $0xffff, v8;
	v1 =	vadd.f32 v2, v1  }
0x2f8: {  	(xrf2) =	vadd.scan.msk.f32 $0xffff, v10  }
0x2f9: {  	v2 =	vbroadcast v6, $0x0;
	(xrf2) =	vadd.scan.msk.f32 $0xffff, v1  }
0x2fa: {  	v1 =	vbroadcast v11, $0x0  }
0x2fb: {  	v5 =	vadd.s32 $0x4, v5;
	v3 =	vbroadcast v3, $0x0  }
0x2fc: {  	v60, _, _ =	vpop (xrf2);
	v5 =	vbroadcast v5, $0x0  }
0x2fd: {  	v7 =	vadd.s32 $0x2, v7;
	v4 =	vbroadcast v4, $0x0;
	[tilespmem:v12+s30+$0x0] =	vst.idx.msk vm0, v60;
	v61, _, _ =	vpop (xrf2)  }
0x2fe: {  	v7 =	vbroadcast v7, $0x0;
	[tilespmem:v9+s30+$0x0] =	vst.idx.msk vm0, v61;
	v62, _, _ =	vpop (xrf2)  }
0x2ff: {  	v63, _, _ =	vpop (xrf2);
	[tilespmem:v2+s30+$0x0] =	vst.idx.msk vm0, v62  }
0x300: {  	[tilespmem:v1+s30+$0x0] =	vst.idx.msk vm0, v63;
	v1, _, _ =	vpop (xrf2)  }
0x301: {  	[tilespmem:v3+s30+$0x0] =	vst.idx.msk vm0, v1;
	v1, _, _ =	vpop (xrf2)  }
0x302: {  	[tilespmem:v5+s30+$0x0] =	vst.idx.msk vm0, v1;
	v1, _, _ =	vpop (xrf2)  }
.Ltmp8:
0x303: {  	[tilespmem:v4+s30+$0x0] =	vst.idx.msk vm0, v1;
	v1, _, _ =	vpop (xrf2);
	(pc) =	sbr.rel @p1 .LBB2_3-.Ltmp8, $4  }
0x304: {  	s1 =	sadd.s32 $0x780, s20;
	[tilespmem:v7+s30+$0x0] =	vst.idx.msk vm0, v1  }
0x305: {  	[tilespmem:s14], [sflag:$0x8] =	stream.indirect.gather [hbm4b:s4+s19], $0x20, s1, s19, $0xb8;
	[tilespmem:$0x1D200] =	vst v63  }
0x306: {  	s31 =	sadd.s32 $0x7C0, s20;
	s2 =	simm.s32 $0x1;
	p2 =	por $0x0, $0x0  }
0x307: {  	[tilespmem:s18], [sflag:$0x8] =	stream.indirect.gather [hbm4b:s4+s19], $0x20, s31, s19, $0xb8;
	[tilespmem:$0x1D200] =	vst v63  }
0x308: {  	s1 =	rddreg [dreg:$0x9]  }
0x309: {  	s2 =	rddreg [dreg:$0x6];
	s1 =	sshll.u32 s1, $0x9  }
0x30a: {  	s29 =	simm.s32 $0x0;
	s1 =	sadd.s32 s1, s2  }
0x30b: {  	[hbm4b:s1+s29] =	stream.linear.scatter [tilespmem:s30], [sflag:$0x9], $0x800, $0x38;
	[tilespmem:$0x1D200] =	vst v63  }
0x30c: {  	s1 =	simm.s32 @!p0 $0xA  }
0x30d: {  	_ =	swait.ge @!p0 [sflag:s1], $0x800  }
0x30e: {  	[sflag:s1] =	ssyncset.done @!p0 $0x0;
	s31 =	rddreg [dreg:$0xb]  }
0x30f: {  	s20 =	simm.s32 $0x0;
	[sflag:s1] =	ssyncadd.s32 @!p0 $0xFFFFF800;
	s1 =	sor.u32 $0x1, s31  }
0x310: {  	p1 =	por $0x1, $0x1;
	[dreg:$0xa] =	wrdreg s1;
	s7 =	sshll.u32 s1, $0x4  }
.LBB2_21:
0x311: {  	_ =	swait.ge [sflag:s25], $0x800  }
0x312: {  	[sflag:s25] =	ssyncset.done $0x0  }
0x313: {  	s1 =	sshll.u32 s20, $0x3;
	[sflag:s25] =	ssyncadd.s32 $0xFFFFF800  }
0x314: {  	s2 =	sor.u32 s7, s1;
	_ =	swait.ge [sflag:s25], $0x800  }
0x315: {  	s1 =	sshll.u32 s2, $0x5;
	[sflag:s25] =	ssyncset.done $0x0  }
0x316: {  	s9 =	sand.u32 $0x3FFFFFE0, s1;
	[sflag:s25] =	ssyncadd.s32 $0xFFFFF800  }
0x317: {  	v1 =	vld [tilespmem:s9+$0x10200]  }
0x318: {  	s21 =	simm.s32 $0x14280;
	v2 =	vld [tilespmem:s9+$0x10210]  }
0x319: {  	v3 =	vld [tilespmem:s21+$0xFFFFFFA0]  }
0x31a: {  	s20 =	sshll.u32 s20, $0xA;
	v4 =	vld [tilespmem:s21+$0x20]  }
0x31b: {  	s1 =	sadd.s32 $0x0, s20;
	v5 =	vld [tilespmem:s21+$0x30]  }
0x31c: {  	s22 =	sadd.s32 $0x3, s1;
	v8 =	vld [tilespmem:s21+$0x10]  }
0x31d: {  	s24 =	sadd.s32 $0x5, s1;
	v9 =	vmov s1;
	s26 =	sadd.s32 $0x4, s1;
	s31 =	sadd.s32 $0x6, s1;
	v6 =	vmov s22;
	v10 =	vld [tilespmem:s21+$0x40]  }
0x31e: {  	v7 =	vmov s24;
	v11 =	vmov s26;
	v16 =	vmov s31;
	v12 =	vld [tilespmem:s21+$0xFFFFFFD0]  }
0x31f: {  	v9 =	vshrl.u32 v9, $0x3;
	v6 =	vshrl.u32 v6, $0x3;
	v7 =	vshrl.u32 v7, $0x3;
	v14 =	vld [tilespmem:s21+$0x60]  }
0x320: {  	s29 =	sadd.s32 $0x7, s1;
	s26 =	sadd.s32 $0x1, s1;
	s1 =	sadd.s32 $0x2, s1;
	v17 =	vld [tilespmem:s21+$0x0];
	v16 =	vshrl.u32 v16, $0x3;
	v11 =	vshrl.u32 v11, $0x3;
	v6 =	vshll.u32 v6, v0  }
0x321: {  	v18 =	vld [tilespmem:s21+$0xFFFFFFB0];
	v25 =	vmov s1;
	v7 =	vshll.u32 v7, v0;
	v13 =	vadd.s32 $0x3, v6  }
0x322: {  	v19 =	vld [tilespmem:s21+$0xFFFFFFF0];
	v7 =	vadd.s32 $0x5, v7;
	v6 =	vmov s29;
	v15 =	vmul.bf16 v3, v1  }
0x323: {  	v6 =	vshrl.u32 v6, $0x3;
	v5 =	vmul.bf16 v5, v2;
	v8 =	vmul.bf16 v8, v2  }
0x324: {  	v20 =	vld [tilespmem:s21+$0xFFFFFFE0];
	v6 =	vshll.u32 v6, v0;
	v10 =	vmul.bf16 v10, v1;
	v4 =	vmul.bf16 v4, v1  }
0x325: {  	v22 =	vld [tilespmem:s21+$0xFFFFFF80];
	v3 =	vmov s26;
	v21 =	vmul.bf16 v12, v2;
	v23 =	vmul.bf16 v14, v1  }
0x326: {  	v6 =	vadd.s32 $0x7, v6;
	v14 =	vmul.bf16 v18, v2;
	v18 =	vld [tilespmem:s21+$0x70];
	v17 =	vmul.bf16 v17, v1  }
0x327: {  	v12 =	vld [tilespmem:s21+$0xFFFFFF90];
	v19 =	vmul.bf16 v19, v2;
	v3 =	vshrl.u32 v3, $0x3;
	v4 =	vadd.bf16 v5, v4  }
0x328: {  	v59 =	vld [tilespmem:s21+$0xFFFFFFC0];
	v3 =	vshll.u32 v3, v0;
	v5 =	vshll.u32 v11, v0;
	v8 =	vadd.bf16 v8, v17  }
0x329: {  	v11 =	vunpack.i.u.bf16.f32 v4;
	v24 =	vunpack.i.l.bf16.f32 v4;
	v4 =	vshll.u32 v9, v0;
	v9 =	vld [tilespmem:s21+$0x50]  }
0x32a: {  	v17 =	vmul.bf16 v22, v1;
	v14 =	vadd.bf16 v14, v15;
	v24 =	vadd.f32 v24, v11  }
0x32b: {  	v11 =	vshll.u32 v16, v0;
	v16 =	vmul.bf16 v20, v1;
	v18 =	vmul.bf16 v18, v2  }
0x32c: {  	v3 =	vadd.s32 $0x1, v3;
	v26 =	vmul.bf16 v12, v2;
	v12 =	vbroadcast v7, $0x0;
	(xrf2) =	vadd.scan.msk.f32 $0xffff, v24  }
0x32d: {  	v11 =	vadd.s32 $0x6, v11;
	v16 =	vadd.bf16 v19, v16;
	v15 =	vadd.bf16 v18, v23  }
0x32e: {  	v17 =	vadd.bf16 v26, v17;
	v19 =	vmul.bf16 v59, v1;
	v7 =	vmul.bf16 v9, v2  }
0x32f: {  	v9 =	vunpack.i.u.bf16.f32 v8;
	v8 =	vunpack.i.l.bf16.f32 v8;
	v18 =	vunpack.i.u.bf16.f32 v16  }
0x330: {  	v16 =	vunpack.i.l.bf16.f32 v16;
	v60 =	vunpack.i.l.bf16.f32 v15;
	v61 =	vunpack.i.l.bf16.f32 v17  }
0x331: {  	v8 =	vadd.f32 v8, v9;
	v16 =	vadd.f32 v16, v18;
	v18 =	vshrl.u32 v25, $0x3  }
0x332: {  	v9 =	vbroadcast v13, $0x0;
	v13 =	vunpack.i.u.bf16.f32 v15;
	v7 =	vadd.bf16 v7, v10  }
0x333: {  	v15 =	vunpack.i.u.bf16.f32 v14;
	v10 =	vunpack.i.u.bf16.f32 v17;
	v17 =	vadd.f32 v60, v13;
	(xrf2) =	vadd.scan.msk.f32 $0xffff, v16  }
0x334: {  	v13 =	vadd.bf16 v21, v19;
	v62 =	vunpack.i.u.bf16.f32 v7;
	v63 =	vunpack.i.l.bf16.f32 v7  }
0x335: {  	p0 =	por p1, p1;
	s22 =	simm.s32 $0x14380;
	s21 =	simm.s32 $0x8;
	v10 =	vadd.f32 v61, v10;
	v7 =	vshll.u32 v18, v0;
	v16 =	vadd.f32 v63, v62  }
.LBB2_22:
0x336: {  	s24 =	sadd.s32 s20, s21;
	v18 =	vld [tilespmem:s22+$0xFFFFFFA0];
	p1 =	slt.u32 s21, $0x78;
	s21 =	sadd.s32 $0x8, s21;
	v7 =	vadd.s32 $0x2, v7;
	v11 =	vbroadcast v11, $0x0;
	v19 =	vbroadcast v6, $0x0;
	v6, _, _ =	vpop (xrf2);
	(xrf2) =	vadd.scan.msk.f32 $0xffff, v17  }
0x337: {  	v14 =	vunpack.i.l.bf16.f32 v14;
	v17 =	vmov s24;
	s1 =	sadd.s32 $0x3, s24;
	s26 =	sadd.s32 $0x4, s24;
	v20 =	vld [tilespmem:s22+$0x20];
	s29 =	sadd.s32 $0x5, s24;
	v7 =	vbroadcast v7, $0x0;
	[tilespmem:v12+s3+$0x0] =	vst.idx.msk vm0, v6  }
0x338: {  	v6 =	vmov s1;
	v12 =	vmov s26;
	v21 =	vld [tilespmem:s22+$0x30];
	v22 =	vmov s29  }
0x339: {  	v24 =	vunpack.i.l.bf16.f32 v13;
	s1 =	sadd.s32 $0x7, s24;
	v6 =	vshrl.u32 v6, $0x3;
	v23 =	vld [tilespmem:s22+$0x10];
	v22 =	vshrl.u32 v22, $0x3;
	(xrf2) =	vadd.scan.msk.f32 $0xffff, v16  }
0x33a: {  	v30 =	vadd.f32 v14, v15;
	s26 =	sadd.s32 $0x6, s24;
	v6 =	vshll.u32 v6, v0;
	v16 =	vshll.u32 v22, v0;
	v22 =	vld [tilespmem:s22+$0x40]  }
0x33b: {  	s29 =	sadd.s32 $0x1, s24;
	v15 =	vld [tilespmem:s22+$0xFFFFFFD0];
	v25 =	vadd.s32 $0x3, v6;
	v16 =	vadd.s32 $0x5, v16;
	v6 =	vmov s1  }
0x33c: {  	v26 =	vmov s29;
	v27 =	vmov s26;
	v18 =	vmul.bf16 v18, v1;
	v28 =	vld [tilespmem:s22+$0x60]  }
0x33d: {  	v26 =	vshrl.u32 v26, $0x3;
	v27 =	vshrl.u32 v27, $0x3;
	v6 =	vshrl.u32 v6, $0x3;
	v29 =	vld [tilespmem:s22+$0x0];
	(xrf2) =	vadd.scan.msk.f32 $0xffff, v30;
	v14, _, _ =	vpop (xrf2)  }
0x33e: {  	v21 =	vmul.bf16 v21, v2;
	v6 =	vshll.u32 v6, v0;
	v30 =	vld [tilespmem:s22+$0xFFFFFFB0];
	[tilespmem:v9+s3+$0x0] =	vst.idx.msk vm0, v14;
	v9 =	vadd.s32 $0x4, v5  }
0x33f: {  	v5 =	vshll.u32 v26, v0;
	v23 =	vmul.bf16 v23, v2;
	v14 =	vld [tilespmem:s22+$0xFFFFFFF0];
	v22 =	vmul.bf16 v22, v1  }
0x340: {  	v20 =	vmul.bf16 v20, v1;
	v5 =	vadd.s32 $0x1, v5;
	v26 =	vmul.bf16 v15, v2;
	v15 =	vld [tilespmem:s22+$0xFFFFFFE0];
	(xrf2) =	vadd.scan.msk.f32 $0xffff, v8;
	v8, _, _ =	vpop (xrf2)  }
0x341: {  	v17 =	vshrl.u32 v17, $0x3;
	v12 =	vshrl.u32 v12, $0x3;
	v6 =	vadd.s32 $0x7, v6;
	v31 =	vld [tilespmem:s22+$0xFFFFFF90];
	[tilespmem:v19+s3+$0x0] =	vst.idx.msk vm0, v8  }
0x342: {  	v8 =	vadd.bf16 v21, v20;
	v20 =	vmul.bf16 v28, v1;
	v21 =	vbroadcast v3, $0x0;
	v3 =	vmovc v5;
	v19 =	vld [tilespmem:s22+$0xFFFFFFC0]  }
0x343: {  	v5 =	vshll.u32 v12, v0;
	v12 =	vunpack.i.u.bf16.f32 v13;
	v28 =	vld [tilespmem:s22+$0xFFFFFF80];
	v30 =	vmul.bf16 v30, v2;
	(xrf2) =	vadd.scan.msk.f32 $0xffff, v10;
	v10, _, _ =	vpop (xrf2)  }
0x344: {  	v12 =	vadd.f32 v24, v12;
	v13 =	vunpack.i.u.bf16.f32 v8;
	v8 =	vunpack.i.l.bf16.f32 v8;
	v32 =	vld [tilespmem:s22+$0x70];
	[tilespmem:v11+s3+$0x0] =	vst.idx.msk vm0, v10  }
0x345: {  	s1 =	sadd.s32 $0x2, s24;
	v9 =	vbroadcast v9, $0x0;
	v10 =	vshll.u32 v17, v0;
	v8 =	vadd.f32 v8, v13;
	v13 =	vld [tilespmem:s22+$0x50]  }
0x346: {  	v24 =	vmul.bf16 v29, v1;
	v17 =	vmov s1;
	v11 =	vshll.u32 v27, v0;
	(xrf2) =	vadd.scan.msk.f32 $0xffff, v12  }
0x347: {  	v14 =	vmul.bf16 v14, v2;
	v11 =	vadd.s32 $0x6, v11;
	v12 =	vmul.bf16 v15, v1;
	v15, _, _ =	vpop (xrf2)  }
0x348: {  	v23 =	vadd.bf16 v23, v24;
	v24 =	vbroadcast v4, $0x0;
	v27 =	vmul.bf16 v31, v2;
	[tilespmem:v21+s3+$0x0] =	vst.idx.msk vm0, v15  }
0x349: {  	v15 =	vmul.bf16 v28, v1;
	v21 =	vadd.bf16 v14, v12;
	v28 =	vmul.bf16 v32, v2;
	(xrf2) =	vadd.scan.msk.f32 $0xffff, v8  }
0x34a: {  	v14 =	vadd.bf16 v30, v18;
	v12 =	vbroadcast v16, $0x0;
	v13 =	vmul.bf16 v13, v2;
	v8, _, _ =	vpop (xrf2)  }
0x34b: {  	v4 =	vmovc v10;
	v16 =	vunpack.i.u.bf16.f32 v23;
	v23 =	vunpack.i.l.bf16.f32 v23;
	v20 =	vadd.bf16 v28, v20;
	[tilespmem:v9+s3+$0x0] =	vst.idx.msk vm0, v8  }
0x34c: {  	v10 =	vunpack.i.l.bf16.f32 v21;
	v9 =	vunpack.i.u.bf16.f32 v21;
	v8 =	vadd.f32 v23, v16  }
0x34d: {  	v15 =	vadd.bf16 v27, v15;
	v16 =	vmul.bf16 v19, v1;
	v10 =	vadd.f32 v10, v9;
	v18, _, _ =	vpop (xrf2)  }
.Ltmp9:
0x34e: {  	v19 =	vshrl.u32 v17, $0x3;
	v9 =	vbroadcast v25, $0x0;
	v13 =	vadd.bf16 v13, v22;
	[tilespmem:v24+s3+$0x0] =	vst.idx.msk vm0, v18;
	(pc) =	sbr.rel @p1 .LBB2_22-.Ltmp9, $4  }
0x34f: {  	v17 =	vunpack.i.u.bf16.f32 v20;
	v22 =	vunpack.i.l.bf16.f32 v20;
	v18 =	vunpack.i.u.bf16.f32 v15  }
0x350: {  	v21 =	vunpack.i.l.bf16.f32 v15;
	v15 =	vunpack.i.u.bf16.f32 v14;
	v17 =	vadd.f32 v22, v17;
	(xrf2) =	vadd.scan.msk.f32 $0xffff, v10;
	v20, _, _ =	vpop (xrf2)  }
0x351: {  	v10 =	vadd.f32 v21, v18;
	v18 =	vunpack.i.u.bf16.f32 v13;
	v21 =	vunpack.i.l.bf16.f32 v13;
	[tilespmem:v7+s3+$0x0] =	vst.idx.msk vm0, v20  }
0x352: {  	s22 =	sadd.s32 $0x100, s22;
	v13 =	vadd.bf16 v26, v16;
	v7 =	vshll.u32 v19, v0;
	v16 =	vadd.f32 v21, v18  }
0x353: {  	v1 =	vunpack.i.l.bf16.f32 v14  }
0x354: {  	(xrf2) =	vadd.scan.msk.f32 $0xffff, v17;
	v1 =	vadd.f32 v1, v15  }
0x355: {  	(xrf2) =	vadd.scan.msk.f32 $0xffff, v16  }
0x356: {  	v2 =	vunpack.i.l.bf16.f32 v13;
	(xrf2) =	vadd.scan.msk.f32 $0xffff, v1;
	v1 =	vunpack.i.u.bf16.f32 v13  }
0x357: {  	(xrf2) =	vadd.scan.msk.f32 $0xffff, v8;
	v1 =	vadd.f32 v2, v1  }
0x358: {  	(xrf2) =	vadd.scan.msk.f32 $0xffff, v10  }
0x359: {  	v2 =	vbroadcast v6, $0x0;
	(xrf2) =	vadd.scan.msk.f32 $0xffff, v1  }
0x35a: {  	v1 =	vbroadcast v11, $0x0  }
0x35b: {  	v5 =	vadd.s32 $0x4, v5;
	v3 =	vbroadcast v3, $0x0  }
0x35c: {  	v5 =	vbroadcast v5, $0x0;
	v6, _, _ =	vpop (xrf2)  }
0x35d: {  	v7 =	vadd.s32 $0x2, v7;
	v4 =	vbroadcast v4, $0x0;
	[tilespmem:v12+s3+$0x0] =	vst.idx.msk vm0, v6;
	v8, _, _ =	vpop (xrf2)  }
0x35e: {  	v7 =	vbroadcast v7, $0x0;
	[tilespmem:v9+s3+$0x0] =	vst.idx.msk vm0, v8;
	v6, _, _ =	vpop (xrf2)  }
0x35f: {  	v8, _, _ =	vpop (xrf2);
	[tilespmem:v2+s3+$0x0] =	vst.idx.msk vm0, v6  }
0x360: {  	[tilespmem:v1+s3+$0x0] =	vst.idx.msk vm0, v8;
	v1, _, _ =	vpop (xrf2)  }
0x361: {  	p1 =	sgt.u32 s2, $0x1F7;
	[tilespmem:v3+s3+$0x0] =	vst.idx.msk vm0, v1;
	v1, _, _ =	vpop (xrf2)  }
0x362: {  	s1 =	sshll.u32 @!p1 s2, $0x7;
	[tilespmem:v5+s3+$0x0] =	vst.idx.msk vm0, v1;
	v1, _, _ =	vpop (xrf2)  }
0x363: {  	s1 =	sand.u32 @!p1 $0x3FFFFF80, s1;
	[tilespmem:v4+s3+$0x0] =	vst.idx.msk vm0, v1;
	v1, _, _ =	vpop (xrf2)  }
0x364: {  	s22 =	simm.s32 @!p1 $0x40;
	s24 =	simm.s32 @!p1 $0x14200;
	s21 =	sadd.s32 @!p1 $0x400, s1;
	[tilespmem:v7+s3+$0x0] =	vst.idx.msk vm0, v1  }
0x365: {  	[tilespmem:s24], [sflag:$0x1] =	stream.indirect.gather @!p1 [hbm4b:s4+s22], $0x20, s21, s22, $0xb8;
	[tilespmem:$0x1D200] =	vst v63  }
0x366: {  	s1 =	sadd.s32 @!p1 $0x440, s1;
	s21 =	simm.s32 @!p1 $0x14A00  }
0x367: {  	[tilespmem:s21], [sflag:$0x1] =	stream.indirect.gather @!p1 [hbm4b:s4+s22], $0x20, s1, s22, $0xb8;
	[tilespmem:$0x1D200] =	vst v63  }
0x368: {  	_ =	swait.ge [sflag:s12], $0x800  }
0x369: {  	[sflag:s12] =	ssyncset.done $0x0  }
0x36a: {  	[sflag:s12] =	ssyncadd.s32 $0xFFFFF800  }
0x36b: {  	_ =	swait.ge [sflag:s12], $0x800  }
0x36c: {  	[sflag:s12] =	ssyncset.done $0x0  }
0x36d: {  	[sflag:s12] =	ssyncadd.s32 $0xFFFFF800  }
0x36e: {  	v1 =	vld [tilespmem:s9+$0x10220]  }
0x36f: {  	s22 =	simm.s32 $0x152F0;
	v2 =	vld [tilespmem:s9+$0x10230]  }
0x370: {  	v3 =	vld [tilespmem:s22+$0xFFFFFF30]  }
0x371: {  	s21 =	sor.u32 $0x80, s20;
	v4 =	vld [tilespmem:s22+$0xFFFFFFB0]  }
0x372: {  	s1 =	sadd.s32 $0x0, s21;
	v5 =	vld [tilespmem:s22+$0xFFFFFFC0]  }
0x373: {  	s29 =	sadd.s32 $0x3, s1;
	v8 =	vld [tilespmem:s22+$0xFFFFFFA0]  }
0x374: {  	s26 =	sadd.s32 $0x5, s1;
	v9 =	vmov s1;
	s31 =	sadd.s32 $0x4, s1;
	v6 =	vmov s29;
	v10 =	vld [tilespmem:s22+$0xFFFFFFD0]  }
0x375: {  	v7 =	vmov s26;
	v11 =	vmov s31;
	s31 =	sadd.s32 $0x6, s1;
	v9 =	vshrl.u32 v9, $0x3;
	v12 =	vld [tilespmem:s22+$0xFFFFFF60]  }
0x376: {  	s26 =	sadd.s32 $0x7, s1;
	s29 =	sadd.s32 $0x1, s1;
	s1 =	sadd.s32 $0x2, s1;
	v6 =	vshrl.u32 v6, $0x3;
	v7 =	vshrl.u32 v7, $0x3;
	v16 =	vmov s31;
	v14 =	vld [tilespmem:s22+$0xFFFFFFF0]  }
0x377: {  	v11 =	vshrl.u32 v11, $0x3;
	v25 =	vmov s1;
	v6 =	vshll.u32 v6, v0;
	v17 =	vld [tilespmem:s22+$0xFFFFFF90]  }
0x378: {  	v7 =	vshll.u32 v7, v0;
	v16 =	vshrl.u32 v16, $0x3;
	v13 =	vadd.s32 $0x3, v6;
	v18 =	vld [tilespmem:s22+$0xFFFFFF40]  }
0x379: {  	v7 =	vadd.s32 $0x5, v7;
	v6 =	vmov s26;
	v19 =	vld [tilespmem:s22+$0xFFFFFF80];
	v15 =	vmul.bf16 v3, v1  }
0x37a: {  	v6 =	vshrl.u32 v6, $0x3;
	v5 =	vmul.bf16 v5, v2;
	v8 =	vmul.bf16 v8, v2  }
0x37b: {  	v20 =	vld [tilespmem:s22+$0xFFFFFF70];
	v6 =	vshll.u32 v6, v0;
	v10 =	vmul.bf16 v10, v1;
	v4 =	vmul.bf16 v4, v1  }
0x37c: {  	v22 =	vld [tilespmem:s22+$0xFFFFFF10];
	v6 =	vadd.s32 $0x7, v6;
	v21 =	vmul.bf16 v12, v2;
	v23 =	vmul.bf16 v14, v1  }
0x37d: {  	v3 =	vmov s29;
	v14 =	vmul.bf16 v18, v2;
	v18 =	vld [tilespmem:s22+$0x0];
	v17 =	vmul.bf16 v17, v1  }
0x37e: {  	v12 =	vld [tilespmem:s22+$0xFFFFFF20];
	v19 =	vmul.bf16 v19, v2;
	v3 =	vshrl.u32 v3, $0x3;
	v4 =	vadd.bf16 v5, v4  }
0x37f: {  	v59 =	vld [tilespmem:s22+$0xFFFFFF50];
	v3 =	vshll.u32 v3, v0;
	v5 =	vshll.u32 v11, v0;
	v8 =	vadd.bf16 v8, v17  }
0x380: {  	v11 =	vunpack.i.u.bf16.f32 v4;
	v24 =	vunpack.i.l.bf16.f32 v4;
	v4 =	vshll.u32 v9, v0;
	v9 =	vld [tilespmem:s22+$0xFFFFFFE0]  }
0x381: {  	v17 =	vmul.bf16 v22, v1;
	v14 =	vadd.bf16 v14, v15;
	v24 =	vadd.f32 v24, v11  }
0x382: {  	v11 =	vshll.u32 v16, v0;
	v16 =	vmul.bf16 v20, v1;
	v18 =	vmul.bf16 v18, v2  }
0x383: {  	v3 =	vadd.s32 $0x1, v3;
	v26 =	vmul.bf16 v12, v2;
	v12 =	vbroadcast v7, $0x0;
	(xrf2) =	vadd.scan.msk.f32 $0xffff, v24  }
0x384: {  	v11 =	vadd.s32 $0x6, v11;
	v16 =	vadd.bf16 v19, v16;
	v15 =	vadd.bf16 v18, v23  }
0x385: {  	v17 =	vadd.bf16 v26, v17;
	v19 =	vmul.bf16 v59, v1;
	v7 =	vmul.bf16 v9, v2  }
0x386: {  	v9 =	vunpack.i.u.bf16.f32 v8;
	v8 =	vunpack.i.l.bf16.f32 v8;
	v18 =	vunpack.i.u.bf16.f32 v16  }
0x387: {  	v16 =	vunpack.i.l.bf16.f32 v16;
	v60 =	vunpack.i.l.bf16.f32 v15;
	v61 =	vunpack.i.l.bf16.f32 v17  }
0x388: {  	v8 =	vadd.f32 v8, v9;
	v16 =	vadd.f32 v16, v18;
	v18 =	vshrl.u32 v25, $0x3  }
0x389: {  	v9 =	vbroadcast v13, $0x0;
	v13 =	vunpack.i.u.bf16.f32 v15;
	v7 =	vadd.bf16 v7, v10  }
0x38a: {  	v15 =	vunpack.i.u.bf16.f32 v14;
	v10 =	vunpack.i.u.bf16.f32 v17;
	v17 =	vadd.f32 v60, v13;
	(xrf2) =	vadd.scan.msk.f32 $0xffff, v16  }
0x38b: {  	v13 =	vadd.bf16 v21, v19;
	v62 =	vunpack.i.u.bf16.f32 v7;
	v63 =	vunpack.i.l.bf16.f32 v7  }
0x38c: {  	s24 =	simm.s32 $0x153F0;
	s22 =	simm.s32 $0x8;
	v10 =	vadd.f32 v61, v10;
	v7 =	vshll.u32 v18, v0;
	v16 =	vadd.f32 v63, v62  }
.LBB2_24:
0x38d: {  	s26 =	sadd.s32 s21, s22;
	v18 =	vld [tilespmem:s24+$0xFFFFFF30];
	p1 =	slt.u32 s22, $0x78;
	s22 =	sadd.s32 $0x8, s22;
	v7 =	vadd.s32 $0x2, v7;
	v11 =	vbroadcast v11, $0x0;
	v19 =	vbroadcast v6, $0x0;
	v6, _, _ =	vpop (xrf2);
	(xrf2) =	vadd.scan.msk.f32 $0xffff, v17  }
0x38e: {  	v14 =	vunpack.i.l.bf16.f32 v14;
	v17 =	vmov s26;
	s1 =	sadd.s32 $0x3, s26;
	s29 =	sadd.s32 $0x4, s26;
	v20 =	vld [tilespmem:s24+$0xFFFFFFB0];
	s31 =	sadd.s32 $0x5, s26;
	v7 =	vbroadcast v7, $0x0;
	[tilespmem:v12+s3+$0x0] =	vst.idx.msk vm0, v6  }
0x38f: {  	v6 =	vmov s1;
	v12 =	vmov s29;
	v21 =	vld [tilespmem:s24+$0xFFFFFFC0];
	v22 =	vmov s31  }
0x390: {  	v24 =	vunpack.i.l.bf16.f32 v13;
	s1 =	sadd.s32 $0x7, s26;
	v6 =	vshrl.u32 v6, $0x3;
	v23 =	vld [tilespmem:s24+$0xFFFFFFA0];
	v22 =	vshrl.u32 v22, $0x3;
	(xrf2) =	vadd.scan.msk.f32 $0xffff, v16  }
0x391: {  	v30 =	vadd.f32 v14, v15;
	s29 =	sadd.s32 $0x6, s26;
	v6 =	vshll.u32 v6, v0;
	v16 =	vshll.u32 v22, v0;
	v22 =	vld [tilespmem:s24+$0xFFFFFFD0]  }
0x392: {  	s31 =	sadd.s32 $0x1, s26;
	v15 =	vld [tilespmem:s24+$0xFFFFFF60];
	v25 =	vadd.s32 $0x3, v6;
	v16 =	vadd.s32 $0x5, v16;
	v6 =	vmov s1  }
0x393: {  	v26 =	vmov s31;
	v27 =	vmov s29;
	v18 =	vmul.bf16 v18, v1;
	v28 =	vld [tilespmem:s24+$0xFFFFFFF0]  }
0x394: {  	v26 =	vshrl.u32 v26, $0x3;
	v27 =	vshrl.u32 v27, $0x3;
	v6 =	vshrl.u32 v6, $0x3;
	v29 =	vld [tilespmem:s24+$0xFFFFFF90];
	(xrf2) =	vadd.scan.msk.f32 $0xffff, v30;
	v14, _, _ =	vpop (xrf2)  }
0x395: {  	v21 =	vmul.bf16 v21, v2;
	v6 =	vshll.u32 v6, v0;
	v30 =	vld [tilespmem:s24+$0xFFFFFF40];
	[tilespmem:v9+s3+$0x0] =	vst.idx.msk vm0, v14;
	v9 =	vadd.s32 $0x4, v5  }
0x396: {  	v5 =	vshll.u32 v26, v0;
	v23 =	vmul.bf16 v23, v2;
	v14 =	vld [tilespmem:s24+$0xFFFFFF80];
	v22 =	vmul.bf16 v22, v1  }
0x397: {  	v20 =	vmul.bf16 v20, v1;
	v5 =	vadd.s32 $0x1, v5;
	v26 =	vmul.bf16 v15, v2;
	v15 =	vld [tilespmem:s24+$0xFFFFFF70];
	(xrf2) =	vadd.scan.msk.f32 $0xffff, v8;
	v8, _, _ =	vpop (xrf2)  }
0x398: {  	v17 =	vshrl.u32 v17, $0x3;
	v12 =	vshrl.u32 v12, $0x3;
	v6 =	vadd.s32 $0x7, v6;
	v31 =	vld [tilespmem:s24+$0xFFFFFF20];
	[tilespmem:v19+s3+$0x0] =	vst.idx.msk vm0, v8  }
0x399: {  	v8 =	vadd.bf16 v21, v20;
	v20 =	vmul.bf16 v28, v1;
	v21 =	vbroadcast v3, $0x0;
	v3 =	vmovc v5;
	v19 =	vld [tilespmem:s24+$0xFFFFFF50]  }
0x39a: {  	v5 =	vshll.u32 v12, v0;
	v12 =	vunpack.i.u.bf16.f32 v13;
	v28 =	vld [tilespmem:s24+$0xFFFFFF10];
	v30 =	vmul.bf16 v30, v2;
	(xrf2) =	vadd.scan.msk.f32 $0xffff, v10;
	v10, _, _ =	vpop (xrf2)  }
0x39b: {  	v12 =	vadd.f32 v24, v12;
	v13 =	vunpack.i.u.bf16.f32 v8;
	v8 =	vunpack.i.l.bf16.f32 v8;
	v32 =	vld [tilespmem:s24+$0x0];
	[tilespmem:v11+s3+$0x0] =	vst.idx.msk vm0, v10  }
0x39c: {  	s1 =	sadd.s32 $0x2, s26;
	v9 =	vbroadcast v9, $0x0;
	v10 =	vshll.u32 v17, v0;
	v8 =	vadd.f32 v8, v13;
	v13 =	vld [tilespmem:s24+$0xFFFFFFE0]  }
0x39d: {  	v24 =	vmul.bf16 v29, v1;
	v17 =	vmov s1;
	v11 =	vshll.u32 v27, v0;
	(xrf2) =	vadd.scan.msk.f32 $0xffff, v12  }
0x39e: {  	v14 =	vmul.bf16 v14, v2;
	v11 =	vadd.s32 $0x6, v11;
	v12 =	vmul.bf16 v15, v1;
	v15, _, _ =	vpop (xrf2)  }
0x39f: {  	v23 =	vadd.bf16 v23, v24;
	v24 =	vbroadcast v4, $0x0;
	v27 =	vmul.bf16 v31, v2;
	[tilespmem:v21+s3+$0x0] =	vst.idx.msk vm0, v15  }
0x3a0: {  	v15 =	vmul.bf16 v28, v1;
	v21 =	vadd.bf16 v14, v12;
	v28 =	vmul.bf16 v32, v2;
	(xrf2) =	vadd.scan.msk.f32 $0xffff, v8  }
0x3a1: {  	v14 =	vadd.bf16 v30, v18;
	v12 =	vbroadcast v16, $0x0;
	v13 =	vmul.bf16 v13, v2;
	v8, _, _ =	vpop (xrf2)  }
0x3a2: {  	v4 =	vmovc v10;
	v16 =	vunpack.i.u.bf16.f32 v23;
	v23 =	vunpack.i.l.bf16.f32 v23;
	v20 =	vadd.bf16 v28, v20;
	[tilespmem:v9+s3+$0x0] =	vst.idx.msk vm0, v8  }
0x3a3: {  	v10 =	vunpack.i.l.bf16.f32 v21;
	v9 =	vunpack.i.u.bf16.f32 v21;
	v8 =	vadd.f32 v23, v16  }
0x3a4: {  	v15 =	vadd.bf16 v27, v15;
	v16 =	vmul.bf16 v19, v1;
	v10 =	vadd.f32 v10, v9;
	v18, _, _ =	vpop (xrf2)  }
.Ltmp10:
0x3a5: {  	v19 =	vshrl.u32 v17, $0x3;
	v9 =	vbroadcast v25, $0x0;
	v13 =	vadd.bf16 v13, v22;
	[tilespmem:v24+s3+$0x0] =	vst.idx.msk vm0, v18;
	(pc) =	sbr.rel @p1 .LBB2_24-.Ltmp10, $4  }
0x3a6: {  	v17 =	vunpack.i.u.bf16.f32 v20;
	v22 =	vunpack.i.l.bf16.f32 v20;
	v18 =	vunpack.i.u.bf16.f32 v15  }
0x3a7: {  	v21 =	vunpack.i.l.bf16.f32 v15;
	v15 =	vunpack.i.u.bf16.f32 v14;
	v17 =	vadd.f32 v22, v17;
	(xrf2) =	vadd.scan.msk.f32 $0xffff, v10;
	v20, _, _ =	vpop (xrf2)  }
0x3a8: {  	v10 =	vadd.f32 v21, v18;
	v18 =	vunpack.i.u.bf16.f32 v13;
	v21 =	vunpack.i.l.bf16.f32 v13;
	[tilespmem:v7+s3+$0x0] =	vst.idx.msk vm0, v20  }
0x3a9: {  	s24 =	sadd.s32 $0x100, s24;
	v13 =	vadd.bf16 v26, v16;
	v7 =	vshll.u32 v19, v0;
	v16 =	vadd.f32 v21, v18  }
0x3aa: {  	v1 =	vunpack.i.l.bf16.f32 v14  }
0x3ab: {  	(xrf2) =	vadd.scan.msk.f32 $0xffff, v17;
	v1 =	vadd.f32 v1, v15  }
0x3ac: {  	(xrf2) =	vadd.scan.msk.f32 $0xffff, v16  }
0x3ad: {  	v2 =	vunpack.i.l.bf16.f32 v13;
	(xrf2) =	vadd.scan.msk.f32 $0xffff, v1;
	v1 =	vunpack.i.u.bf16.f32 v13  }
0x3ae: {  	(xrf2) =	vadd.scan.msk.f32 $0xffff, v8;
	v1 =	vadd.f32 v2, v1  }
0x3af: {  	(xrf2) =	vadd.scan.msk.f32 $0xffff, v10  }
0x3b0: {  	v2 =	vbroadcast v6, $0x0;
	(xrf2) =	vadd.scan.msk.f32 $0xffff, v1  }
0x3b1: {  	v1 =	vbroadcast v11, $0x0  }
0x3b2: {  	v5 =	vadd.s32 $0x4, v5;
	v3 =	vbroadcast v3, $0x0  }
0x3b3: {  	v5 =	vbroadcast v5, $0x0;
	v6, _, _ =	vpop (xrf2)  }
0x3b4: {  	v7 =	vadd.s32 $0x2, v7;
	v4 =	vbroadcast v4, $0x0;
	[tilespmem:v12+s3+$0x0] =	vst.idx.msk vm0, v6;
	v8, _, _ =	vpop (xrf2)  }
0x3b5: {  	v7 =	vbroadcast v7, $0x0;
	[tilespmem:v9+s3+$0x0] =	vst.idx.msk vm0, v8;
	v6, _, _ =	vpop (xrf2)  }
0x3b6: {  	v8, _, _ =	vpop (xrf2);
	[tilespmem:v2+s3+$0x0] =	vst.idx.msk vm0, v6  }
0x3b7: {  	[tilespmem:v1+s3+$0x0] =	vst.idx.msk vm0, v8;
	v1, _, _ =	vpop (xrf2)  }
0x3b8: {  	p1 =	sgt.u32 s2, $0x1F6;
	[tilespmem:v3+s3+$0x0] =	vst.idx.msk vm0, v1;
	v1, _, _ =	vpop (xrf2)  }
0x3b9: {  	s1 =	sshll.u32 @!p1 s2, $0x7;
	[tilespmem:v5+s3+$0x0] =	vst.idx.msk vm0, v1;
	v1, _, _ =	vpop (xrf2)  }
0x3ba: {  	s1 =	sand.u32 @!p1 $0x3FFFFF80, s1;
	[tilespmem:v4+s3+$0x0] =	vst.idx.msk vm0, v1;
	v1, _, _ =	vpop (xrf2)  }
0x3bb: {  	s22 =	simm.s32 @!p1 $0x40;
	s24 =	simm.s32 @!p1 $0x15200;
	s21 =	sadd.s32 @!p1 $0x480, s1;
	[tilespmem:v7+s3+$0x0] =	vst.idx.msk vm0, v1  }
0x3bc: {  	[tilespmem:s24], [sflag:$0x2] =	stream.indirect.gather @!p1 [hbm4b:s4+s22], $0x20, s21, s22, $0xb8;
	[tilespmem:$0x1D200] =	vst v63  }
0x3bd: {  	s1 =	sadd.s32 @!p1 $0x4C0, s1;
	s21 =	simm.s32 @!p1 $0x15A00  }
0x3be: {  	[tilespmem:s21], [sflag:$0x2] =	stream.indirect.gather @!p1 [hbm4b:s4+s22], $0x20, s1, s22, $0xb8;
	[tilespmem:$0x1D200] =	vst v63  }
0x3bf: {  	_ =	swait.ge [sflag:s16], $0x800  }
0x3c0: {  	[sflag:s16] =	ssyncset.done $0x0  }
0x3c1: {  	[sflag:s16] =	ssyncadd.s32 $0xFFFFF800  }
0x3c2: {  	_ =	swait.ge [sflag:s16], $0x800  }
0x3c3: {  	[sflag:s16] =	ssyncset.done $0x0  }
0x3c4: {  	[sflag:s16] =	ssyncadd.s32 $0xFFFFF800  }
0x3c5: {  	v1 =	vld [tilespmem:s9+$0x10240]  }
0x3c6: {  	s22 =	simm.s32 $0x162F0;
	v2 =	vld [tilespmem:s9+$0x10250]  }
0x3c7: {  	v3 =	vld [tilespmem:s22+$0xFFFFFF30]  }
0x3c8: {  	s21 =	sor.u32 $0x100, s20;
	v4 =	vld [tilespmem:s22+$0xFFFFFFB0]  }
0x3c9: {  	s1 =	sadd.s32 $0x0, s21;
	v5 =	vld [tilespmem:s22+$0xFFFFFFC0]  }
0x3ca: {  	s29 =	sadd.s32 $0x3, s1;
	v8 =	vld [tilespmem:s22+$0xFFFFFFA0]  }
0x3cb: {  	s26 =	sadd.s32 $0x5, s1;
	v9 =	vmov s1;
	s31 =	sadd.s32 $0x4, s1;
	v6 =	vmov s29;
	v10 =	vld [tilespmem:s22+$0xFFFFFFD0]  }
0x3cc: {  	v7 =	vmov s26;
	v11 =	vmov s31;
	s31 =	sadd.s32 $0x6, s1;
	v9 =	vshrl.u32 v9, $0x3;
	v12 =	vld [tilespmem:s22+$0xFFFFFF60]  }
0x3cd: {  	s26 =	sadd.s32 $0x7, s1;
	s29 =	sadd.s32 $0x1, s1;
	s1 =	sadd.s32 $0x2, s1;
	v6 =	vshrl.u32 v6, $0x3;
	v7 =	vshrl.u32 v7, $0x3;
	v16 =	vmov s31;
	v14 =	vld [tilespmem:s22+$0xFFFFFFF0]  }
0x3ce: {  	v11 =	vshrl.u32 v11, $0x3;
	v25 =	vmov s1;
	v6 =	vshll.u32 v6, v0;
	v17 =	vld [tilespmem:s22+$0xFFFFFF90]  }
0x3cf: {  	v7 =	vshll.u32 v7, v0;
	v16 =	vshrl.u32 v16, $0x3;
	v13 =	vadd.s32 $0x3, v6;
	v18 =	vld [tilespmem:s22+$0xFFFFFF40]  }
0x3d0: {  	v7 =	vadd.s32 $0x5, v7;
	v6 =	vmov s26;
	v19 =	vld [tilespmem:s22+$0xFFFFFF80];
	v15 =	vmul.bf16 v3, v1  }
0x3d1: {  	v6 =	vshrl.u32 v6, $0x3;
	v5 =	vmul.bf16 v5, v2;
	v8 =	vmul.bf16 v8, v2  }
0x3d2: {  	v20 =	vld [tilespmem:s22+$0xFFFFFF70];
	v6 =	vshll.u32 v6, v0;
	v10 =	vmul.bf16 v10, v1;
	v4 =	vmul.bf16 v4, v1  }
0x3d3: {  	v22 =	vld [tilespmem:s22+$0xFFFFFF10];
	v6 =	vadd.s32 $0x7, v6;
	v21 =	vmul.bf16 v12, v2;
	v23 =	vmul.bf16 v14, v1  }
0x3d4: {  	v3 =	vmov s29;
	v14 =	vmul.bf16 v18, v2;
	v18 =	vld [tilespmem:s22+$0x0];
	v17 =	vmul.bf16 v17, v1  }
0x3d5: {  	v12 =	vld [tilespmem:s22+$0xFFFFFF20];
	v19 =	vmul.bf16 v19, v2;
	v3 =	vshrl.u32 v3, $0x3;
	v4 =	vadd.bf16 v5, v4  }
0x3d6: {  	v59 =	vld [tilespmem:s22+$0xFFFFFF50];
	v3 =	vshll.u32 v3, v0;
	v5 =	vshll.u32 v11, v0;
	v8 =	vadd.bf16 v8, v17  }
0x3d7: {  	v11 =	vunpack.i.u.bf16.f32 v4;
	v24 =	vunpack.i.l.bf16.f32 v4;
	v4 =	vshll.u32 v9, v0;
	v9 =	vld [tilespmem:s22+$0xFFFFFFE0]  }
0x3d8: {  	v17 =	vmul.bf16 v22, v1;
	v14 =	vadd.bf16 v14, v15;
	v24 =	vadd.f32 v24, v11  }
0x3d9: {  	v11 =	vshll.u32 v16, v0;
	v16 =	vmul.bf16 v20, v1;
	v18 =	vmul.bf16 v18, v2  }
0x3da: {  	v3 =	vadd.s32 $0x1, v3;
	v26 =	vmul.bf16 v12, v2;
	v12 =	vbroadcast v7, $0x0;
	(xrf2) =	vadd.scan.msk.f32 $0xffff, v24  }
0x3db: {  	v11 =	vadd.s32 $0x6, v11;
	v16 =	vadd.bf16 v19, v16;
	v15 =	vadd.bf16 v18, v23  }
0x3dc: {  	v17 =	vadd.bf16 v26, v17;
	v19 =	vmul.bf16 v59, v1;
	v7 =	vmul.bf16 v9, v2  }
0x3dd: {  	v9 =	vunpack.i.u.bf16.f32 v8;
	v8 =	vunpack.i.l.bf16.f32 v8;
	v18 =	vunpack.i.u.bf16.f32 v16  }
0x3de: {  	v16 =	vunpack.i.l.bf16.f32 v16;
	v60 =	vunpack.i.l.bf16.f32 v15;
	v61 =	vunpack.i.l.bf16.f32 v17  }
0x3df: {  	v8 =	vadd.f32 v8, v9;
	v16 =	vadd.f32 v16, v18;
	v18 =	vshrl.u32 v25, $0x3  }
0x3e0: {  	v9 =	vbroadcast v13, $0x0;
	v13 =	vunpack.i.u.bf16.f32 v15;
	v7 =	vadd.bf16 v7, v10  }
0x3e1: {  	v15 =	vunpack.i.u.bf16.f32 v14;
	v10 =	vunpack.i.u.bf16.f32 v17;
	v17 =	vadd.f32 v60, v13;
	(xrf2) =	vadd.scan.msk.f32 $0xffff, v16  }
0x3e2: {  	v13 =	vadd.bf16 v21, v19;
	v62 =	vunpack.i.u.bf16.f32 v7;
	v63 =	vunpack.i.l.bf16.f32 v7  }
0x3e3: {  	s24 =	simm.s32 $0x163F0;
	s22 =	simm.s32 $0x8;
	v10 =	vadd.f32 v61, v10;
	v7 =	vshll.u32 v18, v0;
	v16 =	vadd.f32 v63, v62  }
.LBB2_26:
0x3e4: {  	s26 =	sadd.s32 s21, s22;
	v18 =	vld [tilespmem:s24+$0xFFFFFF30];
	p1 =	slt.u32 s22, $0x78;
	s22 =	sadd.s32 $0x8, s22;
	v7 =	vadd.s32 $0x2, v7;
	v11 =	vbroadcast v11, $0x0;
	v19 =	vbroadcast v6, $0x0;
	v6, _, _ =	vpop (xrf2);
	(xrf2) =	vadd.scan.msk.f32 $0xffff, v17  }
0x3e5: {  	v14 =	vunpack.i.l.bf16.f32 v14;
	v17 =	vmov s26;
	s1 =	sadd.s32 $0x3, s26;
	s29 =	sadd.s32 $0x4, s26;
	v20 =	vld [tilespmem:s24+$0xFFFFFFB0];
	s31 =	sadd.s32 $0x5, s26;
	v7 =	vbroadcast v7, $0x0;
	[tilespmem:v12+s3+$0x0] =	vst.idx.msk vm0, v6  }
0x3e6: {  	v6 =	vmov s1;
	v12 =	vmov s29;
	v21 =	vld [tilespmem:s24+$0xFFFFFFC0];
	v22 =	vmov s31  }
0x3e7: {  	v24 =	vunpack.i.l.bf16.f32 v13;
	s1 =	sadd.s32 $0x7, s26;
	v6 =	vshrl.u32 v6, $0x3;
	v23 =	vld [tilespmem:s24+$0xFFFFFFA0];
	v22 =	vshrl.u32 v22, $0x3;
	(xrf2) =	vadd.scan.msk.f32 $0xffff, v16  }
0x3e8: {  	v30 =	vadd.f32 v14, v15;
	s29 =	sadd.s32 $0x6, s26;
	v6 =	vshll.u32 v6, v0;
	v16 =	vshll.u32 v22, v0;
	v22 =	vld [tilespmem:s24+$0xFFFFFFD0]  }
0x3e9: {  	s31 =	sadd.s32 $0x1, s26;
	v15 =	vld [tilespmem:s24+$0xFFFFFF60];
	v25 =	vadd.s32 $0x3, v6;
	v16 =	vadd.s32 $0x5, v16;
	v6 =	vmov s1  }
0x3ea: {  	v26 =	vmov s31;
	v27 =	vmov s29;
	v18 =	vmul.bf16 v18, v1;
	v28 =	vld [tilespmem:s24+$0xFFFFFFF0]  }
0x3eb: {  	v26 =	vshrl.u32 v26, $0x3;
	v27 =	vshrl.u32 v27, $0x3;
	v6 =	vshrl.u32 v6, $0x3;
	v29 =	vld [tilespmem:s24+$0xFFFFFF90];
	(xrf2) =	vadd.scan.msk.f32 $0xffff, v30;
	v14, _, _ =	vpop (xrf2)  }
0x3ec: {  	v21 =	vmul.bf16 v21, v2;
	v6 =	vshll.u32 v6, v0;
	v30 =	vld [tilespmem:s24+$0xFFFFFF40];
	[tilespmem:v9+s3+$0x0] =	vst.idx.msk vm0, v14;
	v9 =	vadd.s32 $0x4, v5  }
0x3ed: {  	v5 =	vshll.u32 v26, v0;
	v23 =	vmul.bf16 v23, v2;
	v14 =	vld [tilespmem:s24+$0xFFFFFF80];
	v22 =	vmul.bf16 v22, v1  }
0x3ee: {  	v20 =	vmul.bf16 v20, v1;
	v5 =	vadd.s32 $0x1, v5;
	v26 =	vmul.bf16 v15, v2;
	v15 =	vld [tilespmem:s24+$0xFFFFFF70];
	(xrf2) =	vadd.scan.msk.f32 $0xffff, v8;
	v8, _, _ =	vpop (xrf2)  }
0x3ef: {  	v17 =	vshrl.u32 v17, $0x3;
	v12 =	vshrl.u32 v12, $0x3;
	v6 =	vadd.s32 $0x7, v6;
	v31 =	vld [tilespmem:s24+$0xFFFFFF20];
	[tilespmem:v19+s3+$0x0] =	vst.idx.msk vm0, v8  }
0x3f0: {  	v8 =	vadd.bf16 v21, v20;
	v20 =	vmul.bf16 v28, v1;
	v21 =	vbroadcast v3, $0x0;
	v3 =	vmovc v5;
	v19 =	vld [tilespmem:s24+$0xFFFFFF50]  }
0x3f1: {  	v5 =	vshll.u32 v12, v0;
	v12 =	vunpack.i.u.bf16.f32 v13;
	v28 =	vld [tilespmem:s24+$0xFFFFFF10];
	v30 =	vmul.bf16 v30, v2;
	(xrf2) =	vadd.scan.msk.f32 $0xffff, v10;
	v10, _, _ =	vpop (xrf2)  }
0x3f2: {  	v12 =	vadd.f32 v24, v12;
	v13 =	vunpack.i.u.bf16.f32 v8;
	v8 =	vunpack.i.l.bf16.f32 v8;
	v32 =	vld [tilespmem:s24+$0x0];
	[tilespmem:v11+s3+$0x0] =	vst.idx.msk vm0, v10  }
0x3f3: {  	s1 =	sadd.s32 $0x2, s26;
	v9 =	vbroadcast v9, $0x0;
	v10 =	vshll.u32 v17, v0;
	v8 =	vadd.f32 v8, v13;
	v13 =	vld [tilespmem:s24+$0xFFFFFFE0]  }
0x3f4: {  	v24 =	vmul.bf16 v29, v1;
	v17 =	vmov s1;
	v11 =	vshll.u32 v27, v0;
	(xrf2) =	vadd.scan.msk.f32 $0xffff, v12  }
0x3f5: {  	v14 =	vmul.bf16 v14, v2;
	v11 =	vadd.s32 $0x6, v11;
	v12 =	vmul.bf16 v15, v1;
	v15, _, _ =	vpop (xrf2)  }
0x3f6: {  	v23 =	vadd.bf16 v23, v24;
	v24 =	vbroadcast v4, $0x0;
	v27 =	vmul.bf16 v31, v2;
	[tilespmem:v21+s3+$0x0] =	vst.idx.msk vm0, v15  }
0x3f7: {  	v15 =	vmul.bf16 v28, v1;
	v21 =	vadd.bf16 v14, v12;
	v28 =	vmul.bf16 v32, v2;
	(xrf2) =	vadd.scan.msk.f32 $0xffff, v8  }
0x3f8: {  	v14 =	vadd.bf16 v30, v18;
	v12 =	vbroadcast v16, $0x0;
	v13 =	vmul.bf16 v13, v2;
	v8, _, _ =	vpop (xrf2)  }
0x3f9: {  	v4 =	vmovc v10;
	v16 =	vunpack.i.u.bf16.f32 v23;
	v23 =	vunpack.i.l.bf16.f32 v23;
	v20 =	vadd.bf16 v28, v20;
	[tilespmem:v9+s3+$0x0] =	vst.idx.msk vm0, v8  }
0x3fa: {  	v10 =	vunpack.i.l.bf16.f32 v21;
	v9 =	vunpack.i.u.bf16.f32 v21;
	v8 =	vadd.f32 v23, v16  }
0x3fb: {  	v15 =	vadd.bf16 v27, v15;
	v16 =	vmul.bf16 v19, v1;
	v10 =	vadd.f32 v10, v9;
	v18, _, _ =	vpop (xrf2)  }
.Ltmp11:
0x3fc: {  	v19 =	vshrl.u32 v17, $0x3;
	v9 =	vbroadcast v25, $0x0;
	v13 =	vadd.bf16 v13, v22;
	[tilespmem:v24+s3+$0x0] =	vst.idx.msk vm0, v18;
	(pc) =	sbr.rel @p1 .LBB2_26-.Ltmp11, $4  }
0x3fd: {  	v17 =	vunpack.i.u.bf16.f32 v20;
	v22 =	vunpack.i.l.bf16.f32 v20;
	v18 =	vunpack.i.u.bf16.f32 v15  }
0x3fe: {  	v21 =	vunpack.i.l.bf16.f32 v15;
	v15 =	vunpack.i.u.bf16.f32 v14;
	v17 =	vadd.f32 v22, v17;
	(xrf2) =	vadd.scan.msk.f32 $0xffff, v10;
	v20, _, _ =	vpop (xrf2)  }
0x3ff: {  	v10 =	vadd.f32 v21, v18;
	v18 =	vunpack.i.u.bf16.f32 v13;
	v21 =	vunpack.i.l.bf16.f32 v13;
	[tilespmem:v7+s3+$0x0] =	vst.idx.msk vm0, v20  }
0x400: {  	s24 =	sadd.s32 $0x100, s24;
	v13 =	vadd.bf16 v26, v16;
	v7 =	vshll.u32 v19, v0;
	v16 =	vadd.f32 v21, v18  }
0x401: {  	v1 =	vunpack.i.l.bf16.f32 v14  }
0x402: {  	(xrf2) =	vadd.scan.msk.f32 $0xffff, v17;
	v1 =	vadd.f32 v1, v15  }
0x403: {  	(xrf2) =	vadd.scan.msk.f32 $0xffff, v16  }
0x404: {  	v2 =	vunpack.i.l.bf16.f32 v13;
	(xrf2) =	vadd.scan.msk.f32 $0xffff, v1;
	v1 =	vunpack.i.u.bf16.f32 v13  }
0x405: {  	(xrf2) =	vadd.scan.msk.f32 $0xffff, v8;
	v1 =	vadd.f32 v2, v1  }
0x406: {  	(xrf2) =	vadd.scan.msk.f32 $0xffff, v10  }
0x407: {  	v2 =	vbroadcast v6, $0x0;
	(xrf2) =	vadd.scan.msk.f32 $0xffff, v1  }
0x408: {  	v1 =	vbroadcast v11, $0x0  }
0x409: {  	v5 =	vadd.s32 $0x4, v5;
	v3 =	vbroadcast v3, $0x0  }
0x40a: {  	v5 =	vbroadcast v5, $0x0;
	v6, _, _ =	vpop (xrf2)  }
0x40b: {  	v7 =	vadd.s32 $0x2, v7;
	v4 =	vbroadcast v4, $0x0;
	[tilespmem:v12+s3+$0x0] =	vst.idx.msk vm0, v6;
	v8, _, _ =	vpop (xrf2)  }
0x40c: {  	v7 =	vbroadcast v7, $0x0;
	[tilespmem:v9+s3+$0x0] =	vst.idx.msk vm0, v8;
	v6, _, _ =	vpop (xrf2)  }
0x40d: {  	v8, _, _ =	vpop (xrf2);
	[tilespmem:v2+s3+$0x0] =	vst.idx.msk vm0, v6  }
0x40e: {  	[tilespmem:v1+s3+$0x0] =	vst.idx.msk vm0, v8;
	v1, _, _ =	vpop (xrf2)  }
0x40f: {  	p1 =	sgt.u32 s2, $0x1F5;
	[tilespmem:v3+s3+$0x0] =	vst.idx.msk vm0, v1;
	v1, _, _ =	vpop (xrf2)  }
0x410: {  	s1 =	sshll.u32 @!p1 s2, $0x7;
	[tilespmem:v5+s3+$0x0] =	vst.idx.msk vm0, v1;
	v1, _, _ =	vpop (xrf2)  }
0x411: {  	s1 =	sand.u32 @!p1 $0x3FFFFF80, s1;
	[tilespmem:v4+s3+$0x0] =	vst.idx.msk vm0, v1;
	v1, _, _ =	vpop (xrf2)  }
0x412: {  	s22 =	simm.s32 @!p1 $0x40;
	s24 =	simm.s32 @!p1 $0x16200;
	s21 =	sadd.s32 @!p1 $0x500, s1;
	[tilespmem:v7+s3+$0x0] =	vst.idx.msk vm0, v1  }
0x413: {  	[tilespmem:s24], [sflag:$0x3] =	stream.indirect.gather @!p1 [hbm4b:s4+s22], $0x20, s21, s22, $0xb8;
	[tilespmem:$0x1D200] =	vst v63  }
0x414: {  	s1 =	sadd.s32 @!p1 $0x540, s1;
	s21 =	simm.s32 @!p1 $0x16A00  }
0x415: {  	[tilespmem:s21], [sflag:$0x3] =	stream.indirect.gather @!p1 [hbm4b:s4+s22], $0x20, s1, s22, $0xb8;
	[tilespmem:$0x1D200] =	vst v63  }
0x416: {  	_ =	swait.ge [sflag:s10], $0x800  }
0x417: {  	[sflag:s10] =	ssyncset.done $0x0  }
0x418: {  	[sflag:s10] =	ssyncadd.s32 $0xFFFFF800  }
0x419: {  	_ =	swait.ge [sflag:s10], $0x800  }
0x41a: {  	[sflag:s10] =	ssyncset.done $0x0  }
0x41b: {  	[sflag:s10] =	ssyncadd.s32 $0xFFFFF800  }
0x41c: {  	v1 =	vld [tilespmem:s9+$0x10260]  }
0x41d: {  	s22 =	simm.s32 $0x172F0;
	v2 =	vld [tilespmem:s9+$0x10270]  }
0x41e: {  	v3 =	vld [tilespmem:s22+$0xFFFFFF30]  }
0x41f: {  	s21 =	sor.u32 $0x180, s20;
	v4 =	vld [tilespmem:s22+$0xFFFFFFB0]  }
0x420: {  	s1 =	sadd.s32 $0x0, s21;
	v5 =	vld [tilespmem:s22+$0xFFFFFFC0]  }
0x421: {  	s29 =	sadd.s32 $0x3, s1;
	v8 =	vld [tilespmem:s22+$0xFFFFFFA0]  }
0x422: {  	s26 =	sadd.s32 $0x5, s1;
	v9 =	vmov s1;
	s31 =	sadd.s32 $0x4, s1;
	v6 =	vmov s29;
	v10 =	vld [tilespmem:s22+$0xFFFFFFD0]  }
0x423: {  	v7 =	vmov s26;
	v11 =	vmov s31;
	s31 =	sadd.s32 $0x6, s1;
	v9 =	vshrl.u32 v9, $0x3;
	v12 =	vld [tilespmem:s22+$0xFFFFFF60]  }
0x424: {  	s26 =	sadd.s32 $0x7, s1;
	s29 =	sadd.s32 $0x1, s1;
	s1 =	sadd.s32 $0x2, s1;
	v6 =	vshrl.u32 v6, $0x3;
	v7 =	vshrl.u32 v7, $0x3;
	v16 =	vmov s31;
	v14 =	vld [tilespmem:s22+$0xFFFFFFF0]  }
0x425: {  	v11 =	vshrl.u32 v11, $0x3;
	v25 =	vmov s1;
	v6 =	vshll.u32 v6, v0;
	v17 =	vld [tilespmem:s22+$0xFFFFFF90]  }
0x426: {  	v7 =	vshll.u32 v7, v0;
	v16 =	vshrl.u32 v16, $0x3;
	v13 =	vadd.s32 $0x3, v6;
	v18 =	vld [tilespmem:s22+$0xFFFFFF40]  }
0x427: {  	v7 =	vadd.s32 $0x5, v7;
	v6 =	vmov s26;
	v19 =	vld [tilespmem:s22+$0xFFFFFF80];
	v15 =	vmul.bf16 v3, v1  }
0x428: {  	v6 =	vshrl.u32 v6, $0x3;
	v5 =	vmul.bf16 v5, v2;
	v8 =	vmul.bf16 v8, v2  }
0x429: {  	v20 =	vld [tilespmem:s22+$0xFFFFFF70];
	v6 =	vshll.u32 v6, v0;
	v10 =	vmul.bf16 v10, v1;
	v4 =	vmul.bf16 v4, v1  }
0x42a: {  	v22 =	vld [tilespmem:s22+$0xFFFFFF10];
	v6 =	vadd.s32 $0x7, v6;
	v21 =	vmul.bf16 v12, v2;
	v23 =	vmul.bf16 v14, v1  }
0x42b: {  	v3 =	vmov s29;
	v14 =	vmul.bf16 v18, v2;
	v18 =	vld [tilespmem:s22+$0x0];
	v17 =	vmul.bf16 v17, v1  }
0x42c: {  	v12 =	vld [tilespmem:s22+$0xFFFFFF20];
	v19 =	vmul.bf16 v19, v2;
	v3 =	vshrl.u32 v3, $0x3;
	v4 =	vadd.bf16 v5, v4  }
0x42d: {  	v59 =	vld [tilespmem:s22+$0xFFFFFF50];
	v3 =	vshll.u32 v3, v0;
	v5 =	vshll.u32 v11, v0;
	v8 =	vadd.bf16 v8, v17  }
0x42e: {  	v11 =	vunpack.i.u.bf16.f32 v4;
	v24 =	vunpack.i.l.bf16.f32 v4;
	v4 =	vshll.u32 v9, v0;
	v9 =	vld [tilespmem:s22+$0xFFFFFFE0]  }
0x42f: {  	v17 =	vmul.bf16 v22, v1;
	v14 =	vadd.bf16 v14, v15;
	v24 =	vadd.f32 v24, v11  }
0x430: {  	v11 =	vshll.u32 v16, v0;
	v16 =	vmul.bf16 v20, v1;
	v18 =	vmul.bf16 v18, v2  }
0x431: {  	v3 =	vadd.s32 $0x1, v3;
	v26 =	vmul.bf16 v12, v2;
	v12 =	vbroadcast v7, $0x0;
	(xrf2) =	vadd.scan.msk.f32 $0xffff, v24  }
0x432: {  	v11 =	vadd.s32 $0x6, v11;
	v16 =	vadd.bf16 v19, v16;
	v15 =	vadd.bf16 v18, v23  }
0x433: {  	v17 =	vadd.bf16 v26, v17;
	v19 =	vmul.bf16 v59, v1;
	v7 =	vmul.bf16 v9, v2  }
0x434: {  	v9 =	vunpack.i.u.bf16.f32 v8;
	v8 =	vunpack.i.l.bf16.f32 v8;
	v18 =	vunpack.i.u.bf16.f32 v16  }
0x435: {  	v16 =	vunpack.i.l.bf16.f32 v16;
	v60 =	vunpack.i.l.bf16.f32 v15;
	v61 =	vunpack.i.l.bf16.f32 v17  }
0x436: {  	v8 =	vadd.f32 v8, v9;
	v16 =	vadd.f32 v16, v18;
	v18 =	vshrl.u32 v25, $0x3  }
0x437: {  	v9 =	vbroadcast v13, $0x0;
	v13 =	vunpack.i.u.bf16.f32 v15;
	v7 =	vadd.bf16 v7, v10  }
0x438: {  	v15 =	vunpack.i.u.bf16.f32 v14;
	v10 =	vunpack.i.u.bf16.f32 v17;
	v17 =	vadd.f32 v60, v13;
	(xrf2) =	vadd.scan.msk.f32 $0xffff, v16  }
0x439: {  	v13 =	vadd.bf16 v21, v19;
	v62 =	vunpack.i.u.bf16.f32 v7;
	v63 =	vunpack.i.l.bf16.f32 v7  }
0x43a: {  	s24 =	simm.s32 $0x173F0;
	s22 =	simm.s32 $0x8;
	v10 =	vadd.f32 v61, v10;
	v7 =	vshll.u32 v18, v0;
	v16 =	vadd.f32 v63, v62  }
.LBB2_28:
0x43b: {  	s26 =	sadd.s32 s21, s22;
	v18 =	vld [tilespmem:s24+$0xFFFFFF30];
	p1 =	slt.u32 s22, $0x78;
	s22 =	sadd.s32 $0x8, s22;
	v7 =	vadd.s32 $0x2, v7;
	v11 =	vbroadcast v11, $0x0;
	v19 =	vbroadcast v6, $0x0;
	v6, _, _ =	vpop (xrf2);
	(xrf2) =	vadd.scan.msk.f32 $0xffff, v17  }
0x43c: {  	v14 =	vunpack.i.l.bf16.f32 v14;
	v17 =	vmov s26;
	s1 =	sadd.s32 $0x3, s26;
	s29 =	sadd.s32 $0x4, s26;
	v20 =	vld [tilespmem:s24+$0xFFFFFFB0];
	s31 =	sadd.s32 $0x5, s26;
	v7 =	vbroadcast v7, $0x0;
	[tilespmem:v12+s3+$0x0] =	vst.idx.msk vm0, v6  }
0x43d: {  	v6 =	vmov s1;
	v12 =	vmov s29;
	v21 =	vld [tilespmem:s24+$0xFFFFFFC0];
	v22 =	vmov s31  }
0x43e: {  	v24 =	vunpack.i.l.bf16.f32 v13;
	s1 =	sadd.s32 $0x7, s26;
	v6 =	vshrl.u32 v6, $0x3;
	v23 =	vld [tilespmem:s24+$0xFFFFFFA0];
	v22 =	vshrl.u32 v22, $0x3;
	(xrf2) =	vadd.scan.msk.f32 $0xffff, v16  }
0x43f: {  	v30 =	vadd.f32 v14, v15;
	s29 =	sadd.s32 $0x6, s26;
	v6 =	vshll.u32 v6, v0;
	v16 =	vshll.u32 v22, v0;
	v22 =	vld [tilespmem:s24+$0xFFFFFFD0]  }
0x440: {  	s31 =	sadd.s32 $0x1, s26;
	v15 =	vld [tilespmem:s24+$0xFFFFFF60];
	v25 =	vadd.s32 $0x3, v6;
	v16 =	vadd.s32 $0x5, v16;
	v6 =	vmov s1  }
0x441: {  	v26 =	vmov s31;
	v27 =	vmov s29;
	v18 =	vmul.bf16 v18, v1;
	v28 =	vld [tilespmem:s24+$0xFFFFFFF0]  }
0x442: {  	v26 =	vshrl.u32 v26, $0x3;
	v27 =	vshrl.u32 v27, $0x3;
	v6 =	vshrl.u32 v6, $0x3;
	v29 =	vld [tilespmem:s24+$0xFFFFFF90];
	(xrf2) =	vadd.scan.msk.f32 $0xffff, v30;
	v14, _, _ =	vpop (xrf2)  }
0x443: {  	v21 =	vmul.bf16 v21, v2;
	v6 =	vshll.u32 v6, v0;
	v30 =	vld [tilespmem:s24+$0xFFFFFF40];
	[tilespmem:v9+s3+$0x0] =	vst.idx.msk vm0, v14;
	v9 =	vadd.s32 $0x4, v5  }
0x444: {  	v5 =	vshll.u32 v26, v0;
	v23 =	vmul.bf16 v23, v2;
	v14 =	vld [tilespmem:s24+$0xFFFFFF80];
	v22 =	vmul.bf16 v22, v1  }
0x445: {  	v20 =	vmul.bf16 v20, v1;
	v5 =	vadd.s32 $0x1, v5;
	v26 =	vmul.bf16 v15, v2;
	v15 =	vld [tilespmem:s24+$0xFFFFFF70];
	(xrf2) =	vadd.scan.msk.f32 $0xffff, v8;
	v8, _, _ =	vpop (xrf2)  }
0x446: {  	v17 =	vshrl.u32 v17, $0x3;
	v12 =	vshrl.u32 v12, $0x3;
	v6 =	vadd.s32 $0x7, v6;
	v31 =	vld [tilespmem:s24+$0xFFFFFF20];
	[tilespmem:v19+s3+$0x0] =	vst.idx.msk vm0, v8  }
0x447: {  	v8 =	vadd.bf16 v21, v20;
	v20 =	vmul.bf16 v28, v1;
	v21 =	vbroadcast v3, $0x0;
	v3 =	vmovc v5;
	v19 =	vld [tilespmem:s24+$0xFFFFFF50]  }
0x448: {  	v5 =	vshll.u32 v12, v0;
	v12 =	vunpack.i.u.bf16.f32 v13;
	v28 =	vld [tilespmem:s24+$0xFFFFFF10];
	v30 =	vmul.bf16 v30, v2;
	(xrf2) =	vadd.scan.msk.f32 $0xffff, v10;
	v10, _, _ =	vpop (xrf2)  }
0x449: {  	v12 =	vadd.f32 v24, v12;
	v13 =	vunpack.i.u.bf16.f32 v8;
	v8 =	vunpack.i.l.bf16.f32 v8;
	v32 =	vld [tilespmem:s24+$0x0];
	[tilespmem:v11+s3+$0x0] =	vst.idx.msk vm0, v10  }
0x44a: {  	s1 =	sadd.s32 $0x2, s26;
	v9 =	vbroadcast v9, $0x0;
	v10 =	vshll.u32 v17, v0;
	v8 =	vadd.f32 v8, v13;
	v13 =	vld [tilespmem:s24+$0xFFFFFFE0]  }
0x44b: {  	v24 =	vmul.bf16 v29, v1;
	v17 =	vmov s1;
	v11 =	vshll.u32 v27, v0;
	(xrf2) =	vadd.scan.msk.f32 $0xffff, v12  }
0x44c: {  	v14 =	vmul.bf16 v14, v2;
	v11 =	vadd.s32 $0x6, v11;
	v12 =	vmul.bf16 v15, v1;
	v15, _, _ =	vpop (xrf2)  }
0x44d: {  	v23 =	vadd.bf16 v23, v24;
	v24 =	vbroadcast v4, $0x0;
	v27 =	vmul.bf16 v31, v2;
	[tilespmem:v21+s3+$0x0] =	vst.idx.msk vm0, v15  }
0x44e: {  	v15 =	vmul.bf16 v28, v1;
	v21 =	vadd.bf16 v14, v12;
	v28 =	vmul.bf16 v32, v2;
	(xrf2) =	vadd.scan.msk.f32 $0xffff, v8  }
0x44f: {  	v14 =	vadd.bf16 v30, v18;
	v12 =	vbroadcast v16, $0x0;
	v13 =	vmul.bf16 v13, v2;
	v8, _, _ =	vpop (xrf2)  }
0x450: {  	v4 =	vmovc v10;
	v16 =	vunpack.i.u.bf16.f32 v23;
	v23 =	vunpack.i.l.bf16.f32 v23;
	v20 =	vadd.bf16 v28, v20;
	[tilespmem:v9+s3+$0x0] =	vst.idx.msk vm0, v8  }
0x451: {  	v10 =	vunpack.i.l.bf16.f32 v21;
	v9 =	vunpack.i.u.bf16.f32 v21;
	v8 =	vadd.f32 v23, v16  }
0x452: {  	v15 =	vadd.bf16 v27, v15;
	v16 =	vmul.bf16 v19, v1;
	v10 =	vadd.f32 v10, v9;
	v18, _, _ =	vpop (xrf2)  }
.Ltmp12:
0x453: {  	v19 =	vshrl.u32 v17, $0x3;
	v9 =	vbroadcast v25, $0x0;
	v13 =	vadd.bf16 v13, v22;
	[tilespmem:v24+s3+$0x0] =	vst.idx.msk vm0, v18;
	(pc) =	sbr.rel @p1 .LBB2_28-.Ltmp12, $4  }
0x454: {  	v17 =	vunpack.i.u.bf16.f32 v20;
	v22 =	vunpack.i.l.bf16.f32 v20;
	v18 =	vunpack.i.u.bf16.f32 v15  }
0x455: {  	v21 =	vunpack.i.l.bf16.f32 v15;
	v15 =	vunpack.i.u.bf16.f32 v14;
	v17 =	vadd.f32 v22, v17;
	(xrf2) =	vadd.scan.msk.f32 $0xffff, v10;
	v20, _, _ =	vpop (xrf2)  }
0x456: {  	v10 =	vadd.f32 v21, v18;
	v18 =	vunpack.i.u.bf16.f32 v13;
	v21 =	vunpack.i.l.bf16.f32 v13;
	[tilespmem:v7+s3+$0x0] =	vst.idx.msk vm0, v20  }
0x457: {  	s24 =	sadd.s32 $0x100, s24;
	v13 =	vadd.bf16 v26, v16;
	v7 =	vshll.u32 v19, v0;
	v16 =	vadd.f32 v21, v18  }
0x458: {  	v1 =	vunpack.i.l.bf16.f32 v14  }
0x459: {  	(xrf2) =	vadd.scan.msk.f32 $0xffff, v17;
	v1 =	vadd.f32 v1, v15  }
0x45a: {  	(xrf2) =	vadd.scan.msk.f32 $0xffff, v16  }
0x45b: {  	v2 =	vunpack.i.l.bf16.f32 v13;
	(xrf2) =	vadd.scan.msk.f32 $0xffff, v1;
	v1 =	vunpack.i.u.bf16.f32 v13  }
0x45c: {  	(xrf2) =	vadd.scan.msk.f32 $0xffff, v8;
	v1 =	vadd.f32 v2, v1  }
0x45d: {  	(xrf2) =	vadd.scan.msk.f32 $0xffff, v10  }
0x45e: {  	v2 =	vbroadcast v6, $0x0;
	(xrf2) =	vadd.scan.msk.f32 $0xffff, v1  }
0x45f: {  	v1 =	vbroadcast v11, $0x0  }
0x460: {  	v5 =	vadd.s32 $0x4, v5;
	v3 =	vbroadcast v3, $0x0  }
0x461: {  	v5 =	vbroadcast v5, $0x0;
	v6, _, _ =	vpop (xrf2)  }
0x462: {  	v7 =	vadd.s32 $0x2, v7;
	v4 =	vbroadcast v4, $0x0;
	[tilespmem:v12+s3+$0x0] =	vst.idx.msk vm0, v6;
	v8, _, _ =	vpop (xrf2)  }
0x463: {  	v7 =	vbroadcast v7, $0x0;
	[tilespmem:v9+s3+$0x0] =	vst.idx.msk vm0, v8;
	v6, _, _ =	vpop (xrf2)  }
0x464: {  	v8, _, _ =	vpop (xrf2);
	[tilespmem:v2+s3+$0x0] =	vst.idx.msk vm0, v6  }
0x465: {  	[tilespmem:v1+s3+$0x0] =	vst.idx.msk vm0, v8;
	v1, _, _ =	vpop (xrf2)  }
0x466: {  	p1 =	sgt.u32 s2, $0x1F4;
	[tilespmem:v3+s3+$0x0] =	vst.idx.msk vm0, v1;
	v1, _, _ =	vpop (xrf2)  }
0x467: {  	s1 =	sshll.u32 @!p1 s2, $0x7;
	[tilespmem:v5+s3+$0x0] =	vst.idx.msk vm0, v1;
	v1, _, _ =	vpop (xrf2)  }
0x468: {  	s1 =	sand.u32 @!p1 $0x3FFFFF80, s1;
	[tilespmem:v4+s3+$0x0] =	vst.idx.msk vm0, v1;
	v1, _, _ =	vpop (xrf2)  }
0x469: {  	s22 =	simm.s32 @!p1 $0x40;
	s24 =	simm.s32 @!p1 $0x17200;
	s21 =	sadd.s32 @!p1 $0x580, s1;
	[tilespmem:v7+s3+$0x0] =	vst.idx.msk vm0, v1  }
0x46a: {  	[tilespmem:s24], [sflag:$0x4] =	stream.indirect.gather @!p1 [hbm4b:s4+s22], $0x20, s21, s22, $0xb8;
	[tilespmem:$0x1D200] =	vst v63  }
0x46b: {  	s1 =	sadd.s32 @!p1 $0x5C0, s1;
	s21 =	simm.s32 @!p1 $0x17A00  }
0x46c: {  	[tilespmem:s21], [sflag:$0x4] =	stream.indirect.gather @!p1 [hbm4b:s4+s22], $0x20, s1, s22, $0xb8;
	[tilespmem:$0x1D200] =	vst v63  }
0x46d: {  	_ =	swait.ge [sflag:s5], $0x800  }
0x46e: {  	[sflag:s5] =	ssyncset.done $0x0  }
0x46f: {  	[sflag:s5] =	ssyncadd.s32 $0xFFFFF800  }
0x470: {  	_ =	swait.ge [sflag:s5], $0x800  }
0x471: {  	[sflag:s5] =	ssyncset.done $0x0  }
0x472: {  	[sflag:s5] =	ssyncadd.s32 $0xFFFFF800  }
0x473: {  	v1 =	vld [tilespmem:s9+$0x10280]  }
0x474: {  	s22 =	simm.s32 $0x182F0;
	v2 =	vld [tilespmem:s9+$0x10290]  }
0x475: {  	v3 =	vld [tilespmem:s22+$0xFFFFFF30]  }
0x476: {  	s21 =	sor.u32 $0x200, s20;
	v4 =	vld [tilespmem:s22+$0xFFFFFFB0]  }
0x477: {  	s1 =	sadd.s32 $0x0, s21;
	v5 =	vld [tilespmem:s22+$0xFFFFFFC0]  }
0x478: {  	s29 =	sadd.s32 $0x3, s1;
	v8 =	vld [tilespmem:s22+$0xFFFFFFA0]  }
0x479: {  	s26 =	sadd.s32 $0x5, s1;
	v9 =	vmov s1;
	s31 =	sadd.s32 $0x4, s1;
	v6 =	vmov s29;
	v10 =	vld [tilespmem:s22+$0xFFFFFFD0]  }
0x47a: {  	v7 =	vmov s26;
	v11 =	vmov s31;
	s31 =	sadd.s32 $0x6, s1;
	v9 =	vshrl.u32 v9, $0x3;
	v12 =	vld [tilespmem:s22+$0xFFFFFF60]  }
0x47b: {  	s26 =	sadd.s32 $0x7, s1;
	s29 =	sadd.s32 $0x1, s1;
	s1 =	sadd.s32 $0x2, s1;
	v6 =	vshrl.u32 v6, $0x3;
	v7 =	vshrl.u32 v7, $0x3;
	v16 =	vmov s31;
	v14 =	vld [tilespmem:s22+$0xFFFFFFF0]  }
0x47c: {  	v11 =	vshrl.u32 v11, $0x3;
	v25 =	vmov s1;
	v6 =	vshll.u32 v6, v0;
	v17 =	vld [tilespmem:s22+$0xFFFFFF90]  }
0x47d: {  	v7 =	vshll.u32 v7, v0;
	v16 =	vshrl.u32 v16, $0x3;
	v13 =	vadd.s32 $0x3, v6;
	v18 =	vld [tilespmem:s22+$0xFFFFFF40]  }
0x47e: {  	v7 =	vadd.s32 $0x5, v7;
	v6 =	vmov s26;
	v19 =	vld [tilespmem:s22+$0xFFFFFF80];
	v15 =	vmul.bf16 v3, v1  }
0x47f: {  	v6 =	vshrl.u32 v6, $0x3;
	v5 =	vmul.bf16 v5, v2;
	v8 =	vmul.bf16 v8, v2  }
0x480: {  	v20 =	vld [tilespmem:s22+$0xFFFFFF70];
	v6 =	vshll.u32 v6, v0;
	v10 =	vmul.bf16 v10, v1;
	v4 =	vmul.bf16 v4, v1  }
0x481: {  	v22 =	vld [tilespmem:s22+$0xFFFFFF10];
	v6 =	vadd.s32 $0x7, v6;
	v21 =	vmul.bf16 v12, v2;
	v23 =	vmul.bf16 v14, v1  }
0x482: {  	v3 =	vmov s29;
	v14 =	vmul.bf16 v18, v2;
	v18 =	vld [tilespmem:s22+$0x0];
	v17 =	vmul.bf16 v17, v1  }
0x483: {  	v12 =	vld [tilespmem:s22+$0xFFFFFF20];
	v19 =	vmul.bf16 v19, v2;
	v3 =	vshrl.u32 v3, $0x3;
	v4 =	vadd.bf16 v5, v4  }
0x484: {  	v59 =	vld [tilespmem:s22+$0xFFFFFF50];
	v3 =	vshll.u32 v3, v0;
	v5 =	vshll.u32 v11, v0;
	v8 =	vadd.bf16 v8, v17  }
0x485: {  	v11 =	vunpack.i.u.bf16.f32 v4;
	v24 =	vunpack.i.l.bf16.f32 v4;
	v4 =	vshll.u32 v9, v0;
	v9 =	vld [tilespmem:s22+$0xFFFFFFE0]  }
0x486: {  	v17 =	vmul.bf16 v22, v1;
	v14 =	vadd.bf16 v14, v15;
	v24 =	vadd.f32 v24, v11  }
0x487: {  	v11 =	vshll.u32 v16, v0;
	v16 =	vmul.bf16 v20, v1;
	v18 =	vmul.bf16 v18, v2  }
0x488: {  	v3 =	vadd.s32 $0x1, v3;
	v26 =	vmul.bf16 v12, v2;
	v12 =	vbroadcast v7, $0x0;
	(xrf2) =	vadd.scan.msk.f32 $0xffff, v24  }
0x489: {  	v11 =	vadd.s32 $0x6, v11;
	v16 =	vadd.bf16 v19, v16;
	v15 =	vadd.bf16 v18, v23  }
0x48a: {  	v17 =	vadd.bf16 v26, v17;
	v19 =	vmul.bf16 v59, v1;
	v7 =	vmul.bf16 v9, v2  }
0x48b: {  	v9 =	vunpack.i.u.bf16.f32 v8;
	v8 =	vunpack.i.l.bf16.f32 v8;
	v18 =	vunpack.i.u.bf16.f32 v16  }
0x48c: {  	v16 =	vunpack.i.l.bf16.f32 v16;
	v60 =	vunpack.i.l.bf16.f32 v15;
	v61 =	vunpack.i.l.bf16.f32 v17  }
0x48d: {  	v8 =	vadd.f32 v8, v9;
	v16 =	vadd.f32 v16, v18;
	v18 =	vshrl.u32 v25, $0x3  }
0x48e: {  	v9 =	vbroadcast v13, $0x0;
	v13 =	vunpack.i.u.bf16.f32 v15;
	v7 =	vadd.bf16 v7, v10  }
0x48f: {  	v15 =	vunpack.i.u.bf16.f32 v14;
	v10 =	vunpack.i.u.bf16.f32 v17;
	v17 =	vadd.f32 v60, v13;
	(xrf2) =	vadd.scan.msk.f32 $0xffff, v16  }
0x490: {  	v13 =	vadd.bf16 v21, v19;
	v62 =	vunpack.i.u.bf16.f32 v7;
	v63 =	vunpack.i.l.bf16.f32 v7  }
0x491: {  	s24 =	simm.s32 $0x183F0;
	s22 =	simm.s32 $0x8;
	v10 =	vadd.f32 v61, v10;
	v7 =	vshll.u32 v18, v0;
	v16 =	vadd.f32 v63, v62  }
.LBB2_30:
0x492: {  	s26 =	sadd.s32 s21, s22;
	v18 =	vld [tilespmem:s24+$0xFFFFFF30];
	p1 =	slt.u32 s22, $0x78;
	s22 =	sadd.s32 $0x8, s22;
	v7 =	vadd.s32 $0x2, v7;
	v11 =	vbroadcast v11, $0x0;
	v19 =	vbroadcast v6, $0x0;
	v6, _, _ =	vpop (xrf2);
	(xrf2) =	vadd.scan.msk.f32 $0xffff, v17  }
0x493: {  	v14 =	vunpack.i.l.bf16.f32 v14;
	v17 =	vmov s26;
	s1 =	sadd.s32 $0x3, s26;
	s29 =	sadd.s32 $0x4, s26;
	v20 =	vld [tilespmem:s24+$0xFFFFFFB0];
	s31 =	sadd.s32 $0x5, s26;
	v7 =	vbroadcast v7, $0x0;
	[tilespmem:v12+s3+$0x0] =	vst.idx.msk vm0, v6  }
0x494: {  	v6 =	vmov s1;
	v12 =	vmov s29;
	v21 =	vld [tilespmem:s24+$0xFFFFFFC0];
	v22 =	vmov s31  }
0x495: {  	v24 =	vunpack.i.l.bf16.f32 v13;
	s1 =	sadd.s32 $0x7, s26;
	v6 =	vshrl.u32 v6, $0x3;
	v23 =	vld [tilespmem:s24+$0xFFFFFFA0];
	v22 =	vshrl.u32 v22, $0x3;
	(xrf2) =	vadd.scan.msk.f32 $0xffff, v16  }
0x496: {  	v30 =	vadd.f32 v14, v15;
	s29 =	sadd.s32 $0x6, s26;
	v6 =	vshll.u32 v6, v0;
	v16 =	vshll.u32 v22, v0;
	v22 =	vld [tilespmem:s24+$0xFFFFFFD0]  }
0x497: {  	s31 =	sadd.s32 $0x1, s26;
	v15 =	vld [tilespmem:s24+$0xFFFFFF60];
	v25 =	vadd.s32 $0x3, v6;
	v16 =	vadd.s32 $0x5, v16;
	v6 =	vmov s1  }
0x498: {  	v26 =	vmov s31;
	v27 =	vmov s29;
	v18 =	vmul.bf16 v18, v1;
	v28 =	vld [tilespmem:s24+$0xFFFFFFF0]  }
0x499: {  	v26 =	vshrl.u32 v26, $0x3;
	v27 =	vshrl.u32 v27, $0x3;
	v6 =	vshrl.u32 v6, $0x3;
	v29 =	vld [tilespmem:s24+$0xFFFFFF90];
	(xrf2) =	vadd.scan.msk.f32 $0xffff, v30;
	v14, _, _ =	vpop (xrf2)  }
0x49a: {  	v21 =	vmul.bf16 v21, v2;
	v6 =	vshll.u32 v6, v0;
	v30 =	vld [tilespmem:s24+$0xFFFFFF40];
	[tilespmem:v9+s3+$0x0] =	vst.idx.msk vm0, v14;
	v9 =	vadd.s32 $0x4, v5  }
0x49b: {  	v5 =	vshll.u32 v26, v0;
	v23 =	vmul.bf16 v23, v2;
	v14 =	vld [tilespmem:s24+$0xFFFFFF80];
	v22 =	vmul.bf16 v22, v1  }
0x49c: {  	v20 =	vmul.bf16 v20, v1;
	v5 =	vadd.s32 $0x1, v5;
	v26 =	vmul.bf16 v15, v2;
	v15 =	vld [tilespmem:s24+$0xFFFFFF70];
	(xrf2) =	vadd.scan.msk.f32 $0xffff, v8;
	v8, _, _ =	vpop (xrf2)  }
0x49d: {  	v17 =	vshrl.u32 v17, $0x3;
	v12 =	vshrl.u32 v12, $0x3;
	v6 =	vadd.s32 $0x7, v6;
	v31 =	vld [tilespmem:s24+$0xFFFFFF20];
	[tilespmem:v19+s3+$0x0] =	vst.idx.msk vm0, v8  }
0x49e: {  	v8 =	vadd.bf16 v21, v20;
	v20 =	vmul.bf16 v28, v1;
	v21 =	vbroadcast v3, $0x0;
	v3 =	vmovc v5;
	v19 =	vld [tilespmem:s24+$0xFFFFFF50]  }
0x49f: {  	v5 =	vshll.u32 v12, v0;
	v12 =	vunpack.i.u.bf16.f32 v13;
	v28 =	vld [tilespmem:s24+$0xFFFFFF10];
	v30 =	vmul.bf16 v30, v2;
	(xrf2) =	vadd.scan.msk.f32 $0xffff, v10;
	v10, _, _ =	vpop (xrf2)  }
0x4a0: {  	v12 =	vadd.f32 v24, v12;
	v13 =	vunpack.i.u.bf16.f32 v8;
	v8 =	vunpack.i.l.bf16.f32 v8;
	v32 =	vld [tilespmem:s24+$0x0];
	[tilespmem:v11+s3+$0x0] =	vst.idx.msk vm0, v10  }
0x4a1: {  	s1 =	sadd.s32 $0x2, s26;
	v9 =	vbroadcast v9, $0x0;
	v10 =	vshll.u32 v17, v0;
	v8 =	vadd.f32 v8, v13;
	v13 =	vld [tilespmem:s24+$0xFFFFFFE0]  }
0x4a2: {  	v24 =	vmul.bf16 v29, v1;
	v17 =	vmov s1;
	v11 =	vshll.u32 v27, v0;
	(xrf2) =	vadd.scan.msk.f32 $0xffff, v12  }
0x4a3: {  	v14 =	vmul.bf16 v14, v2;
	v11 =	vadd.s32 $0x6, v11;
	v12 =	vmul.bf16 v15, v1;
	v15, _, _ =	vpop (xrf2)  }
0x4a4: {  	v23 =	vadd.bf16 v23, v24;
	v24 =	vbroadcast v4, $0x0;
	v27 =	vmul.bf16 v31, v2;
	[tilespmem:v21+s3+$0x0] =	vst.idx.msk vm0, v15  }
0x4a5: {  	v15 =	vmul.bf16 v28, v1;
	v21 =	vadd.bf16 v14, v12;
	v28 =	vmul.bf16 v32, v2;
	(xrf2) =	vadd.scan.msk.f32 $0xffff, v8  }
0x4a6: {  	v14 =	vadd.bf16 v30, v18;
	v12 =	vbroadcast v16, $0x0;
	v13 =	vmul.bf16 v13, v2;
	v8, _, _ =	vpop (xrf2)  }
0x4a7: {  	v4 =	vmovc v10;
	v16 =	vunpack.i.u.bf16.f32 v23;
	v23 =	vunpack.i.l.bf16.f32 v23;
	v20 =	vadd.bf16 v28, v20;
	[tilespmem:v9+s3+$0x0] =	vst.idx.msk vm0, v8  }
0x4a8: {  	v10 =	vunpack.i.l.bf16.f32 v21;
	v9 =	vunpack.i.u.bf16.f32 v21;
	v8 =	vadd.f32 v23, v16  }
0x4a9: {  	v15 =	vadd.bf16 v27, v15;
	v16 =	vmul.bf16 v19, v1;
	v10 =	vadd.f32 v10, v9;
	v18, _, _ =	vpop (xrf2)  }
.Ltmp13:
0x4aa: {  	v19 =	vshrl.u32 v17, $0x3;
	v9 =	vbroadcast v25, $0x0;
	v13 =	vadd.bf16 v13, v22;
	[tilespmem:v24+s3+$0x0] =	vst.idx.msk vm0, v18;
	(pc) =	sbr.rel @p1 .LBB2_30-.Ltmp13, $4  }
0x4ab: {  	v17 =	vunpack.i.u.bf16.f32 v20;
	v22 =	vunpack.i.l.bf16.f32 v20;
	v18 =	vunpack.i.u.bf16.f32 v15  }
0x4ac: {  	v21 =	vunpack.i.l.bf16.f32 v15;
	v15 =	vunpack.i.u.bf16.f32 v14;
	v17 =	vadd.f32 v22, v17;
	(xrf2) =	vadd.scan.msk.f32 $0xffff, v10;
	v20, _, _ =	vpop (xrf2)  }
0x4ad: {  	v10 =	vadd.f32 v21, v18;
	v18 =	vunpack.i.u.bf16.f32 v13;
	v21 =	vunpack.i.l.bf16.f32 v13;
	[tilespmem:v7+s3+$0x0] =	vst.idx.msk vm0, v20  }
0x4ae: {  	s24 =	sadd.s32 $0x100, s24;
	v13 =	vadd.bf16 v26, v16;
	v7 =	vshll.u32 v19, v0;
	v16 =	vadd.f32 v21, v18  }
0x4af: {  	v1 =	vunpack.i.l.bf16.f32 v14  }
0x4b0: {  	(xrf2) =	vadd.scan.msk.f32 $0xffff, v17;
	v1 =	vadd.f32 v1, v15  }
0x4b1: {  	(xrf2) =	vadd.scan.msk.f32 $0xffff, v16  }
0x4b2: {  	v2 =	vunpack.i.l.bf16.f32 v13;
	(xrf2) =	vadd.scan.msk.f32 $0xffff, v1;
	v1 =	vunpack.i.u.bf16.f32 v13  }
0x4b3: {  	(xrf2) =	vadd.scan.msk.f32 $0xffff, v8;
	v1 =	vadd.f32 v2, v1  }
0x4b4: {  	(xrf2) =	vadd.scan.msk.f32 $0xffff, v10  }
0x4b5: {  	v2 =	vbroadcast v6, $0x0;
	(xrf2) =	vadd.scan.msk.f32 $0xffff, v1  }
0x4b6: {  	v1 =	vbroadcast v11, $0x0  }
0x4b7: {  	v5 =	vadd.s32 $0x4, v5;
	v3 =	vbroadcast v3, $0x0  }
0x4b8: {  	v5 =	vbroadcast v5, $0x0;
	v6, _, _ =	vpop (xrf2)  }
0x4b9: {  	v7 =	vadd.s32 $0x2, v7;
	v4 =	vbroadcast v4, $0x0;
	[tilespmem:v12+s3+$0x0] =	vst.idx.msk vm0, v6;
	v8, _, _ =	vpop (xrf2)  }
0x4ba: {  	v7 =	vbroadcast v7, $0x0;
	[tilespmem:v9+s3+$0x0] =	vst.idx.msk vm0, v8;
	v6, _, _ =	vpop (xrf2)  }
0x4bb: {  	v8, _, _ =	vpop (xrf2);
	[tilespmem:v2+s3+$0x0] =	vst.idx.msk vm0, v6  }
0x4bc: {  	[tilespmem:v1+s3+$0x0] =	vst.idx.msk vm0, v8;
	v1, _, _ =	vpop (xrf2)  }
0x4bd: {  	p1 =	sgt.u32 s2, $0x1F3;
	[tilespmem:v3+s3+$0x0] =	vst.idx.msk vm0, v1;
	v1, _, _ =	vpop (xrf2)  }
0x4be: {  	s1 =	sshll.u32 @!p1 s2, $0x7;
	[tilespmem:v5+s3+$0x0] =	vst.idx.msk vm0, v1;
	v1, _, _ =	vpop (xrf2)  }
0x4bf: {  	s1 =	sand.u32 @!p1 $0x3FFFFF80, s1;
	[tilespmem:v4+s3+$0x0] =	vst.idx.msk vm0, v1;
	v1, _, _ =	vpop (xrf2)  }
0x4c0: {  	s22 =	simm.s32 @!p1 $0x40;
	s24 =	simm.s32 @!p1 $0x18200;
	s21 =	sadd.s32 @!p1 $0x600, s1;
	[tilespmem:v7+s3+$0x0] =	vst.idx.msk vm0, v1  }
0x4c1: {  	[tilespmem:s24], [sflag:$0x5] =	stream.indirect.gather @!p1 [hbm4b:s4+s22], $0x20, s21, s22, $0xb8;
	[tilespmem:$0x1D200] =	vst v63  }
0x4c2: {  	s1 =	sadd.s32 @!p1 $0x640, s1;
	s21 =	simm.s32 @!p1 $0x18A00  }
0x4c3: {  	[tilespmem:s21], [sflag:$0x5] =	stream.indirect.gather @!p1 [hbm4b:s4+s22], $0x20, s1, s22, $0xb8;
	[tilespmem:$0x1D200] =	vst v63  }
0x4c4: {  	_ =	swait.ge [sflag:s6], $0x800  }
0x4c5: {  	[sflag:s6] =	ssyncset.done $0x0  }
0x4c6: {  	[sflag:s6] =	ssyncadd.s32 $0xFFFFF800  }
0x4c7: {  	_ =	swait.ge [sflag:s6], $0x800  }
0x4c8: {  	[sflag:s6] =	ssyncset.done $0x0  }
0x4c9: {  	[sflag:s6] =	ssyncadd.s32 $0xFFFFF800  }
0x4ca: {  	v1 =	vld [tilespmem:s9+$0x102A0]  }
0x4cb: {  	s22 =	simm.s32 $0x192F0;
	v2 =	vld [tilespmem:s9+$0x102B0]  }
0x4cc: {  	v3 =	vld [tilespmem:s22+$0xFFFFFF30]  }
0x4cd: {  	s21 =	sor.u32 $0x280, s20;
	v4 =	vld [tilespmem:s22+$0xFFFFFFB0]  }
0x4ce: {  	s1 =	sadd.s32 $0x0, s21;
	v5 =	vld [tilespmem:s22+$0xFFFFFFC0]  }
0x4cf: {  	s29 =	sadd.s32 $0x3, s1;
	v8 =	vld [tilespmem:s22+$0xFFFFFFA0]  }
0x4d0: {  	s26 =	sadd.s32 $0x5, s1;
	v9 =	vmov s1;
	s31 =	sadd.s32 $0x4, s1;
	v6 =	vmov s29;
	v10 =	vld [tilespmem:s22+$0xFFFFFFD0]  }
0x4d1: {  	v7 =	vmov s26;
	v11 =	vmov s31;
	s31 =	sadd.s32 $0x6, s1;
	v9 =	vshrl.u32 v9, $0x3;
	v12 =	vld [tilespmem:s22+$0xFFFFFF60]  }
0x4d2: {  	s26 =	sadd.s32 $0x7, s1;
	s29 =	sadd.s32 $0x1, s1;
	s1 =	sadd.s32 $0x2, s1;
	v6 =	vshrl.u32 v6, $0x3;
	v7 =	vshrl.u32 v7, $0x3;
	v16 =	vmov s31;
	v14 =	vld [tilespmem:s22+$0xFFFFFFF0]  }
0x4d3: {  	v11 =	vshrl.u32 v11, $0x3;
	v25 =	vmov s1;
	v6 =	vshll.u32 v6, v0;
	v17 =	vld [tilespmem:s22+$0xFFFFFF90]  }
0x4d4: {  	v7 =	vshll.u32 v7, v0;
	v16 =	vshrl.u32 v16, $0x3;
	v13 =	vadd.s32 $0x3, v6;
	v18 =	vld [tilespmem:s22+$0xFFFFFF40]  }
0x4d5: {  	v7 =	vadd.s32 $0x5, v7;
	v6 =	vmov s26;
	v19 =	vld [tilespmem:s22+$0xFFFFFF80];
	v15 =	vmul.bf16 v3, v1  }
0x4d6: {  	v6 =	vshrl.u32 v6, $0x3;
	v5 =	vmul.bf16 v5, v2;
	v8 =	vmul.bf16 v8, v2  }
0x4d7: {  	v20 =	vld [tilespmem:s22+$0xFFFFFF70];
	v6 =	vshll.u32 v6, v0;
	v10 =	vmul.bf16 v10, v1;
	v4 =	vmul.bf16 v4, v1  }
0x4d8: {  	v22 =	vld [tilespmem:s22+$0xFFFFFF10];
	v6 =	vadd.s32 $0x7, v6;
	v21 =	vmul.bf16 v12, v2;
	v23 =	vmul.bf16 v14, v1  }
0x4d9: {  	v3 =	vmov s29;
	v14 =	vmul.bf16 v18, v2;
	v18 =	vld [tilespmem:s22+$0x0];
	v17 =	vmul.bf16 v17, v1  }
0x4da: {  	v12 =	vld [tilespmem:s22+$0xFFFFFF20];
	v19 =	vmul.bf16 v19, v2;
	v3 =	vshrl.u32 v3, $0x3;
	v4 =	vadd.bf16 v5, v4  }
0x4db: {  	v59 =	vld [tilespmem:s22+$0xFFFFFF50];
	v3 =	vshll.u32 v3, v0;
	v5 =	vshll.u32 v11, v0;
	v8 =	vadd.bf16 v8, v17  }
0x4dc: {  	v11 =	vunpack.i.u.bf16.f32 v4;
	v24 =	vunpack.i.l.bf16.f32 v4;
	v4 =	vshll.u32 v9, v0;
	v9 =	vld [tilespmem:s22+$0xFFFFFFE0]  }
0x4dd: {  	v17 =	vmul.bf16 v22, v1;
	v14 =	vadd.bf16 v14, v15;
	v24 =	vadd.f32 v24, v11  }
0x4de: {  	v11 =	vshll.u32 v16, v0;
	v16 =	vmul.bf16 v20, v1;
	v18 =	vmul.bf16 v18, v2  }
0x4df: {  	v3 =	vadd.s32 $0x1, v3;
	v26 =	vmul.bf16 v12, v2;
	v12 =	vbroadcast v7, $0x0;
	(xrf2) =	vadd.scan.msk.f32 $0xffff, v24  }
0x4e0: {  	v11 =	vadd.s32 $0x6, v11;
	v16 =	vadd.bf16 v19, v16;
	v15 =	vadd.bf16 v18, v23  }
0x4e1: {  	v17 =	vadd.bf16 v26, v17;
	v19 =	vmul.bf16 v59, v1;
	v7 =	vmul.bf16 v9, v2  }
0x4e2: {  	v9 =	vunpack.i.u.bf16.f32 v8;
	v8 =	vunpack.i.l.bf16.f32 v8;
	v18 =	vunpack.i.u.bf16.f32 v16  }
0x4e3: {  	v16 =	vunpack.i.l.bf16.f32 v16;
	v60 =	vunpack.i.l.bf16.f32 v15;
	v61 =	vunpack.i.l.bf16.f32 v17  }
0x4e4: {  	v8 =	vadd.f32 v8, v9;
	v16 =	vadd.f32 v16, v18;
	v18 =	vshrl.u32 v25, $0x3  }
0x4e5: {  	v9 =	vbroadcast v13, $0x0;
	v13 =	vunpack.i.u.bf16.f32 v15;
	v7 =	vadd.bf16 v7, v10  }
0x4e6: {  	v15 =	vunpack.i.u.bf16.f32 v14;
	v10 =	vunpack.i.u.bf16.f32 v17;
	v17 =	vadd.f32 v60, v13;
	(xrf2) =	vadd.scan.msk.f32 $0xffff, v16  }
0x4e7: {  	v13 =	vadd.bf16 v21, v19;
	v62 =	vunpack.i.u.bf16.f32 v7;
	v63 =	vunpack.i.l.bf16.f32 v7  }
0x4e8: {  	s24 =	simm.s32 $0x193F0;
	s22 =	simm.s32 $0x8;
	v10 =	vadd.f32 v61, v10;
	v7 =	vshll.u32 v18, v0;
	v16 =	vadd.f32 v63, v62  }
.LBB2_32:
0x4e9: {  	s26 =	sadd.s32 s21, s22;
	v18 =	vld [tilespmem:s24+$0xFFFFFF30];
	p1 =	slt.u32 s22, $0x78;
	s22 =	sadd.s32 $0x8, s22;
	v7 =	vadd.s32 $0x2, v7;
	v11 =	vbroadcast v11, $0x0;
	v19 =	vbroadcast v6, $0x0;
	v6, _, _ =	vpop (xrf2);
	(xrf2) =	vadd.scan.msk.f32 $0xffff, v17  }
0x4ea: {  	v14 =	vunpack.i.l.bf16.f32 v14;
	v17 =	vmov s26;
	s1 =	sadd.s32 $0x3, s26;
	s29 =	sadd.s32 $0x4, s26;
	v20 =	vld [tilespmem:s24+$0xFFFFFFB0];
	s31 =	sadd.s32 $0x5, s26;
	v7 =	vbroadcast v7, $0x0;
	[tilespmem:v12+s3+$0x0] =	vst.idx.msk vm0, v6  }
0x4eb: {  	v6 =	vmov s1;
	v12 =	vmov s29;
	v21 =	vld [tilespmem:s24+$0xFFFFFFC0];
	v22 =	vmov s31  }
0x4ec: {  	v24 =	vunpack.i.l.bf16.f32 v13;
	s1 =	sadd.s32 $0x7, s26;
	v6 =	vshrl.u32 v6, $0x3;
	v23 =	vld [tilespmem:s24+$0xFFFFFFA0];
	v22 =	vshrl.u32 v22, $0x3;
	(xrf2) =	vadd.scan.msk.f32 $0xffff, v16  }
0x4ed: {  	v30 =	vadd.f32 v14, v15;
	s29 =	sadd.s32 $0x6, s26;
	v6 =	vshll.u32 v6, v0;
	v16 =	vshll.u32 v22, v0;
	v22 =	vld [tilespmem:s24+$0xFFFFFFD0]  }
0x4ee: {  	s31 =	sadd.s32 $0x1, s26;
	v15 =	vld [tilespmem:s24+$0xFFFFFF60];
	v25 =	vadd.s32 $0x3, v6;
	v16 =	vadd.s32 $0x5, v16;
	v6 =	vmov s1  }
0x4ef: {  	v26 =	vmov s31;
	v27 =	vmov s29;
	v18 =	vmul.bf16 v18, v1;
	v28 =	vld [tilespmem:s24+$0xFFFFFFF0]  }
0x4f0: {  	v26 =	vshrl.u32 v26, $0x3;
	v27 =	vshrl.u32 v27, $0x3;
	v6 =	vshrl.u32 v6, $0x3;
	v29 =	vld [tilespmem:s24+$0xFFFFFF90];
	(xrf2) =	vadd.scan.msk.f32 $0xffff, v30;
	v14, _, _ =	vpop (xrf2)  }
0x4f1: {  	v21 =	vmul.bf16 v21, v2;
	v6 =	vshll.u32 v6, v0;
	v30 =	vld [tilespmem:s24+$0xFFFFFF40];
	[tilespmem:v9+s3+$0x0] =	vst.idx.msk vm0, v14;
	v9 =	vadd.s32 $0x4, v5  }
0x4f2: {  	v5 =	vshll.u32 v26, v0;
	v23 =	vmul.bf16 v23, v2;
	v14 =	vld [tilespmem:s24+$0xFFFFFF80];
	v22 =	vmul.bf16 v22, v1  }
0x4f3: {  	v20 =	vmul.bf16 v20, v1;
	v5 =	vadd.s32 $0x1, v5;
	v26 =	vmul.bf16 v15, v2;
	v15 =	vld [tilespmem:s24+$0xFFFFFF70];
	(xrf2) =	vadd.scan.msk.f32 $0xffff, v8;
	v8, _, _ =	vpop (xrf2)  }
0x4f4: {  	v17 =	vshrl.u32 v17, $0x3;
	v12 =	vshrl.u32 v12, $0x3;
	v6 =	vadd.s32 $0x7, v6;
	v31 =	vld [tilespmem:s24+$0xFFFFFF20];
	[tilespmem:v19+s3+$0x0] =	vst.idx.msk vm0, v8  }
0x4f5: {  	v8 =	vadd.bf16 v21, v20;
	v20 =	vmul.bf16 v28, v1;
	v21 =	vbroadcast v3, $0x0;
	v3 =	vmovc v5;
	v19 =	vld [tilespmem:s24+$0xFFFFFF50]  }
0x4f6: {  	v5 =	vshll.u32 v12, v0;
	v12 =	vunpack.i.u.bf16.f32 v13;
	v28 =	vld [tilespmem:s24+$0xFFFFFF10];
	v30 =	vmul.bf16 v30, v2;
	(xrf2) =	vadd.scan.msk.f32 $0xffff, v10;
	v10, _, _ =	vpop (xrf2)  }
0x4f7: {  	v12 =	vadd.f32 v24, v12;
	v13 =	vunpack.i.u.bf16.f32 v8;
	v8 =	vunpack.i.l.bf16.f32 v8;
	v32 =	vld [tilespmem:s24+$0x0];
	[tilespmem:v11+s3+$0x0] =	vst.idx.msk vm0, v10  }
0x4f8: {  	s1 =	sadd.s32 $0x2, s26;
	v9 =	vbroadcast v9, $0x0;
	v10 =	vshll.u32 v17, v0;
	v8 =	vadd.f32 v8, v13;
	v13 =	vld [tilespmem:s24+$0xFFFFFFE0]  }
0x4f9: {  	v24 =	vmul.bf16 v29, v1;
	v17 =	vmov s1;
	v11 =	vshll.u32 v27, v0;
	(xrf2) =	vadd.scan.msk.f32 $0xffff, v12  }
0x4fa: {  	v14 =	vmul.bf16 v14, v2;
	v11 =	vadd.s32 $0x6, v11;
	v12 =	vmul.bf16 v15, v1;
	v15, _, _ =	vpop (xrf2)  }
0x4fb: {  	v23 =	vadd.bf16 v23, v24;
	v24 =	vbroadcast v4, $0x0;
	v27 =	vmul.bf16 v31, v2;
	[tilespmem:v21+s3+$0x0] =	vst.idx.msk vm0, v15  }
0x4fc: {  	v15 =	vmul.bf16 v28, v1;
	v21 =	vadd.bf16 v14, v12;
	v28 =	vmul.bf16 v32, v2;
	(xrf2) =	vadd.scan.msk.f32 $0xffff, v8  }
0x4fd: {  	v14 =	vadd.bf16 v30, v18;
	v12 =	vbroadcast v16, $0x0;
	v13 =	vmul.bf16 v13, v2;
	v8, _, _ =	vpop (xrf2)  }
0x4fe: {  	v4 =	vmovc v10;
	v16 =	vunpack.i.u.bf16.f32 v23;
	v23 =	vunpack.i.l.bf16.f32 v23;
	v20 =	vadd.bf16 v28, v20;
	[tilespmem:v9+s3+$0x0] =	vst.idx.msk vm0, v8  }
0x4ff: {  	v10 =	vunpack.i.l.bf16.f32 v21;
	v9 =	vunpack.i.u.bf16.f32 v21;
	v8 =	vadd.f32 v23, v16  }
0x500: {  	v15 =	vadd.bf16 v27, v15;
	v16 =	vmul.bf16 v19, v1;
	v10 =	vadd.f32 v10, v9;
	v18, _, _ =	vpop (xrf2)  }
.Ltmp14:
0x501: {  	v19 =	vshrl.u32 v17, $0x3;
	v9 =	vbroadcast v25, $0x0;
	v13 =	vadd.bf16 v13, v22;
	[tilespmem:v24+s3+$0x0] =	vst.idx.msk vm0, v18;
	(pc) =	sbr.rel @p1 .LBB2_32-.Ltmp14, $4  }
0x502: {  	v17 =	vunpack.i.u.bf16.f32 v20;
	v22 =	vunpack.i.l.bf16.f32 v20;
	v18 =	vunpack.i.u.bf16.f32 v15  }
0x503: {  	v21 =	vunpack.i.l.bf16.f32 v15;
	v15 =	vunpack.i.u.bf16.f32 v14;
	v17 =	vadd.f32 v22, v17;
	(xrf2) =	vadd.scan.msk.f32 $0xffff, v10;
	v20, _, _ =	vpop (xrf2)  }
0x504: {  	v10 =	vadd.f32 v21, v18;
	v18 =	vunpack.i.u.bf16.f32 v13;
	v21 =	vunpack.i.l.bf16.f32 v13;
	[tilespmem:v7+s3+$0x0] =	vst.idx.msk vm0, v20  }
0x505: {  	s24 =	sadd.s32 $0x100, s24;
	v13 =	vadd.bf16 v26, v16;
	v7 =	vshll.u32 v19, v0;
	v16 =	vadd.f32 v21, v18  }
0x506: {  	v1 =	vunpack.i.l.bf16.f32 v14  }
0x507: {  	(xrf2) =	vadd.scan.msk.f32 $0xffff, v17;
	v1 =	vadd.f32 v1, v15  }
0x508: {  	(xrf2) =	vadd.scan.msk.f32 $0xffff, v16  }
0x509: {  	v2 =	vunpack.i.l.bf16.f32 v13;
	(xrf2) =	vadd.scan.msk.f32 $0xffff, v1;
	v1 =	vunpack.i.u.bf16.f32 v13  }
0x50a: {  	(xrf2) =	vadd.scan.msk.f32 $0xffff, v8;
	v1 =	vadd.f32 v2, v1  }
0x50b: {  	(xrf2) =	vadd.scan.msk.f32 $0xffff, v10  }
0x50c: {  	v2 =	vbroadcast v6, $0x0;
	(xrf2) =	vadd.scan.msk.f32 $0xffff, v1  }
0x50d: {  	v1 =	vbroadcast v11, $0x0  }
0x50e: {  	v5 =	vadd.s32 $0x4, v5;
	v3 =	vbroadcast v3, $0x0  }
0x50f: {  	v5 =	vbroadcast v5, $0x0;
	v6, _, _ =	vpop (xrf2)  }
0x510: {  	v7 =	vadd.s32 $0x2, v7;
	v4 =	vbroadcast v4, $0x0;
	[tilespmem:v12+s3+$0x0] =	vst.idx.msk vm0, v6;
	v8, _, _ =	vpop (xrf2)  }
0x511: {  	v7 =	vbroadcast v7, $0x0;
	[tilespmem:v9+s3+$0x0] =	vst.idx.msk vm0, v8;
	v6, _, _ =	vpop (xrf2)  }
0x512: {  	v8, _, _ =	vpop (xrf2);
	[tilespmem:v2+s3+$0x0] =	vst.idx.msk vm0, v6  }
0x513: {  	[tilespmem:v1+s3+$0x0] =	vst.idx.msk vm0, v8;
	v1, _, _ =	vpop (xrf2)  }
0x514: {  	p1 =	sgt.u32 s2, $0x1F2;
	[tilespmem:v3+s3+$0x0] =	vst.idx.msk vm0, v1;
	v1, _, _ =	vpop (xrf2)  }
0x515: {  	s1 =	sshll.u32 @!p1 s2, $0x7;
	[tilespmem:v5+s3+$0x0] =	vst.idx.msk vm0, v1;
	v1, _, _ =	vpop (xrf2)  }
0x516: {  	s1 =	sand.u32 @!p1 $0x3FFFFF80, s1;
	[tilespmem:v4+s3+$0x0] =	vst.idx.msk vm0, v1;
	v1, _, _ =	vpop (xrf2)  }
0x517: {  	s22 =	simm.s32 @!p1 $0x40;
	s24 =	simm.s32 @!p1 $0x19200;
	s21 =	sadd.s32 @!p1 $0x680, s1;
	[tilespmem:v7+s3+$0x0] =	vst.idx.msk vm0, v1  }
0x518: {  	[tilespmem:s24], [sflag:$0x6] =	stream.indirect.gather @!p1 [hbm4b:s4+s22], $0x20, s21, s22, $0xb8;
	[tilespmem:$0x1D200] =	vst v63  }
0x519: {  	s1 =	sadd.s32 @!p1 $0x6C0, s1;
	s21 =	simm.s32 @!p1 $0x19A00  }
0x51a: {  	[tilespmem:s21], [sflag:$0x6] =	stream.indirect.gather @!p1 [hbm4b:s4+s22], $0x20, s1, s22, $0xb8;
	[tilespmem:$0x1D200] =	vst v63  }
0x51b: {  	_ =	swait.ge [sflag:s8], $0x800  }
0x51c: {  	[sflag:s8] =	ssyncset.done $0x0  }
0x51d: {  	[sflag:s8] =	ssyncadd.s32 $0xFFFFF800  }
0x51e: {  	_ =	swait.ge [sflag:s8], $0x800  }
0x51f: {  	[sflag:s8] =	ssyncset.done $0x0  }
0x520: {  	[sflag:s8] =	ssyncadd.s32 $0xFFFFF800  }
0x521: {  	v1 =	vld [tilespmem:s9+$0x102C0]  }
0x522: {  	s22 =	simm.s32 $0x1A2F0;
	v2 =	vld [tilespmem:s9+$0x102D0]  }
0x523: {  	v3 =	vld [tilespmem:s22+$0xFFFFFF30]  }
0x524: {  	s21 =	sor.u32 $0x300, s20;
	v4 =	vld [tilespmem:s22+$0xFFFFFFB0]  }
0x525: {  	s1 =	sadd.s32 $0x0, s21;
	v5 =	vld [tilespmem:s22+$0xFFFFFFC0]  }
0x526: {  	s29 =	sadd.s32 $0x3, s1;
	v8 =	vld [tilespmem:s22+$0xFFFFFFA0]  }
0x527: {  	s26 =	sadd.s32 $0x5, s1;
	v9 =	vmov s1;
	s31 =	sadd.s32 $0x4, s1;
	v6 =	vmov s29;
	v10 =	vld [tilespmem:s22+$0xFFFFFFD0]  }
0x528: {  	v7 =	vmov s26;
	v11 =	vmov s31;
	s31 =	sadd.s32 $0x6, s1;
	v9 =	vshrl.u32 v9, $0x3;
	v12 =	vld [tilespmem:s22+$0xFFFFFF60]  }
0x529: {  	s26 =	sadd.s32 $0x7, s1;
	s29 =	sadd.s32 $0x1, s1;
	s1 =	sadd.s32 $0x2, s1;
	v6 =	vshrl.u32 v6, $0x3;
	v7 =	vshrl.u32 v7, $0x3;
	v16 =	vmov s31;
	v14 =	vld [tilespmem:s22+$0xFFFFFFF0]  }
0x52a: {  	v11 =	vshrl.u32 v11, $0x3;
	v25 =	vmov s1;
	v6 =	vshll.u32 v6, v0;
	v17 =	vld [tilespmem:s22+$0xFFFFFF90]  }
0x52b: {  	v7 =	vshll.u32 v7, v0;
	v16 =	vshrl.u32 v16, $0x3;
	v13 =	vadd.s32 $0x3, v6;
	v18 =	vld [tilespmem:s22+$0xFFFFFF40]  }
0x52c: {  	v7 =	vadd.s32 $0x5, v7;
	v6 =	vmov s26;
	v19 =	vld [tilespmem:s22+$0xFFFFFF80];
	v15 =	vmul.bf16 v3, v1  }
0x52d: {  	v6 =	vshrl.u32 v6, $0x3;
	v5 =	vmul.bf16 v5, v2;
	v8 =	vmul.bf16 v8, v2  }
0x52e: {  	v20 =	vld [tilespmem:s22+$0xFFFFFF70];
	v6 =	vshll.u32 v6, v0;
	v10 =	vmul.bf16 v10, v1;
	v4 =	vmul.bf16 v4, v1  }
0x52f: {  	v22 =	vld [tilespmem:s22+$0xFFFFFF10];
	v6 =	vadd.s32 $0x7, v6;
	v21 =	vmul.bf16 v12, v2;
	v23 =	vmul.bf16 v14, v1  }
0x530: {  	v3 =	vmov s29;
	v14 =	vmul.bf16 v18, v2;
	v18 =	vld [tilespmem:s22+$0x0];
	v17 =	vmul.bf16 v17, v1  }
0x531: {  	v12 =	vld [tilespmem:s22+$0xFFFFFF20];
	v19 =	vmul.bf16 v19, v2;
	v3 =	vshrl.u32 v3, $0x3;
	v4 =	vadd.bf16 v5, v4  }
0x532: {  	v59 =	vld [tilespmem:s22+$0xFFFFFF50];
	v3 =	vshll.u32 v3, v0;
	v5 =	vshll.u32 v11, v0;
	v8 =	vadd.bf16 v8, v17  }
0x533: {  	v11 =	vunpack.i.u.bf16.f32 v4;
	v24 =	vunpack.i.l.bf16.f32 v4;
	v4 =	vshll.u32 v9, v0;
	v9 =	vld [tilespmem:s22+$0xFFFFFFE0]  }
0x534: {  	v17 =	vmul.bf16 v22, v1;
	v14 =	vadd.bf16 v14, v15;
	v24 =	vadd.f32 v24, v11  }
0x535: {  	v11 =	vshll.u32 v16, v0;
	v16 =	vmul.bf16 v20, v1;
	v18 =	vmul.bf16 v18, v2  }
0x536: {  	v3 =	vadd.s32 $0x1, v3;
	v26 =	vmul.bf16 v12, v2;
	v12 =	vbroadcast v7, $0x0;
	(xrf2) =	vadd.scan.msk.f32 $0xffff, v24  }
0x537: {  	v11 =	vadd.s32 $0x6, v11;
	v16 =	vadd.bf16 v19, v16;
	v15 =	vadd.bf16 v18, v23  }
0x538: {  	v17 =	vadd.bf16 v26, v17;
	v19 =	vmul.bf16 v59, v1;
	v7 =	vmul.bf16 v9, v2  }
0x539: {  	v9 =	vunpack.i.u.bf16.f32 v8;
	v8 =	vunpack.i.l.bf16.f32 v8;
	v18 =	vunpack.i.u.bf16.f32 v16  }
0x53a: {  	v16 =	vunpack.i.l.bf16.f32 v16;
	v60 =	vunpack.i.l.bf16.f32 v15;
	v61 =	vunpack.i.l.bf16.f32 v17  }
0x53b: {  	v8 =	vadd.f32 v8, v9;
	v16 =	vadd.f32 v16, v18;
	v18 =	vshrl.u32 v25, $0x3  }
0x53c: {  	v9 =	vbroadcast v13, $0x0;
	v13 =	vunpack.i.u.bf16.f32 v15;
	v7 =	vadd.bf16 v7, v10  }
0x53d: {  	v15 =	vunpack.i.u.bf16.f32 v14;
	v10 =	vunpack.i.u.bf16.f32 v17;
	v17 =	vadd.f32 v60, v13;
	(xrf2) =	vadd.scan.msk.f32 $0xffff, v16  }
0x53e: {  	v13 =	vadd.bf16 v21, v19;
	v62 =	vunpack.i.u.bf16.f32 v7;
	v63 =	vunpack.i.l.bf16.f32 v7  }
0x53f: {  	s24 =	simm.s32 $0x1A3F0;
	s22 =	simm.s32 $0x8;
	v10 =	vadd.f32 v61, v10;
	v7 =	vshll.u32 v18, v0;
	v16 =	vadd.f32 v63, v62  }
.LBB2_34:
0x540: {  	s26 =	sadd.s32 s21, s22;
	v18 =	vld [tilespmem:s24+$0xFFFFFF30];
	p1 =	slt.u32 s22, $0x78;
	s22 =	sadd.s32 $0x8, s22;
	v7 =	vadd.s32 $0x2, v7;
	v11 =	vbroadcast v11, $0x0;
	v19 =	vbroadcast v6, $0x0;
	v6, _, _ =	vpop (xrf2);
	(xrf2) =	vadd.scan.msk.f32 $0xffff, v17  }
0x541: {  	v14 =	vunpack.i.l.bf16.f32 v14;
	v17 =	vmov s26;
	s1 =	sadd.s32 $0x3, s26;
	s29 =	sadd.s32 $0x4, s26;
	v20 =	vld [tilespmem:s24+$0xFFFFFFB0];
	s31 =	sadd.s32 $0x5, s26;
	v7 =	vbroadcast v7, $0x0;
	[tilespmem:v12+s3+$0x0] =	vst.idx.msk vm0, v6  }
0x542: {  	v6 =	vmov s1;
	v12 =	vmov s29;
	v21 =	vld [tilespmem:s24+$0xFFFFFFC0];
	v22 =	vmov s31  }
0x543: {  	v24 =	vunpack.i.l.bf16.f32 v13;
	s1 =	sadd.s32 $0x7, s26;
	v6 =	vshrl.u32 v6, $0x3;
	v23 =	vld [tilespmem:s24+$0xFFFFFFA0];
	v22 =	vshrl.u32 v22, $0x3;
	(xrf2) =	vadd.scan.msk.f32 $0xffff, v16  }
0x544: {  	v30 =	vadd.f32 v14, v15;
	s29 =	sadd.s32 $0x6, s26;
	v6 =	vshll.u32 v6, v0;
	v16 =	vshll.u32 v22, v0;
	v22 =	vld [tilespmem:s24+$0xFFFFFFD0]  }
0x545: {  	s31 =	sadd.s32 $0x1, s26;
	v15 =	vld [tilespmem:s24+$0xFFFFFF60];
	v25 =	vadd.s32 $0x3, v6;
	v16 =	vadd.s32 $0x5, v16;
	v6 =	vmov s1  }
0x546: {  	v26 =	vmov s31;
	v27 =	vmov s29;
	v18 =	vmul.bf16 v18, v1;
	v28 =	vld [tilespmem:s24+$0xFFFFFFF0]  }
0x547: {  	v26 =	vshrl.u32 v26, $0x3;
	v27 =	vshrl.u32 v27, $0x3;
	v6 =	vshrl.u32 v6, $0x3;
	v29 =	vld [tilespmem:s24+$0xFFFFFF90];
	(xrf2) =	vadd.scan.msk.f32 $0xffff, v30;
	v14, _, _ =	vpop (xrf2)  }
0x548: {  	v21 =	vmul.bf16 v21, v2;
	v6 =	vshll.u32 v6, v0;
	v30 =	vld [tilespmem:s24+$0xFFFFFF40];
	[tilespmem:v9+s3+$0x0] =	vst.idx.msk vm0, v14;
	v9 =	vadd.s32 $0x4, v5  }
0x549: {  	v5 =	vshll.u32 v26, v0;
	v23 =	vmul.bf16 v23, v2;
	v14 =	vld [tilespmem:s24+$0xFFFFFF80];
	v22 =	vmul.bf16 v22, v1  }
0x54a: {  	v20 =	vmul.bf16 v20, v1;
	v5 =	vadd.s32 $0x1, v5;
	v26 =	vmul.bf16 v15, v2;
	v15 =	vld [tilespmem:s24+$0xFFFFFF70];
	(xrf2) =	vadd.scan.msk.f32 $0xffff, v8;
	v8, _, _ =	vpop (xrf2)  }
0x54b: {  	v17 =	vshrl.u32 v17, $0x3;
	v12 =	vshrl.u32 v12, $0x3;
	v6 =	vadd.s32 $0x7, v6;
	v31 =	vld [tilespmem:s24+$0xFFFFFF20];
	[tilespmem:v19+s3+$0x0] =	vst.idx.msk vm0, v8  }
0x54c: {  	v8 =	vadd.bf16 v21, v20;
	v20 =	vmul.bf16 v28, v1;
	v21 =	vbroadcast v3, $0x0;
	v3 =	vmovc v5;
	v19 =	vld [tilespmem:s24+$0xFFFFFF50]  }
0x54d: {  	v5 =	vshll.u32 v12, v0;
	v12 =	vunpack.i.u.bf16.f32 v13;
	v28 =	vld [tilespmem:s24+$0xFFFFFF10];
	v30 =	vmul.bf16 v30, v2;
	(xrf2) =	vadd.scan.msk.f32 $0xffff, v10;
	v10, _, _ =	vpop (xrf2)  }
0x54e: {  	v12 =	vadd.f32 v24, v12;
	v13 =	vunpack.i.u.bf16.f32 v8;
	v8 =	vunpack.i.l.bf16.f32 v8;
	v32 =	vld [tilespmem:s24+$0x0];
	[tilespmem:v11+s3+$0x0] =	vst.idx.msk vm0, v10  }
0x54f: {  	s1 =	sadd.s32 $0x2, s26;
	v9 =	vbroadcast v9, $0x0;
	v10 =	vshll.u32 v17, v0;
	v8 =	vadd.f32 v8, v13;
	v13 =	vld [tilespmem:s24+$0xFFFFFFE0]  }
0x550: {  	v24 =	vmul.bf16 v29, v1;
	v17 =	vmov s1;
	v11 =	vshll.u32 v27, v0;
	(xrf2) =	vadd.scan.msk.f32 $0xffff, v12  }
0x551: {  	v14 =	vmul.bf16 v14, v2;
	v11 =	vadd.s32 $0x6, v11;
	v12 =	vmul.bf16 v15, v1;
	v15, _, _ =	vpop (xrf2)  }
0x552: {  	v23 =	vadd.bf16 v23, v24;
	v24 =	vbroadcast v4, $0x0;
	v27 =	vmul.bf16 v31, v2;
	[tilespmem:v21+s3+$0x0] =	vst.idx.msk vm0, v15  }
0x553: {  	v15 =	vmul.bf16 v28, v1;
	v21 =	vadd.bf16 v14, v12;
	v28 =	vmul.bf16 v32, v2;
	(xrf2) =	vadd.scan.msk.f32 $0xffff, v8  }
0x554: {  	v14 =	vadd.bf16 v30, v18;
	v12 =	vbroadcast v16, $0x0;
	v13 =	vmul.bf16 v13, v2;
	v8, _, _ =	vpop (xrf2)  }
0x555: {  	v4 =	vmovc v10;
	v16 =	vunpack.i.u.bf16.f32 v23;
	v23 =	vunpack.i.l.bf16.f32 v23;
	v20 =	vadd.bf16 v28, v20;
	[tilespmem:v9+s3+$0x0] =	vst.idx.msk vm0, v8  }
0x556: {  	v10 =	vunpack.i.l.bf16.f32 v21;
	v9 =	vunpack.i.u.bf16.f32 v21;
	v8 =	vadd.f32 v23, v16  }
0x557: {  	v15 =	vadd.bf16 v27, v15;
	v16 =	vmul.bf16 v19, v1;
	v10 =	vadd.f32 v10, v9;
	v18, _, _ =	vpop (xrf2)  }
.Ltmp15:
0x558: {  	v19 =	vshrl.u32 v17, $0x3;
	v9 =	vbroadcast v25, $0x0;
	v13 =	vadd.bf16 v13, v22;
	[tilespmem:v24+s3+$0x0] =	vst.idx.msk vm0, v18;
	(pc) =	sbr.rel @p1 .LBB2_34-.Ltmp15, $4  }
0x559: {  	v17 =	vunpack.i.u.bf16.f32 v20;
	v22 =	vunpack.i.l.bf16.f32 v20;
	v18 =	vunpack.i.u.bf16.f32 v15  }
0x55a: {  	v21 =	vunpack.i.l.bf16.f32 v15;
	v15 =	vunpack.i.u.bf16.f32 v14;
	v17 =	vadd.f32 v22, v17;
	(xrf2) =	vadd.scan.msk.f32 $0xffff, v10;
	v20, _, _ =	vpop (xrf2)  }
0x55b: {  	v10 =	vadd.f32 v21, v18;
	v18 =	vunpack.i.u.bf16.f32 v13;
	v21 =	vunpack.i.l.bf16.f32 v13;
	[tilespmem:v7+s3+$0x0] =	vst.idx.msk vm0, v20  }
0x55c: {  	s24 =	sadd.s32 $0x100, s24;
	v13 =	vadd.bf16 v26, v16;
	v7 =	vshll.u32 v19, v0;
	v16 =	vadd.f32 v21, v18  }
0x55d: {  	v1 =	vunpack.i.l.bf16.f32 v14  }
0x55e: {  	(xrf2) =	vadd.scan.msk.f32 $0xffff, v17;
	v1 =	vadd.f32 v1, v15  }
0x55f: {  	(xrf2) =	vadd.scan.msk.f32 $0xffff, v16  }
0x560: {  	v2 =	vunpack.i.l.bf16.f32 v13;
	(xrf2) =	vadd.scan.msk.f32 $0xffff, v1;
	v1 =	vunpack.i.u.bf16.f32 v13  }
0x561: {  	(xrf2) =	vadd.scan.msk.f32 $0xffff, v8;
	v1 =	vadd.f32 v2, v1  }
0x562: {  	(xrf2) =	vadd.scan.msk.f32 $0xffff, v10  }
0x563: {  	v2 =	vbroadcast v6, $0x0;
	(xrf2) =	vadd.scan.msk.f32 $0xffff, v1  }
0x564: {  	v1 =	vbroadcast v11, $0x0  }
0x565: {  	v5 =	vadd.s32 $0x4, v5;
	v3 =	vbroadcast v3, $0x0  }
0x566: {  	v5 =	vbroadcast v5, $0x0;
	v6, _, _ =	vpop (xrf2)  }
0x567: {  	v7 =	vadd.s32 $0x2, v7;
	v4 =	vbroadcast v4, $0x0;
	[tilespmem:v12+s3+$0x0] =	vst.idx.msk vm0, v6;
	v8, _, _ =	vpop (xrf2)  }
0x568: {  	v7 =	vbroadcast v7, $0x0;
	[tilespmem:v9+s3+$0x0] =	vst.idx.msk vm0, v8;
	v6, _, _ =	vpop (xrf2)  }
0x569: {  	v8, _, _ =	vpop (xrf2);
	[tilespmem:v2+s3+$0x0] =	vst.idx.msk vm0, v6  }
0x56a: {  	[tilespmem:v1+s3+$0x0] =	vst.idx.msk vm0, v8;
	v1, _, _ =	vpop (xrf2)  }
0x56b: {  	p1 =	sgt.u32 s2, $0x1F1;
	[tilespmem:v3+s3+$0x0] =	vst.idx.msk vm0, v1;
	v1, _, _ =	vpop (xrf2)  }
0x56c: {  	s1 =	sshll.u32 @!p1 s2, $0x7;
	[tilespmem:v5+s3+$0x0] =	vst.idx.msk vm0, v1;
	v1, _, _ =	vpop (xrf2)  }
0x56d: {  	s1 =	sand.u32 @!p1 $0x3FFFFF80, s1;
	[tilespmem:v4+s3+$0x0] =	vst.idx.msk vm0, v1;
	v1, _, _ =	vpop (xrf2)  }
0x56e: {  	s22 =	simm.s32 @!p1 $0x40;
	s24 =	simm.s32 @!p1 $0x1A200;
	s21 =	sadd.s32 @!p1 $0x700, s1;
	[tilespmem:v7+s3+$0x0] =	vst.idx.msk vm0, v1  }
0x56f: {  	[tilespmem:s24], [sflag:$0x7] =	stream.indirect.gather @!p1 [hbm4b:s4+s22], $0x20, s21, s22, $0xb8;
	[tilespmem:$0x1D200] =	vst v63  }
0x570: {  	s1 =	sadd.s32 @!p1 $0x740, s1;
	s21 =	simm.s32 @!p1 $0x1AA00  }
0x571: {  	[tilespmem:s21], [sflag:$0x7] =	stream.indirect.gather @!p1 [hbm4b:s4+s22], $0x20, s1, s22, $0xb8;
	[tilespmem:$0x1D200] =	vst v63  }
0x572: {  	_ =	swait.ge [sflag:s11], $0x800  }
0x573: {  	[sflag:s11] =	ssyncset.done $0x0  }
0x574: {  	[sflag:s11] =	ssyncadd.s32 $0xFFFFF800  }
0x575: {  	_ =	swait.ge [sflag:s11], $0x800  }
0x576: {  	[sflag:s11] =	ssyncset.done $0x0  }
0x577: {  	[sflag:s11] =	ssyncadd.s32 $0xFFFFF800  }
0x578: {  	v1 =	vld [tilespmem:s9+$0x102E0]  }
0x579: {  	s21 =	simm.s32 $0x1B2F0;
	v2 =	vld [tilespmem:s9+$0x102F0]  }
0x57a: {  	v3 =	vld [tilespmem:s21+$0xFFFFFF30]  }
0x57b: {  	v4 =	vld [tilespmem:s21+$0xFFFFFFB0]  }
0x57c: {  	v5 =	vld [tilespmem:s21+$0xFFFFFFC0]  }
0x57d: {  	s9 =	sor.u32 $0x380, s20;
	v8 =	vld [tilespmem:s21+$0xFFFFFFA0]  }
0x57e: {  	v10 =	vld [tilespmem:s21+$0xFFFFFFD0];
	s1 =	sadd.s32 $0x0, s9  }
0x57f: {  	v12 =	vld [tilespmem:s21+$0xFFFFFF60];
	s29 =	sadd.s32 $0x3, s1  }
0x580: {  	v14 =	vld [tilespmem:s21+$0xFFFFFFF0];
	s31 =	sadd.s32 $0x5, s1;
	v9 =	vmov s1;
	s24 =	sadd.s32 $0x4, s1;
	v6 =	vmov s29  }
0x581: {  	v17 =	vld [tilespmem:s21+$0xFFFFFF90];
	v7 =	vmov s31;
	v11 =	vmov s24;
	s29 =	sadd.s32 $0x6, s1;
	v9 =	vshrl.u32 v9, $0x3  }
0x582: {  	v18 =	vld [tilespmem:s21+$0xFFFFFF40];
	s26 =	sadd.s32 $0x7, s1;
	s31 =	sadd.s32 $0x1, s1;
	s1 =	sadd.s32 $0x2, s1;
	v6 =	vshrl.u32 v6, $0x3;
	v7 =	vshrl.u32 v7, $0x3;
	v16 =	vmov s29  }
0x583: {  	v19 =	vld [tilespmem:s21+$0xFFFFFF80];
	v11 =	vshrl.u32 v11, $0x3;
	v25 =	vmov s1;
	v15 =	vmul.bf16 v3, v1  }
0x584: {  	v6 =	vshll.u32 v6, v0;
	v5 =	vmul.bf16 v5, v2;
	v8 =	vmul.bf16 v8, v2  }
0x585: {  	v7 =	vshll.u32 v7, v0;
	v10 =	vmul.bf16 v10, v1;
	v4 =	vmul.bf16 v4, v1  }
0x586: {  	v22 =	vld [tilespmem:s21+$0xFFFFFF10];
	v3 =	vmov s31;
	v21 =	vmul.bf16 v12, v2;
	v23 =	vmul.bf16 v14, v1  }
0x587: {  	v16 =	vshrl.u32 v16, $0x3;
	v14 =	vmul.bf16 v18, v2;
	v17 =	vmul.bf16 v17, v1  }
0x588: {  	v20 =	vld [tilespmem:s21+$0xFFFFFF70];
	v19 =	vmul.bf16 v19, v2;
	v13 =	vadd.s32 $0x3, v6;
	v6 =	vmov s26  }
0x589: {  	v18 =	vld [tilespmem:s21+$0x0];
	v7 =	vadd.s32 $0x5, v7;
	v3 =	vshrl.u32 v3, $0x3;
	v6 =	vshrl.u32 v6, $0x3  }
0x58a: {  	v12 =	vld [tilespmem:s21+$0xFFFFFF20];
	v3 =	vshll.u32 v3, v0;
	v4 =	vadd.bf16 v5, v4;
	v5 =	vshll.u32 v11, v0  }
0x58b: {  	v59 =	vld [tilespmem:s21+$0xFFFFFF50];
	v8 =	vadd.bf16 v8, v17;
	v17 =	vmul.bf16 v22, v1;
	v14 =	vadd.bf16 v14, v15  }
0x58c: {  	v11 =	vunpack.i.u.bf16.f32 v4;
	v24 =	vunpack.i.l.bf16.f32 v4;
	v4 =	vshll.u32 v9, v0;
	v9 =	vld [tilespmem:s21+$0xFFFFFFE0]  }
0x58d: {  	v6 =	vshll.u32 v6, v0;
	v3 =	vadd.s32 $0x1, v3;
	v24 =	vadd.f32 v24, v11  }
0x58e: {  	v11 =	vshll.u32 v16, v0;
	v16 =	vmul.bf16 v20, v1;
	v18 =	vmul.bf16 v18, v2  }
0x58f: {  	v6 =	vadd.s32 $0x7, v6;
	v26 =	vmul.bf16 v12, v2;
	v12 =	vbroadcast v7, $0x0;
	(xrf2) =	vadd.scan.msk.f32 $0xffff, v24  }
0x590: {  	v11 =	vadd.s32 $0x6, v11;
	v16 =	vadd.bf16 v19, v16;
	v15 =	vadd.bf16 v18, v23  }
0x591: {  	v17 =	vadd.bf16 v26, v17;
	v19 =	vmul.bf16 v59, v1;
	v7 =	vmul.bf16 v9, v2  }
0x592: {  	v9 =	vunpack.i.u.bf16.f32 v8;
	v8 =	vunpack.i.l.bf16.f32 v8;
	v18 =	vunpack.i.u.bf16.f32 v16  }
0x593: {  	v16 =	vunpack.i.l.bf16.f32 v16;
	v60 =	vunpack.i.l.bf16.f32 v15;
	v61 =	vunpack.i.l.bf16.f32 v17  }
0x594: {  	v8 =	vadd.f32 v8, v9;
	v16 =	vadd.f32 v16, v18;
	v18 =	vshrl.u32 v25, $0x3  }
0x595: {  	v9 =	vbroadcast v13, $0x0;
	v13 =	vunpack.i.u.bf16.f32 v15;
	v7 =	vadd.bf16 v7, v10  }
0x596: {  	v15 =	vunpack.i.u.bf16.f32 v14;
	v10 =	vunpack.i.u.bf16.f32 v17;
	v17 =	vadd.f32 v60, v13;
	(xrf2) =	vadd.scan.msk.f32 $0xffff, v16  }
0x597: {  	v13 =	vadd.bf16 v21, v19;
	v62 =	vunpack.i.u.bf16.f32 v7;
	v63 =	vunpack.i.l.bf16.f32 v7  }
0x598: {  	s20 =	simm.s32 $0x8;
	s21 =	simm.s32 $0x1B3F0;
	v10 =	vadd.f32 v61, v10;
	v7 =	vshll.u32 v18, v0;
	v16 =	vadd.f32 v63, v62  }
.LBB2_36:
0x599: {  	s22 =	sadd.s32 s9, s20;
	v18 =	vld [tilespmem:s21+$0xFFFFFF30];
	p1 =	slt.u32 s20, $0x78;
	s20 =	sadd.s32 $0x8, s20;
	v7 =	vadd.s32 $0x2, v7;
	v11 =	vbroadcast v11, $0x0;
	v19 =	vbroadcast v6, $0x0;
	v6, _, _ =	vpop (xrf2);
	(xrf2) =	vadd.scan.msk.f32 $0xffff, v17  }
0x59a: {  	v14 =	vunpack.i.l.bf16.f32 v14;
	v17 =	vmov s22;
	s1 =	sadd.s32 $0x3, s22;
	s24 =	sadd.s32 $0x4, s22;
	v20 =	vld [tilespmem:s21+$0xFFFFFFB0];
	s26 =	sadd.s32 $0x5, s22;
	v7 =	vbroadcast v7, $0x0;
	[tilespmem:v12+s3+$0x0] =	vst.idx.msk vm0, v6  }
0x59b: {  	v6 =	vmov s1;
	v12 =	vmov s24;
	v21 =	vld [tilespmem:s21+$0xFFFFFFC0];
	v22 =	vmov s26  }
0x59c: {  	v24 =	vunpack.i.l.bf16.f32 v13;
	s1 =	sadd.s32 $0x7, s22;
	v6 =	vshrl.u32 v6, $0x3;
	v23 =	vld [tilespmem:s21+$0xFFFFFFA0];
	v22 =	vshrl.u32 v22, $0x3;
	(xrf2) =	vadd.scan.msk.f32 $0xffff, v16  }
0x59d: {  	v30 =	vadd.f32 v14, v15;
	s24 =	sadd.s32 $0x6, s22;
	v6 =	vshll.u32 v6, v0;
	v16 =	vshll.u32 v22, v0;
	v22 =	vld [tilespmem:s21+$0xFFFFFFD0]  }
0x59e: {  	s26 =	sadd.s32 $0x1, s22;
	v15 =	vld [tilespmem:s21+$0xFFFFFF60];
	v25 =	vadd.s32 $0x3, v6;
	v16 =	vadd.s32 $0x5, v16;
	v6 =	vmov s1  }
0x59f: {  	v26 =	vmov s26;
	v27 =	vmov s24;
	v18 =	vmul.bf16 v18, v1;
	v28 =	vld [tilespmem:s21+$0xFFFFFFF0]  }
0x5a0: {  	v26 =	vshrl.u32 v26, $0x3;
	v27 =	vshrl.u32 v27, $0x3;
	v6 =	vshrl.u32 v6, $0x3;
	v29 =	vld [tilespmem:s21+$0xFFFFFF90];
	(xrf2) =	vadd.scan.msk.f32 $0xffff, v30;
	v14, _, _ =	vpop (xrf2)  }
0x5a1: {  	v21 =	vmul.bf16 v21, v2;
	v6 =	vshll.u32 v6, v0;
	v30 =	vld [tilespmem:s21+$0xFFFFFF40];
	[tilespmem:v9+s3+$0x0] =	vst.idx.msk vm0, v14;
	v9 =	vadd.s32 $0x4, v5  }
0x5a2: {  	v5 =	vshll.u32 v26, v0;
	v23 =	vmul.bf16 v23, v2;
	v14 =	vld [tilespmem:s21+$0xFFFFFF80];
	v22 =	vmul.bf16 v22, v1  }
0x5a3: {  	v20 =	vmul.bf16 v20, v1;
	v5 =	vadd.s32 $0x1, v5;
	v26 =	vmul.bf16 v15, v2;
	v15 =	vld [tilespmem:s21+$0xFFFFFF70];
	(xrf2) =	vadd.scan.msk.f32 $0xffff, v8;
	v8, _, _ =	vpop (xrf2)  }
0x5a4: {  	v17 =	vshrl.u32 v17, $0x3;
	v12 =	vshrl.u32 v12, $0x3;
	v6 =	vadd.s32 $0x7, v6;
	v31 =	vld [tilespmem:s21+$0xFFFFFF20];
	[tilespmem:v19+s3+$0x0] =	vst.idx.msk vm0, v8  }
0x5a5: {  	v8 =	vadd.bf16 v21, v20;
	v20 =	vmul.bf16 v28, v1;
	v21 =	vbroadcast v3, $0x0;
	v3 =	vmovc v5;
	v19 =	vld [tilespmem:s21+$0xFFFFFF50]  }
0x5a6: {  	v5 =	vshll.u32 v12, v0;
	v12 =	vunpack.i.u.bf16.f32 v13;
	v28 =	vld [tilespmem:s21+$0xFFFFFF10];
	v30 =	vmul.bf16 v30, v2;
	(xrf2) =	vadd.scan.msk.f32 $0xffff, v10;
	v10, _, _ =	vpop (xrf2)  }
0x5a7: {  	v12 =	vadd.f32 v24, v12;
	v13 =	vunpack.i.u.bf16.f32 v8;
	v8 =	vunpack.i.l.bf16.f32 v8;
	v32 =	vld [tilespmem:s21+$0x0];
	[tilespmem:v11+s3+$0x0] =	vst.idx.msk vm0, v10  }
0x5a8: {  	s1 =	sadd.s32 $0x2, s22;
	v9 =	vbroadcast v9, $0x0;
	v10 =	vshll.u32 v17, v0;
	v8 =	vadd.f32 v8, v13;
	v13 =	vld [tilespmem:s21+$0xFFFFFFE0]  }
0x5a9: {  	v24 =	vmul.bf16 v29, v1;
	v17 =	vmov s1;
	v11 =	vshll.u32 v27, v0;
	(xrf2) =	vadd.scan.msk.f32 $0xffff, v12  }
0x5aa: {  	v14 =	vmul.bf16 v14, v2;
	v11 =	vadd.s32 $0x6, v11;
	v12 =	vmul.bf16 v15, v1;
	v15, _, _ =	vpop (xrf2)  }
0x5ab: {  	v23 =	vadd.bf16 v23, v24;
	v24 =	vbroadcast v4, $0x0;
	v27 =	vmul.bf16 v31, v2;
	[tilespmem:v21+s3+$0x0] =	vst.idx.msk vm0, v15  }
0x5ac: {  	v15 =	vmul.bf16 v28, v1;
	v21 =	vadd.bf16 v14, v12;
	v28 =	vmul.bf16 v32, v2;
	(xrf2) =	vadd.scan.msk.f32 $0xffff, v8  }
0x5ad: {  	v14 =	vadd.bf16 v30, v18;
	v12 =	vbroadcast v16, $0x0;
	v13 =	vmul.bf16 v13, v2;
	v8, _, _ =	vpop (xrf2)  }
0x5ae: {  	v4 =	vmovc v10;
	v16 =	vunpack.i.u.bf16.f32 v23;
	v23 =	vunpack.i.l.bf16.f32 v23;
	v20 =	vadd.bf16 v28, v20;
	[tilespmem:v9+s3+$0x0] =	vst.idx.msk vm0, v8  }
0x5af: {  	v10 =	vunpack.i.l.bf16.f32 v21;
	v9 =	vunpack.i.u.bf16.f32 v21;
	v8 =	vadd.f32 v23, v16  }
0x5b0: {  	v15 =	vadd.bf16 v27, v15;
	v16 =	vmul.bf16 v19, v1;
	v10 =	vadd.f32 v10, v9;
	v18, _, _ =	vpop (xrf2)  }
.Ltmp16:
0x5b1: {  	v19 =	vshrl.u32 v17, $0x3;
	v9 =	vbroadcast v25, $0x0;
	v13 =	vadd.bf16 v13, v22;
	[tilespmem:v24+s3+$0x0] =	vst.idx.msk vm0, v18;
	(pc) =	sbr.rel @p1 .LBB2_36-.Ltmp16, $4  }
0x5b2: {  	v17 =	vunpack.i.u.bf16.f32 v20;
	v22 =	vunpack.i.l.bf16.f32 v20;
	v18 =	vunpack.i.u.bf16.f32 v15  }
0x5b3: {  	v21 =	vunpack.i.l.bf16.f32 v15;
	v15 =	vunpack.i.u.bf16.f32 v14;
	v17 =	vadd.f32 v22, v17;
	(xrf2) =	vadd.scan.msk.f32 $0xffff, v10;
	v20, _, _ =	vpop (xrf2)  }
0x5b4: {  	v10 =	vadd.f32 v21, v18;
	v18 =	vunpack.i.u.bf16.f32 v13;
	v21 =	vunpack.i.l.bf16.f32 v13;
	[tilespmem:v7+s3+$0x0] =	vst.idx.msk vm0, v20  }
0x5b5: {  	s21 =	sadd.s32 $0x100, s21;
	v13 =	vadd.bf16 v26, v16;
	v7 =	vshll.u32 v19, v0;
	v16 =	vadd.f32 v21, v18  }
0x5b6: {  	v1 =	vunpack.i.l.bf16.f32 v14  }
0x5b7: {  	(xrf2) =	vadd.scan.msk.f32 $0xffff, v17;
	v1 =	vadd.f32 v1, v15  }
0x5b8: {  	(xrf2) =	vadd.scan.msk.f32 $0xffff, v16  }
0x5b9: {  	v2 =	vunpack.i.l.bf16.f32 v13;
	(xrf2) =	vadd.scan.msk.f32 $0xffff, v1;
	v1 =	vunpack.i.u.bf16.f32 v13  }
0x5ba: {  	(xrf2) =	vadd.scan.msk.f32 $0xffff, v8;
	v1 =	vadd.f32 v2, v1  }
0x5bb: {  	(xrf2) =	vadd.scan.msk.f32 $0xffff, v10  }
0x5bc: {  	v2 =	vbroadcast v6, $0x0;
	(xrf2) =	vadd.scan.msk.f32 $0xffff, v1  }
0x5bd: {  	v1 =	vbroadcast v11, $0x0  }
0x5be: {  	v5 =	vadd.s32 $0x4, v5;
	v3 =	vbroadcast v3, $0x0  }
0x5bf: {  	v60, _, _ =	vpop (xrf2);
	v5 =	vbroadcast v5, $0x0  }
0x5c0: {  	v7 =	vadd.s32 $0x2, v7;
	v4 =	vbroadcast v4, $0x0;
	[tilespmem:v12+s3+$0x0] =	vst.idx.msk vm0, v60;
	v61, _, _ =	vpop (xrf2)  }
0x5c1: {  	v7 =	vbroadcast v7, $0x0;
	[tilespmem:v9+s3+$0x0] =	vst.idx.msk vm0, v61;
	v62, _, _ =	vpop (xrf2)  }
0x5c2: {  	v63, _, _ =	vpop (xrf2);
	[tilespmem:v2+s3+$0x0] =	vst.idx.msk vm0, v62  }
0x5c3: {  	[tilespmem:v1+s3+$0x0] =	vst.idx.msk vm0, v63;
	v1, _, _ =	vpop (xrf2)  }
0x5c4: {  	p1 =	sgt.u32 s2, $0x1F0;
	[tilespmem:v3+s3+$0x0] =	vst.idx.msk vm0, v1;
	v1, _, _ =	vpop (xrf2)  }
0x5c5: {  	s1 =	sshll.u32 @!p1 s2, $0x7;
	[tilespmem:v5+s3+$0x0] =	vst.idx.msk vm0, v1;
	v1, _, _ =	vpop (xrf2)  }
0x5c6: {  	s9 =	simm.s32 @!p1 $0x40;
	s1 =	sand.u32 @!p1 $0x3FFFFF80, s1;
	[tilespmem:v4+s3+$0x0] =	vst.idx.msk vm0, v1;
	v1, _, _ =	vpop (xrf2)  }
.Ltmp17:
0x5c7: {  	s20 =	simm.s32 @!p1 $0x1B200;
	s2 =	sadd.s32 @!p1 $0x780, s1;
	[tilespmem:v7+s3+$0x0] =	vst.idx.msk vm0, v1;
	(pc) =	sbr.rel @p0 .LBB2_21-.Ltmp17, $4  }
0x5c8: {  	[tilespmem:s20], [sflag:$0x8] =	stream.indirect.gather @!p1 [hbm4b:s4+s9], $0x20, s2, s9, $0xb8;
	[tilespmem:$0x1D200] =	vst v63  }
0x5c9: {  	s1 =	sadd.s32 @!p1 $0x7C0, s1;
	s2 =	simm.s32 @!p1 $0x1BA00  }
0x5ca: {  	[tilespmem:s2], [sflag:$0x8] =	stream.indirect.gather @!p1 [hbm4b:s4+s9], $0x20, s1, s9, $0xb8;
	[tilespmem:$0x1D200] =	vst v63  }
0x5cb: {  	s20 =	simm.s32 $0x1;
	p1 =	por $0x0, $0x0  }
0x5cc: {  	s1 =	rddreg [dreg:$0xa]  }
0x5cd: {  	s2 =	rddreg [dreg:$0x6];
	s1 =	sshll.u32 s1, $0x8  }
0x5ce: {  	s29 =	simm.s32 $0x0;
	s31 =	rddreg [dreg:$0x9];
	s1 =	sadd.s32 s1, s2  }
0x5cf: {  	[hbm4b:s1+s29] =	stream.linear.scatter [tilespmem:s3], [sflag:$0xA], $0x800, $0x38;
	[tilespmem:$0x1D200] =	vst v63  }
0x5d0: {  	s1 =	sadd.s32 $0x1, s31  }
0x5d1: {  	p0 =	sne.s32 s1, $0x10  }
.Ltmp18:
0x5d2: {  	_ = 	snop;
	(pc) =	sbr.rel @p0 .LBB2_2-.Ltmp18, $1  }
0x5d3: {  	_ =	sdelay $0x3  }
0x5d4: {  	s1 =	simm.s32 $0x9  }
0x5d5: {  	_ =	swait.ge [sflag:s1], $0x800  }
0x5d6: {  	[sflag:s1] =	ssyncset.done $0x0  }
0x5d7: {  	s2 =	simm.s32 $0xA;
	[sflag:s1] =	ssyncadd.s32 $0xFFFFF800  }
0x5d8: {  	_ =	swait.ge [sflag:s2], $0x800  }
0x5d9: {  	s7 =	rddreg [dreg:$0x8]  }
0x5da: {  	s31 =	rddreg [dreg:$0x7];
	s7 =	sadd.s32 $0x1, s7  }
0x5db: {  	p0 =	sne.s32 s7, s31  }
.Ltmp19:
0x5dc: {  	_ = 	snop;
	(pc) =	sbr.rel @p0 .LBB2_1-.Ltmp19, $3  }
0x5dd: {  	_ =	sdelay $0x1  }
0x5de: {  	[sflag:s2] =	ssyncset.done $0x0  }
0x5df: {  	[sflag:s2] =	ssyncadd.s32 $0xFFFFF800  }
0x5e0: {  	_ =	sfence.sel $0x180000  }
0x5e1: {  	[bflag:$0x0] =	sbarrier.arrive $0xFFFF  }
0x5e2: {  	_ =	strace $0x90000047  }
0x5e3: {  	s0 =	stileid.u32;
	[bflag:$0x2] =	sbarrier.arrive $0xFFFF  }
0x5e4: {  	p0 =	sne.s32 s0, $0x0;
	s0 =	rddreg [dreg:$0x2]  }
0x5e5: {  	s0 =	sadd.s32 @!p0 $0x100000, s0  }
0x5e6: {  	[sflag:s0] =	ssyncadd.tile.s32 @!p0 $0x1;
	_ =	shalt  }
.Lfunc_end2:
_tile_overlayer_lowered:
.L_overlay_start_2:
0x5e7: {  	(tag) =	ssettag $0x2  }
0x5e8: {  	s0 =	rddreg [dreg:$0x0];
	s2 =	stileid.u32  }
0x5e9: {  	s1 =	rddreg [dreg:$0x1];
	p0 =	sne.s32 s2, $0x0  }
0x5ea: {  	s3 =	rddreg [dreg:$0x2];
	[bflag:$0x3] =	sbarrier.arrive $0xFFFF;
	s2 =	simm.s32 @!p0 $0x1C0B  }
0x5eb: {  	[timem:s3], [sflag:s2] =	dma.local @!p0 [hbm:s0], s1  }
0x5ec: {  	s0 =	simm.s32 @!p0 $0xB  }
0x5ed: {  	_ =	swait.ge @!p0 [sflag:s0], s1  }
0x5ee: {  	s1 =	ssub.s32 @!p0 $0x0, s1;
	[sflag:s0] =	ssyncset.done @!p0 $0x0  }
0x5ef: {  	[sflag:s0] =	ssyncadd.s32 @!p0 s1  }
0x5f0: {  	[bflag:$0x3] =	sbarrier.arrive $0xFFFF  }
0x5f1: {  	_ =	shalt  }

</sc_bundles>
